<compile_context>
chip_gen: v7x
topology: tpu7x:2x2x1
jax: 0.10.2.dev20260603
libtpu: 0.0.44.dev20260713+nightly
codegen_flags: <defaults>
</compile_context>

<pallas_src>
import functools

import jax
import jax.numpy as jnp
from jax import lax
from jax.experimental import pallas as pl
from jax.experimental.pallas import tpu as pltpu
from jax.experimental.pallas import tpu_sc as plsc

T = 4

_NC = 2
_NS = 16
_LANES = 16
_NW = _NC * _NS
_K = 80


def _seg_sum_sc(vals, src, dst, w):
    n_nodes, d = vals.shape
    e_total = src.shape[0]
    ept = e_total // _NW
    nchunk = ept // _K
    rpt_main = (-(-n_nodes // _NS) + 7) // 8 * 8
    rpt_last = n_nodes - (_NS - 1) * rpt_main
    assert ept * _NW == e_total and nchunk * _K == ept
    assert rpt_last > 0 and rpt_last % 8 == 0 and d % _LANES == 0

    mesh = plsc.VectorSubcoreMesh(core_axis_name="c", subcore_axis_name="s")

    @functools.partial(
        pl.kernel,
        out_type=jax.ShapeDtypeStruct((_NC * n_nodes, d), jnp.float32),
        mesh=mesh,
        scratch_types=[
            pltpu.VMEM_SHARED((n_nodes, d), jnp.float32),
            pltpu.VMEM((_K,), jnp.int32),
            pltpu.VMEM((_K,), jnp.int32),
            pltpu.VMEM((_K,), jnp.float32),
            pltpu.VMEM((_K, d), jnp.float32),
            pltpu.SemaphoreType.DMA,
        ],
        compiler_params=pltpu.CompilerParams(use_tc_tiling_on_sc=False),
    )
    def ksum(vals_hbm, src_hbm, dst_hbm, w_hbm, zero_hbm, out_hbm,
             acc, src_v, dst_v, w_v, rows_v, gsem):
        c = lax.axis_index("c")
        s = lax.axis_index("s")
        wid = s * _NC + c
        ebase = wid * ept
        rbase = s * rpt_main

        @pl.when(s < _NS - 1)
        def _():
            pltpu.sync_copy(zero_hbm.at[pl.ds(rbase, rpt_main)],
                            acc.at[pl.ds(rbase, rpt_main)])

        @pl.when(s == _NS - 1)
        def _():
            pltpu.sync_copy(zero_hbm.at[pl.ds(rbase, rpt_last)],
                            acc.at[pl.ds(rbase, rpt_last)])

        plsc.subcore_barrier()

        def chunk(jc, carry):
            base = ebase + jc * _K
            pltpu.sync_copy(src_hbm.at[pl.ds(base, _K)], src_v)
            pltpu.sync_copy(dst_hbm.at[pl.ds(base, _K)], dst_v)
            pltpu.sync_copy(w_hbm.at[pl.ds(base, _K)], w_v)
            pltpu.async_copy(vals_hbm.at[src_v], rows_v, gsem).wait()

            def edge_grp(g, carry2):
                w16 = w_v[pl.ds(g * _LANES, _LANES)]
                for i in range(_LANES):
                    e = g * _LANES + i
                    wb = w16[i]
                    for db in range(d // _LANES):
                        sl = pl.ds(db * _LANES, _LANES)
                        rows_v[e, sl] = rows_v[e, sl] * wb
                return carry2

            lax.fori_loop(0, _K // _LANES, edge_grp, 0)
            pltpu.sync_copy(rows_v, acc.at[dst_v], add=True)
            return carry

        lax.fori_loop(0, nchunk, chunk, 0)
        plsc.subcore_barrier()

        @pl.when(s < _NS - 1)
        def _():
            pltpu.sync_copy(acc.at[pl.ds(rbase, rpt_main)],
                            out_hbm.at[pl.ds(c * n_nodes + rbase, rpt_main)])

        @pl.when(s == _NS - 1)
        def _():
            pltpu.sync_copy(acc.at[pl.ds(rbase, rpt_last)],
                            out_hbm.at[pl.ds(c * n_nodes + rbase, rpt_last)])

    zero = jnp.zeros((n_nodes, d), jnp.float32)
    return ksum(vals, src, dst, w, zero)


def _dense_tc(parts, layer1, layer2, mask1, mask2):
    n = parts.shape[1]
    in_d = layer1.shape[0]
    out_d = layer2.shape[1]
    t_steps = mask1.shape[0]
    bn = 2000

    def body(p_ref, w1_ref, w2_ref, m1_ref, m2_ref, o_ref):
        h0 = p_ref[0] + p_ref[1]
        cols = []
        for t in range(t_steps):
            w1 = w1_ref[...] * m1_ref[t]
            h = jnp.maximum(
                jnp.dot(h0, w1, preferred_element_type=jnp.float32,
                        precision=lax.Precision.HIGHEST), 0.0)
            w2 = w2_ref[...] * m2_ref[t]
            cols.append(jnp.dot(h, w2, preferred_element_type=jnp.float32,
                                precision=lax.Precision.HIGHEST))
        o_ref[...] = jnp.concatenate(cols, axis=1)

    return pl.pallas_call(
        body,
        grid=(n // bn,),
        in_specs=[
            pl.BlockSpec((_NC, bn, in_d), lambda i: (0, i, 0)),
            pl.BlockSpec(layer1.shape, lambda i: (0, 0)),
            pl.BlockSpec(layer2.shape, lambda i: (0, 0)),
            pl.BlockSpec(mask1.shape, lambda i: (0, 0, 0)),
            pl.BlockSpec(mask2.shape, lambda i: (0, 0, 0)),
        ],
        out_specs=pl.BlockSpec((bn, t_steps * out_d), lambda i: (i, 0)),
        out_shape=jax.ShapeDtypeStruct((n, t_steps * out_d), jnp.float32),
    )(parts, layer1, layer2, mask1, mask2)


def _finalize_tc(parts):
    _, n, td = parts.shape
    out_d = td // T
    bn = 2000

    def body(p_ref, o_ref):
        ssum = p_ref[0] + p_ref[1]
        for t in range(T):
            o_ref[t] = ssum[:, t * out_d:(t + 1) * out_d]

    return pl.pallas_call(
        body,
        grid=(n // bn,),
        in_specs=[pl.BlockSpec((_NC, bn, td), lambda i: (0, i, 0))],
        out_specs=pl.BlockSpec((T, bn, out_d), lambda i: (0, i, 0)),
        out_shape=jax.ShapeDtypeStruct((T, n, out_d), jnp.float32),
    )(parts)


def kernel(x, edge_index, edge_weight, layer1, layer2, mask1, mask2):
    n = x.shape[0]
    src = edge_index[0]
    dst = edge_index[1]
    part_a = _seg_sum_sc(x, src, dst, edge_weight)
    p = _dense_tc(part_a.reshape(_NC, n, x.shape[1]),
                  layer1, layer2, mask1, mask2)
    part_c = _seg_sum_sc(p, src, dst, edge_weight)
    return _finalize_tc(part_c.reshape(_NC, n, T * layer2.shape[1]))

# --- scband reference (transcript-rebuilt; emitter-appended) ---
"""Pipeline reference for scband-bayesian-network-54142357733520 (READ-ONLY COPY).

The authoritative reference and input builder live on the scoring server;
editing this copy changes nothing except your own understanding.
"""

import jax, jax.numpy as jnp
import numpy as np

N_NODES = 10000
N_EDGES = 320000
IN_DIM = 128
HID_DIM = 128
OUT_DIM = 16
T = 4
THETA = 0.5


def setup_inputs(seed: int = 0) -> dict:
    key = jax.random.key(seed)
    k1, k2, k3, k4, k5, k6, k7 = jax.random.split(key, 7)
    x = jax.random.normal(k1, (N_NODES, IN_DIM), dtype=jnp.float32)
    edge_index = jax.random.randint(k2, (2, N_EDGES), 0, N_NODES, dtype=jnp.int32)
    edge_weight = jax.random.uniform(k3, (N_EDGES,), dtype=jnp.float32)
    # xavier_uniform with relu gain, as in reset_parameters()
    gain = float(np.sqrt(2.0))
    lim1 = gain * float(np.sqrt(6.0 / (IN_DIM + HID_DIM)))
    lim2 = gain * float(np.sqrt(6.0 / (HID_DIM + OUT_DIM)))
    layer1 = jax.random.uniform(k4, (IN_DIM, HID_DIM), minval=-lim1, maxval=lim1, dtype=jnp.float32)
    layer2 = jax.random.uniform(k5, (HID_DIM, OUT_DIM), minval=-lim2, maxval=lim2, dtype=jnp.float32)
    # Bernoulli(theta) dropout-style masks fixed at construction time
    mask1 = (jax.random.uniform(k6, (T, IN_DIM, HID_DIM)) <= THETA).astype(jnp.float32)
    mask2 = (jax.random.uniform(k7, (T, HID_DIM, OUT_DIM)) <= THETA).astype(jnp.float32)
    return {"x": x, "edge_index": edge_index, "edge_weight": edge_weight,
            "layer1": layer1, "layer2": layer2, "mask1": mask1, "mask2": mask2}


def reference(x, edge_index, edge_weight, layer1, layer2, mask1, mask2):
    n = x.shape[0]
    src = edge_index[0]
    dst = edge_index[1]
    # g.update_all(u_mul_e('feature','edge_weight','m'), sum('m','h'))
    m = x[src] * edge_weight[:, None]
    h0 = jax.ops.segment_sum(m, dst, num_segments=n)
    outs = []
    for t in range(mask1.shape[0]):
        w1 = layer1 * mask1[t]
        h = jax.nn.relu(h0 @ w1)
        # g.update_all(u_mul_e('h','edge_weight','m'), sum('m','o'))
        m2 = h[src] * edge_weight[:, None]
        o = jax.ops.segment_sum(m2, dst, num_segments=n)
        w2 = layer2 * mask2[t]
        outs.append(o @ w2)
    # original returns a python list of T tensors; stack for a single array output
    return jnp.stack(outs, axis=0)

if __name__ == "__main__":
    import jax
    _d = setup_inputs()
    print(jax.jit(kernel)(*tuple(_d.values())))

</pallas_src>

<mosaic_0001>
#map = affine_map<(d0, d1) -> (0, 0)>
#map1 = affine_map<(d0, d1) -> (0)>
module attributes {stable_mosaic.version = 14 : i64} {
  func.func @ksum(%arg0: i32, %arg1: i32, %arg2: memref<10000x128xf32, #tpu.memory_space<hbm>>, %arg3: memref<320000xi32, #tpu.memory_space<hbm>>, %arg4: memref<320000xi32, #tpu.memory_space<hbm>>, %arg5: memref<320000xf32, #tpu.memory_space<hbm>>, %arg6: memref<10000x128xf32, #tpu.memory_space<hbm>>, %arg7: memref<20000x128xf32, #tpu.memory_space<hbm>>, %arg8: memref<10000x128xf32, #tpu.memory_space<vmem_shared>>, %arg9: memref<80xi32, #tpu.memory_space<vmem>>, %arg10: memref<80xi32, #tpu.memory_space<vmem>>, %arg11: memref<80xf32, #tpu.memory_space<vmem>>, %arg12: memref<80x128xf32, #tpu.memory_space<vmem>>, %arg13: memref<!tpu.dma_semaphore, #tpu.memory_space<semaphore_mem>>) attributes {dimension_semantics = [#tpu.dimension_semantics<core_parallel>, #tpu.dimension_semantics<subcore_parallel>], iteration_bounds = array<i64: 2, 16>, scalar_prefetch = 0 : i64, scratch_operands = 6 : i64, tpu.core_type = #tpu.core_type<sc_vector_subcore>, window_params = [{transform_indices = #map}, {transform_indices = #map1}, {transform_indices = #map1}, {transform_indices = #map1}, {transform_indices = #map}, {transform_indices = #map}]} {
    %mul3A = arith.constant 2 : i32
    %mul3A_0 = arith.muli %arg1, %mul3A : i32
    %add3A = arith.addi %mul3A_0, %arg0 : i32
    %mul3A_1 = arith.constant 10000 : i32
    %mul3A_2 = arith.muli %add3A, %mul3A_1 : i32
    %mul3A_3 = arith.constant 632 : i32
    %mul3A_4 = arith.muli %arg1, %mul3A_3 : i32
    %lt3A = arith.constant 15 : i32
    %lt3A_5 = arith.cmpi slt, %arg1, %lt3A : i32
    %convert_element_type3A = arith.extui %lt3A_5 : i1 to i32
    %cond3A = arith.constant 0 : i32
    %cond3A_6 = arith.cmpi ne, %convert_element_type3A, %cond3A : i32
    scf.if %cond3A_6 {
      "tpu.region"() ({
        %run_scoped3A = tpu.sem_alloc : memref<!tpu.dma_semaphore, #tpu.memory_space<semaphore_mem>>
        %dma_start3A = arith.constant 0 : i32
        %dma_start3A_27 = tpu.memref_slice %arg8[%mul3A_4, %dma_start3A] : memref<10000x128xf32, #tpu.memory_space<vmem_shared>> -> memref<632x128xf32, #tpu.memory_space<vmem_shared>>
        %dma_start3A_28 = arith.constant 0 : i32
        %dma_start3A_29 = tpu.memref_slice %arg6[%mul3A_4, %dma_start3A_28] : memref<10000x128xf32, #tpu.memory_space<hbm>> -> memref<632x128xf32, #tpu.memory_space<hbm>>
        tpu.enqueue_dma source(%dma_start3A_29 : memref<632x128xf32, #tpu.memory_space<hbm>>) target(%dma_start3A_27 : memref<632x128xf32, #tpu.memory_space<vmem_shared>>) target_semaphore(%run_scoped3A : memref<!tpu.dma_semaphore, #tpu.memory_space<semaphore_mem>>)
        %dma_wait3A = arith.constant 0 : i32
        %dma_wait3A_30 = tpu.memref_slice %arg8[%mul3A_4, %dma_wait3A] : memref<10000x128xf32, #tpu.memory_space<vmem_shared>> -> memref<632x128xf32, #tpu.memory_space<vmem_shared>>
        %dma_wait3A_31 = arith.constant 0 : i32
        %dma_wait3A_32 = tpu.memref_slice %arg6[%mul3A_4, %dma_wait3A_31] : memref<10000x128xf32, #tpu.memory_space<hbm>> -> memref<632x128xf32, #tpu.memory_space<hbm>>
        tpu.wait_dma2 semaphore(%run_scoped3A : memref<!tpu.dma_semaphore, #tpu.memory_space<semaphore_mem>>) src(%dma_wait3A_32 : memref<632x128xf32, #tpu.memory_space<hbm>>) dst(%dma_wait3A_30 : memref<632x128xf32, #tpu.memory_space<vmem_shared>>)
        tpu.yield
      }) : () -> ()
    } else {
    }
    %eq3A = arith.constant 15 : i32
    %eq3A_7 = arith.cmpi eq, %arg1, %eq3A : i32
    %convert_element_type3A_8 = arith.extui %eq3A_7 : i1 to i32
    %cond3A_9 = arith.constant 0 : i32
    %cond3A_10 = arith.cmpi ne, %convert_element_type3A_8, %cond3A_9 : i32
    scf.if %cond3A_10 {
      "tpu.region"() ({
        %run_scoped3A = tpu.sem_alloc : memref<!tpu.dma_semaphore, #tpu.memory_space<semaphore_mem>>
        %dma_start3A = arith.constant 0 : i32
        %dma_start3A_27 = tpu.memref_slice %arg8[%mul3A_4, %dma_start3A] : memref<10000x128xf32, #tpu.memory_space<vmem_shared>> -> memref<520x128xf32, #tpu.memory_space<vmem_shared>>
        %dma_start3A_28 = arith.constant 0 : i32
        %dma_start3A_29 = tpu.memref_slice %arg6[%mul3A_4, %dma_start3A_28] : memref<10000x128xf32, #tpu.memory_space<hbm>> -> memref<520x128xf32, #tpu.memory_space<hbm>>
        tpu.enqueue_dma source(%dma_start3A_29 : memref<520x128xf32, #tpu.memory_space<hbm>>) target(%dma_start3A_27 : memref<520x128xf32, #tpu.memory_space<vmem_shared>>) target_semaphore(%run_scoped3A : memref<!tpu.dma_semaphore, #tpu.memory_space<semaphore_mem>>)
        %dma_wait3A = arith.constant 0 : i32
        %dma_wait3A_30 = tpu.memref_slice %arg8[%mul3A_4, %dma_wait3A] : memref<10000x128xf32, #tpu.memory_space<vmem_shared>> -> memref<520x128xf32, #tpu.memory_space<vmem_shared>>
        %dma_wait3A_31 = arith.constant 0 : i32
        %dma_wait3A_32 = tpu.memref_slice %arg6[%mul3A_4, %dma_wait3A_31] : memref<10000x128xf32, #tpu.memory_space<hbm>> -> memref<520x128xf32, #tpu.memory_space<hbm>>
        tpu.wait_dma2 semaphore(%run_scoped3A : memref<!tpu.dma_semaphore, #tpu.memory_space<semaphore_mem>>) src(%dma_wait3A_32 : memref<520x128xf32, #tpu.memory_space<hbm>>) dst(%dma_wait3A_30 : memref<520x128xf32, #tpu.memory_space<vmem_shared>>)
        tpu.yield
      }) : () -> ()
    } else {
    }
    %barrier3A = arith.constant 0 : index
    tpu.barrier barrier_id(%barrier3A)
    %scan3A = arith.constant 0 : i32
    %scan3A_11 = arith.constant 0 : i32
    %scan3A_12 = arith.constant 125 : i32
    %scan3A_13 = arith.addi %scan3A_11, %scan3A_12 : i32
    %scan3A_14 = arith.constant 1 : i32
    scf.for %scan3A_27 = %scan3A_11 to %scan3A_13 step %scan3A_14  : i32 {
      %mul3A_28 = arith.constant 80 : i32
      %mul3A_29 = arith.muli %scan3A_27, %mul3A_28 : i32
      %add3A_30 = arith.addi %mul3A_2, %mul3A_29 : i32
      "tpu.region"() ({
        %run_scoped3A = tpu.sem_alloc : memref<!tpu.dma_semaphore, #tpu.memory_space<semaphore_mem>>
        %dma_start3A_41 = tpu.memref_slice %arg3[%add3A_30] : memref<320000xi32, #tpu.memory_space<hbm>> -> memref<80xi32, #tpu.memory_space<hbm>>
        %dma_start3A_42 = tpu.memref_slice %arg3[%add3A_30] : memref<320000xi32, #tpu.memory_space<hbm>> -> memref<80xi32, #tpu.memory_space<hbm>>
        tpu.enqueue_dma source(%dma_start3A_42 : memref<80xi32, #tpu.memory_space<hbm>>) target(%arg9 : memref<80xi32, #tpu.memory_space<vmem>>) target_semaphore(%run_scoped3A : memref<!tpu.dma_semaphore, #tpu.memory_space<semaphore_mem>>)
        %dma_wait3A_43 = tpu.memref_slice %arg3[%add3A_30] : memref<320000xi32, #tpu.memory_space<hbm>> -> memref<80xi32, #tpu.memory_space<hbm>>
        %dma_wait3A_44 = tpu.memref_slice %arg3[%add3A_30] : memref<320000xi32, #tpu.memory_space<hbm>> -> memref<80xi32, #tpu.memory_space<hbm>>
        tpu.wait_dma2 semaphore(%run_scoped3A : memref<!tpu.dma_semaphore, #tpu.memory_space<semaphore_mem>>) src(%dma_wait3A_44 : memref<80xi32, #tpu.memory_space<hbm>>) dst(%arg9 : memref<80xi32, #tpu.memory_space<vmem>>)
        tpu.yield
      }) : () -> ()
      "tpu.region"() ({
        %run_scoped3A = tpu.sem_alloc : memref<!tpu.dma_semaphore, #tpu.memory_space<semaphore_mem>>
        %dma_start3A_41 = tpu.memref_slice %arg4[%add3A_30] : memref<320000xi32, #tpu.memory_space<hbm>> -> memref<80xi32, #tpu.memory_space<hbm>>
        %dma_start3A_42 = tpu.memref_slice %arg4[%add3A_30] : memref<320000xi32, #tpu.memory_space<hbm>> -> memref<80xi32, #tpu.memory_space<hbm>>
        tpu.enqueue_dma source(%dma_start3A_42 : memref<80xi32, #tpu.memory_space<hbm>>) target(%arg10 : memref<80xi32, #tpu.memory_space<vmem>>) target_semaphore(%run_scoped3A : memref<!tpu.dma_semaphore, #tpu.memory_space<semaphore_mem>>)
        %dma_wait3A_43 = tpu.memref_slice %arg4[%add3A_30] : memref<320000xi32, #tpu.memory_space<hbm>> -> memref<80xi32, #tpu.memory_space<hbm>>
        %dma_wait3A_44 = tpu.memref_slice %arg4[%add3A_30] : memref<320000xi32, #tpu.memory_space<hbm>> -> memref<80xi32, #tpu.memory_space<hbm>>
        tpu.wait_dma2 semaphore(%run_scoped3A : memref<!tpu.dma_semaphore, #tpu.memory_space<semaphore_mem>>) src(%dma_wait3A_44 : memref<80xi32, #tpu.memory_space<hbm>>) dst(%arg10 : memref<80xi32, #tpu.memory_space<vmem>>)
        tpu.yield
      }) : () -> ()
      "tpu.region"() ({
        %run_scoped3A = tpu.sem_alloc : memref<!tpu.dma_semaphore, #tpu.memory_space<semaphore_mem>>
        %dma_start3A_41 = tpu.memref_slice %arg5[%add3A_30] : memref<320000xf32, #tpu.memory_space<hbm>> -> memref<80xf32, #tpu.memory_space<hbm>>
        %dma_start3A_42 = tpu.memref_slice %arg5[%add3A_30] : memref<320000xf32, #tpu.memory_space<hbm>> -> memref<80xf32, #tpu.memory_space<hbm>>
        tpu.enqueue_dma source(%dma_start3A_42 : memref<80xf32, #tpu.memory_space<hbm>>) target(%arg11 : memref<80xf32, #tpu.memory_space<vmem>>) target_semaphore(%run_scoped3A : memref<!tpu.dma_semaphore, #tpu.memory_space<semaphore_mem>>)
        %dma_wait3A_43 = tpu.memref_slice %arg5[%add3A_30] : memref<320000xf32, #tpu.memory_space<hbm>> -> memref<80xf32, #tpu.memory_space<hbm>>
        %dma_wait3A_44 = tpu.memref_slice %arg5[%add3A_30] : memref<320000xf32, #tpu.memory_space<hbm>> -> memref<80xf32, #tpu.memory_space<hbm>>
        tpu.wait_dma2 semaphore(%run_scoped3A : memref<!tpu.dma_semaphore, #tpu.memory_space<semaphore_mem>>) src(%dma_wait3A_44 : memref<80xf32, #tpu.memory_space<hbm>>) dst(%arg11 : memref<80xf32, #tpu.memory_space<vmem>>)
        tpu.yield
      }) : () -> ()
      %dma_start3A = arith.constant 0 : i32
      %dma_start3A_31 = arith.constant 0 : i32
      %dma_start3A_32 = tpu.memref_slice %arg2[%dma_start3A, %dma_start3A_31] : memref<10000x128xf32, #tpu.memory_space<hbm>> -> memref<10000x128xf32, #tpu.memory_space<hbm>>
      tpu.enqueue_indirect_dma source(%dma_start3A_32 : memref<10000x128xf32, #tpu.memory_space<hbm>>) target(%arg12 : memref<80x128xf32, #tpu.memory_space<vmem>>) offsets(%arg9 : memref<80xi32, #tpu.memory_space<vmem>>) semaphore(%arg13 : memref<!tpu.dma_semaphore, #tpu.memory_space<semaphore_mem>>)
      %dma_wait3A = arith.constant 0 : i32
      %dma_wait3A_33 = arith.constant 0 : i32
      %dma_wait3A_34 = tpu.memref_slice %arg2[%dma_wait3A, %dma_wait3A_33] : memref<10000x128xf32, #tpu.memory_space<hbm>> -> memref<10000x128xf32, #tpu.memory_space<hbm>>
      tpu.wait_indirect_dma semaphore(%arg13 : memref<!tpu.dma_semaphore, #tpu.memory_space<semaphore_mem>>) src(%dma_wait3A_34 : memref<10000x128xf32, #tpu.memory_space<hbm>>) dst(%arg12 : memref<80x128xf32, #tpu.memory_space<vmem>>)
      %scan3A_35 = arith.constant 0 : i32
      %scan3A_36 = arith.constant 0 : i32
      %scan3A_37 = arith.constant 5 : i32
      %scan3A_38 = arith.addi %scan3A_36, %scan3A_37 : i32
      %scan3A_39 = arith.constant 1 : i32
      scf.for %scan3A_41 = %scan3A_36 to %scan3A_38 step %scan3A_39  : i32 {
        %mul3A_42 = arith.constant 16 : i32
        %mul3A_43 = arith.muli %scan3A_41, %mul3A_42 : i32
        %get3A = arith.index_cast %mul3A_43 : i32 to index
        %get3A_44 = tpu.vector_load %arg11[%get3A] {strides = array<i32>} : memref<80xf32, #tpu.memory_space<vmem>>, vector<16xf32>,
        %get3A_45 = vector.shape_cast %get3A_44 : vector<16xf32> to vector<16xf32>
        %mul3A_46 = arith.constant 16 : i32
        %mul3A_47 = arith.muli %scan3A_41, %mul3A_46 : i32
        %add3A_48 = arith.constant 0 : i32
        %add3A_49 = arith.addi %mul3A_47, %add3A_48 : i32
        %slice3A = vector.extract_strided_slice %get3A_45 {offsets = [0], sizes = [1], strides = [1]} : vector<16xf32> to vector<1xf32>
        %squeeze3A = vector.extract %slice3A[0] : f32 from vector<1xf32>
        %get3A_50 = arith.index_cast %add3A_49 : i32 to index
        %get3A_51 = arith.constant 0 : index
        %get3A_52 = tpu.vector_load %arg12[%get3A_50, %get3A_51] {strides = array<i32>} : memref<80x128xf32, #tpu.memory_space<vmem>>, vector<1x16xf32>,
        %get3A_53 = vector.shape_cast %get3A_52 : vector<1x16xf32> to vector<16xf32>
        %mul3A_54 = vector.broadcast %squeeze3A : f32 to vector<16xf32>
        %mul3A_55 = arith.mulf %get3A_53, %mul3A_54 : vector<16xf32>
        %swap3A = arith.index_cast %add3A_49 : i32 to index
        %swap3A_56 = arith.constant 0 : index
        %swap3A_57 = tpu.vector_load %arg12[%swap3A, %swap3A_56] {strides = array<i32>} : memref<80x128xf32, #tpu.memory_space<vmem>>, vector<1x16xf32>,
        %swap3A_58 = vector.shape_cast %swap3A_57 : vector<1x16xf32> to vector<16xf32>
        %swap3A_59 = vector.shape_cast %mul3A_55 : vector<16xf32> to vector<1x16xf32>
        tpu.vector_store %arg12[%swap3A, %swap3A_56], %swap3A_59 {strides = array<i32>} : memref<80x128xf32, #tpu.memory_space<vmem>>, vector<1x16xf32>,
        %get3A_60 = arith.index_cast %add3A_49 : i32 to index
        %get3A_61 = arith.constant 16 : index
        %get3A_62 = tpu.vector_load %arg12[%get3A_60, %get3A_61] {strides = array<i32>} : memref<80x128xf32, #tpu.memory_space<vmem>>, vector<1x16xf32>,
        %get3A_63 = vector.shape_cast %get3A_62 : vector<1x16xf32> to vector<16xf32>
        %mul3A_64 = vector.broadcast %squeeze3A : f32 to vector<16xf32>
        %mul3A_65 = arith.mulf %get3A_63, %mul3A_64 : vector<16xf32>
        %swap3A_66 = arith.index_cast %add3A_49 : i32 to index
        %swap3A_67 = arith.constant 16 : index
        %swap3A_68 = tpu.vector_load %arg12[%swap3A_66, %swap3A_67] {strides = array<i32>} : memref<80x128xf32, #tpu.memory_space<vmem>>, vector<1x16xf32>,
        %swap3A_69 = vector.shape_cast %swap3A_68 : vector<1x16xf32> to vector<16xf32>
        %swap3A_70 = vector.shape_cast %mul3A_65 : vector<16xf32> to vector<1x16xf32>
        tpu.vector_store %arg12[%swap3A_66, %swap3A_67], %swap3A_70 {strides = array<i32>} : memref<80x128xf32, #tpu.memory_space<vmem>>, vector<1x16xf32>,
        %get3A_71 = arith.index_cast %add3A_49 : i32 to index
        %get3A_72 = arith.constant 32 : index
        %get3A_73 = tpu.vector_load %arg12[%get3A_71, %get3A_72] {strides = array<i32>} : memref<80x128xf32, #tpu.memory_space<vmem>>, vector<1x16xf32>,
        %get3A_74 = vector.shape_cast %get3A_73 : vector<1x16xf32> to vector<16xf32>
        %mul3A_75 = vector.broadcast %squeeze3A : f32 to vector<16xf32>
        %mul3A_76 = arith.mulf %get3A_74, %mul3A_75 : vector<16xf32>
        %swap3A_77 = arith.index_cast %add3A_49 : i32 to index
        %swap3A_78 = arith.constant 32 : index
        %swap3A_79 = tpu.vector_load %arg12[%swap3A_77, %swap3A_78] {strides = array<i32>} : memref<80x128xf32, #tpu.memory_space<vmem>>, vector<1x16xf32>,
        %swap3A_80 = vector.shape_cast %swap3A_79 : vector<1x16xf32> to vector<16xf32>
        %swap3A_81 = vector.shape_cast %mul3A_76 : vector<16xf32> to vector<1x16xf32>
        tpu.vector_store %arg12[%swap3A_77, %swap3A_78], %swap3A_81 {strides = array<i32>} : memref<80x128xf32, #tpu.memory_space<vmem>>, vector<1x16xf32>,
        %get3A_82 = arith.index_cast %add3A_49 : i32 to index
        %get3A_83 = arith.constant 48 : index
        %get3A_84 = tpu.vector_load %arg12[%get3A_82, %get3A_83] {strides = array<i32>} : memref<80x128xf32, #tpu.memory_space<vmem>>, vector<1x16xf32>,
        %get3A_85 = vector.shape_cast %get3A_84 : vector<1x16xf32> to vector<16xf32>
        %mul3A_86 = vector.broadcast %squeeze3A : f32 to vector<16xf32>
        %mul3A_87 = arith.mulf %get3A_85, %mul3A_86 : vector<16xf32>
        %swap3A_88 = arith.index_cast %add3A_49 : i32 to index
        %swap3A_89 = arith.constant 48 : index
        %swap3A_90 = tpu.vector_load %arg12[%swap3A_88, %swap3A_89] {strides = array<i32>} : memref<80x128xf32, #tpu.memory_space<vmem>>, vector<1x16xf32>,
        %swap3A_91 = vector.shape_cast %swap3A_90 : vector<1x16xf32> to vector<16xf32>
        %swap3A_92 = vector.shape_cast %mul3A_87 : vector<16xf32> to vector<1x16xf32>
        tpu.vector_store %arg12[%swap3A_88, %swap3A_89], %swap3A_92 {strides = array<i32>} : memref<80x128xf32, #tpu.memory_space<vmem>>, vector<1x16xf32>,
        %get3A_93 = arith.index_cast %add3A_49 : i32 to index
        %get3A_94 = arith.constant 64 : index
        %get3A_95 = tpu.vector_load %arg12[%get3A_93, %get3A_94] {strides = array<i32>} : memref<80x128xf32, #tpu.memory_space<vmem>>, vector<1x16xf32>,
        %get3A_96 = vector.shape_cast %get3A_95 : vector<1x16xf32> to vector<16xf32>
        %mul3A_97 = vector.broadcast %squeeze3A : f32 to vector<16xf32>
        %mul3A_98 = arith.mulf %get3A_96, %mul3A_97 : vector<16xf32>
        %swap3A_99 = arith.index_cast %add3A_49 : i32 to index
        %swap3A_100 = arith.constant 64 : index
        %swap3A_101 = tpu.vector_load %arg12[%swap3A_99, %swap3A_100] {strides = array<i32>} : memref<80x128xf32, #tpu.memory_space<vmem>>, vector<1x16xf32>,
        %swap3A_102 = vector.shape_cast %swap3A_101 : vector<1x16xf32> to vector<16xf32>
        %swap3A_103 = vector.shape_cast %mul3A_98 : vector<16xf32> to vector<1x16xf32>
        tpu.vector_store %arg12[%swap3A_99, %swap3A_100], %swap3A_103 {strides = array<i32>} : memref<80x128xf32, #tpu.memory_space<vmem>>, vector<1x16xf32>,
        %get3A_104 = arith.index_cast %add3A_49 : i32 to index
        %get3A_105 = arith.constant 80 : index
        %get3A_106 = tpu.vector_load %arg12[%get3A_104, %get3A_105] {strides = array<i32>} : memref<80x128xf32, #tpu.memory_space<vmem>>, vector<1x16xf32>,
        %get3A_107 = vector.shape_cast %get3A_106 : vector<1x16xf32> to vector<16xf32>
        %mul3A_108 = vector.broadcast %squeeze3A : f32 to vector<16xf32>
        %mul3A_109 = arith.mulf %get3A_107, %mul3A_108 : vector<16xf32>
        %swap3A_110 = arith.index_cast %add3A_49 : i32 to index
        %swap3A_111 = arith.constant 80 : index
        %swap3A_112 = tpu.vector_load %arg12[%swap3A_110, %swap3A_111] {strides = array<i32>} : memref<80x128xf32, #tpu.memory_space<vmem>>, vector<1x16xf32>,
        %swap3A_113 = vector.shape_cast %swap3A_112 : vector<1x16xf32> to vector<16xf32>
        %swap3A_114 = vector.shape_cast %mul3A_109 : vector<16xf32> to vector<1x16xf32>
        tpu.vector_store %arg12[%swap3A_110, %swap3A_111], %swap3A_114 {strides = array<i32>} : memref<80x128xf32, #tpu.memory_space<vmem>>, vector<1x16xf32>,
        %get3A_115 = arith.index_cast %add3A_49 : i32 to index
        %get3A_116 = arith.constant 96 : index
        %get3A_117 = tpu.vector_load %arg12[%get3A_115, %get3A_116] {strides = array<i32>} : memref<80x128xf32, #tpu.memory_space<vmem>>, vector<1x16xf32>,
        %get3A_118 = vector.shape_cast %get3A_117 : vector<1x16xf32> to vector<16xf32>
        %mul3A_119 = vector.broadcast %squeeze3A : f32 to vector<16xf32>
        %mul3A_120 = arith.mulf %get3A_118, %mul3A_119 : vector<16xf32>
        %swap3A_121 = arith.index_cast %add3A_49 : i32 to index
        %swap3A_122 = arith.constant 96 : index
        %swap3A_123 = tpu.vector_load %arg12[%swap3A_121, %swap3A_122] {strides = array<i32>} : memref<80x128xf32, #tpu.memory_space<vmem>>, vector<1x16xf32>,
        %swap3A_124 = vector.shape_cast %swap3A_123 : vector<1x16xf32> to vector<16xf32>
        %swap3A_125 = vector.shape_cast %mul3A_120 : vector<16xf32> to vector<1x16xf32>
        tpu.vector_store %arg12[%swap3A_121, %swap3A_122], %swap3A_125 {strides = array<i32>} : memref<80x128xf32, #tpu.memory_space<vmem>>, vector<1x16xf32>,
        %get3A_126 = arith.index_cast %add3A_49 : i32 to index
        %get3A_127 = arith.constant 112 : index
        %get3A_128 = tpu.vector_load %arg12[%get3A_126, %get3A_127] {strides = array<i32>} : memref<80x128xf32, #tpu.memory_space<vmem>>, vector<1x16xf32>,
        %get3A_129 = vector.shape_cast %get3A_128 : vector<1x16xf32> to vector<16xf32>
        %mul3A_130 = vector.broadcast %squeeze3A : f32 to vector<16xf32>
        %mul3A_131 = arith.mulf %get3A_129, %mul3A_130 : vector<16xf32>
        %swap3A_132 = arith.index_cast %add3A_49 : i32 to index
        %swap3A_133 = arith.constant 112 : index
        %swap3A_134 = tpu.vector_load %arg12[%swap3A_132, %swap3A_133] {strides = array<i32>} : memref<80x128xf32, #tpu.memory_space<vmem>>, vector<1x16xf32>,
        %swap3A_135 = vector.shape_cast %swap3A_134 : vector<1x16xf32> to vector<16xf32>
        %swap3A_136 = vector.shape_cast %mul3A_131 : vector<16xf32> to vector<1x16xf32>
        tpu.vector_store %arg12[%swap3A_132, %swap3A_133], %swap3A_136 {strides = array<i32>} : memref<80x128xf32, #tpu.memory_space<vmem>>, vector<1x16xf32>,
        %mul3A_137 = arith.constant 16 : i32
        %mul3A_138 = arith.muli %scan3A_41, %mul3A_137 : i32
        %add3A_139 = arith.constant 1 : i32
        %add3A_140 = arith.addi %mul3A_138, %add3A_139 : i32
        %slice3A_141 = vector.extract_strided_slice %get3A_45 {offsets = [1], sizes = [1], strides = [1]} : vector<16xf32> to vector<1xf32>
        %squeeze3A_142 = vector.extract %slice3A_141[0] : f32 from vector<1xf32>
        %get3A_143 = arith.index_cast %add3A_140 : i32 to index
        %get3A_144 = arith.constant 0 : index
        %get3A_145 = tpu.vector_load %arg12[%get3A_143, %get3A_144] {strides = array<i32>} : memref<80x128xf32, #tpu.memory_space<vmem>>, vector<1x16xf32>,
        %get3A_146 = vector.shape_cast %get3A_145 : vector<1x16xf32> to vector<16xf32>
        %mul3A_147 = vector.broadcast %squeeze3A_142 : f32 to vector<16xf32>
        %mul3A_148 = arith.mulf %get3A_146, %mul3A_147 : vector<16xf32>
        %swap3A_149 = arith.index_cast %add3A_140 : i32 to index
        %swap3A_150 = arith.constant 0 : index
        %swap3A_151 = tpu.vector_load %arg12[%swap3A_149, %swap3A_150] {strides = array<i32>} : memref<80x128xf32, #tpu.memory_space<vmem>>, vector<1x16xf32>,
        %swap3A_152 = vector.shape_cast %swap3A_151 : vector<1x16xf32> to vector<16xf32>
        %swap3A_153 = vector.shape_cast %mul3A_148 : vector<16xf32> to vector<1x16xf32>
        tpu.vector_store %arg12[%swap3A_149, %swap3A_150], %swap3A_153 {strides = array<i32>} : memref<80x128xf32, #tpu.memory_space<vmem>>, vector<1x16xf32>,
        %get3A_154 = arith.index_cast %add3A_140 : i32 to index
        %get3A_155 = arith.constant 16 : index
        %get3A_156 = tpu.vector_load %arg12[%get3A_154, %get3A_155] {strides = array<i32>} : memref<80x128xf32, #tpu.memory_space<vmem>>, vector<1x16xf32>,
        %get3A_157 = vector.shape_cast %get3A_156 : vector<1x16xf32> to vector<16xf32>
        %mul3A_158 = vector.broadcast %squeeze3A_142 : f32 to vector<16xf32>
        %mul3A_159 = arith.mulf %get3A_157, %mul3A_158 : vector<16xf32>
        %swap3A_160 = arith.index_cast %add3A_140 : i32 to index
        %swap3A_161 = arith.constant 16 : index
        %swap3A_162 = tpu.vector_load %arg12[%swap3A_160, %swap3A_161] {strides = array<i32>} : memref<80x128xf32, #tpu.memory_space<vmem>>, vector<1x16xf32>,
        %swap3A_163 = vector.shape_cast %swap3A_162 : vector<1x16xf32> to vector<16xf32>
        %swap3A_164 = vector.shape_cast %mul3A_159 : vector<16xf32> to vector<1x16xf32>
        tpu.vector_store %arg12[%swap3A_160, %swap3A_161], %swap3A_164 {strides = array<i32>} : memref<80x128xf32, #tpu.memory_space<vmem>>, vector<1x16xf32>,
        %get3A_165 = arith.index_cast %add3A_140 : i32 to index
        %get3A_166 = arith.constant 32 : index
        %get3A_167 = tpu.vector_load %arg12[%get3A_165, %get3A_166] {strides = array<i32>} : memref<80x128xf32, #tpu.memory_space<vmem>>, vector<1x16xf32>,
        %get3A_168 = vector.shape_cast %get3A_167 : vector<1x16xf32> to vector<16xf32>
        %mul3A_169 = vector.broadcast %squeeze3A_142 : f32 to vector<16xf32>
        %mul3A_170 = arith.mulf %get3A_168, %mul3A_169 : vector<16xf32>
        %swap3A_171 = arith.index_cast %add3A_140 : i32 to index
        %swap3A_172 = arith.constant 32 : index
        %swap3A_173 = tpu.vector_load %arg12[%swap3A_171, %swap3A_172] {strides = array<i32>} : memref<80x128xf32, #tpu.memory_space<vmem>>, vector<1x16xf32>,
        %swap3A_174 = vector.shape_cast %swap3A_173 : vector<1x16xf32> to vector<16xf32>
        %swap3A_175 = vector.shape_cast %mul3A_170 : vector<16xf32> to vector<1x16xf32>
        tpu.vector_store %arg12[%swap3A_171, %swap3A_172], %swap3A_175 {strides = array<i32>} : memref<80x128xf32, #tpu.memory_space<vmem>>, vector<1x16xf32>,
        %get3A_176 = arith.index_cast %add3A_140 : i32 to index
        %get3A_177 = arith.constant 48 : index
        %get3A_178 = tpu.vector_load %arg12[%get3A_176, %get3A_177] {strides = array<i32>} : memref<80x128xf32, #tpu.memory_space<vmem>>, vector<1x16xf32>,
        %get3A_179 = vector.shape_cast %get3A_178 : vector<1x16xf32> to vector<16xf32>
        %mul3A_180 = vector.broadcast %squeeze3A_142 : f32 to vector<16xf32>
        %mul3A_181 = arith.mulf %get3A_179, %mul3A_180 : vector<16xf32>
        %swap3A_182 = arith.index_cast %add3A_140 : i32 to index
        %swap3A_183 = arith.constant 48 : index
        %swap3A_184 = tpu.vector_load %arg12[%swap3A_182, %swap3A_183] {strides = array<i32>} : memref<80x128xf32, #tpu.memory_space<vmem>>, vector<1x16xf32>,
        %swap3A_185 = vector.shape_cast %swap3A_184 : vector<1x16xf32> to vector<16xf32>
        %swap3A_186 = vector.shape_cast %mul3A_181 : vector<16xf32> to vector<1x16xf32>
        tpu.vector_store %arg12[%swap3A_182, %swap3A_183], %swap3A_186 {strides = array<i32>} : memref<80x128xf32, #tpu.memory_space<vmem>>, vector<1x16xf32>,
        %get3A_187 = arith.index_cast %add3A_140 : i32 to index
        %get3A_188 = arith.constant 64 : index
        %get3A_189 = tpu.vector_load %arg12[%get3A_187, %get3A_188] {strides = array<i32>} : memref<80x128xf32, #tpu.memory_space<vmem>>, vector<1x16xf32>,
        %get3A_190 = vector.shape_cast %get3A_189 : vector<1x16xf32> to vector<16xf32>
        %mul3A_191 = vector.broadcast %squeeze3A_142 : f32 to vector<16xf32>
        %mul3A_192 = arith.mulf %get3A_190, %mul3A_191 : vector<16xf32>
        %swap3A_193 = arith.index_cast %add3A_140 : i32 to index
        %swap3A_194 = arith.constant 64 : index
        %swap3A_195 = tpu.vector_load %arg12[%swap3A_193, %swap3A_194] {strides = array<i32>} : memref<80x128xf32, #tpu.memory_space<vmem>>, vector<1x16xf32>,
        %swap3A_196 = vector.shape_cast %swap3A_195 : vector<1x16xf32> to vector<16xf32>
        %swap3A_197 = vector.shape_cast %mul3A_192 : vector<16xf32> to vector<1x16xf32>
        tpu.vector_store %arg12[%swap3A_193, %swap3A_194], %swap3A_197 {strides = array<i32>} : memref<80x128xf32, #tpu.memory_space<vmem>>, vector<1x16xf32>,
        %get3A_198 = arith.index_cast %add3A_140 : i32 to index
        %get3A_199 = arith.constant 80 : index
        %get3A_200 = tpu.vector_load %arg12[%get3A_198, %get3A_199] {strides = array<i32>} : memref<80x128xf32, #tpu.memory_space<vmem>>, vector<1x16xf32>,
        %get3A_201 = vector.shape_cast %get3A_200 : vector<1x16xf32> to vector<16xf32>
        %mul3A_202 = vector.broadcast %squeeze3A_142 : f32 to vector<16xf32>
        %mul3A_203 = arith.mulf %get3A_201, %mul3A_202 : vector<16xf32>
        %swap3A_204 = arith.index_cast %add3A_140 : i32 to index
        %swap3A_205 = arith.constant 80 : index
        %swap3A_206 = tpu.vector_load %arg12[%swap3A_204, %swap3A_205] {strides = array<i32>} : memref<80x128xf32, #tpu.memory_space<vmem>>, vector<1x16xf32>,
        %swap3A_207 = vector.shape_cast %swap3A_206 : vector<1x16xf32> to vector<16xf32>
        %swap3A_208 = vector.shape_cast %mul3A_203 : vector<16xf32> to vector<1x16xf32>
        tpu.vector_store %arg12[%swap3A_204, %swap3A_205], %swap3A_208 {strides = array<i32>} : memref<80x128xf32, #tpu.memory_space<vmem>>, vector<1x16xf32>,
        %get3A_209 = arith.index_cast %add3A_140 : i32 to index
        %get3A_210 = arith.constant 96 : index
        %get3A_211 = tpu.vector_load %arg12[%get3A_209, %get3A_210] {strides = array<i32>} : memref<80x128xf32, #tpu.memory_space<vmem>>, vector<1x16xf32>,
        %get3A_212 = vector.shape_cast %get3A_211 : vector<1x16xf32> to vector<16xf32>
        %mul3A_213 = vector.broadcast %squeeze3A_142 : f32 to vector<16xf32>
        %mul3A_214 = arith.mulf %get3A_212, %mul3A_213 : vector<16xf32>
        %swap3A_215 = arith.index_cast %add3A_140 : i32 to index
        %swap3A_216 = arith.constant 96 : index
        %swap3A_217 = tpu.vector_load %arg12[%swap3A_215, %swap3A_216] {strides = array<i32>} : memref<80x128xf32, #tpu.memory_space<vmem>>, vector<1x16xf32>,
        %swap3A_218 = vector.shape_cast %swap3A_217 : vector<1x16xf32> to vector<16xf32>
        %swap3A_219 = vector.shape_cast %mul3A_214 : vector<16xf32> to vector<1x16xf32>
        tpu.vector_store %arg12[%swap3A_215, %swap3A_216], %swap3A_219 {strides = array<i32>} : memref<80x128xf32, #tpu.memory_space<vmem>>, vector<1x16xf32>,
        %get3A_220 = arith.index_cast %add3A_140 : i32 to index
        %get3A_221 = arith.constant 112 : index
        %get3A_222 = tpu.vector_load %arg12[%get3A_220, %get3A_221] {strides = array<i32>} : memref<80x128xf32, #tpu.memory_space<vmem>>, vector<1x16xf32>,
        %get3A_223 = vector.shape_cast %get3A_222 : vector<1x16xf32> to vector<16xf32>
        %mul3A_224 = vector.broadcast %squeeze3A_142 : f32 to vector<16xf32>
        %mul3A_225 = arith.mulf %get3A_223, %mul3A_224 : vector<16xf32>
        %swap3A_226 = arith.index_cast %add3A_140 : i32 to index
        %swap3A_227 = arith.constant 112 : index
        %swap3A_228 = tpu.vector_load %arg12[%swap3A_226, %swap3A_227] {strides = array<i32>} : memref<80x128xf32, #tpu.memory_space<vmem>>, vector<1x16xf32>,
        %swap3A_229 = vector.shape_cast %swap3A_228 : vector<1x16xf32> to vector<16xf32>
        %swap3A_230 = vector.shape_cast %mul3A_225 : vector<16xf32> to vector<1x16xf32>
        tpu.vector_store %arg12[%swap3A_226, %swap3A_227], %swap3A_230 {strides = array<i32>} : memref<80x128xf32, #tpu.memory_space<vmem>>, vector<1x16xf32>,
        %mul3A_231 = arith.constant 16 : i32
        %mul3A_232 = arith.muli %scan3A_41, %mul3A_231 : i32
        %add3A_233 = arith.constant 2 : i32
        %add3A_234 = arith.addi %mul3A_232, %add3A_233 : i32
        %slice3A_235 = vector.extract_strided_slice %get3A_45 {offsets = [2], sizes = [1], strides = [1]} : vector<16xf32> to vector<1xf32>
        %squeeze3A_236 = vector.extract %slice3A_235[0] : f32 from vector<1xf32>
        %get3A_237 = arith.index_cast %add3A_234 : i32 to index
        %get3A_238 = arith.constant 0 : index
        %get3A_239 = tpu.vector_load %arg12[%get3A_237, %get3A_238] {strides = array<i32>} : memref<80x128xf32, #tpu.memory_space<vmem>>, vector<1x16xf32>,
        %get3A_240 = vector.shape_cast %get3A_239 : vector<1x16xf32> to vector<16xf32>
        %mul3A_241 = vector.broadcast %squeeze3A_236 : f32 to vector<16xf32>
        %mul3A_242 = arith.mulf %get3A_240, %mul3A_241 : vector<16xf32>
        %swap3A_243 = arith.index_cast %add3A_234 : i32 to index
        %swap3A_244 = arith.constant 0 : index
        %swap3A_245 = tpu.vector_load %arg12[%swap3A_243, %swap3A_244] {strides = array<i32>} : memref<80x128xf32, #tpu.memory_space<vmem>>, vector<1x16xf32>,
        %swap3A_246 = vector.shape_cast %swap3A_245 : vector<1x16xf32> to vector<16xf32>
        %swap3A_247 = vector.shape_cast %mul3A_242 : vector<16xf32> to vector<1x16xf32>
        tpu.vector_store %arg12[%swap3A_243, %swap3A_244], %swap3A_247 {strides = array<i32>} : memref<80x128xf32, #tpu.memory_space<vmem>>, vector<1x16xf32>,
        %get3A_248 = arith.index_cast %add3A_234 : i32 to index
        %get3A_249 = arith.constant 16 : index
        %get3A_250 = tpu.vector_load %arg12[%get3A_248, %get3A_249] {strides = array<i32>} : memref<80x128xf32, #tpu.memory_space<vmem>>, vector<1x16xf32>,
        %get3A_251 = vector.shape_cast %get3A_250 : vector<1x16xf32> to vector<16xf32>
        %mul3A_252 = vector.broadcast %squeeze3A_236 : f32 to vector<16xf32>
        %mul3A_253 = arith.mulf %get3A_251, %mul3A_252 : vector<16xf32>
        %swap3A_254 = arith.index_cast %add3A_234 : i32 to index
        %swap3A_255 = arith.constant 16 : index
        %swap3A_256 = tpu.vector_load %arg12[%swap3A_254, %swap3A_255] {strides = array<i32>} : memref<80x128xf32, #tpu.memory_space<vmem>>, vector<1x16xf32>,
        %swap3A_257 = vector.shape_cast %swap3A_256 : vector<1x16xf32> to vector<16xf32>
        %swap3A_258 = vector.shape_cast %mul3A_253 : vector<16xf32> to vector<1x16xf32>
        tpu.vector_store %arg12[%swap3A_254, %swap3A_255], %swap3A_258 {strides = array<i32>} : memref<80x128xf32, #tpu.memory_space<vmem>>, vector<1x16xf32>,
        %get3A_259 = arith.index_cast %add3A_234 : i32 to index
        %get3A_260 = arith.constant 32 : index
        %get3A_261 = tpu.vector_load %arg12[%get3A_259, %get3A_260] {strides = array<i32>} : memref<80x128xf32, #tpu.memory_space<vmem>>, vector<1x16xf32>,
        %get3A_262 = vector.shape_cast %get3A_261 : vector<1x16xf32> to vector<16xf32>
        %mul3A_263 = vector.broadcast %squeeze3A_236 : f32 to vector<16xf32>
        %mul3A_264 = arith.mulf %get3A_262, %mul3A_263 : vector<16xf32>
        %swap3A_265 = arith.index_cast %add3A_234 : i32 to index
        %swap3A_266 = arith.constant 32 : index
        %swap3A_267 = tpu.vector_load %arg12[%swap3A_265, %swap3A_266] {strides = array<i32>} : memref<80x128xf32, #tpu.memory_space<vmem>>, vector<1x16xf32>,
        %swap3A_268 = vector.shape_cast %swap3A_267 : vector<1x16xf32> to vector<16xf32>
        %swap3A_269 = vector.shape_cast %mul3A_264 : vector<16xf32> to vector<1x16xf32>
        tpu.vector_store %arg12[%swap3A_265, %swap3A_266], %swap3A_269 {strides = array<i32>} : memref<80x128xf32, #tpu.memory_space<vmem>>, vector<1x16xf32>,
        %get3A_270 = arith.index_cast %add3A_234 : i32 to index
        %get3A_271 = arith.constant 48 : index
        %get3A_272 = tpu.vector_load %arg12[%get3A_270, %get3A_271] {strides = array<i32>} : memref<80x128xf32, #tpu.memory_space<vmem>>, vector<1x16xf32>,
        %get3A_273 = vector.shape_cast %get3A_272 : vector<1x16xf32> to vector<16xf32>
        %mul3A_274 = vector.broadcast %squeeze3A_236 : f32 to vector<16xf32>
        %mul3A_275 = arith.mulf %get3A_273, %mul3A_274 : vector<16xf32>
        %swap3A_276 = arith.index_cast %add3A_234 : i32 to index
        %swap3A_277 = arith.constant 48 : index
        %swap3A_278 = tpu.vector_load %arg12[%swap3A_276, %swap3A_277] {strides = array<i32>} : memref<80x128xf32, #tpu.memory_space<vmem>>, vector<1x16xf32>,
        %swap3A_279 = vector.shape_cast %swap3A_278 : vector<1x16xf32> to vector<16xf32>
        %swap3A_280 = vector.shape_cast %mul3A_275 : vector<16xf32> to vector<1x16xf32>
        tpu.vector_store %arg12[%swap3A_276, %swap3A_277], %swap3A_280 {strides = array<i32>} : memref<80x128xf32, #tpu.memory_space<vmem>>, vector<1x16xf32>,
        %get3A_281 = arith.index_cast %add3A_234 : i32 to index
        %get3A_282 = arith.constant 64 : index
        %get3A_283 = tpu.vector_load %arg12[%get3A_281, %get3A_282] {strides = array<i32>} : memref<80x128xf32, #tpu.memory_space<vmem>>, vector<1x16xf32>,
        %get3A_284 = vector.shape_cast %get3A_283 : vector<1x16xf32> to vector<16xf32>
        %mul3A_285 = vector.broadcast %squeeze3A_236 : f32 to vector<16xf32>
        %mul3A_286 = arith.mulf %get3A_284, %mul3A_285 : vector<16xf32>
        %swap3A_287 = arith.index_cast %add3A_234 : i32 to index
        %swap3A_288 = arith.constant 64 : index
        %swap3A_289 = tpu.vector_load %arg12[%swap3A_287, %swap3A_288] {strides = array<i32>} : memref<80x128xf32, #tpu.memory_space<vmem>>, vector<1x16xf32>,
        %swap3A_290 = vector.shape_cast %swap3A_289 : vector<1x16xf32> to vector<16xf32>
        %swap3A_291 = vector.shape_cast %mul3A_286 : vector<16xf32> to vector<1x16xf32>
        tpu.vector_store %arg12[%swap3A_287, %swap3A_288], %swap3A_291 {strides = array<i32>} : memref<80x128xf32, #tpu.memory_space<vmem>>, vector<1x16xf32>,
        %get3A_292 = arith.index_cast %add3A_234 : i32 to index
        %get3A_293 = arith.constant 80 : index
        %get3A_294 = tpu.vector_load %arg12[%get3A_292, %get3A_293] {strides = array<i32>} : memref<80x128xf32, #tpu.memory_space<vmem>>, vector<1x16xf32>,
        %get3A_295 = vector.shape_cast %get3A_294 : vector<1x16xf32> to vector<16xf32>
        %mul3A_296 = vector.broadcast %squeeze3A_236 : f32 to vector<16xf32>
        %mul3A_297 = arith.mulf %get3A_295, %mul3A_296 : vector<16xf32>
        %swap3A_298 = arith.index_cast %add3A_234 : i32 to index
        %swap3A_299 = arith.constant 80 : index
        %swap3A_300 = tpu.vector_load %arg12[%swap3A_298, %swap3A_299] {strides = array<i32>} : memref<80x128xf32, #tpu.memory_space<vmem>>, vector<1x16xf32>,
        %swap3A_301 = vector.shape_cast %swap3A_300 : vector<1x16xf32> to vector<16xf32>
        %swap3A_302 = vector.shape_cast %mul3A_297 : vector<16xf32> to vector<1x16xf32>
        tpu.vector_store %arg12[%swap3A_298, %swap3A_299], %swap3A_302 {strides = array<i32>} : memref<80x128xf32, #tpu.memory_space<vmem>>, vector<1x16xf32>,
        %get3A_303 = arith.index_cast %add3A_234 : i32 to index
        %get3A_304 = arith.constant 96 : index
        %get3A_305 = tpu.vector_load %arg12[%get3A_303, %get3A_304] {strides = array<i32>} : memref<80x128xf32, #tpu.memory_space<vmem>>, vector<1x16xf32>,
        %get3A_306 = vector.shape_cast %get3A_305 : vector<1x16xf32> to vector<16xf32>
        %mul3A_307 = vector.broadcast %squeeze3A_236 : f32 to vector<16xf32>
        %mul3A_308 = arith.mulf %get3A_306, %mul3A_307 : vector<16xf32>
        %swap3A_309 = arith.index_cast %add3A_234 : i32 to index
        %swap3A_310 = arith.constant 96 : index
        %swap3A_311 = tpu.vector_load %arg12[%swap3A_309, %swap3A_310] {strides = array<i32>} : memref<80x128xf32, #tpu.memory_space<vmem>>, vector<1x16xf32>,
        %swap3A_312 = vector.shape_cast %swap3A_311 : vector<1x16xf32> to vector<16xf32>
        %swap3A_313 = vector.shape_cast %mul3A_308 : vector<16xf32> to vector<1x16xf32>
        tpu.vector_store %arg12[%swap3A_309, %swap3A_310], %swap3A_313 {strides = array<i32>} : memref<80x128xf32, #tpu.memory_space<vmem>>, vector<1x16xf32>,
        %get3A_314 = arith.index_cast %add3A_234 : i32 to index
        %get3A_315 = arith.constant 112 : index
        %get3A_316 = tpu.vector_load %arg12[%get3A_314, %get3A_315] {strides = array<i32>} : memref<80x128xf32, #tpu.memory_space<vmem>>, vector<1x16xf32>,
        %get3A_317 = vector.shape_cast %get3A_316 : vector<1x16xf32> to vector<16xf32>
        %mul3A_318 = vector.broadcast %squeeze3A_236 : f32 to vector<16xf32>
        %mul3A_319 = arith.mulf %get3A_317, %mul3A_318 : vector<16xf32>
        %swap3A_320 = arith.index_cast %add3A_234 : i32 to index
        %swap3A_321 = arith.constant 112 : index
        %swap3A_322 = tpu.vector_load %arg12[%swap3A_320, %swap3A_321] {strides = array<i32>} : memref<80x128xf32, #tpu.memory_space<vmem>>, vector<1x16xf32>,
        %swap3A_323 = vector.shape_cast %swap3A_322 : vector<1x16xf32> to vector<16xf32>
        %swap3A_324 = vector.shape_cast %mul3A_319 : vector<16xf32> to vector<1x16xf32>
        tpu.vector_store %arg12[%swap3A_320, %swap3A_321], %swap3A_324 {strides = array<i32>} : memref<80x128xf32, #tpu.memory_space<vmem>>, vector<1x16xf32>,
        %mul3A_325 = arith.constant 16 : i32
        %mul3A_326 = arith.muli %scan3A_41, %mul3A_325 : i32
        %add3A_327 = arith.constant 3 : i32
        %add3A_328 = arith.addi %mul3A_326, %add3A_327 : i32
        %slice3A_329 = vector.extract_strided_slice %get3A_45 {offsets = [3], sizes = [1], strides = [1]} : vector<16xf32> to vector<1xf32>
        %squeeze3A_330 = vector.extract %slice3A_329[0] : f32 from vector<1xf32>
        %get3A_331 = arith.index_cast %add3A_328 : i32 to index
        %get3A_332 = arith.constant 0 : index
        %get3A_333 = tpu.vector_load %arg12[%get3A_331, %get3A_332] {strides = array<i32>} : memref<80x128xf32, #tpu.memory_space<vmem>>, vector<1x16xf32>,
        %get3A_334 = vector.shape_cast %get3A_333 : vector<1x16xf32> to vector<16xf32>
        %mul3A_335 = vector.broadcast %squeeze3A_330 : f32 to vector<16xf32>
        %mul3A_336 = arith.mulf %get3A_334, %mul3A_335 : vector<16xf32>
        %swap3A_337 = arith.index_cast %add3A_328 : i32 to index
        %swap3A_338 = arith.constant 0 : index
        %swap3A_339 = tpu.vector_load %arg12[%swap3A_337, %swap3A_338] {strides = array<i32>} : memref<80x128xf32, #tpu.memory_space<vmem>>, vector<1x16xf32>,
        %swap3A_340 = vector.shape_cast %swap3A_339 : vector<1x16xf32> to vector<16xf32>
        %swap3A_341 = vector.shape_cast %mul3A_336 : vector<16xf32> to vector<1x16xf32>
        tpu.vector_store %arg12[%swap3A_337, %swap3A_338], %swap3A_341 {strides = array<i32>} : memref<80x128xf32, #tpu.memory_space<vmem>>, vector<1x16xf32>,
        %get3A_342 = arith.index_cast %add3A_328 : i32 to index
        %get3A_343 = arith.constant 16 : index
        %get3A_344 = tpu.vector_load %arg12[%get3A_342, %get3A_343] {strides = array<i32>} : memref<80x128xf32, #tpu.memory_space<vmem>>, vector<1x16xf32>,
        %get3A_345 = vector.shape_cast %get3A_344 : vector<1x16xf32> to vector<16xf32>
        %mul3A_346 = vector.broadcast %squeeze3A_330 : f32 to vector<16xf32>
        %mul3A_347 = arith.mulf %get3A_345, %mul3A_346 : vector<16xf32>
        %swap3A_348 = arith.index_cast %add3A_328 : i32 to index
        %swap3A_349 = arith.constant 16 : index
        %swap3A_350 = tpu.vector_load %arg12[%swap3A_348, %swap3A_349] {strides = array<i32>} : memref<80x128xf32, #tpu.memory_space<vmem>>, vector<1x16xf32>,
        %swap3A_351 = vector.shape_cast %swap3A_350 : vector<1x16xf32> to vector<16xf32>
        %swap3A_352 = vector.shape_cast %mul3A_347 : vector<16xf32> to vector<1x16xf32>
        tpu.vector_store %arg12[%swap3A_348, %swap3A_349], %swap3A_352 {strides = array<i32>} : memref<80x128xf32, #tpu.memory_space<vmem>>, vector<1x16xf32>,
        %get3A_353 = arith.index_cast %add3A_328 : i32 to index
        %get3A_354 = arith.constant 32 : index
        %get3A_355 = tpu.vector_load %arg12[%get3A_353, %get3A_354] {strides = array<i32>} : memref<80x128xf32, #tpu.memory_space<vmem>>, vector<1x16xf32>,
        %get3A_356 = vector.shape_cast %get3A_355 : vector<1x16xf32> to vector<16xf32>
        %mul3A_357 = vector.broadcast %squeeze3A_330 : f32 to vector<16xf32>
        %mul3A_358 = arith.mulf %get3A_356, %mul3A_357 : vector<16xf32>
        %swap3A_359 = arith.index_cast %add3A_328 : i32 to index
        %swap3A_360 = arith.constant 32 : index
        %swap3A_361 = tpu.vector_load %arg12[%swap3A_359, %swap3A_360] {strides = array<i32>} : memref<80x128xf32, #tpu.memory_space<vmem>>, vector<1x16xf32>,
        %swap3A_362 = vector.shape_cast %swap3A_361 : vector<1x16xf32> to vector<16xf32>
        %swap3A_363 = vector.shape_cast %mul3A_358 : vector<16xf32> to vector<1x16xf32>
        tpu.vector_store %arg12[%swap3A_359, %swap3A_360], %swap3A_363 {strides = array<i32>} : memref<80x128xf32, #tpu.memory_space<vmem>>, vector<1x16xf32>,
        %get3A_364 = arith.index_cast %add3A_328 : i32 to index
        %get3A_365 = arith.constant 48 : index
        %get3A_366 = tpu.vector_load %arg12[%get3A_364, %get3A_365] {strides = array<i32>} : memref<80x128xf32, #tpu.memory_space<vmem>>, vector<1x16xf32>,
        %get3A_367 = vector.shape_cast %get3A_366 : vector<1x16xf32> to vector<16xf32>
        %mul3A_368 = vector.broadcast %squeeze3A_330 : f32 to vector<16xf32>
        %mul3A_369 = arith.mulf %get3A_367, %mul3A_368 : vector<16xf32>
        %swap3A_370 = arith.index_cast %add3A_328 : i32 to index
        %swap3A_371 = arith.constant 48 : index
        %swap3A_372 = tpu.vector_load %arg12[%swap3A_370, %swap3A_371] {strides = array<i32>} : memref<80x128xf32, #tpu.memory_space<vmem>>, vector<1x16xf32>,
        %swap3A_373 = vector.shape_cast %swap3A_372 : vector<1x16xf32> to vector<16xf32>
        %swap3A_374 = vector.shape_cast %mul3A_369 : vector<16xf32> to vector<1x16xf32>
        tpu.vector_store %arg12[%swap3A_370, %swap3A_371], %swap3A_374 {strides = array<i32>} : memref<80x128xf32, #tpu.memory_space<vmem>>, vector<1x16xf32>,
        %get3A_375 = arith.index_cast %add3A_328 : i32 to index
        %get3A_376 = arith.constant 64 : index
        %get3A_377 = tpu.vector_load %arg12[%get3A_375, %get3A_376] {strides = array<i32>} : memref<80x128xf32, #tpu.memory_space<vmem>>, vector<1x16xf32>,
        %get3A_378 = vector.shape_cast %get3A_377 : vector<1x16xf32> to vector<16xf32>
        %mul3A_379 = vector.broadcast %squeeze3A_330 : f32 to vector<16xf32>
        %mul3A_380 = arith.mulf %get3A_378, %mul3A_379 : vector<16xf32>
        %swap3A_381 = arith.index_cast %add3A_328 : i32 to index
        %swap3A_382 = arith.constant 64 : index
        %swap3A_383 = tpu.vector_load %arg12[%swap3A_381, %swap3A_382] {strides = array<i32>} : memref<80x128xf32, #tpu.memory_space<vmem>>, vector<1x16xf32>,
        %swap3A_384 = vector.shape_cast %swap3A_383 : vector<1x16xf32> to vector<16xf32>
        %swap3A_385 = vector.shape_cast %mul3A_380 : vector<16xf32> to vector<1x16xf32>
        tpu.vector_store %arg12[%swap3A_381, %swap3A_382], %swap3A_385 {strides = array<i32>} : memref<80x128xf32, #tpu.memory_space<vmem>>, vector<1x16xf32>,
        %get3A_386 = arith.index_cast %add3A_328 : i32 to index
        %get3A_387 = arith.constant 80 : index
        %get3A_388 = tpu.vector_load %arg12[%get3A_386, %get3A_387] {strides = array<i32>} : memref<80x128xf32, #tpu.memory_space<vmem>>, vector<1x16xf32>,
        %get3A_389 = vector.shape_cast %get3A_388 : vector<1x16xf32> to vector<16xf32>
        %mul3A_390 = vector.broadcast %squeeze3A_330 : f32 to vector<16xf32>
        %mul3A_391 = arith.mulf %get3A_389, %mul3A_390 : vector<16xf32>
        %swap3A_392 = arith.index_cast %add3A_328 : i32 to index
        %swap3A_393 = arith.constant 80 : index
        %swap3A_394 = tpu.vector_load %arg12[%swap3A_392, %swap3A_393] {strides = array<i32>} : memref<80x128xf32, #tpu.memory_space<vmem>>, vector<1x16xf32>,
        %swap3A_395 = vector.shape_cast %swap3A_394 : vector<1x16xf32> to vector<16xf32>
        %swap3A_396 = vector.shape_cast %mul3A_391 : vector<16xf32> to vector<1x16xf32>
        tpu.vector_store %arg12[%swap3A_392, %swap3A_393], %swap3A_396 {strides = array<i32>} : memref<80x128xf32, #tpu.memory_space<vmem>>, vector<1x16xf32>,
        %get3A_397 = arith.index_cast %add3A_328 : i32 to index
        %get3A_398 = arith.constant 96 : index
        %get3A_399 = tpu.vector_load %arg12[%get3A_397, %get3A_398] {strides = array<i32>} : memref<80x128xf32, #tpu.memory_space<vmem>>, vector<1x16xf32>,
        %get3A_400 = vector.shape_cast %get3A_399 : vector<1x16xf32> to vector<16xf32>
        %mul3A_401 = vector.broadcast %squeeze3A_330 : f32 to vector<16xf32>
        %mul3A_402 = arith.mulf %get3A_400, %mul3A_401 : vector<16xf32>
        %swap3A_403 = arith.index_cast %add3A_328 : i32 to index
        %swap3A_404 = arith.constant 96 : index
        %swap3A_405 = tpu.vector_load %arg12[%swap3A_403, %swap3A_404] {strides = array<i32>} : memref<80x128xf32, #tpu.memory_space<vmem>>, vector<1x16xf32>,
        %swap3A_406 = vector.shape_cast %swap3A_405 : vector<1x16xf32> to vector<16xf32>
        %swap3A_407 = vector.shape_cast %mul3A_402 : vector<16xf32> to vector<1x16xf32>
        tpu.vector_store %arg12[%swap3A_403, %swap3A_404], %swap3A_407 {strides = array<i32>} : memref<80x128xf32, #tpu.memory_space<vmem>>, vector<1x16xf32>,
        %get3A_408 = arith.index_cast %add3A_328 : i32 to index
        %get3A_409 = arith.constant 112 : index
        %get3A_410 = tpu.vector_load %arg12[%get3A_408, %get3A_409] {strides = array<i32>} : memref<80x128xf32, #tpu.memory_space<vmem>>, vector<1x16xf32>,
        %get3A_411 = vector.shape_cast %get3A_410 : vector<1x16xf32> to vector<16xf32>
        %mul3A_412 = vector.broadcast %squeeze3A_330 : f32 to vector<16xf32>
        %mul3A_413 = arith.mulf %get3A_411, %mul3A_412 : vector<16xf32>
        %swap3A_414 = arith.index_cast %add3A_328 : i32 to index
        %swap3A_415 = arith.constant 112 : index
        %swap3A_416 = tpu.vector_load %arg12[%swap3A_414, %swap3A_415] {strides = array<i32>} : memref<80x128xf32, #tpu.memory_space<vmem>>, vector<1x16xf32>,
        %swap3A_417 = vector.shape_cast %swap3A_416 : vector<1x16xf32> to vector<16xf32>
        %swap3A_418 = vector.shape_cast %mul3A_413 : vector<16xf32> to vector<1x16xf32>
        tpu.vector_store %arg12[%swap3A_414, %swap3A_415], %swap3A_418 {strides = array<i32>} : memref<80x128xf32, #tpu.memory_space<vmem>>, vector<1x16xf32>,
        %mul3A_419 = arith.constant 16 : i32
        %mul3A_420 = arith.muli %scan3A_41, %mul3A_419 : i32
        %add3A_421 = arith.constant 4 : i32
        %add3A_422 = arith.addi %mul3A_420, %add3A_421 : i32
        %slice3A_423 = vector.extract_strided_slice %get3A_45 {offsets = [4], sizes = [1], strides = [1]} : vector<16xf32> to vector<1xf32>
        %squeeze3A_424 = vector.extract %slice3A_423[0] : f32 from vector<1xf32>
        %get3A_425 = arith.index_cast %add3A_422 : i32 to index
        %get3A_426 = arith.constant 0 : index
        %get3A_427 = tpu.vector_load %arg12[%get3A_425, %get3A_426] {strides = array<i32>} : memref<80x128xf32, #tpu.memory_space<vmem>>, vector<1x16xf32>,
        %get3A_428 = vector.shape_cast %get3A_427 : vector<1x16xf32> to vector<16xf32>
        %mul3A_429 = vector.broadcast %squeeze3A_424 : f32 to vector<16xf32>
        %mul3A_430 = arith.mulf %get3A_428, %mul3A_429 : vector<16xf32>
        %swap3A_431 = arith.index_cast %add3A_422 : i32 to index
        %swap3A_432 = arith.constant 0 : index
        %swap3A_433 = tpu.vector_load %arg12[%swap3A_431, %swap3A_432] {strides = array<i32>} : memref<80x128xf32, #tpu.memory_space<vmem>>, vector<1x16xf32>,
        %swap3A_434 = vector.shape_cast %swap3A_433 : vector<1x16xf32> to vector<16xf32>
        %swap3A_435 = vector.shape_cast %mul3A_430 : vector<16xf32> to vector<1x16xf32>
        tpu.vector_store %arg12[%swap3A_431, %swap3A_432], %swap3A_435 {strides = array<i32>} : memref<80x128xf32, #tpu.memory_space<vmem>>, vector<1x16xf32>,
        %get3A_436 = arith.index_cast %add3A_422 : i32 to index
        %get3A_437 = arith.constant 16 : index
        %get3A_438 = tpu.vector_load %arg12[%get3A_436, %get3A_437] {strides = array<i32>} : memref<80x128xf32, #tpu.memory_space<vmem>>, vector<1x16xf32>,
        %get3A_439 = vector.shape_cast %get3A_438 : vector<1x16xf32> to vector<16xf32>
        %mul3A_440 = vector.broadcast %squeeze3A_424 : f32 to vector<16xf32>
        %mul3A_441 = arith.mulf %get3A_439, %mul3A_440 : vector<16xf32>
        %swap3A_442 = arith.index_cast %add3A_422 : i32 to index
        %swap3A_443 = arith.constant 16 : index
        %swap3A_444 = tpu.vector_load %arg12[%swap3A_442, %swap3A_443] {strides = array<i32>} : memref<80x128xf32, #tpu.memory_space<vmem>>, vector<1x16xf32>,
        %swap3A_445 = vector.shape_cast %swap3A_444 : vector<1x16xf32> to vector<16xf32>
        %swap3A_446 = vector.shape_cast %mul3A_441 : vector<16xf32> to vector<1x16xf32>
        tpu.vector_store %arg12[%swap3A_442, %swap3A_443], %swap3A_446 {strides = array<i32>} : memref<80x128xf32, #tpu.memory_space<vmem>>, vector<1x16xf32>,
        %get3A_447 = arith.index_cast %add3A_422 : i32 to index
        %get3A_448 = arith.constant 32 : index
        %get3A_449 = tpu.vector_load %arg12[%get3A_447, %get3A_448] {strides = array<i32>} : memref<80x128xf32, #tpu.memory_space<vmem>>, vector<1x16xf32>,
        %get3A_450 = vector.shape_cast %get3A_449 : vector<1x16xf32> to vector<16xf32>
        %mul3A_451 = vector.broadcast %squeeze3A_424 : f32 to vector<16xf32>
        %mul3A_452 = arith.mulf %get3A_450, %mul3A_451 : vector<16xf32>
        %swap3A_453 = arith.index_cast %add3A_422 : i32 to index
        %swap3A_454 = arith.constant 32 : index
        %swap3A_455 = tpu.vector_load %arg12[%swap3A_453, %swap3A_454] {strides = array<i32>} : memref<80x128xf32, #tpu.memory_space<vmem>>, vector<1x16xf32>,
        %swap3A_456 = vector.shape_cast %swap3A_455 : vector<1x16xf32> to vector<16xf32>
        %swap3A_457 = vector.shape_cast %mul3A_452 : vector<16xf32> to vector<1x16xf32>
        tpu.vector_store %arg12[%swap3A_453, %swap3A_454], %swap3A_457 {strides = array<i32>} : memref<80x128xf32, #tpu.memory_space<vmem>>, vector<1x16xf32>,
        %get3A_458 = arith.index_cast %add3A_422 : i32 to index
        %get3A_459 = arith.constant 48 : index
        %get3A_460 = tpu.vector_load %arg12[%get3A_458, %get3A_459] {strides = array<i32>} : memref<80x128xf32, #tpu.memory_space<vmem>>, vector<1x16xf32>,
        %get3A_461 = vector.shape_cast %get3A_460 : vector<1x16xf32> to vector<16xf32>
        %mul3A_462 = vector.broadcast %squeeze3A_424 : f32 to vector<16xf32>
        %mul3A_463 = arith.mulf %get3A_461, %mul3A_462 : vector<16xf32>
        %swap3A_464 = arith.index_cast %add3A_422 : i32 to index
        %swap3A_465 = arith.constant 48 : index
        %swap3A_466 = tpu.vector_load %arg12[%swap3A_464, %swap3A_465] {strides = array<i32>} : memref<80x128xf32, #tpu.memory_space<vmem>>, vector<1x16xf32>,
        %swap3A_467 = vector.shape_cast %swap3A_466 : vector<1x16xf32> to vector<16xf32>
        %swap3A_468 = vector.shape_cast %mul3A_463 : vector<16xf32> to vector<1x16xf32>
        tpu.vector_store %arg12[%swap3A_464, %swap3A_465], %swap3A_468 {strides = array<i32>} : memref<80x128xf32, #tpu.memory_space<vmem>>, vector<1x16xf32>,
        %get3A_469 = arith.index_cast %add3A_422 : i32 to index
        %get3A_470 = arith.constant 64 : index
        %get3A_471 = tpu.vector_load %arg12[%get3A_469, %get3A_470] {strides = array<i32>} : memref<80x128xf32, #tpu.memory_space<vmem>>, vector<1x16xf32>,
        %get3A_472 = vector.shape_cast %get3A_471 : vector<1x16xf32> to vector<16xf32>
        %mul3A_473 = vector.broadcast %squeeze3A_424 : f32 to vector<16xf32>
        %mul3A_474 = arith.mulf %get3A_472, %mul3A_473 : vector<16xf32>
        %swap3A_475 = arith.index_cast %add3A_422 : i32 to index
        %swap3A_476 = arith.constant 64 : index
        %swap3A_477 = tpu.vector_load %arg12[%swap3A_475, %swap3A_476] {strides = array<i32>} : memref<80x128xf32, #tpu.memory_space<vmem>>, vector<1x16xf32>,
        %swap3A_478 = vector.shape_cast %swap3A_477 : vector<1x16xf32> to vector<16xf32>
        %swap3A_479 = vector.shape_cast %mul3A_474 : vector<16xf32> to vector<1x16xf32>
        tpu.vector_store %arg12[%swap3A_475, %swap3A_476], %swap3A_479 {strides = array<i32>} : memref<80x128xf32, #tpu.memory_space<vmem>>, vector<1x16xf32>,
        %get3A_480 = arith.index_cast %add3A_422 : i32 to index
        %get3A_481 = arith.constant 80 : index
        %get3A_482 = tpu.vector_load %arg12[%get3A_480, %get3A_481] {strides = array<i32>} : memref<80x128xf32, #tpu.memory_space<vmem>>, vector<1x16xf32>,
        %get3A_483 = vector.shape_cast %get3A_482 : vector<1x16xf32> to vector<16xf32>
        %mul3A_484 = vector.broadcast %squeeze3A_424 : f32 to vector<16xf32>
        %mul3A_485 = arith.mulf %get3A_483, %mul3A_484 : vector<16xf32>
        %swap3A_486 = arith.index_cast %add3A_422 : i32 to index
        %swap3A_487 = arith.constant 80 : index
        %swap3A_488 = tpu.vector_load %arg12[%swap3A_486, %swap3A_487] {strides = array<i32>} : memref<80x128xf32, #tpu.memory_space<vmem>>, vector<1x16xf32>,
        %swap3A_489 = vector.shape_cast %swap3A_488 : vector<1x16xf32> to vector<16xf32>
        %swap3A_490 = vector.shape_cast %mul3A_485 : vector<16xf32> to vector<1x16xf32>
        tpu.vector_store %arg12[%swap3A_486, %swap3A_487], %swap3A_490 {strides = array<i32>} : memref<80x128xf32, #tpu.memory_space<vmem>>, vector<1x16xf32>,
        %get3A_491 = arith.index_cast %add3A_422 : i32 to index
        %get3A_492 = arith.constant 96 : index
        %get3A_493 = tpu.vector_load %arg12[%get3A_491, %get3A_492] {strides = array<i32>} : memref<80x128xf32, #tpu.memory_space<vmem>>, vector<1x16xf32>,
        %get3A_494 = vector.shape_cast %get3A_493 : vector<1x16xf32> to vector<16xf32>
        %mul3A_495 = vector.broadcast %squeeze3A_424 : f32 to vector<16xf32>
        %mul3A_496 = arith.mulf %get3A_494, %mul3A_495 : vector<16xf32>
        %swap3A_497 = arith.index_cast %add3A_422 : i32 to index
        %swap3A_498 = arith.constant 96 : index
        %swap3A_499 = tpu.vector_load %arg12[%swap3A_497, %swap3A_498] {strides = array<i32>} : memref<80x128xf32, #tpu.memory_space<vmem>>, vector<1x16xf32>,
        %swap3A_500 = vector.shape_cast %swap3A_499 : vector<1x16xf32> to vector<16xf32>
        %swap3A_501 = vector.shape_cast %mul3A_496 : vector<16xf32> to vector<1x16xf32>
        tpu.vector_store %arg12[%swap3A_497, %swap3A_498], %swap3A_501 {strides = array<i32>} : memref<80x128xf32, #tpu.memory_space<vmem>>, vector<1x16xf32>,
        %get3A_502 = arith.index_cast %add3A_422 : i32 to index
        %get3A_503 = arith.constant 112 : index
        %get3A_504 = tpu.vector_load %arg12[%get3A_502, %get3A_503] {strides = array<i32>} : memref<80x128xf32, #tpu.memory_space<vmem>>, vector<1x16xf32>,
        %get3A_505 = vector.shape_cast %get3A_504 : vector<1x16xf32> to vector<16xf32>
        %mul3A_506 = vector.broadcast %squeeze3A_424 : f32 to vector<16xf32>
        %mul3A_507 = arith.mulf %get3A_505, %mul3A_506 : vector<16xf32>
        %swap3A_508 = arith.index_cast %add3A_422 : i32 to index
        %swap3A_509 = arith.constant 112 : index
        %swap3A_510 = tpu.vector_load %arg12[%swap3A_508, %swap3A_509] {strides = array<i32>} : memref<80x128xf32, #tpu.memory_space<vmem>>, vector<1x16xf32>,
        %swap3A_511 = vector.shape_cast %swap3A_510 : vector<1x16xf32> to vector<16xf32>
        %swap3A_512 = vector.shape_cast %mul3A_507 : vector<16xf32> to vector<1x16xf32>
        tpu.vector_store %arg12[%swap3A_508, %swap3A_509], %swap3A_512 {strides = array<i32>} : memref<80x128xf32, #tpu.memory_space<vmem>>, vector<1x16xf32>,
        %mul3A_513 = arith.constant 16 : i32
        %mul3A_514 = arith.muli %scan3A_41, %mul3A_513 : i32
        %add3A_515 = arith.constant 5 : i32
        %add3A_516 = arith.addi %mul3A_514, %add3A_515 : i32
        %slice3A_517 = vector.extract_strided_slice %get3A_45 {offsets = [5], sizes = [1], strides = [1]} : vector<16xf32> to vector<1xf32>
        %squeeze3A_518 = vector.extract %slice3A_517[0] : f32 from vector<1xf32>
        %get3A_519 = arith.index_cast %add3A_516 : i32 to index
        %get3A_520 = arith.constant 0 : index
        %get3A_521 = tpu.vector_load %arg12[%get3A_519, %get3A_520] {strides = array<i32>} : memref<80x128xf32, #tpu.memory_space<vmem>>, vector<1x16xf32>,
        %get3A_522 = vector.shape_cast %get3A_521 : vector<1x16xf32> to vector<16xf32>
        %mul3A_523 = vector.broadcast %squeeze3A_518 : f32 to vector<16xf32>
        %mul3A_524 = arith.mulf %get3A_522, %mul3A_523 : vector<16xf32>
        %swap3A_525 = arith.index_cast %add3A_516 : i32 to index
        %swap3A_526 = arith.constant 0 : index
        %swap3A_527 = tpu.vector_load %arg12[%swap3A_525, %swap3A_526] {strides = array<i32>} : memref<80x128xf32, #tpu.memory_space<vmem>>, vector<1x16xf32>,
        %swap3A_528 = vector.shape_cast %swap3A_527 : vector<1x16xf32> to vector<16xf32>
        %swap3A_529 = vector.shape_cast %mul3A_524 : vector<16xf32> to vector<1x16xf32>
        tpu.vector_store %arg12[%swap3A_525, %swap3A_526], %swap3A_529 {strides = array<i32>} : memref<80x128xf32, #tpu.memory_space<vmem>>, vector<1x16xf32>,
        %get3A_530 = arith.index_cast %add3A_516 : i32 to index
        %get3A_531 = arith.constant 16 : index
        %get3A_532 = tpu.vector_load %arg12[%get3A_530, %get3A_531] {strides = array<i32>} : memref<80x128xf32, #tpu.memory_space<vmem>>, vector<1x16xf32>,
        %get3A_533 = vector.shape_cast %get3A_532 : vector<1x16xf32> to vector<16xf32>
        %mul3A_534 = vector.broadcast %squeeze3A_518 : f32 to vector<16xf32>
        %mul3A_535 = arith.mulf %get3A_533, %mul3A_534 : vector<16xf32>
        %swap3A_536 = arith.index_cast %add3A_516 : i32 to index
        %swap3A_537 = arith.constant 16 : index
        %swap3A_538 = tpu.vector_load %arg12[%swap3A_536, %swap3A_537] {strides = array<i32>} : memref<80x128xf32, #tpu.memory_space<vmem>>, vector<1x16xf32>,
        %swap3A_539 = vector.shape_cast %swap3A_538 : vector<1x16xf32> to vector<16xf32>
        %swap3A_540 = vector.shape_cast %mul3A_535 : vector<16xf32> to vector<1x16xf32>
        tpu.vector_store %arg12[%swap3A_536, %swap3A_537], %swap3A_540 {strides = array<i32>} : memref<80x128xf32, #tpu.memory_space<vmem>>, vector<1x16xf32>,
        %get3A_541 = arith.index_cast %add3A_516 : i32 to index
        %get3A_542 = arith.constant 32 : index
        %get3A_543 = tpu.vector_load %arg12[%get3A_541, %get3A_542] {strides = array<i32>} : memref<80x128xf32, #tpu.memory_space<vmem>>, vector<1x16xf32>,
        %get3A_544 = vector.shape_cast %get3A_543 : vector<1x16xf32> to vector<16xf32>
        %mul3A_545 = vector.broadcast %squeeze3A_518 : f32 to vector<16xf32>
        %mul3A_546 = arith.mulf %get3A_544, %mul3A_545 : vector<16xf32>
        %swap3A_547 = arith.index_cast %add3A_516 : i32 to index
        %swap3A_548 = arith.constant 32 : index
        %swap3A_549 = tpu.vector_load %arg12[%swap3A_547, %swap3A_548] {strides = array<i32>} : memref<80x128xf32, #tpu.memory_space<vmem>>, vector<1x16xf32>,
        %swap3A_550 = vector.shape_cast %swap3A_549 : vector<1x16xf32> to vector<16xf32>
        %swap3A_551 = vector.shape_cast %mul3A_546 : vector<16xf32> to vector<1x16xf32>
        tpu.vector_store %arg12[%swap3A_547, %swap3A_548], %swap3A_551 {strides = array<i32>} : memref<80x128xf32, #tpu.memory_space<vmem>>, vector<1x16xf32>,
        %get3A_552 = arith.index_cast %add3A_516 : i32 to index
        %get3A_553 = arith.constant 48 : index
        %get3A_554 = tpu.vector_load %arg12[%get3A_552, %get3A_553] {strides = array<i32>} : memref<80x128xf32, #tpu.memory_space<vmem>>, vector<1x16xf32>,
        %get3A_555 = vector.shape_cast %get3A_554 : vector<1x16xf32> to vector<16xf32>
        %mul3A_556 = vector.broadcast %squeeze3A_518 : f32 to vector<16xf32>
        %mul3A_557 = arith.mulf %get3A_555, %mul3A_556 : vector<16xf32>
        %swap3A_558 = arith.index_cast %add3A_516 : i32 to index
        %swap3A_559 = arith.constant 48 : index
        %swap3A_560 = tpu.vector_load %arg12[%swap3A_558, %swap3A_559] {strides = array<i32>} : memref<80x128xf32, #tpu.memory_space<vmem>>, vector<1x16xf32>,
        %swap3A_561 = vector.shape_cast %swap3A_560 : vector<1x16xf32> to vector<16xf32>
        %swap3A_562 = vector.shape_cast %mul3A_557 : vector<16xf32> to vector<1x16xf32>
        tpu.vector_store %arg12[%swap3A_558, %swap3A_559], %swap3A_562 {strides = array<i32>} : memref<80x128xf32, #tpu.memory_space<vmem>>, vector<1x16xf32>,
        %get3A_563 = arith.index_cast %add3A_516 : i32 to index
        %get3A_564 = arith.constant 64 : index
        %get3A_565 = tpu.vector_load %arg12[%get3A_563, %get3A_564] {strides = array<i32>} : memref<80x128xf32, #tpu.memory_space<vmem>>, vector<1x16xf32>,
        %get3A_566 = vector.shape_cast %get3A_565 : vector<1x16xf32> to vector<16xf32>
        %mul3A_567 = vector.broadcast %squeeze3A_518 : f32 to vector<16xf32>
        %mul3A_568 = arith.mulf %get3A_566, %mul3A_567 : vector<16xf32>
        %swap3A_569 = arith.index_cast %add3A_516 : i32 to index
        %swap3A_570 = arith.constant 64 : index
        %swap3A_571 = tpu.vector_load %arg12[%swap3A_569, %swap3A_570] {strides = array<i32>} : memref<80x128xf32, #tpu.memory_space<vmem>>, vector<1x16xf32>,
        %swap3A_572 = vector.shape_cast %swap3A_571 : vector<1x16xf32> to vector<16xf32>
        %swap3A_573 = vector.shape_cast %mul3A_568 : vector<16xf32> to vector<1x16xf32>
        tpu.vector_store %arg12[%swap3A_569, %swap3A_570], %swap3A_573 {strides = array<i32>} : memref<80x128xf32, #tpu.memory_space<vmem>>, vector<1x16xf32>,
        %get3A_574 = arith.index_cast %add3A_516 : i32 to index
        %get3A_575 = arith.constant 80 : index
        %get3A_576 = tpu.vector_load %arg12[%get3A_574, %get3A_575] {strides = array<i32>} : memref<80x128xf32, #tpu.memory_space<vmem>>, vector<1x16xf32>,
        %get3A_577 = vector.shape_cast %get3A_576 : vector<1x16xf32> to vector<16xf32>
        %mul3A_578 = vector.broadcast %squeeze3A_518 : f32 to vector<16xf32>
        %mul3A_579 = arith.mulf %get3A_577, %mul3A_578 : vector<16xf32>
        %swap3A_580 = arith.index_cast %add3A_516 : i32 to index
        %swap3A_581 = arith.constant 80 : index
        %swap3A_582 = tpu.vector_load %arg12[%swap3A_580, %swap3A_581] {strides = array<i32>} : memref<80x128xf32, #tpu.memory_space<vmem>>, vector<1x16xf32>,
        %swap3A_583 = vector.shape_cast %swap3A_582 : vector<1x16xf32> to vector<16xf32>
        %swap3A_584 = vector.shape_cast %mul3A_579 : vector<16xf32> to vector<1x16xf32>
        tpu.vector_store %arg12[%swap3A_580, %swap3A_581], %swap3A_584 {strides = array<i32>} : memref<80x128xf32, #tpu.memory_space<vmem>>, vector<1x16xf32>,
        %get3A_585 = arith.index_cast %add3A_516 : i32 to index
        %get3A_586 = arith.constant 96 : index
        %get3A_587 = tpu.vector_load %arg12[%get3A_585, %get3A_586] {strides = array<i32>} : memref<80x128xf32, #tpu.memory_space<vmem>>, vector<1x16xf32>,
        %get3A_588 = vector.shape_cast %get3A_587 : vector<1x16xf32> to vector<16xf32>
        %mul3A_589 = vector.broadcast %squeeze3A_518 : f32 to vector<16xf32>
        %mul3A_590 = arith.mulf %get3A_588, %mul3A_589 : vector<16xf32>
        %swap3A_591 = arith.index_cast %add3A_516 : i32 to index
        %swap3A_592 = arith.constant 96 : index
        %swap3A_593 = tpu.vector_load %arg12[%swap3A_591, %swap3A_592] {strides = array<i32>} : memref<80x128xf32, #tpu.memory_space<vmem>>, vector<1x16xf32>,
        %swap3A_594 = vector.shape_cast %swap3A_593 : vector<1x16xf32> to vector<16xf32>
        %swap3A_595 = vector.shape_cast %mul3A_590 : vector<16xf32> to vector<1x16xf32>
        tpu.vector_store %arg12[%swap3A_591, %swap3A_592], %swap3A_595 {strides = array<i32>} : memref<80x128xf32, #tpu.memory_space<vmem>>, vector<1x16xf32>,
        %get3A_596 = arith.index_cast %add3A_516 : i32 to index
        %get3A_597 = arith.constant 112 : index
        %get3A_598 = tpu.vector_load %arg12[%get3A_596, %get3A_597] {strides = array<i32>} : memref<80x128xf32, #tpu.memory_space<vmem>>, vector<1x16xf32>,
        %get3A_599 = vector.shape_cast %get3A_598 : vector<1x16xf32> to vector<16xf32>
        %mul3A_600 = vector.broadcast %squeeze3A_518 : f32 to vector<16xf32>
        %mul3A_601 = arith.mulf %get3A_599, %mul3A_600 : vector<16xf32>
        %swap3A_602 = arith.index_cast %add3A_516 : i32 to index
        %swap3A_603 = arith.constant 112 : index
        %swap3A_604 = tpu.vector_load %arg12[%swap3A_602, %swap3A_603] {strides = array<i32>} : memref<80x128xf32, #tpu.memory_space<vmem>>, vector<1x16xf32>,
        %swap3A_605 = vector.shape_cast %swap3A_604 : vector<1x16xf32> to vector<16xf32>
        %swap3A_606 = vector.shape_cast %mul3A_601 : vector<16xf32> to vector<1x16xf32>
        tpu.vector_store %arg12[%swap3A_602, %swap3A_603], %swap3A_606 {strides = array<i32>} : memref<80x128xf32, #tpu.memory_space<vmem>>, vector<1x16xf32>,
        %mul3A_607 = arith.constant 16 : i32
        %mul3A_608 = arith.muli %scan3A_41, %mul3A_607 : i32
        %add3A_609 = arith.constant 6 : i32
        %add3A_610 = arith.addi %mul3A_608, %add3A_609 : i32
        %slice3A_611 = vector.extract_strided_slice %get3A_45 {offsets = [6], sizes = [1], strides = [1]} : vector<16xf32> to vector<1xf32>
        %squeeze3A_612 = vector.extract %slice3A_611[0] : f32 from vector<1xf32>
        %get3A_613 = arith.index_cast %add3A_610 : i32 to index
        %get3A_614 = arith.constant 0 : index
        %get3A_615 = tpu.vector_load %arg12[%get3A_613, %get3A_614] {strides = array<i32>} : memref<80x128xf32, #tpu.memory_space<vmem>>, vector<1x16xf32>,
        %get3A_616 = vector.shape_cast %get3A_615 : vector<1x16xf32> to vector<16xf32>
        %mul3A_617 = vector.broadcast %squeeze3A_612 : f32 to vector<16xf32>
        %mul3A_618 = arith.mulf %get3A_616, %mul3A_617 : vector<16xf32>
        %swap3A_619 = arith.index_cast %add3A_610 : i32 to index
        %swap3A_620 = arith.constant 0 : index
        %swap3A_621 = tpu.vector_load %arg12[%swap3A_619, %swap3A_620] {strides = array<i32>} : memref<80x128xf32, #tpu.memory_space<vmem>>, vector<1x16xf32>,
        %swap3A_622 = vector.shape_cast %swap3A_621 : vector<1x16xf32> to vector<16xf32>
        %swap3A_623 = vector.shape_cast %mul3A_618 : vector<16xf32> to vector<1x16xf32>
        tpu.vector_store %arg12[%swap3A_619, %swap3A_620], %swap3A_623 {strides = array<i32>} : memref<80x128xf32, #tpu.memory_space<vmem>>, vector<1x16xf32>,
        %get3A_624 = arith.index_cast %add3A_610 : i32 to index
        %get3A_625 = arith.constant 16 : index
        %get3A_626 = tpu.vector_load %arg12[%get3A_624, %get3A_625] {strides = array<i32>} : memref<80x128xf32, #tpu.memory_space<vmem>>, vector<1x16xf32>,
        %get3A_627 = vector.shape_cast %get3A_626 : vector<1x16xf32> to vector<16xf32>
        %mul3A_628 = vector.broadcast %squeeze3A_612 : f32 to vector<16xf32>
        %mul3A_629 = arith.mulf %get3A_627, %mul3A_628 : vector<16xf32>
        %swap3A_630 = arith.index_cast %add3A_610 : i32 to index
        %swap3A_631 = arith.constant 16 : index
        %swap3A_632 = tpu.vector_load %arg12[%swap3A_630, %swap3A_631] {strides = array<i32>} : memref<80x128xf32, #tpu.memory_space<vmem>>, vector<1x16xf32>,
        %swap3A_633 = vector.shape_cast %swap3A_632 : vector<1x16xf32> to vector<16xf32>
        %swap3A_634 = vector.shape_cast %mul3A_629 : vector<16xf32> to vector<1x16xf32>
        tpu.vector_store %arg12[%swap3A_630, %swap3A_631], %swap3A_634 {strides = array<i32>} : memref<80x128xf32, #tpu.memory_space<vmem>>, vector<1x16xf32>,
        %get3A_635 = arith.index_cast %add3A_610 : i32 to index
        %get3A_636 = arith.constant 32 : index
        %get3A_637 = tpu.vector_load %arg12[%get3A_635, %get3A_636] {strides = array<i32>} : memref<80x128xf32, #tpu.memory_space<vmem>>, vector<1x16xf32>,
        %get3A_638 = vector.shape_cast %get3A_637 : vector<1x16xf32> to vector<16xf32>
        %mul3A_639 = vector.broadcast %squeeze3A_612 : f32 to vector<16xf32>
        %mul3A_640 = arith.mulf %get3A_638, %mul3A_639 : vector<16xf32>
        %swap3A_641 = arith.index_cast %add3A_610 : i32 to index
        %swap3A_642 = arith.constant 32 : index
        %swap3A_643 = tpu.vector_load %arg12[%swap3A_641, %swap3A_642] {strides = array<i32>} : memref<80x128xf32, #tpu.memory_space<vmem>>, vector<1x16xf32>,
        %swap3A_644 = vector.shape_cast %swap3A_643 : vector<1x16xf32> to vector<16xf32>
        %swap3A_645 = vector.shape_cast %mul3A_640 : vector<16xf32> to vector<1x16xf32>
        tpu.vector_store %arg12[%swap3A_641, %swap3A_642], %swap3A_645 {strides = array<i32>} : memref<80x128xf32, #tpu.memory_space<vmem>>, vector<1x16xf32>,
        %get3A_646 = arith.index_cast %add3A_610 : i32 to index
        %get3A_647 = arith.constant 48 : index
        %get3A_648 = tpu.vector_load %arg12[%get3A_646, %get3A_647] {strides = array<i32>} : memref<80x128xf32, #tpu.memory_space<vmem>>, vector<1x16xf32>,
        %get3A_649 = vector.shape_cast %get3A_648 : vector<1x16xf32> to vector<16xf32>
        %mul3A_650 = vector.broadcast %squeeze3A_612 : f32 to vector<16xf32>
        %mul3A_651 = arith.mulf %get3A_649, %mul3A_650 : vector<16xf32>
        %swap3A_652 = arith.index_cast %add3A_610 : i32 to index
        %swap3A_653 = arith.constant 48 : index
        %swap3A_654 = tpu.vector_load %arg12[%swap3A_652, %swap3A_653] {strides = array<i32>} : memref<80x128xf32, #tpu.memory_space<vmem>>, vector<1x16xf32>,
        %swap3A_655 = vector.shape_cast %swap3A_654 : vector<1x16xf32> to vector<16xf32>
        %swap3A_656 = vector.shape_cast %mul3A_651 : vector<16xf32> to vector<1x16xf32>
        tpu.vector_store %arg12[%swap3A_652, %swap3A_653], %swap3A_656 {strides = array<i32>} : memref<80x128xf32, #tpu.memory_space<vmem>>, vector<1x16xf32>,
        %get3A_657 = arith.index_cast %add3A_610 : i32 to index
        %get3A_658 = arith.constant 64 : index
        %get3A_659 = tpu.vector_load %arg12[%get3A_657, %get3A_658] {strides = array<i32>} : memref<80x128xf32, #tpu.memory_space<vmem>>, vector<1x16xf32>,
        %get3A_660 = vector.shape_cast %get3A_659 : vector<1x16xf32> to vector<16xf32>
        %mul3A_661 = vector.broadcast %squeeze3A_612 : f32 to vector<16xf32>
        %mul3A_662 = arith.mulf %get3A_660, %mul3A_661 : vector<16xf32>
        %swap3A_663 = arith.index_cast %add3A_610 : i32 to index
        %swap3A_664 = arith.constant 64 : index
        %swap3A_665 = tpu.vector_load %arg12[%swap3A_663, %swap3A_664] {strides = array<i32>} : memref<80x128xf32, #tpu.memory_space<vmem>>, vector<1x16xf32>,
        %swap3A_666 = vector.shape_cast %swap3A_665 : vector<1x16xf32> to vector<16xf32>
        %swap3A_667 = vector.shape_cast %mul3A_662 : vector<16xf32> to vector<1x16xf32>
        tpu.vector_store %arg12[%swap3A_663, %swap3A_664], %swap3A_667 {strides = array<i32>} : memref<80x128xf32, #tpu.memory_space<vmem>>, vector<1x16xf32>,
        %get3A_668 = arith.index_cast %add3A_610 : i32 to index
        %get3A_669 = arith.constant 80 : index
        %get3A_670 = tpu.vector_load %arg12[%get3A_668, %get3A_669] {strides = array<i32>} : memref<80x128xf32, #tpu.memory_space<vmem>>, vector<1x16xf32>,
        %get3A_671 = vector.shape_cast %get3A_670 : vector<1x16xf32> to vector<16xf32>
        %mul3A_672 = vector.broadcast %squeeze3A_612 : f32 to vector<16xf32>
        %mul3A_673 = arith.mulf %get3A_671, %mul3A_672 : vector<16xf32>
        %swap3A_674 = arith.index_cast %add3A_610 : i32 to index
        %swap3A_675 = arith.constant 80 : index
        %swap3A_676 = tpu.vector_load %arg12[%swap3A_674, %swap3A_675] {strides = array<i32>} : memref<80x128xf32, #tpu.memory_space<vmem>>, vector<1x16xf32>,
        %swap3A_677 = vector.shape_cast %swap3A_676 : vector<1x16xf32> to vector<16xf32>
        %swap3A_678 = vector.shape_cast %mul3A_673 : vector<16xf32> to vector<1x16xf32>
        tpu.vector_store %arg12[%swap3A_674, %swap3A_675], %swap3A_678 {strides = array<i32>} : memref<80x128xf32, #tpu.memory_space<vmem>>, vector<1x16xf32>,
        %get3A_679 = arith.index_cast %add3A_610 : i32 to index
        %get3A_680 = arith.constant 96 : index
        %get3A_681 = tpu.vector_load %arg12[%get3A_679, %get3A_680] {strides = array<i32>} : memref<80x128xf32, #tpu.memory_space<vmem>>, vector<1x16xf32>,
        %get3A_682 = vector.shape_cast %get3A_681 : vector<1x16xf32> to vector<16xf32>
        %mul3A_683 = vector.broadcast %squeeze3A_612 : f32 to vector<16xf32>
        %mul3A_684 = arith.mulf %get3A_682, %mul3A_683 : vector<16xf32>
        %swap3A_685 = arith.index_cast %add3A_610 : i32 to index
        %swap3A_686 = arith.constant 96 : index
        %swap3A_687 = tpu.vector_load %arg12[%swap3A_685, %swap3A_686] {strides = array<i32>} : memref<80x128xf32, #tpu.memory_space<vmem>>, vector<1x16xf32>,
        %swap3A_688 = vector.shape_cast %swap3A_687 : vector<1x16xf32> to vector<16xf32>
        %swap3A_689 = vector.shape_cast %mul3A_684 : vector<16xf32> to vector<1x16xf32>
        tpu.vector_store %arg12[%swap3A_685, %swap3A_686], %swap3A_689 {strides = array<i32>} : memref<80x128xf32, #tpu.memory_space<vmem>>, vector<1x16xf32>,
        %get3A_690 = arith.index_cast %add3A_610 : i32 to index
        %get3A_691 = arith.constant 112 : index
        %get3A_692 = tpu.vector_load %arg12[%get3A_690, %get3A_691] {strides = array<i32>} : memref<80x128xf32, #tpu.memory_space<vmem>>, vector<1x16xf32>,
        %get3A_693 = vector.shape_cast %get3A_692 : vector<1x16xf32> to vector<16xf32>
        %mul3A_694 = vector.broadcast %squeeze3A_612 : f32 to vector<16xf32>
        %mul3A_695 = arith.mulf %get3A_693, %mul3A_694 : vector<16xf32>
        %swap3A_696 = arith.index_cast %add3A_610 : i32 to index
        %swap3A_697 = arith.constant 112 : index
        %swap3A_698 = tpu.vector_load %arg12[%swap3A_696, %swap3A_697] {strides = array<i32>} : memref<80x128xf32, #tpu.memory_space<vmem>>, vector<1x16xf32>,
        %swap3A_699 = vector.shape_cast %swap3A_698 : vector<1x16xf32> to vector<16xf32>
        %swap3A_700 = vector.shape_cast %mul3A_695 : vector<16xf32> to vector<1x16xf32>
        tpu.vector_store %arg12[%swap3A_696, %swap3A_697], %swap3A_700 {strides = array<i32>} : memref<80x128xf32, #tpu.memory_space<vmem>>, vector<1x16xf32>,
        %mul3A_701 = arith.constant 16 : i32
        %mul3A_702 = arith.muli %scan3A_41, %mul3A_701 : i32
        %add3A_703 = arith.constant 7 : i32
        %add3A_704 = arith.addi %mul3A_702, %add3A_703 : i32
        %slice3A_705 = vector.extract_strided_slice %get3A_45 {offsets = [7], sizes = [1], strides = [1]} : vector<16xf32> to vector<1xf32>
        %squeeze3A_706 = vector.extract %slice3A_705[0] : f32 from vector<1xf32>
        %get3A_707 = arith.index_cast %add3A_704 : i32 to index
        %get3A_708 = arith.constant 0 : index
        %get3A_709 = tpu.vector_load %arg12[%get3A_707, %get3A_708] {strides = array<i32>} : memref<80x128xf32, #tpu.memory_space<vmem>>, vector<1x16xf32>,
        %get3A_710 = vector.shape_cast %get3A_709 : vector<1x16xf32> to vector<16xf32>
        %mul3A_711 = vector.broadcast %squeeze3A_706 : f32 to vector<16xf32>
        %mul3A_712 = arith.mulf %get3A_710, %mul3A_711 : vector<16xf32>
        %swap3A_713 = arith.index_cast %add3A_704 : i32 to index
        %swap3A_714 = arith.constant 0 : index
        %swap3A_715 = tpu.vector_load %arg12[%swap3A_713, %swap3A_714] {strides = array<i32>} : memref<80x128xf32, #tpu.memory_space<vmem>>, vector<1x16xf32>,
        %swap3A_716 = vector.shape_cast %swap3A_715 : vector<1x16xf32> to vector<16xf32>
        %swap3A_717 = vector.shape_cast %mul3A_712 : vector<16xf32> to vector<1x16xf32>
        tpu.vector_store %arg12[%swap3A_713, %swap3A_714], %swap3A_717 {strides = array<i32>} : memref<80x128xf32, #tpu.memory_space<vmem>>, vector<1x16xf32>,
        %get3A_718 = arith.index_cast %add3A_704 : i32 to index
        %get3A_719 = arith.constant 16 : index
        %get3A_720 = tpu.vector_load %arg12[%get3A_718, %get3A_719] {strides = array<i32>} : memref<80x128xf32, #tpu.memory_space<vmem>>, vector<1x16xf32>,
        %get3A_721 = vector.shape_cast %get3A_720 : vector<1x16xf32> to vector<16xf32>
        %mul3A_722 = vector.broadcast %squeeze3A_706 : f32 to vector<16xf32>
        %mul3A_723 = arith.mulf %get3A_721, %mul3A_722 : vector<16xf32>
        %swap3A_724 = arith.index_cast %add3A_704 : i32 to index
        %swap3A_725 = arith.constant 16 : index
        %swap3A_726 = tpu.vector_load %arg12[%swap3A_724, %swap3A_725] {strides = array<i32>} : memref<80x128xf32, #tpu.memory_space<vmem>>, vector<1x16xf32>,
        %swap3A_727 = vector.shape_cast %swap3A_726 : vector<1x16xf32> to vector<16xf32>
        %swap3A_728 = vector.shape_cast %mul3A_723 : vector<16xf32> to vector<1x16xf32>
        tpu.vector_store %arg12[%swap3A_724, %swap3A_725], %swap3A_728 {strides = array<i32>} : memref<80x128xf32, #tpu.memory_space<vmem>>, vector<1x16xf32>,
        %get3A_729 = arith.index_cast %add3A_704 : i32 to index
        %get3A_730 = arith.constant 32 : index
        %get3A_731 = tpu.vector_load %arg12[%get3A_729, %get3A_730] {strides = array<i32>} : memref<80x128xf32, #tpu.memory_space<vmem>>, vector<1x16xf32>,
        %get3A_732 = vector.shape_cast %get3A_731 : vector<1x16xf32> to vector<16xf32>
        %mul3A_733 = vector.broadcast %squeeze3A_706 : f32 to vector<16xf32>
        %mul3A_734 = arith.mulf %get3A_732, %mul3A_733 : vector<16xf32>
        %swap3A_735 = arith.index_cast %add3A_704 : i32 to index
        %swap3A_736 = arith.constant 32 : index
        %swap3A_737 = tpu.vector_load %arg12[%swap3A_735, %swap3A_736] {strides = array<i32>} : memref<80x128xf32, #tpu.memory_space<vmem>>, vector<1x16xf32>,
        %swap3A_738 = vector.shape_cast %swap3A_737 : vector<1x16xf32> to vector<16xf32>
        %swap3A_739 = vector.shape_cast %mul3A_734 : vector<16xf32> to vector<1x16xf32>
        tpu.vector_store %arg12[%swap3A_735, %swap3A_736], %swap3A_739 {strides = array<i32>} : memref<80x128xf32, #tpu.memory_space<vmem>>, vector<1x16xf32>,
        %get3A_740 = arith.index_cast %add3A_704 : i32 to index
        %get3A_741 = arith.constant 48 : index
        %get3A_742 = tpu.vector_load %arg12[%get3A_740, %get3A_741] {strides = array<i32>} : memref<80x128xf32, #tpu.memory_space<vmem>>, vector<1x16xf32>,
        %get3A_743 = vector.shape_cast %get3A_742 : vector<1x16xf32> to vector<16xf32>
        %mul3A_744 = vector.broadcast %squeeze3A_706 : f32 to vector<16xf32>
        %mul3A_745 = arith.mulf %get3A_743, %mul3A_744 : vector<16xf32>
        %swap3A_746 = arith.index_cast %add3A_704 : i32 to index
        %swap3A_747 = arith.constant 48 : index
        %swap3A_748 = tpu.vector_load %arg12[%swap3A_746, %swap3A_747] {strides = array<i32>} : memref<80x128xf32, #tpu.memory_space<vmem>>, vector<1x16xf32>,
        %swap3A_749 = vector.shape_cast %swap3A_748 : vector<1x16xf32> to vector<16xf32>
        %swap3A_750 = vector.shape_cast %mul3A_745 : vector<16xf32> to vector<1x16xf32>
        tpu.vector_store %arg12[%swap3A_746, %swap3A_747], %swap3A_750 {strides = array<i32>} : memref<80x128xf32, #tpu.memory_space<vmem>>, vector<1x16xf32>,
        %get3A_751 = arith.index_cast %add3A_704 : i32 to index
        %get3A_752 = arith.constant 64 : index
        %get3A_753 = tpu.vector_load %arg12[%get3A_751, %get3A_752] {strides = array<i32>} : memref<80x128xf32, #tpu.memory_space<vmem>>, vector<1x16xf32>,
        %get3A_754 = vector.shape_cast %get3A_753 : vector<1x16xf32> to vector<16xf32>
        %mul3A_755 = vector.broadcast %squeeze3A_706 : f32 to vector<16xf32>
        %mul3A_756 = arith.mulf %get3A_754, %mul3A_755 : vector<16xf32>
        %swap3A_757 = arith.index_cast %add3A_704 : i32 to index
        %swap3A_758 = arith.constant 64 : index
        %swap3A_759 = tpu.vector_load %arg12[%swap3A_757, %swap3A_758] {strides = array<i32>} : memref<80x128xf32, #tpu.memory_space<vmem>>, vector<1x16xf32>,
        %swap3A_760 = vector.shape_cast %swap3A_759 : vector<1x16xf32> to vector<16xf32>
        %swap3A_761 = vector.shape_cast %mul3A_756 : vector<16xf32> to vector<1x16xf32>
        tpu.vector_store %arg12[%swap3A_757, %swap3A_758], %swap3A_761 {strides = array<i32>} : memref<80x128xf32, #tpu.memory_space<vmem>>, vector<1x16xf32>,
        %get3A_762 = arith.index_cast %add3A_704 : i32 to index
        %get3A_763 = arith.constant 80 : index
        %get3A_764 = tpu.vector_load %arg12[%get3A_762, %get3A_763] {strides = array<i32>} : memref<80x128xf32, #tpu.memory_space<vmem>>, vector<1x16xf32>,
        %get3A_765 = vector.shape_cast %get3A_764 : vector<1x16xf32> to vector<16xf32>
        %mul3A_766 = vector.broadcast %squeeze3A_706 : f32 to vector<16xf32>
        %mul3A_767 = arith.mulf %get3A_765, %mul3A_766 : vector<16xf32>
        %swap3A_768 = arith.index_cast %add3A_704 : i32 to index
        %swap3A_769 = arith.constant 80 : index
        %swap3A_770 = tpu.vector_load %arg12[%swap3A_768, %swap3A_769] {strides = array<i32>} : memref<80x128xf32, #tpu.memory_space<vmem>>, vector<1x16xf32>,
        %swap3A_771 = vector.shape_cast %swap3A_770 : vector<1x16xf32> to vector<16xf32>
        %swap3A_772 = vector.shape_cast %mul3A_767 : vector<16xf32> to vector<1x16xf32>
        tpu.vector_store %arg12[%swap3A_768, %swap3A_769], %swap3A_772 {strides = array<i32>} : memref<80x128xf32, #tpu.memory_space<vmem>>, vector<1x16xf32>,
        %get3A_773 = arith.index_cast %add3A_704 : i32 to index
        %get3A_774 = arith.constant 96 : index
        %get3A_775 = tpu.vector_load %arg12[%get3A_773, %get3A_774] {strides = array<i32>} : memref<80x128xf32, #tpu.memory_space<vmem>>, vector<1x16xf32>,
        %get3A_776 = vector.shape_cast %get3A_775 : vector<1x16xf32> to vector<16xf32>
        %mul3A_777 = vector.broadcast %squeeze3A_706 : f32 to vector<16xf32>
        %mul3A_778 = arith.mulf %get3A_776, %mul3A_777 : vector<16xf32>
        %swap3A_779 = arith.index_cast %add3A_704 : i32 to index
        %swap3A_780 = arith.constant 96 : index
        %swap3A_781 = tpu.vector_load %arg12[%swap3A_779, %swap3A_780] {strides = array<i32>} : memref<80x128xf32, #tpu.memory_space<vmem>>, vector<1x16xf32>,
        %swap3A_782 = vector.shape_cast %swap3A_781 : vector<1x16xf32> to vector<16xf32>
        %swap3A_783 = vector.shape_cast %mul3A_778 : vector<16xf32> to vector<1x16xf32>
        tpu.vector_store %arg12[%swap3A_779, %swap3A_780], %swap3A_783 {strides = array<i32>} : memref<80x128xf32, #tpu.memory_space<vmem>>, vector<1x16xf32>,
        %get3A_784 = arith.index_cast %add3A_704 : i32 to index
        %get3A_785 = arith.constant 112 : index
        %get3A_786 = tpu.vector_load %arg12[%get3A_784, %get3A_785] {strides = array<i32>} : memref<80x128xf32, #tpu.memory_space<vmem>>, vector<1x16xf32>,
        %get3A_787 = vector.shape_cast %get3A_786 : vector<1x16xf32> to vector<16xf32>
        %mul3A_788 = vector.broadcast %squeeze3A_706 : f32 to vector<16xf32>
        %mul3A_789 = arith.mulf %get3A_787, %mul3A_788 : vector<16xf32>
        %swap3A_790 = arith.index_cast %add3A_704 : i32 to index
        %swap3A_791 = arith.constant 112 : index
        %swap3A_792 = tpu.vector_load %arg12[%swap3A_790, %swap3A_791] {strides = array<i32>} : memref<80x128xf32, #tpu.memory_space<vmem>>, vector<1x16xf32>,
        %swap3A_793 = vector.shape_cast %swap3A_792 : vector<1x16xf32> to vector<16xf32>
        %swap3A_794 = vector.shape_cast %mul3A_789 : vector<16xf32> to vector<1x16xf32>
        tpu.vector_store %arg12[%swap3A_790, %swap3A_791], %swap3A_794 {strides = array<i32>} : memref<80x128xf32, #tpu.memory_space<vmem>>, vector<1x16xf32>,
        %mul3A_795 = arith.constant 16 : i32
        %mul3A_796 = arith.muli %scan3A_41, %mul3A_795 : i32
        %add3A_797 = arith.constant 8 : i32
        %add3A_798 = arith.addi %mul3A_796, %add3A_797 : i32
        %slice3A_799 = vector.extract_strided_slice %get3A_45 {offsets = [8], sizes = [1], strides = [1]} : vector<16xf32> to vector<1xf32>
        %squeeze3A_800 = vector.extract %slice3A_799[0] : f32 from vector<1xf32>
        %get3A_801 = arith.index_cast %add3A_798 : i32 to index
        %get3A_802 = arith.constant 0 : index
        %get3A_803 = tpu.vector_load %arg12[%get3A_801, %get3A_802] {strides = array<i32>} : memref<80x128xf32, #tpu.memory_space<vmem>>, vector<1x16xf32>,
        %get3A_804 = vector.shape_cast %get3A_803 : vector<1x16xf32> to vector<16xf32>
        %mul3A_805 = vector.broadcast %squeeze3A_800 : f32 to vector<16xf32>
        %mul3A_806 = arith.mulf %get3A_804, %mul3A_805 : vector<16xf32>
        %swap3A_807 = arith.index_cast %add3A_798 : i32 to index
        %swap3A_808 = arith.constant 0 : index
        %swap3A_809 = tpu.vector_load %arg12[%swap3A_807, %swap3A_808] {strides = array<i32>} : memref<80x128xf32, #tpu.memory_space<vmem>>, vector<1x16xf32>,
        %swap3A_810 = vector.shape_cast %swap3A_809 : vector<1x16xf32> to vector<16xf32>
        %swap3A_811 = vector.shape_cast %mul3A_806 : vector<16xf32> to vector<1x16xf32>
        tpu.vector_store %arg12[%swap3A_807, %swap3A_808], %swap3A_811 {strides = array<i32>} : memref<80x128xf32, #tpu.memory_space<vmem>>, vector<1x16xf32>,
        %get3A_812 = arith.index_cast %add3A_798 : i32 to index
        %get3A_813 = arith.constant 16 : index
        %get3A_814 = tpu.vector_load %arg12[%get3A_812, %get3A_813] {strides = array<i32>} : memref<80x128xf32, #tpu.memory_space<vmem>>, vector<1x16xf32>,
        %get3A_815 = vector.shape_cast %get3A_814 : vector<1x16xf32> to vector<16xf32>
        %mul3A_816 = vector.broadcast %squeeze3A_800 : f32 to vector<16xf32>
        %mul3A_817 = arith.mulf %get3A_815, %mul3A_816 : vector<16xf32>
        %swap3A_818 = arith.index_cast %add3A_798 : i32 to index
        %swap3A_819 = arith.constant 16 : index
        %swap3A_820 = tpu.vector_load %arg12[%swap3A_818, %swap3A_819] {strides = array<i32>} : memref<80x128xf32, #tpu.memory_space<vmem>>, vector<1x16xf32>,
        %swap3A_821 = vector.shape_cast %swap3A_820 : vector<1x16xf32> to vector<16xf32>
        %swap3A_822 = vector.shape_cast %mul3A_817 : vector<16xf32> to vector<1x16xf32>
        tpu.vector_store %arg12[%swap3A_818, %swap3A_819], %swap3A_822 {strides = array<i32>} : memref<80x128xf32, #tpu.memory_space<vmem>>, vector<1x16xf32>,
        %get3A_823 = arith.index_cast %add3A_798 : i32 to index
        %get3A_824 = arith.constant 32 : index
        %get3A_825 = tpu.vector_load %arg12[%get3A_823, %get3A_824] {strides = array<i32>} : memref<80x128xf32, #tpu.memory_space<vmem>>, vector<1x16xf32>,
        %get3A_826 = vector.shape_cast %get3A_825 : vector<1x16xf32> to vector<16xf32>
        %mul3A_827 = vector.broadcast %squeeze3A_800 : f32 to vector<16xf32>
        %mul3A_828 = arith.mulf %get3A_826, %mul3A_827 : vector<16xf32>
        %swap3A_829 = arith.index_cast %add3A_798 : i32 to index
        %swap3A_830 = arith.constant 32 : index
        %swap3A_831 = tpu.vector_load %arg12[%swap3A_829, %swap3A_830] {strides = array<i32>} : memref<80x128xf32, #tpu.memory_space<vmem>>, vector<1x16xf32>,
        %swap3A_832 = vector.shape_cast %swap3A_831 : vector<1x16xf32> to vector<16xf32>
        %swap3A_833 = vector.shape_cast %mul3A_828 : vector<16xf32> to vector<1x16xf32>
        tpu.vector_store %arg12[%swap3A_829, %swap3A_830], %swap3A_833 {strides = array<i32>} : memref<80x128xf32, #tpu.memory_space<vmem>>, vector<1x16xf32>,
        %get3A_834 = arith.index_cast %add3A_798 : i32 to index
        %get3A_835 = arith.constant 48 : index
        %get3A_836 = tpu.vector_load %arg12[%get3A_834, %get3A_835] {strides = array<i32>} : memref<80x128xf32, #tpu.memory_space<vmem>>, vector<1x16xf32>,
        %get3A_837 = vector.shape_cast %get3A_836 : vector<1x16xf32> to vector<16xf32>
        %mul3A_838 = vector.broadcast %squeeze3A_800 : f32 to vector<16xf32>
        %mul3A_839 = arith.mulf %get3A_837, %mul3A_838 : vector<16xf32>
        %swap3A_840 = arith.index_cast %add3A_798 : i32 to index
        %swap3A_841 = arith.constant 48 : index
        %swap3A_842 = tpu.vector_load %arg12[%swap3A_840, %swap3A_841] {strides = array<i32>} : memref<80x128xf32, #tpu.memory_space<vmem>>, vector<1x16xf32>,
        %swap3A_843 = vector.shape_cast %swap3A_842 : vector<1x16xf32> to vector<16xf32>
        %swap3A_844 = vector.shape_cast %mul3A_839 : vector<16xf32> to vector<1x16xf32>
        tpu.vector_store %arg12[%swap3A_840, %swap3A_841], %swap3A_844 {strides = array<i32>} : memref<80x128xf32, #tpu.memory_space<vmem>>, vector<1x16xf32>,
        %get3A_845 = arith.index_cast %add3A_798 : i32 to index
        %get3A_846 = arith.constant 64 : index
        %get3A_847 = tpu.vector_load %arg12[%get3A_845, %get3A_846] {strides = array<i32>} : memref<80x128xf32, #tpu.memory_space<vmem>>, vector<1x16xf32>,
        %get3A_848 = vector.shape_cast %get3A_847 : vector<1x16xf32> to vector<16xf32>
        %mul3A_849 = vector.broadcast %squeeze3A_800 : f32 to vector<16xf32>
        %mul3A_850 = arith.mulf %get3A_848, %mul3A_849 : vector<16xf32>
        %swap3A_851 = arith.index_cast %add3A_798 : i32 to index
        %swap3A_852 = arith.constant 64 : index
        %swap3A_853 = tpu.vector_load %arg12[%swap3A_851, %swap3A_852] {strides = array<i32>} : memref<80x128xf32, #tpu.memory_space<vmem>>, vector<1x16xf32>,
        %swap3A_854 = vector.shape_cast %swap3A_853 : vector<1x16xf32> to vector<16xf32>
        %swap3A_855 = vector.shape_cast %mul3A_850 : vector<16xf32> to vector<1x16xf32>
        tpu.vector_store %arg12[%swap3A_851, %swap3A_852], %swap3A_855 {strides = array<i32>} : memref<80x128xf32, #tpu.memory_space<vmem>>, vector<1x16xf32>,
        %get3A_856 = arith.index_cast %add3A_798 : i32 to index
        %get3A_857 = arith.constant 80 : index
        %get3A_858 = tpu.vector_load %arg12[%get3A_856, %get3A_857] {strides = array<i32>} : memref<80x128xf32, #tpu.memory_space<vmem>>, vector<1x16xf32>,
        %get3A_859 = vector.shape_cast %get3A_858 : vector<1x16xf32> to vector<16xf32>
        %mul3A_860 = vector.broadcast %squeeze3A_800 : f32 to vector<16xf32>
        %mul3A_861 = arith.mulf %get3A_859, %mul3A_860 : vector<16xf32>
        %swap3A_862 = arith.index_cast %add3A_798 : i32 to index
        %swap3A_863 = arith.constant 80 : index
        %swap3A_864 = tpu.vector_load %arg12[%swap3A_862, %swap3A_863] {strides = array<i32>} : memref<80x128xf32, #tpu.memory_space<vmem>>, vector<1x16xf32>,
        %swap3A_865 = vector.shape_cast %swap3A_864 : vector<1x16xf32> to vector<16xf32>
        %swap3A_866 = vector.shape_cast %mul3A_861 : vector<16xf32> to vector<1x16xf32>
        tpu.vector_store %arg12[%swap3A_862, %swap3A_863], %swap3A_866 {strides = array<i32>} : memref<80x128xf32, #tpu.memory_space<vmem>>, vector<1x16xf32>,
        %get3A_867 = arith.index_cast %add3A_798 : i32 to index
        %get3A_868 = arith.constant 96 : index
        %get3A_869 = tpu.vector_load %arg12[%get3A_867, %get3A_868] {strides = array<i32>} : memref<80x128xf32, #tpu.memory_space<vmem>>, vector<1x16xf32>,
        %get3A_870 = vector.shape_cast %get3A_869 : vector<1x16xf32> to vector<16xf32>
        %mul3A_871 = vector.broadcast %squeeze3A_800 : f32 to vector<16xf32>
        %mul3A_872 = arith.mulf %get3A_870, %mul3A_871 : vector<16xf32>
        %swap3A_873 = arith.index_cast %add3A_798 : i32 to index
        %swap3A_874 = arith.constant 96 : index
        %swap3A_875 = tpu.vector_load %arg12[%swap3A_873, %swap3A_874] {strides = array<i32>} : memref<80x128xf32, #tpu.memory_space<vmem>>, vector<1x16xf32>,
        %swap3A_876 = vector.shape_cast %swap3A_875 : vector<1x16xf32> to vector<16xf32>
        %swap3A_877 = vector.shape_cast %mul3A_872 : vector<16xf32> to vector<1x16xf32>
        tpu.vector_store %arg12[%swap3A_873, %swap3A_874], %swap3A_877 {strides = array<i32>} : memref<80x128xf32, #tpu.memory_space<vmem>>, vector<1x16xf32>,
        %get3A_878 = arith.index_cast %add3A_798 : i32 to index
        %get3A_879 = arith.constant 112 : index
        %get3A_880 = tpu.vector_load %arg12[%get3A_878, %get3A_879] {strides = array<i32>} : memref<80x128xf32, #tpu.memory_space<vmem>>, vector<1x16xf32>,
        %get3A_881 = vector.shape_cast %get3A_880 : vector<1x16xf32> to vector<16xf32>
        %mul3A_882 = vector.broadcast %squeeze3A_800 : f32 to vector<16xf32>
        %mul3A_883 = arith.mulf %get3A_881, %mul3A_882 : vector<16xf32>
        %swap3A_884 = arith.index_cast %add3A_798 : i32 to index
        %swap3A_885 = arith.constant 112 : index
        %swap3A_886 = tpu.vector_load %arg12[%swap3A_884, %swap3A_885] {strides = array<i32>} : memref<80x128xf32, #tpu.memory_space<vmem>>, vector<1x16xf32>,
        %swap3A_887 = vector.shape_cast %swap3A_886 : vector<1x16xf32> to vector<16xf32>
        %swap3A_888 = vector.shape_cast %mul3A_883 : vector<16xf32> to vector<1x16xf32>
        tpu.vector_store %arg12[%swap3A_884, %swap3A_885], %swap3A_888 {strides = array<i32>} : memref<80x128xf32, #tpu.memory_space<vmem>>, vector<1x16xf32>,
        %mul3A_889 = arith.constant 16 : i32
        %mul3A_890 = arith.muli %scan3A_41, %mul3A_889 : i32
        %add3A_891 = arith.constant 9 : i32
        %add3A_892 = arith.addi %mul3A_890, %add3A_891 : i32
        %slice3A_893 = vector.extract_strided_slice %get3A_45 {offsets = [9], sizes = [1], strides = [1]} : vector<16xf32> to vector<1xf32>
        %squeeze3A_894 = vector.extract %slice3A_893[0] : f32 from vector<1xf32>
        %get3A_895 = arith.index_cast %add3A_892 : i32 to index
        %get3A_896 = arith.constant 0 : index
        %get3A_897 = tpu.vector_load %arg12[%get3A_895, %get3A_896] {strides = array<i32>} : memref<80x128xf32, #tpu.memory_space<vmem>>, vector<1x16xf32>,
        %get3A_898 = vector.shape_cast %get3A_897 : vector<1x16xf32> to vector<16xf32>
        %mul3A_899 = vector.broadcast %squeeze3A_894 : f32 to vector<16xf32>
        %mul3A_900 = arith.mulf %get3A_898, %mul3A_899 : vector<16xf32>
        %swap3A_901 = arith.index_cast %add3A_892 : i32 to index
        %swap3A_902 = arith.constant 0 : index
        %swap3A_903 = tpu.vector_load %arg12[%swap3A_901, %swap3A_902] {strides = array<i32>} : memref<80x128xf32, #tpu.memory_space<vmem>>, vector<1x16xf32>,
        %swap3A_904 = vector.shape_cast %swap3A_903 : vector<1x16xf32> to vector<16xf32>
        %swap3A_905 = vector.shape_cast %mul3A_900 : vector<16xf32> to vector<1x16xf32>
        tpu.vector_store %arg12[%swap3A_901, %swap3A_902], %swap3A_905 {strides = array<i32>} : memref<80x128xf32, #tpu.memory_space<vmem>>, vector<1x16xf32>,
        %get3A_906 = arith.index_cast %add3A_892 : i32 to index
        %get3A_907 = arith.constant 16 : index
        %get3A_908 = tpu.vector_load %arg12[%get3A_906, %get3A_907] {strides = array<i32>} : memref<80x128xf32, #tpu.memory_space<vmem>>, vector<1x16xf32>,
        %get3A_909 = vector.shape_cast %get3A_908 : vector<1x16xf32> to vector<16xf32>
        %mul3A_910 = vector.broadcast %squeeze3A_894 : f32 to vector<16xf32>
        %mul3A_911 = arith.mulf %get3A_909, %mul3A_910 : vector<16xf32>
        %swap3A_912 = arith.index_cast %add3A_892 : i32 to index
        %swap3A_913 = arith.constant 16 : index
        %swap3A_914 = tpu.vector_load %arg12[%swap3A_912, %swap3A_913] {strides = array<i32>} : memref<80x128xf32, #tpu.memory_space<vmem>>, vector<1x16xf32>,
        %swap3A_915 = vector.shape_cast %swap3A_914 : vector<1x16xf32> to vector<16xf32>
        %swap3A_916 = vector.shape_cast %mul3A_911 : vector<16xf32> to vector<1x16xf32>
        tpu.vector_store %arg12[%swap3A_912, %swap3A_913], %swap3A_916 {strides = array<i32>} : memref<80x128xf32, #tpu.memory_space<vmem>>, vector<1x16xf32>,
        %get3A_917 = arith.index_cast %add3A_892 : i32 to index
        %get3A_918 = arith.constant 32 : index
        %get3A_919 = tpu.vector_load %arg12[%get3A_917, %get3A_918] {strides = array<i32>} : memref<80x128xf32, #tpu.memory_space<vmem>>, vector<1x16xf32>,
        %get3A_920 = vector.shape_cast %get3A_919 : vector<1x16xf32> to vector<16xf32>
        %mul3A_921 = vector.broadcast %squeeze3A_894 : f32 to vector<16xf32>
        %mul3A_922 = arith.mulf %get3A_920, %mul3A_921 : vector<16xf32>
        %swap3A_923 = arith.index_cast %add3A_892 : i32 to index
        %swap3A_924 = arith.constant 32 : index
        %swap3A_925 = tpu.vector_load %arg12[%swap3A_923, %swap3A_924] {strides = array<i32>} : memref<80x128xf32, #tpu.memory_space<vmem>>, vector<1x16xf32>,
        %swap3A_926 = vector.shape_cast %swap3A_925 : vector<1x16xf32> to vector<16xf32>
        %swap3A_927 = vector.shape_cast %mul3A_922 : vector<16xf32> to vector<1x16xf32>
        tpu.vector_store %arg12[%swap3A_923, %swap3A_924], %swap3A_927 {strides = array<i32>} : memref<80x128xf32, #tpu.memory_space<vmem>>, vector<1x16xf32>,
        %get3A_928 = arith.index_cast %add3A_892 : i32 to index
        %get3A_929 = arith.constant 48 : index
        %get3A_930 = tpu.vector_load %arg12[%get3A_928, %get3A_929] {strides = array<i32>} : memref<80x128xf32, #tpu.memory_space<vmem>>, vector<1x16xf32>,
        %get3A_931 = vector.shape_cast %get3A_930 : vector<1x16xf32> to vector<16xf32>
        %mul3A_932 = vector.broadcast %squeeze3A_894 : f32 to vector<16xf32>
        %mul3A_933 = arith.mulf %get3A_931, %mul3A_932 : vector<16xf32>
        %swap3A_934 = arith.index_cast %add3A_892 : i32 to index
        %swap3A_935 = arith.constant 48 : index
        %swap3A_936 = tpu.vector_load %arg12[%swap3A_934, %swap3A_935] {strides = array<i32>} : memref<80x128xf32, #tpu.memory_space<vmem>>, vector<1x16xf32>,
        %swap3A_937 = vector.shape_cast %swap3A_936 : vector<1x16xf32> to vector<16xf32>
        %swap3A_938 = vector.shape_cast %mul3A_933 : vector<16xf32> to vector<1x16xf32>
        tpu.vector_store %arg12[%swap3A_934, %swap3A_935], %swap3A_938 {strides = array<i32>} : memref<80x128xf32, #tpu.memory_space<vmem>>, vector<1x16xf32>,
        %get3A_939 = arith.index_cast %add3A_892 : i32 to index
        %get3A_940 = arith.constant 64 : index
        %get3A_941 = tpu.vector_load %arg12[%get3A_939, %get3A_940] {strides = array<i32>} : memref<80x128xf32, #tpu.memory_space<vmem>>, vector<1x16xf32>,
        %get3A_942 = vector.shape_cast %get3A_941 : vector<1x16xf32> to vector<16xf32>
        %mul3A_943 = vector.broadcast %squeeze3A_894 : f32 to vector<16xf32>
        %mul3A_944 = arith.mulf %get3A_942, %mul3A_943 : vector<16xf32>
        %swap3A_945 = arith.index_cast %add3A_892 : i32 to index
        %swap3A_946 = arith.constant 64 : index
        %swap3A_947 = tpu.vector_load %arg12[%swap3A_945, %swap3A_946] {strides = array<i32>} : memref<80x128xf32, #tpu.memory_space<vmem>>, vector<1x16xf32>,
        %swap3A_948 = vector.shape_cast %swap3A_947 : vector<1x16xf32> to vector<16xf32>
        %swap3A_949 = vector.shape_cast %mul3A_944 : vector<16xf32> to vector<1x16xf32>
        tpu.vector_store %arg12[%swap3A_945, %swap3A_946], %swap3A_949 {strides = array<i32>} : memref<80x128xf32, #tpu.memory_space<vmem>>, vector<1x16xf32>,
        %get3A_950 = arith.index_cast %add3A_892 : i32 to index
        %get3A_951 = arith.constant 80 : index
        %get3A_952 = tpu.vector_load %arg12[%get3A_950, %get3A_951] {strides = array<i32>} : memref<80x128xf32, #tpu.memory_space<vmem>>, vector<1x16xf32>,
        %get3A_953 = vector.shape_cast %get3A_952 : vector<1x16xf32> to vector<16xf32>
        %mul3A_954 = vector.broadcast %squeeze3A_894 : f32 to vector<16xf32>
        %mul3A_955 = arith.mulf %get3A_953, %mul3A_954 : vector<16xf32>
        %swap3A_956 = arith.index_cast %add3A_892 : i32 to index
        %swap3A_957 = arith.constant 80 : index
        %swap3A_958 = tpu.vector_load %arg12[%swap3A_956, %swap3A_957] {strides = array<i32>} : memref<80x128xf32, #tpu.memory_space<vmem>>, vector<1x16xf32>,
        %swap3A_959 = vector.shape_cast %swap3A_958 : vector<1x16xf32> to vector<16xf32>
        %swap3A_960 = vector.shape_cast %mul3A_955 : vector<16xf32> to vector<1x16xf32>
        tpu.vector_store %arg12[%swap3A_956, %swap3A_957], %swap3A_960 {strides = array<i32>} : memref<80x128xf32, #tpu.memory_space<vmem>>, vector<1x16xf32>,
        %get3A_961 = arith.index_cast %add3A_892 : i32 to index
        %get3A_962 = arith.constant 96 : index
        %get3A_963 = tpu.vector_load %arg12[%get3A_961, %get3A_962] {strides = array<i32>} : memref<80x128xf32, #tpu.memory_space<vmem>>, vector<1x16xf32>,
        %get3A_964 = vector.shape_cast %get3A_963 : vector<1x16xf32> to vector<16xf32>
        %mul3A_965 = vector.broadcast %squeeze3A_894 : f32 to vector<16xf32>
        %mul3A_966 = arith.mulf %get3A_964, %mul3A_965 : vector<16xf32>
        %swap3A_967 = arith.index_cast %add3A_892 : i32 to index
        %swap3A_968 = arith.constant 96 : index
        %swap3A_969 = tpu.vector_load %arg12[%swap3A_967, %swap3A_968] {strides = array<i32>} : memref<80x128xf32, #tpu.memory_space<vmem>>, vector<1x16xf32>,
        %swap3A_970 = vector.shape_cast %swap3A_969 : vector<1x16xf32> to vector<16xf32>
        %swap3A_971 = vector.shape_cast %mul3A_966 : vector<16xf32> to vector<1x16xf32>
        tpu.vector_store %arg12[%swap3A_967, %swap3A_968], %swap3A_971 {strides = array<i32>} : memref<80x128xf32, #tpu.memory_space<vmem>>, vector<1x16xf32>,
        %get3A_972 = arith.index_cast %add3A_892 : i32 to index
        %get3A_973 = arith.constant 112 : index
        %get3A_974 = tpu.vector_load %arg12[%get3A_972, %get3A_973] {strides = array<i32>} : memref<80x128xf32, #tpu.memory_space<vmem>>, vector<1x16xf32>,
        %get3A_975 = vector.shape_cast %get3A_974 : vector<1x16xf32> to vector<16xf32>
        %mul3A_976 = vector.broadcast %squeeze3A_894 : f32 to vector<16xf32>
        %mul3A_977 = arith.mulf %get3A_975, %mul3A_976 : vector<16xf32>
        %swap3A_978 = arith.index_cast %add3A_892 : i32 to index
        %swap3A_979 = arith.constant 112 : index
        %swap3A_980 = tpu.vector_load %arg12[%swap3A_978, %swap3A_979] {strides = array<i32>} : memref<80x128xf32, #tpu.memory_space<vmem>>, vector<1x16xf32>,
        %swap3A_981 = vector.shape_cast %swap3A_980 : vector<1x16xf32> to vector<16xf32>
        %swap3A_982 = vector.shape_cast %mul3A_977 : vector<16xf32> to vector<1x16xf32>
        tpu.vector_store %arg12[%swap3A_978, %swap3A_979], %swap3A_982 {strides = array<i32>} : memref<80x128xf32, #tpu.memory_space<vmem>>, vector<1x16xf32>,
        %mul3A_983 = arith.constant 16 : i32
        %mul3A_984 = arith.muli %scan3A_41, %mul3A_983 : i32
        %add3A_985 = arith.constant 10 : i32
        %add3A_986 = arith.addi %mul3A_984, %add3A_985 : i32
        %slice3A_987 = vector.extract_strided_slice %get3A_45 {offsets = [10], sizes = [1], strides = [1]} : vector<16xf32> to vector<1xf32>
        %squeeze3A_988 = vector.extract %slice3A_987[0] : f32 from vector<1xf32>
        %get3A_989 = arith.index_cast %add3A_986 : i32 to index
        %get3A_990 = arith.constant 0 : index
        %get3A_991 = tpu.vector_load %arg12[%get3A_989, %get3A_990] {strides = array<i32>} : memref<80x128xf32, #tpu.memory_space<vmem>>, vector<1x16xf32>,
        %get3A_992 = vector.shape_cast %get3A_991 : vector<1x16xf32> to vector<16xf32>
        %mul3A_993 = vector.broadcast %squeeze3A_988 : f32 to vector<16xf32>
        %mul3A_994 = arith.mulf %get3A_992, %mul3A_993 : vector<16xf32>
        %swap3A_995 = arith.index_cast %add3A_986 : i32 to index
        %swap3A_996 = arith.constant 0 : index
        %swap3A_997 = tpu.vector_load %arg12[%swap3A_995, %swap3A_996] {strides = array<i32>} : memref<80x128xf32, #tpu.memory_space<vmem>>, vector<1x16xf32>,
        %swap3A_998 = vector.shape_cast %swap3A_997 : vector<1x16xf32> to vector<16xf32>
        %swap3A_999 = vector.shape_cast %mul3A_994 : vector<16xf32> to vector<1x16xf32>
        tpu.vector_store %arg12[%swap3A_995, %swap3A_996], %swap3A_999 {strides = array<i32>} : memref<80x128xf32, #tpu.memory_space<vmem>>, vector<1x16xf32>,
        %get3A_1000 = arith.index_cast %add3A_986 : i32 to index
        %get3A_1001 = arith.constant 16 : index
        %get3A_1002 = tpu.vector_load %arg12[%get3A_1000, %get3A_1001] {strides = array<i32>} : memref<80x128xf32, #tpu.memory_space<vmem>>, vector<1x16xf32>,
        %get3A_1003 = vector.shape_cast %get3A_1002 : vector<1x16xf32> to vector<16xf32>
        %mul3A_1004 = vector.broadcast %squeeze3A_988 : f32 to vector<16xf32>
        %mul3A_1005 = arith.mulf %get3A_1003, %mul3A_1004 : vector<16xf32>
        %swap3A_1006 = arith.index_cast %add3A_986 : i32 to index
        %swap3A_1007 = arith.constant 16 : index
        %swap3A_1008 = tpu.vector_load %arg12[%swap3A_1006, %swap3A_1007] {strides = array<i32>} : memref<80x128xf32, #tpu.memory_space<vmem>>, vector<1x16xf32>,
        %swap3A_1009 = vector.shape_cast %swap3A_1008 : vector<1x16xf32> to vector<16xf32>
        %swap3A_1010 = vector.shape_cast %mul3A_1005 : vector<16xf32> to vector<1x16xf32>
        tpu.vector_store %arg12[%swap3A_1006, %swap3A_1007], %swap3A_1010 {strides = array<i32>} : memref<80x128xf32, #tpu.memory_space<vmem>>, vector<1x16xf32>,
        %get3A_1011 = arith.index_cast %add3A_986 : i32 to index
        %get3A_1012 = arith.constant 32 : index
        %get3A_1013 = tpu.vector_load %arg12[%get3A_1011, %get3A_1012] {strides = array<i32>} : memref<80x128xf32, #tpu.memory_space<vmem>>, vector<1x16xf32>,
        %get3A_1014 = vector.shape_cast %get3A_1013 : vector<1x16xf32> to vector<16xf32>
        %mul3A_1015 = vector.broadcast %squeeze3A_988 : f32 to vector<16xf32>
        %mul3A_1016 = arith.mulf %get3A_1014, %mul3A_1015 : vector<16xf32>
        %swap3A_1017 = arith.index_cast %add3A_986 : i32 to index
        %swap3A_1018 = arith.constant 32 : index
        %swap3A_1019 = tpu.vector_load %arg12[%swap3A_1017, %swap3A_1018] {strides = array<i32>} : memref<80x128xf32, #tpu.memory_space<vmem>>, vector<1x16xf32>,
        %swap3A_1020 = vector.shape_cast %swap3A_1019 : vector<1x16xf32> to vector<16xf32>
        %swap3A_1021 = vector.shape_cast %mul3A_1016 : vector<16xf32> to vector<1x16xf32>
        tpu.vector_store %arg12[%swap3A_1017, %swap3A_1018], %swap3A_1021 {strides = array<i32>} : memref<80x128xf32, #tpu.memory_space<vmem>>, vector<1x16xf32>,
        %get3A_1022 = arith.index_cast %add3A_986 : i32 to index
        %get3A_1023 = arith.constant 48 : index
        %get3A_1024 = tpu.vector_load %arg12[%get3A_1022, %get3A_1023] {strides = array<i32>} : memref<80x128xf32, #tpu.memory_space<vmem>>, vector<1x16xf32>,
        %get3A_1025 = vector.shape_cast %get3A_1024 : vector<1x16xf32> to vector<16xf32>
        %mul3A_1026 = vector.broadcast %squeeze3A_988 : f32 to vector<16xf32>
        %mul3A_1027 = arith.mulf %get3A_1025, %mul3A_1026 : vector<16xf32>
        %swap3A_1028 = arith.index_cast %add3A_986 : i32 to index
        %swap3A_1029 = arith.constant 48 : index
        %swap3A_1030 = tpu.vector_load %arg12[%swap3A_1028, %swap3A_1029] {strides = array<i32>} : memref<80x128xf32, #tpu.memory_space<vmem>>, vector<1x16xf32>,
        %swap3A_1031 = vector.shape_cast %swap3A_1030 : vector<1x16xf32> to vector<16xf32>
        %swap3A_1032 = vector.shape_cast %mul3A_1027 : vector<16xf32> to vector<1x16xf32>
        tpu.vector_store %arg12[%swap3A_1028, %swap3A_1029], %swap3A_1032 {strides = array<i32>} : memref<80x128xf32, #tpu.memory_space<vmem>>, vector<1x16xf32>,
        %get3A_1033 = arith.index_cast %add3A_986 : i32 to index
        %get3A_1034 = arith.constant 64 : index
        %get3A_1035 = tpu.vector_load %arg12[%get3A_1033, %get3A_1034] {strides = array<i32>} : memref<80x128xf32, #tpu.memory_space<vmem>>, vector<1x16xf32>,
        %get3A_1036 = vector.shape_cast %get3A_1035 : vector<1x16xf32> to vector<16xf32>
        %mul3A_1037 = vector.broadcast %squeeze3A_988 : f32 to vector<16xf32>
        %mul3A_1038 = arith.mulf %get3A_1036, %mul3A_1037 : vector<16xf32>
        %swap3A_1039 = arith.index_cast %add3A_986 : i32 to index
        %swap3A_1040 = arith.constant 64 : index
        %swap3A_1041 = tpu.vector_load %arg12[%swap3A_1039, %swap3A_1040] {strides = array<i32>} : memref<80x128xf32, #tpu.memory_space<vmem>>, vector<1x16xf32>,
        %swap3A_1042 = vector.shape_cast %swap3A_1041 : vector<1x16xf32> to vector<16xf32>
        %swap3A_1043 = vector.shape_cast %mul3A_1038 : vector<16xf32> to vector<1x16xf32>
        tpu.vector_store %arg12[%swap3A_1039, %swap3A_1040], %swap3A_1043 {strides = array<i32>} : memref<80x128xf32, #tpu.memory_space<vmem>>, vector<1x16xf32>,
        %get3A_1044 = arith.index_cast %add3A_986 : i32 to index
        %get3A_1045 = arith.constant 80 : index
        %get3A_1046 = tpu.vector_load %arg12[%get3A_1044, %get3A_1045] {strides = array<i32>} : memref<80x128xf32, #tpu.memory_space<vmem>>, vector<1x16xf32>,
        %get3A_1047 = vector.shape_cast %get3A_1046 : vector<1x16xf32> to vector<16xf32>
        %mul3A_1048 = vector.broadcast %squeeze3A_988 : f32 to vector<16xf32>
        %mul3A_1049 = arith.mulf %get3A_1047, %mul3A_1048 : vector<16xf32>
        %swap3A_1050 = arith.index_cast %add3A_986 : i32 to index
        %swap3A_1051 = arith.constant 80 : index
        %swap3A_1052 = tpu.vector_load %arg12[%swap3A_1050, %swap3A_1051] {strides = array<i32>} : memref<80x128xf32, #tpu.memory_space<vmem>>, vector<1x16xf32>,
        %swap3A_1053 = vector.shape_cast %swap3A_1052 : vector<1x16xf32> to vector<16xf32>
        %swap3A_1054 = vector.shape_cast %mul3A_1049 : vector<16xf32> to vector<1x16xf32>
        tpu.vector_store %arg12[%swap3A_1050, %swap3A_1051], %swap3A_1054 {strides = array<i32>} : memref<80x128xf32, #tpu.memory_space<vmem>>, vector<1x16xf32>,
        %get3A_1055 = arith.index_cast %add3A_986 : i32 to index
        %get3A_1056 = arith.constant 96 : index
        %get3A_1057 = tpu.vector_load %arg12[%get3A_1055, %get3A_1056] {strides = array<i32>} : memref<80x128xf32, #tpu.memory_space<vmem>>, vector<1x16xf32>,
        %get3A_1058 = vector.shape_cast %get3A_1057 : vector<1x16xf32> to vector<16xf32>
        %mul3A_1059 = vector.broadcast %squeeze3A_988 : f32 to vector<16xf32>
        %mul3A_1060 = arith.mulf %get3A_1058, %mul3A_1059 : vector<16xf32>
        %swap3A_1061 = arith.index_cast %add3A_986 : i32 to index
        %swap3A_1062 = arith.constant 96 : index
        %swap3A_1063 = tpu.vector_load %arg12[%swap3A_1061, %swap3A_1062] {strides = array<i32>} : memref<80x128xf32, #tpu.memory_space<vmem>>, vector<1x16xf32>,
        %swap3A_1064 = vector.shape_cast %swap3A_1063 : vector<1x16xf32> to vector<16xf32>
        %swap3A_1065 = vector.shape_cast %mul3A_1060 : vector<16xf32> to vector<1x16xf32>
        tpu.vector_store %arg12[%swap3A_1061, %swap3A_1062], %swap3A_1065 {strides = array<i32>} : memref<80x128xf32, #tpu.memory_space<vmem>>, vector<1x16xf32>,
        %get3A_1066 = arith.index_cast %add3A_986 : i32 to index
        %get3A_1067 = arith.constant 112 : index
        %get3A_1068 = tpu.vector_load %arg12[%get3A_1066, %get3A_1067] {strides = array<i32>} : memref<80x128xf32, #tpu.memory_space<vmem>>, vector<1x16xf32>,
        %get3A_1069 = vector.shape_cast %get3A_1068 : vector<1x16xf32> to vector<16xf32>
        %mul3A_1070 = vector.broadcast %squeeze3A_988 : f32 to vector<16xf32>
        %mul3A_1071 = arith.mulf %get3A_1069, %mul3A_1070 : vector<16xf32>
        %swap3A_1072 = arith.index_cast %add3A_986 : i32 to index
        %swap3A_1073 = arith.constant 112 : index
        %swap3A_1074 = tpu.vector_load %arg12[%swap3A_1072, %swap3A_1073] {strides = array<i32>} : memref<80x128xf32, #tpu.memory_space<vmem>>, vector<1x16xf32>,
        %swap3A_1075 = vector.shape_cast %swap3A_1074 : vector<1x16xf32> to vector<16xf32>
        %swap3A_1076 = vector.shape_cast %mul3A_1071 : vector<16xf32> to vector<1x16xf32>
        tpu.vector_store %arg12[%swap3A_1072, %swap3A_1073], %swap3A_1076 {strides = array<i32>} : memref<80x128xf32, #tpu.memory_space<vmem>>, vector<1x16xf32>,
        %mul3A_1077 = arith.constant 16 : i32
        %mul3A_1078 = arith.muli %scan3A_41, %mul3A_1077 : i32
        %add3A_1079 = arith.constant 11 : i32
        %add3A_1080 = arith.addi %mul3A_1078, %add3A_1079 : i32
        %slice3A_1081 = vector.extract_strided_slice %get3A_45 {offsets = [11], sizes = [1], strides = [1]} : vector<16xf32> to vector<1xf32>
        %squeeze3A_1082 = vector.extract %slice3A_1081[0] : f32 from vector<1xf32>
        %get3A_1083 = arith.index_cast %add3A_1080 : i32 to index
        %get3A_1084 = arith.constant 0 : index
        %get3A_1085 = tpu.vector_load %arg12[%get3A_1083, %get3A_1084] {strides = array<i32>} : memref<80x128xf32, #tpu.memory_space<vmem>>, vector<1x16xf32>,
        %get3A_1086 = vector.shape_cast %get3A_1085 : vector<1x16xf32> to vector<16xf32>
        %mul3A_1087 = vector.broadcast %squeeze3A_1082 : f32 to vector<16xf32>
        %mul3A_1088 = arith.mulf %get3A_1086, %mul3A_1087 : vector<16xf32>
        %swap3A_1089 = arith.index_cast %add3A_1080 : i32 to index
        %swap3A_1090 = arith.constant 0 : index
        %swap3A_1091 = tpu.vector_load %arg12[%swap3A_1089, %swap3A_1090] {strides = array<i32>} : memref<80x128xf32, #tpu.memory_space<vmem>>, vector<1x16xf32>,
        %swap3A_1092 = vector.shape_cast %swap3A_1091 : vector<1x16xf32> to vector<16xf32>
        %swap3A_1093 = vector.shape_cast %mul3A_1088 : vector<16xf32> to vector<1x16xf32>
        tpu.vector_store %arg12[%swap3A_1089, %swap3A_1090], %swap3A_1093 {strides = array<i32>} : memref<80x128xf32, #tpu.memory_space<vmem>>, vector<1x16xf32>,
        %get3A_1094 = arith.index_cast %add3A_1080 : i32 to index
        %get3A_1095 = arith.constant 16 : index
        %get3A_1096 = tpu.vector_load %arg12[%get3A_1094, %get3A_1095] {strides = array<i32>} : memref<80x128xf32, #tpu.memory_space<vmem>>, vector<1x16xf32>,
        %get3A_1097 = vector.shape_cast %get3A_1096 : vector<1x16xf32> to vector<16xf32>
        %mul3A_1098 = vector.broadcast %squeeze3A_1082 : f32 to vector<16xf32>
        %mul3A_1099 = arith.mulf %get3A_1097, %mul3A_1098 : vector<16xf32>
        %swap3A_1100 = arith.index_cast %add3A_1080 : i32 to index
        %swap3A_1101 = arith.constant 16 : index
        %swap3A_1102 = tpu.vector_load %arg12[%swap3A_1100, %swap3A_1101] {strides = array<i32>} : memref<80x128xf32, #tpu.memory_space<vmem>>, vector<1x16xf32>,
        %swap3A_1103 = vector.shape_cast %swap3A_1102 : vector<1x16xf32> to vector<16xf32>
        %swap3A_1104 = vector.shape_cast %mul3A_1099 : vector<16xf32> to vector<1x16xf32>
        tpu.vector_store %arg12[%swap3A_1100, %swap3A_1101], %swap3A_1104 {strides = array<i32>} : memref<80x128xf32, #tpu.memory_space<vmem>>, vector<1x16xf32>,
        %get3A_1105 = arith.index_cast %add3A_1080 : i32 to index
        %get3A_1106 = arith.constant 32 : index
        %get3A_1107 = tpu.vector_load %arg12[%get3A_1105, %get3A_1106] {strides = array<i32>} : memref<80x128xf32, #tpu.memory_space<vmem>>, vector<1x16xf32>,
        %get3A_1108 = vector.shape_cast %get3A_1107 : vector<1x16xf32> to vector<16xf32>
        %mul3A_1109 = vector.broadcast %squeeze3A_1082 : f32 to vector<16xf32>
        %mul3A_1110 = arith.mulf %get3A_1108, %mul3A_1109 : vector<16xf32>
        %swap3A_1111 = arith.index_cast %add3A_1080 : i32 to index
        %swap3A_1112 = arith.constant 32 : index
        %swap3A_1113 = tpu.vector_load %arg12[%swap3A_1111, %swap3A_1112] {strides = array<i32>} : memref<80x128xf32, #tpu.memory_space<vmem>>, vector<1x16xf32>,
        %swap3A_1114 = vector.shape_cast %swap3A_1113 : vector<1x16xf32> to vector<16xf32>
        %swap3A_1115 = vector.shape_cast %mul3A_1110 : vector<16xf32> to vector<1x16xf32>
        tpu.vector_store %arg12[%swap3A_1111, %swap3A_1112], %swap3A_1115 {strides = array<i32>} : memref<80x128xf32, #tpu.memory_space<vmem>>, vector<1x16xf32>,
        %get3A_1116 = arith.index_cast %add3A_1080 : i32 to index
        %get3A_1117 = arith.constant 48 : index
        %get3A_1118 = tpu.vector_load %arg12[%get3A_1116, %get3A_1117] {strides = array<i32>} : memref<80x128xf32, #tpu.memory_space<vmem>>, vector<1x16xf32>,
        %get3A_1119 = vector.shape_cast %get3A_1118 : vector<1x16xf32> to vector<16xf32>
        %mul3A_1120 = vector.broadcast %squeeze3A_1082 : f32 to vector<16xf32>
        %mul3A_1121 = arith.mulf %get3A_1119, %mul3A_1120 : vector<16xf32>
        %swap3A_1122 = arith.index_cast %add3A_1080 : i32 to index
        %swap3A_1123 = arith.constant 48 : index
        %swap3A_1124 = tpu.vector_load %arg12[%swap3A_1122, %swap3A_1123] {strides = array<i32>} : memref<80x128xf32, #tpu.memory_space<vmem>>, vector<1x16xf32>,
        %swap3A_1125 = vector.shape_cast %swap3A_1124 : vector<1x16xf32> to vector<16xf32>
        %swap3A_1126 = vector.shape_cast %mul3A_1121 : vector<16xf32> to vector<1x16xf32>
        tpu.vector_store %arg12[%swap3A_1122, %swap3A_1123], %swap3A_1126 {strides = array<i32>} : memref<80x128xf32, #tpu.memory_space<vmem>>, vector<1x16xf32>,
        %get3A_1127 = arith.index_cast %add3A_1080 : i32 to index
        %get3A_1128 = arith.constant 64 : index
        %get3A_1129 = tpu.vector_load %arg12[%get3A_1127, %get3A_1128] {strides = array<i32>} : memref<80x128xf32, #tpu.memory_space<vmem>>, vector<1x16xf32>,
        %get3A_1130 = vector.shape_cast %get3A_1129 : vector<1x16xf32> to vector<16xf32>
        %mul3A_1131 = vector.broadcast %squeeze3A_1082 : f32 to vector<16xf32>
        %mul3A_1132 = arith.mulf %get3A_1130, %mul3A_1131 : vector<16xf32>
        %swap3A_1133 = arith.index_cast %add3A_1080 : i32 to index
        %swap3A_1134 = arith.constant 64 : index
        %swap3A_1135 = tpu.vector_load %arg12[%swap3A_1133, %swap3A_1134] {strides = array<i32>} : memref<80x128xf32, #tpu.memory_space<vmem>>, vector<1x16xf32>,
        %swap3A_1136 = vector.shape_cast %swap3A_1135 : vector<1x16xf32> to vector<16xf32>
        %swap3A_1137 = vector.shape_cast %mul3A_1132 : vector<16xf32> to vector<1x16xf32>
        tpu.vector_store %arg12[%swap3A_1133, %swap3A_1134], %swap3A_1137 {strides = array<i32>} : memref<80x128xf32, #tpu.memory_space<vmem>>, vector<1x16xf32>,
        %get3A_1138 = arith.index_cast %add3A_1080 : i32 to index
        %get3A_1139 = arith.constant 80 : index
        %get3A_1140 = tpu.vector_load %arg12[%get3A_1138, %get3A_1139] {strides = array<i32>} : memref<80x128xf32, #tpu.memory_space<vmem>>, vector<1x16xf32>,
        %get3A_1141 = vector.shape_cast %get3A_1140 : vector<1x16xf32> to vector<16xf32>
        %mul3A_1142 = vector.broadcast %squeeze3A_1082 : f32 to vector<16xf32>
        %mul3A_1143 = arith.mulf %get3A_1141, %mul3A_1142 : vector<16xf32>
        %swap3A_1144 = arith.index_cast %add3A_1080 : i32 to index
        %swap3A_1145 = arith.constant 80 : index
        %swap3A_1146 = tpu.vector_load %arg12[%swap3A_1144, %swap3A_1145] {strides = array<i32>} : memref<80x128xf32, #tpu.memory_space<vmem>>, vector<1x16xf32>,
        %swap3A_1147 = vector.shape_cast %swap3A_1146 : vector<1x16xf32> to vector<16xf32>
        %swap3A_1148 = vector.shape_cast %mul3A_1143 : vector<16xf32> to vector<1x16xf32>
        tpu.vector_store %arg12[%swap3A_1144, %swap3A_1145], %swap3A_1148 {strides = array<i32>} : memref<80x128xf32, #tpu.memory_space<vmem>>, vector<1x16xf32>,
        %get3A_1149 = arith.index_cast %add3A_1080 : i32 to index
        %get3A_1150 = arith.constant 96 : index
        %get3A_1151 = tpu.vector_load %arg12[%get3A_1149, %get3A_1150] {strides = array<i32>} : memref<80x128xf32, #tpu.memory_space<vmem>>, vector<1x16xf32>,
        %get3A_1152 = vector.shape_cast %get3A_1151 : vector<1x16xf32> to vector<16xf32>
        %mul3A_1153 = vector.broadcast %squeeze3A_1082 : f32 to vector<16xf32>
        %mul3A_1154 = arith.mulf %get3A_1152, %mul3A_1153 : vector<16xf32>
        %swap3A_1155 = arith.index_cast %add3A_1080 : i32 to index
        %swap3A_1156 = arith.constant 96 : index
        %swap3A_1157 = tpu.vector_load %arg12[%swap3A_1155, %swap3A_1156] {strides = array<i32>} : memref<80x128xf32, #tpu.memory_space<vmem>>, vector<1x16xf32>,
        %swap3A_1158 = vector.shape_cast %swap3A_1157 : vector<1x16xf32> to vector<16xf32>
        %swap3A_1159 = vector.shape_cast %mul3A_1154 : vector<16xf32> to vector<1x16xf32>
        tpu.vector_store %arg12[%swap3A_1155, %swap3A_1156], %swap3A_1159 {strides = array<i32>} : memref<80x128xf32, #tpu.memory_space<vmem>>, vector<1x16xf32>,
        %get3A_1160 = arith.index_cast %add3A_1080 : i32 to index
        %get3A_1161 = arith.constant 112 : index
        %get3A_1162 = tpu.vector_load %arg12[%get3A_1160, %get3A_1161] {strides = array<i32>} : memref<80x128xf32, #tpu.memory_space<vmem>>, vector<1x16xf32>,
        %get3A_1163 = vector.shape_cast %get3A_1162 : vector<1x16xf32> to vector<16xf32>
        %mul3A_1164 = vector.broadcast %squeeze3A_1082 : f32 to vector<16xf32>
        %mul3A_1165 = arith.mulf %get3A_1163, %mul3A_1164 : vector<16xf32>
        %swap3A_1166 = arith.index_cast %add3A_1080 : i32 to index
        %swap3A_1167 = arith.constant 112 : index
        %swap3A_1168 = tpu.vector_load %arg12[%swap3A_1166, %swap3A_1167] {strides = array<i32>} : memref<80x128xf32, #tpu.memory_space<vmem>>, vector<1x16xf32>,
        %swap3A_1169 = vector.shape_cast %swap3A_1168 : vector<1x16xf32> to vector<16xf32>
        %swap3A_1170 = vector.shape_cast %mul3A_1165 : vector<16xf32> to vector<1x16xf32>
        tpu.vector_store %arg12[%swap3A_1166, %swap3A_1167], %swap3A_1170 {strides = array<i32>} : memref<80x128xf32, #tpu.memory_space<vmem>>, vector<1x16xf32>,
        %mul3A_1171 = arith.constant 16 : i32
        %mul3A_1172 = arith.muli %scan3A_41, %mul3A_1171 : i32
        %add3A_1173 = arith.constant 12 : i32
        %add3A_1174 = arith.addi %mul3A_1172, %add3A_1173 : i32
        %slice3A_1175 = vector.extract_strided_slice %get3A_45 {offsets = [12], sizes = [1], strides = [1]} : vector<16xf32> to vector<1xf32>
        %squeeze3A_1176 = vector.extract %slice3A_1175[0] : f32 from vector<1xf32>
        %get3A_1177 = arith.index_cast %add3A_1174 : i32 to index
        %get3A_1178 = arith.constant 0 : index
        %get3A_1179 = tpu.vector_load %arg12[%get3A_1177, %get3A_1178] {strides = array<i32>} : memref<80x128xf32, #tpu.memory_space<vmem>>, vector<1x16xf32>,
        %get3A_1180 = vector.shape_cast %get3A_1179 : vector<1x16xf32> to vector<16xf32>
        %mul3A_1181 = vector.broadcast %squeeze3A_1176 : f32 to vector<16xf32>
        %mul3A_1182 = arith.mulf %get3A_1180, %mul3A_1181 : vector<16xf32>
        %swap3A_1183 = arith.index_cast %add3A_1174 : i32 to index
        %swap3A_1184 = arith.constant 0 : index
        %swap3A_1185 = tpu.vector_load %arg12[%swap3A_1183, %swap3A_1184] {strides = array<i32>} : memref<80x128xf32, #tpu.memory_space<vmem>>, vector<1x16xf32>,
        %swap3A_1186 = vector.shape_cast %swap3A_1185 : vector<1x16xf32> to vector<16xf32>
        %swap3A_1187 = vector.shape_cast %mul3A_1182 : vector<16xf32> to vector<1x16xf32>
        tpu.vector_store %arg12[%swap3A_1183, %swap3A_1184], %swap3A_1187 {strides = array<i32>} : memref<80x128xf32, #tpu.memory_space<vmem>>, vector<1x16xf32>,
        %get3A_1188 = arith.index_cast %add3A_1174 : i32 to index
        %get3A_1189 = arith.constant 16 : index
        %get3A_1190 = tpu.vector_load %arg12[%get3A_1188, %get3A_1189] {strides = array<i32>} : memref<80x128xf32, #tpu.memory_space<vmem>>, vector<1x16xf32>,
        %get3A_1191 = vector.shape_cast %get3A_1190 : vector<1x16xf32> to vector<16xf32>
        %mul3A_1192 = vector.broadcast %squeeze3A_1176 : f32 to vector<16xf32>
        %mul3A_1193 = arith.mulf %get3A_1191, %mul3A_1192 : vector<16xf32>
        %swap3A_1194 = arith.index_cast %add3A_1174 : i32 to index
        %swap3A_1195 = arith.constant 16 : index
        %swap3A_1196 = tpu.vector_load %arg12[%swap3A_1194, %swap3A_1195] {strides = array<i32>} : memref<80x128xf32, #tpu.memory_space<vmem>>, vector<1x16xf32>,
        %swap3A_1197 = vector.shape_cast %swap3A_1196 : vector<1x16xf32> to vector<16xf32>
        %swap3A_1198 = vector.shape_cast %mul3A_1193 : vector<16xf32> to vector<1x16xf32>
        tpu.vector_store %arg12[%swap3A_1194, %swap3A_1195], %swap3A_1198 {strides = array<i32>} : memref<80x128xf32, #tpu.memory_space<vmem>>, vector<1x16xf32>,
        %get3A_1199 = arith.index_cast %add3A_1174 : i32 to index
        %get3A_1200 = arith.constant 32 : index
        %get3A_1201 = tpu.vector_load %arg12[%get3A_1199, %get3A_1200] {strides = array<i32>} : memref<80x128xf32, #tpu.memory_space<vmem>>, vector<1x16xf32>,
        %get3A_1202 = vector.shape_cast %get3A_1201 : vector<1x16xf32> to vector<16xf32>
        %mul3A_1203 = vector.broadcast %squeeze3A_1176 : f32 to vector<16xf32>
        %mul3A_1204 = arith.mulf %get3A_1202, %mul3A_1203 : vector<16xf32>
        %swap3A_1205 = arith.index_cast %add3A_1174 : i32 to index
        %swap3A_1206 = arith.constant 32 : index
        %swap3A_1207 = tpu.vector_load %arg12[%swap3A_1205, %swap3A_1206] {strides = array<i32>} : memref<80x128xf32, #tpu.memory_space<vmem>>, vector<1x16xf32>,
        %swap3A_1208 = vector.shape_cast %swap3A_1207 : vector<1x16xf32> to vector<16xf32>
        %swap3A_1209 = vector.shape_cast %mul3A_1204 : vector<16xf32> to vector<1x16xf32>
        tpu.vector_store %arg12[%swap3A_1205, %swap3A_1206], %swap3A_1209 {strides = array<i32>} : memref<80x128xf32, #tpu.memory_space<vmem>>, vector<1x16xf32>,
        %get3A_1210 = arith.index_cast %add3A_1174 : i32 to index
        %get3A_1211 = arith.constant 48 : index
        %get3A_1212 = tpu.vector_load %arg12[%get3A_1210, %get3A_1211] {strides = array<i32>} : memref<80x128xf32, #tpu.memory_space<vmem>>, vector<1x16xf32>,
        %get3A_1213 = vector.shape_cast %get3A_1212 : vector<1x16xf32> to vector<16xf32>
        %mul3A_1214 = vector.broadcast %squeeze3A_1176 : f32 to vector<16xf32>
        %mul3A_1215 = arith.mulf %get3A_1213, %mul3A_1214 : vector<16xf32>
        %swap3A_1216 = arith.index_cast %add3A_1174 : i32 to index
        %swap3A_1217 = arith.constant 48 : index
        %swap3A_1218 = tpu.vector_load %arg12[%swap3A_1216, %swap3A_1217] {strides = array<i32>} : memref<80x128xf32, #tpu.memory_space<vmem>>, vector<1x16xf32>,
        %swap3A_1219 = vector.shape_cast %swap3A_1218 : vector<1x16xf32> to vector<16xf32>
        %swap3A_1220 = vector.shape_cast %mul3A_1215 : vector<16xf32> to vector<1x16xf32>
        tpu.vector_store %arg12[%swap3A_1216, %swap3A_1217], %swap3A_1220 {strides = array<i32>} : memref<80x128xf32, #tpu.memory_space<vmem>>, vector<1x16xf32>,
        %get3A_1221 = arith.index_cast %add3A_1174 : i32 to index
        %get3A_1222 = arith.constant 64 : index
        %get3A_1223 = tpu.vector_load %arg12[%get3A_1221, %get3A_1222] {strides = array<i32>} : memref<80x128xf32, #tpu.memory_space<vmem>>, vector<1x16xf32>,
        %get3A_1224 = vector.shape_cast %get3A_1223 : vector<1x16xf32> to vector<16xf32>
        %mul3A_1225 = vector.broadcast %squeeze3A_1176 : f32 to vector<16xf32>
        %mul3A_1226 = arith.mulf %get3A_1224, %mul3A_1225 : vector<16xf32>
        %swap3A_1227 = arith.index_cast %add3A_1174 : i32 to index
        %swap3A_1228 = arith.constant 64 : index
        %swap3A_1229 = tpu.vector_load %arg12[%swap3A_1227, %swap3A_1228] {strides = array<i32>} : memref<80x128xf32, #tpu.memory_space<vmem>>, vector<1x16xf32>,
        %swap3A_1230 = vector.shape_cast %swap3A_1229 : vector<1x16xf32> to vector<16xf32>
        %swap3A_1231 = vector.shape_cast %mul3A_1226 : vector<16xf32> to vector<1x16xf32>
        tpu.vector_store %arg12[%swap3A_1227, %swap3A_1228], %swap3A_1231 {strides = array<i32>} : memref<80x128xf32, #tpu.memory_space<vmem>>, vector<1x16xf32>,
        %get3A_1232 = arith.index_cast %add3A_1174 : i32 to index
        %get3A_1233 = arith.constant 80 : index
        %get3A_1234 = tpu.vector_load %arg12[%get3A_1232, %get3A_1233] {strides = array<i32>} : memref<80x128xf32, #tpu.memory_space<vmem>>, vector<1x16xf32>,
        %get3A_1235 = vector.shape_cast %get3A_1234 : vector<1x16xf32> to vector<16xf32>
        %mul3A_1236 = vector.broadcast %squeeze3A_1176 : f32 to vector<16xf32>
        %mul3A_1237 = arith.mulf %get3A_1235, %mul3A_1236 : vector<16xf32>
        %swap3A_1238 = arith.index_cast %add3A_1174 : i32 to index
        %swap3A_1239 = arith.constant 80 : index
        %swap3A_1240 = tpu.vector_load %arg12[%swap3A_1238, %swap3A_1239] {strides = array<i32>} : memref<80x128xf32, #tpu.memory_space<vmem>>, vector<1x16xf32>,
        %swap3A_1241 = vector.shape_cast %swap3A_1240 : vector<1x16xf32> to vector<16xf32>
        %swap3A_1242 = vector.shape_cast %mul3A_1237 : vector<16xf32> to vector<1x16xf32>
        tpu.vector_store %arg12[%swap3A_1238, %swap3A_1239], %swap3A_1242 {strides = array<i32>} : memref<80x128xf32, #tpu.memory_space<vmem>>, vector<1x16xf32>,
        %get3A_1243 = arith.index_cast %add3A_1174 : i32 to index
        %get3A_1244 = arith.constant 96 : index
        %get3A_1245 = tpu.vector_load %arg12[%get3A_1243, %get3A_1244] {strides = array<i32>} : memref<80x128xf32, #tpu.memory_space<vmem>>, vector<1x16xf32>,
        %get3A_1246 = vector.shape_cast %get3A_1245 : vector<1x16xf32> to vector<16xf32>
        %mul3A_1247 = vector.broadcast %squeeze3A_1176 : f32 to vector<16xf32>
        %mul3A_1248 = arith.mulf %get3A_1246, %mul3A_1247 : vector<16xf32>
        %swap3A_1249 = arith.index_cast %add3A_1174 : i32 to index
        %swap3A_1250 = arith.constant 96 : index
        %swap3A_1251 = tpu.vector_load %arg12[%swap3A_1249, %swap3A_1250] {strides = array<i32>} : memref<80x128xf32, #tpu.memory_space<vmem>>, vector<1x16xf32>,
        %swap3A_1252 = vector.shape_cast %swap3A_1251 : vector<1x16xf32> to vector<16xf32>
        %swap3A_1253 = vector.shape_cast %mul3A_1248 : vector<16xf32> to vector<1x16xf32>
        tpu.vector_store %arg12[%swap3A_1249, %swap3A_1250], %swap3A_1253 {strides = array<i32>} : memref<80x128xf32, #tpu.memory_space<vmem>>, vector<1x16xf32>,
        %get3A_1254 = arith.index_cast %add3A_1174 : i32 to index
        %get3A_1255 = arith.constant 112 : index
        %get3A_1256 = tpu.vector_load %arg12[%get3A_1254, %get3A_1255] {strides = array<i32>} : memref<80x128xf32, #tpu.memory_space<vmem>>, vector<1x16xf32>,
        %get3A_1257 = vector.shape_cast %get3A_1256 : vector<1x16xf32> to vector<16xf32>
        %mul3A_1258 = vector.broadcast %squeeze3A_1176 : f32 to vector<16xf32>
        %mul3A_1259 = arith.mulf %get3A_1257, %mul3A_1258 : vector<16xf32>
        %swap3A_1260 = arith.index_cast %add3A_1174 : i32 to index
        %swap3A_1261 = arith.constant 112 : index
        %swap3A_1262 = tpu.vector_load %arg12[%swap3A_1260, %swap3A_1261] {strides = array<i32>} : memref<80x128xf32, #tpu.memory_space<vmem>>, vector<1x16xf32>,
        %swap3A_1263 = vector.shape_cast %swap3A_1262 : vector<1x16xf32> to vector<16xf32>
        %swap3A_1264 = vector.shape_cast %mul3A_1259 : vector<16xf32> to vector<1x16xf32>
        tpu.vector_store %arg12[%swap3A_1260, %swap3A_1261], %swap3A_1264 {strides = array<i32>} : memref<80x128xf32, #tpu.memory_space<vmem>>, vector<1x16xf32>,
        %mul3A_1265 = arith.constant 16 : i32
        %mul3A_1266 = arith.muli %scan3A_41, %mul3A_1265 : i32
        %add3A_1267 = arith.constant 13 : i32
        %add3A_1268 = arith.addi %mul3A_1266, %add3A_1267 : i32
        %slice3A_1269 = vector.extract_strided_slice %get3A_45 {offsets = [13], sizes = [1], strides = [1]} : vector<16xf32> to vector<1xf32>
        %squeeze3A_1270 = vector.extract %slice3A_1269[0] : f32 from vector<1xf32>
        %get3A_1271 = arith.index_cast %add3A_1268 : i32 to index
        %get3A_1272 = arith.constant 0 : index
        %get3A_1273 = tpu.vector_load %arg12[%get3A_1271, %get3A_1272] {strides = array<i32>} : memref<80x128xf32, #tpu.memory_space<vmem>>, vector<1x16xf32>,
        %get3A_1274 = vector.shape_cast %get3A_1273 : vector<1x16xf32> to vector<16xf32>
        %mul3A_1275 = vector.broadcast %squeeze3A_1270 : f32 to vector<16xf32>
        %mul3A_1276 = arith.mulf %get3A_1274, %mul3A_1275 : vector<16xf32>
        %swap3A_1277 = arith.index_cast %add3A_1268 : i32 to index
        %swap3A_1278 = arith.constant 0 : index
        %swap3A_1279 = tpu.vector_load %arg12[%swap3A_1277, %swap3A_1278] {strides = array<i32>} : memref<80x128xf32, #tpu.memory_space<vmem>>, vector<1x16xf32>,
        %swap3A_1280 = vector.shape_cast %swap3A_1279 : vector<1x16xf32> to vector<16xf32>
        %swap3A_1281 = vector.shape_cast %mul3A_1276 : vector<16xf32> to vector<1x16xf32>
        tpu.vector_store %arg12[%swap3A_1277, %swap3A_1278], %swap3A_1281 {strides = array<i32>} : memref<80x128xf32, #tpu.memory_space<vmem>>, vector<1x16xf32>,
        %get3A_1282 = arith.index_cast %add3A_1268 : i32 to index
        %get3A_1283 = arith.constant 16 : index
        %get3A_1284 = tpu.vector_load %arg12[%get3A_1282, %get3A_1283] {strides = array<i32>} : memref<80x128xf32, #tpu.memory_space<vmem>>, vector<1x16xf32>,
        %get3A_1285 = vector.shape_cast %get3A_1284 : vector<1x16xf32> to vector<16xf32>
        %mul3A_1286 = vector.broadcast %squeeze3A_1270 : f32 to vector<16xf32>
        %mul3A_1287 = arith.mulf %get3A_1285, %mul3A_1286 : vector<16xf32>
        %swap3A_1288 = arith.index_cast %add3A_1268 : i32 to index
        %swap3A_1289 = arith.constant 16 : index
        %swap3A_1290 = tpu.vector_load %arg12[%swap3A_1288, %swap3A_1289] {strides = array<i32>} : memref<80x128xf32, #tpu.memory_space<vmem>>, vector<1x16xf32>,
        %swap3A_1291 = vector.shape_cast %swap3A_1290 : vector<1x16xf32> to vector<16xf32>
        %swap3A_1292 = vector.shape_cast %mul3A_1287 : vector<16xf32> to vector<1x16xf32>
        tpu.vector_store %arg12[%swap3A_1288, %swap3A_1289], %swap3A_1292 {strides = array<i32>} : memref<80x128xf32, #tpu.memory_space<vmem>>, vector<1x16xf32>,
        %get3A_1293 = arith.index_cast %add3A_1268 : i32 to index
        %get3A_1294 = arith.constant 32 : index
        %get3A_1295 = tpu.vector_load %arg12[%get3A_1293, %get3A_1294] {strides = array<i32>} : memref<80x128xf32, #tpu.memory_space<vmem>>, vector<1x16xf32>,
        %get3A_1296 = vector.shape_cast %get3A_1295 : vector<1x16xf32> to vector<16xf32>
        %mul3A_1297 = vector.broadcast %squeeze3A_1270 : f32 to vector<16xf32>
        %mul3A_1298 = arith.mulf %get3A_1296, %mul3A_1297 : vector<16xf32>
        %swap3A_1299 = arith.index_cast %add3A_1268 : i32 to index
        %swap3A_1300 = arith.constant 32 : index
        %swap3A_1301 = tpu.vector_load %arg12[%swap3A_1299, %swap3A_1300] {strides = array<i32>} : memref<80x128xf32, #tpu.memory_space<vmem>>, vector<1x16xf32>,
        %swap3A_1302 = vector.shape_cast %swap3A_1301 : vector<1x16xf32> to vector<16xf32>
        %swap3A_1303 = vector.shape_cast %mul3A_1298 : vector<16xf32> to vector<1x16xf32>
        tpu.vector_store %arg12[%swap3A_1299, %swap3A_1300], %swap3A_1303 {strides = array<i32>} : memref<80x128xf32, #tpu.memory_space<vmem>>, vector<1x16xf32>,
        %get3A_1304 = arith.index_cast %add3A_1268 : i32 to index
        %get3A_1305 = arith.constant 48 : index
        %get3A_1306 = tpu.vector_load %arg12[%get3A_1304, %get3A_1305] {strides = array<i32>} : memref<80x128xf32, #tpu.memory_space<vmem>>, vector<1x16xf32>,
        %get3A_1307 = vector.shape_cast %get3A_1306 : vector<1x16xf32> to vector<16xf32>
        %mul3A_1308 = vector.broadcast %squeeze3A_1270 : f32 to vector<16xf32>
        %mul3A_1309 = arith.mulf %get3A_1307, %mul3A_1308 : vector<16xf32>
        %swap3A_1310 = arith.index_cast %add3A_1268 : i32 to index
        %swap3A_1311 = arith.constant 48 : index
        %swap3A_1312 = tpu.vector_load %arg12[%swap3A_1310, %swap3A_1311] {strides = array<i32>} : memref<80x128xf32, #tpu.memory_space<vmem>>, vector<1x16xf32>,
        %swap3A_1313 = vector.shape_cast %swap3A_1312 : vector<1x16xf32> to vector<16xf32>
        %swap3A_1314 = vector.shape_cast %mul3A_1309 : vector<16xf32> to vector<1x16xf32>
        tpu.vector_store %arg12[%swap3A_1310, %swap3A_1311], %swap3A_1314 {strides = array<i32>} : memref<80x128xf32, #tpu.memory_space<vmem>>, vector<1x16xf32>,
        %get3A_1315 = arith.index_cast %add3A_1268 : i32 to index
        %get3A_1316 = arith.constant 64 : index
        %get3A_1317 = tpu.vector_load %arg12[%get3A_1315, %get3A_1316] {strides = array<i32>} : memref<80x128xf32, #tpu.memory_space<vmem>>, vector<1x16xf32>,
        %get3A_1318 = vector.shape_cast %get3A_1317 : vector<1x16xf32> to vector<16xf32>
        %mul3A_1319 = vector.broadcast %squeeze3A_1270 : f32 to vector<16xf32>
        %mul3A_1320 = arith.mulf %get3A_1318, %mul3A_1319 : vector<16xf32>
        %swap3A_1321 = arith.index_cast %add3A_1268 : i32 to index
        %swap3A_1322 = arith.constant 64 : index
        %swap3A_1323 = tpu.vector_load %arg12[%swap3A_1321, %swap3A_1322] {strides = array<i32>} : memref<80x128xf32, #tpu.memory_space<vmem>>, vector<1x16xf32>,
        %swap3A_1324 = vector.shape_cast %swap3A_1323 : vector<1x16xf32> to vector<16xf32>
        %swap3A_1325 = vector.shape_cast %mul3A_1320 : vector<16xf32> to vector<1x16xf32>
        tpu.vector_store %arg12[%swap3A_1321, %swap3A_1322], %swap3A_1325 {strides = array<i32>} : memref<80x128xf32, #tpu.memory_space<vmem>>, vector<1x16xf32>,
        %get3A_1326 = arith.index_cast %add3A_1268 : i32 to index
        %get3A_1327 = arith.constant 80 : index
        %get3A_1328 = tpu.vector_load %arg12[%get3A_1326, %get3A_1327] {strides = array<i32>} : memref<80x128xf32, #tpu.memory_space<vmem>>, vector<1x16xf32>,
        %get3A_1329 = vector.shape_cast %get3A_1328 : vector<1x16xf32> to vector<16xf32>
        %mul3A_1330 = vector.broadcast %squeeze3A_1270 : f32 to vector<16xf32>
        %mul3A_1331 = arith.mulf %get3A_1329, %mul3A_1330 : vector<16xf32>
        %swap3A_1332 = arith.index_cast %add3A_1268 : i32 to index
        %swap3A_1333 = arith.constant 80 : index
        %swap3A_1334 = tpu.vector_load %arg12[%swap3A_1332, %swap3A_1333] {strides = array<i32>} : memref<80x128xf32, #tpu.memory_space<vmem>>, vector<1x16xf32>,
        %swap3A_1335 = vector.shape_cast %swap3A_1334 : vector<1x16xf32> to vector<16xf32>
        %swap3A_1336 = vector.shape_cast %mul3A_1331 : vector<16xf32> to vector<1x16xf32>
        tpu.vector_store %arg12[%swap3A_1332, %swap3A_1333], %swap3A_1336 {strides = array<i32>} : memref<80x128xf32, #tpu.memory_space<vmem>>, vector<1x16xf32>,
        %get3A_1337 = arith.index_cast %add3A_1268 : i32 to index
        %get3A_1338 = arith.constant 96 : index
        %get3A_1339 = tpu.vector_load %arg12[%get3A_1337, %get3A_1338] {strides = array<i32>} : memref<80x128xf32, #tpu.memory_space<vmem>>, vector<1x16xf32>,
        %get3A_1340 = vector.shape_cast %get3A_1339 : vector<1x16xf32> to vector<16xf32>
        %mul3A_1341 = vector.broadcast %squeeze3A_1270 : f32 to vector<16xf32>
        %mul3A_1342 = arith.mulf %get3A_1340, %mul3A_1341 : vector<16xf32>
        %swap3A_1343 = arith.index_cast %add3A_1268 : i32 to index
        %swap3A_1344 = arith.constant 96 : index
        %swap3A_1345 = tpu.vector_load %arg12[%swap3A_1343, %swap3A_1344] {strides = array<i32>} : memref<80x128xf32, #tpu.memory_space<vmem>>, vector<1x16xf32>,
        %swap3A_1346 = vector.shape_cast %swap3A_1345 : vector<1x16xf32> to vector<16xf32>
        %swap3A_1347 = vector.shape_cast %mul3A_1342 : vector<16xf32> to vector<1x16xf32>
        tpu.vector_store %arg12[%swap3A_1343, %swap3A_1344], %swap3A_1347 {strides = array<i32>} : memref<80x128xf32, #tpu.memory_space<vmem>>, vector<1x16xf32>,
        %get3A_1348 = arith.index_cast %add3A_1268 : i32 to index
        %get3A_1349 = arith.constant 112 : index
        %get3A_1350 = tpu.vector_load %arg12[%get3A_1348, %get3A_1349] {strides = array<i32>} : memref<80x128xf32, #tpu.memory_space<vmem>>, vector<1x16xf32>,
        %get3A_1351 = vector.shape_cast %get3A_1350 : vector<1x16xf32> to vector<16xf32>
        %mul3A_1352 = vector.broadcast %squeeze3A_1270 : f32 to vector<16xf32>
        %mul3A_1353 = arith.mulf %get3A_1351, %mul3A_1352 : vector<16xf32>
        %swap3A_1354 = arith.index_cast %add3A_1268 : i32 to index
        %swap3A_1355 = arith.constant 112 : index
        %swap3A_1356 = tpu.vector_load %arg12[%swap3A_1354, %swap3A_1355] {strides = array<i32>} : memref<80x128xf32, #tpu.memory_space<vmem>>, vector<1x16xf32>,
        %swap3A_1357 = vector.shape_cast %swap3A_1356 : vector<1x16xf32> to vector<16xf32>
        %swap3A_1358 = vector.shape_cast %mul3A_1353 : vector<16xf32> to vector<1x16xf32>
        tpu.vector_store %arg12[%swap3A_1354, %swap3A_1355], %swap3A_1358 {strides = array<i32>} : memref<80x128xf32, #tpu.memory_space<vmem>>, vector<1x16xf32>,
        %mul3A_1359 = arith.constant 16 : i32
        %mul3A_1360 = arith.muli %scan3A_41, %mul3A_1359 : i32
        %add3A_1361 = arith.constant 14 : i32
        %add3A_1362 = arith.addi %mul3A_1360, %add3A_1361 : i32
        %slice3A_1363 = vector.extract_strided_slice %get3A_45 {offsets = [14], sizes = [1], strides = [1]} : vector<16xf32> to vector<1xf32>
        %squeeze3A_1364 = vector.extract %slice3A_1363[0] : f32 from vector<1xf32>
        %get3A_1365 = arith.index_cast %add3A_1362 : i32 to index
        %get3A_1366 = arith.constant 0 : index
        %get3A_1367 = tpu.vector_load %arg12[%get3A_1365, %get3A_1366] {strides = array<i32>} : memref<80x128xf32, #tpu.memory_space<vmem>>, vector<1x16xf32>,
        %get3A_1368 = vector.shape_cast %get3A_1367 : vector<1x16xf32> to vector<16xf32>
        %mul3A_1369 = vector.broadcast %squeeze3A_1364 : f32 to vector<16xf32>
        %mul3A_1370 = arith.mulf %get3A_1368, %mul3A_1369 : vector<16xf32>
        %swap3A_1371 = arith.index_cast %add3A_1362 : i32 to index
        %swap3A_1372 = arith.constant 0 : index
        %swap3A_1373 = tpu.vector_load %arg12[%swap3A_1371, %swap3A_1372] {strides = array<i32>} : memref<80x128xf32, #tpu.memory_space<vmem>>, vector<1x16xf32>,
        %swap3A_1374 = vector.shape_cast %swap3A_1373 : vector<1x16xf32> to vector<16xf32>
        %swap3A_1375 = vector.shape_cast %mul3A_1370 : vector<16xf32> to vector<1x16xf32>
        tpu.vector_store %arg12[%swap3A_1371, %swap3A_1372], %swap3A_1375 {strides = array<i32>} : memref<80x128xf32, #tpu.memory_space<vmem>>, vector<1x16xf32>,
        %get3A_1376 = arith.index_cast %add3A_1362 : i32 to index
        %get3A_1377 = arith.constant 16 : index
        %get3A_1378 = tpu.vector_load %arg12[%get3A_1376, %get3A_1377] {strides = array<i32>} : memref<80x128xf32, #tpu.memory_space<vmem>>, vector<1x16xf32>,
        %get3A_1379 = vector.shape_cast %get3A_1378 : vector<1x16xf32> to vector<16xf32>
        %mul3A_1380 = vector.broadcast %squeeze3A_1364 : f32 to vector<16xf32>
        %mul3A_1381 = arith.mulf %get3A_1379, %mul3A_1380 : vector<16xf32>
        %swap3A_1382 = arith.index_cast %add3A_1362 : i32 to index
        %swap3A_1383 = arith.constant 16 : index
        %swap3A_1384 = tpu.vector_load %arg12[%swap3A_1382, %swap3A_1383] {strides = array<i32>} : memref<80x128xf32, #tpu.memory_space<vmem>>, vector<1x16xf32>,
        %swap3A_1385 = vector.shape_cast %swap3A_1384 : vector<1x16xf32> to vector<16xf32>
        %swap3A_1386 = vector.shape_cast %mul3A_1381 : vector<16xf32> to vector<1x16xf32>
        tpu.vector_store %arg12[%swap3A_1382, %swap3A_1383], %swap3A_1386 {strides = array<i32>} : memref<80x128xf32, #tpu.memory_space<vmem>>, vector<1x16xf32>,
        %get3A_1387 = arith.index_cast %add3A_1362 : i32 to index
        %get3A_1388 = arith.constant 32 : index
        %get3A_1389 = tpu.vector_load %arg12[%get3A_1387, %get3A_1388] {strides = array<i32>} : memref<80x128xf32, #tpu.memory_space<vmem>>, vector<1x16xf32>,
        %get3A_1390 = vector.shape_cast %get3A_1389 : vector<1x16xf32> to vector<16xf32>
        %mul3A_1391 = vector.broadcast %squeeze3A_1364 : f32 to vector<16xf32>
        %mul3A_1392 = arith.mulf %get3A_1390, %mul3A_1391 : vector<16xf32>
        %swap3A_1393 = arith.index_cast %add3A_1362 : i32 to index
        %swap3A_1394 = arith.constant 32 : index
        %swap3A_1395 = tpu.vector_load %arg12[%swap3A_1393, %swap3A_1394] {strides = array<i32>} : memref<80x128xf32, #tpu.memory_space<vmem>>, vector<1x16xf32>,
        %swap3A_1396 = vector.shape_cast %swap3A_1395 : vector<1x16xf32> to vector<16xf32>
        %swap3A_1397 = vector.shape_cast %mul3A_1392 : vector<16xf32> to vector<1x16xf32>
        tpu.vector_store %arg12[%swap3A_1393, %swap3A_1394], %swap3A_1397 {strides = array<i32>} : memref<80x128xf32, #tpu.memory_space<vmem>>, vector<1x16xf32>,
        %get3A_1398 = arith.index_cast %add3A_1362 : i32 to index
        %get3A_1399 = arith.constant 48 : index
        %get3A_1400 = tpu.vector_load %arg12[%get3A_1398, %get3A_1399] {strides = array<i32>} : memref<80x128xf32, #tpu.memory_space<vmem>>, vector<1x16xf32>,
        %get3A_1401 = vector.shape_cast %get3A_1400 : vector<1x16xf32> to vector<16xf32>
        %mul3A_1402 = vector.broadcast %squeeze3A_1364 : f32 to vector<16xf32>
        %mul3A_1403 = arith.mulf %get3A_1401, %mul3A_1402 : vector<16xf32>
        %swap3A_1404 = arith.index_cast %add3A_1362 : i32 to index
        %swap3A_1405 = arith.constant 48 : index
        %swap3A_1406 = tpu.vector_load %arg12[%swap3A_1404, %swap3A_1405] {strides = array<i32>} : memref<80x128xf32, #tpu.memory_space<vmem>>, vector<1x16xf32>,
        %swap3A_1407 = vector.shape_cast %swap3A_1406 : vector<1x16xf32> to vector<16xf32>
        %swap3A_1408 = vector.shape_cast %mul3A_1403 : vector<16xf32> to vector<1x16xf32>
        tpu.vector_store %arg12[%swap3A_1404, %swap3A_1405], %swap3A_1408 {strides = array<i32>} : memref<80x128xf32, #tpu.memory_space<vmem>>, vector<1x16xf32>,
        %get3A_1409 = arith.index_cast %add3A_1362 : i32 to index
        %get3A_1410 = arith.constant 64 : index
        %get3A_1411 = tpu.vector_load %arg12[%get3A_1409, %get3A_1410] {strides = array<i32>} : memref<80x128xf32, #tpu.memory_space<vmem>>, vector<1x16xf32>,
        %get3A_1412 = vector.shape_cast %get3A_1411 : vector<1x16xf32> to vector<16xf32>
        %mul3A_1413 = vector.broadcast %squeeze3A_1364 : f32 to vector<16xf32>
        %mul3A_1414 = arith.mulf %get3A_1412, %mul3A_1413 : vector<16xf32>
        %swap3A_1415 = arith.index_cast %add3A_1362 : i32 to index
        %swap3A_1416 = arith.constant 64 : index
        %swap3A_1417 = tpu.vector_load %arg12[%swap3A_1415, %swap3A_1416] {strides = array<i32>} : memref<80x128xf32, #tpu.memory_space<vmem>>, vector<1x16xf32>,
        %swap3A_1418 = vector.shape_cast %swap3A_1417 : vector<1x16xf32> to vector<16xf32>
        %swap3A_1419 = vector.shape_cast %mul3A_1414 : vector<16xf32> to vector<1x16xf32>
        tpu.vector_store %arg12[%swap3A_1415, %swap3A_1416], %swap3A_1419 {strides = array<i32>} : memref<80x128xf32, #tpu.memory_space<vmem>>, vector<1x16xf32>,
        %get3A_1420 = arith.index_cast %add3A_1362 : i32 to index
        %get3A_1421 = arith.constant 80 : index
        %get3A_1422 = tpu.vector_load %arg12[%get3A_1420, %get3A_1421] {strides = array<i32>} : memref<80x128xf32, #tpu.memory_space<vmem>>, vector<1x16xf32>,
        %get3A_1423 = vector.shape_cast %get3A_1422 : vector<1x16xf32> to vector<16xf32>
        %mul3A_1424 = vector.broadcast %squeeze3A_1364 : f32 to vector<16xf32>
        %mul3A_1425 = arith.mulf %get3A_1423, %mul3A_1424 : vector<16xf32>
        %swap3A_1426 = arith.index_cast %add3A_1362 : i32 to index
        %swap3A_1427 = arith.constant 80 : index
        %swap3A_1428 = tpu.vector_load %arg12[%swap3A_1426, %swap3A_1427] {strides = array<i32>} : memref<80x128xf32, #tpu.memory_space<vmem>>, vector<1x16xf32>,
        %swap3A_1429 = vector.shape_cast %swap3A_1428 : vector<1x16xf32> to vector<16xf32>
        %swap3A_1430 = vector.shape_cast %mul3A_1425 : vector<16xf32> to vector<1x16xf32>
        tpu.vector_store %arg12[%swap3A_1426, %swap3A_1427], %swap3A_1430 {strides = array<i32>} : memref<80x128xf32, #tpu.memory_space<vmem>>, vector<1x16xf32>,
        %get3A_1431 = arith.index_cast %add3A_1362 : i32 to index
        %get3A_1432 = arith.constant 96 : index
        %get3A_1433 = tpu.vector_load %arg12[%get3A_1431, %get3A_1432] {strides = array<i32>} : memref<80x128xf32, #tpu.memory_space<vmem>>, vector<1x16xf32>,
        %get3A_1434 = vector.shape_cast %get3A_1433 : vector<1x16xf32> to vector<16xf32>
        %mul3A_1435 = vector.broadcast %squeeze3A_1364 : f32 to vector<16xf32>
        %mul3A_1436 = arith.mulf %get3A_1434, %mul3A_1435 : vector<16xf32>
        %swap3A_1437 = arith.index_cast %add3A_1362 : i32 to index
        %swap3A_1438 = arith.constant 96 : index
        %swap3A_1439 = tpu.vector_load %arg12[%swap3A_1437, %swap3A_1438] {strides = array<i32>} : memref<80x128xf32, #tpu.memory_space<vmem>>, vector<1x16xf32>,
        %swap3A_1440 = vector.shape_cast %swap3A_1439 : vector<1x16xf32> to vector<16xf32>
        %swap3A_1441 = vector.shape_cast %mul3A_1436 : vector<16xf32> to vector<1x16xf32>
        tpu.vector_store %arg12[%swap3A_1437, %swap3A_1438], %swap3A_1441 {strides = array<i32>} : memref<80x128xf32, #tpu.memory_space<vmem>>, vector<1x16xf32>,
        %get3A_1442 = arith.index_cast %add3A_1362 : i32 to index
        %get3A_1443 = arith.constant 112 : index
        %get3A_1444 = tpu.vector_load %arg12[%get3A_1442, %get3A_1443] {strides = array<i32>} : memref<80x128xf32, #tpu.memory_space<vmem>>, vector<1x16xf32>,
        %get3A_1445 = vector.shape_cast %get3A_1444 : vector<1x16xf32> to vector<16xf32>
        %mul3A_1446 = vector.broadcast %squeeze3A_1364 : f32 to vector<16xf32>
        %mul3A_1447 = arith.mulf %get3A_1445, %mul3A_1446 : vector<16xf32>
        %swap3A_1448 = arith.index_cast %add3A_1362 : i32 to index
        %swap3A_1449 = arith.constant 112 : index
        %swap3A_1450 = tpu.vector_load %arg12[%swap3A_1448, %swap3A_1449] {strides = array<i32>} : memref<80x128xf32, #tpu.memory_space<vmem>>, vector<1x16xf32>,
        %swap3A_1451 = vector.shape_cast %swap3A_1450 : vector<1x16xf32> to vector<16xf32>
        %swap3A_1452 = vector.shape_cast %mul3A_1447 : vector<16xf32> to vector<1x16xf32>
        tpu.vector_store %arg12[%swap3A_1448, %swap3A_1449], %swap3A_1452 {strides = array<i32>} : memref<80x128xf32, #tpu.memory_space<vmem>>, vector<1x16xf32>,
        %mul3A_1453 = arith.constant 16 : i32
        %mul3A_1454 = arith.muli %scan3A_41, %mul3A_1453 : i32
        %add3A_1455 = arith.constant 15 : i32
        %add3A_1456 = arith.addi %mul3A_1454, %add3A_1455 : i32
        %slice3A_1457 = vector.extract_strided_slice %get3A_45 {offsets = [15], sizes = [1], strides = [1]} : vector<16xf32> to vector<1xf32>
        %squeeze3A_1458 = vector.extract %slice3A_1457[0] : f32 from vector<1xf32>
        %get3A_1459 = arith.index_cast %add3A_1456 : i32 to index
        %get3A_1460 = arith.constant 0 : index
        %get3A_1461 = tpu.vector_load %arg12[%get3A_1459, %get3A_1460] {strides = array<i32>} : memref<80x128xf32, #tpu.memory_space<vmem>>, vector<1x16xf32>,
        %get3A_1462 = vector.shape_cast %get3A_1461 : vector<1x16xf32> to vector<16xf32>
        %mul3A_1463 = vector.broadcast %squeeze3A_1458 : f32 to vector<16xf32>
        %mul3A_1464 = arith.mulf %get3A_1462, %mul3A_1463 : vector<16xf32>
        %swap3A_1465 = arith.index_cast %add3A_1456 : i32 to index
        %swap3A_1466 = arith.constant 0 : index
        %swap3A_1467 = tpu.vector_load %arg12[%swap3A_1465, %swap3A_1466] {strides = array<i32>} : memref<80x128xf32, #tpu.memory_space<vmem>>, vector<1x16xf32>,
        %swap3A_1468 = vector.shape_cast %swap3A_1467 : vector<1x16xf32> to vector<16xf32>
        %swap3A_1469 = vector.shape_cast %mul3A_1464 : vector<16xf32> to vector<1x16xf32>
        tpu.vector_store %arg12[%swap3A_1465, %swap3A_1466], %swap3A_1469 {strides = array<i32>} : memref<80x128xf32, #tpu.memory_space<vmem>>, vector<1x16xf32>,
        %get3A_1470 = arith.index_cast %add3A_1456 : i32 to index
        %get3A_1471 = arith.constant 16 : index
        %get3A_1472 = tpu.vector_load %arg12[%get3A_1470, %get3A_1471] {strides = array<i32>} : memref<80x128xf32, #tpu.memory_space<vmem>>, vector<1x16xf32>,
        %get3A_1473 = vector.shape_cast %get3A_1472 : vector<1x16xf32> to vector<16xf32>
        %mul3A_1474 = vector.broadcast %squeeze3A_1458 : f32 to vector<16xf32>
        %mul3A_1475 = arith.mulf %get3A_1473, %mul3A_1474 : vector<16xf32>
        %swap3A_1476 = arith.index_cast %add3A_1456 : i32 to index
        %swap3A_1477 = arith.constant 16 : index
        %swap3A_1478 = tpu.vector_load %arg12[%swap3A_1476, %swap3A_1477] {strides = array<i32>} : memref<80x128xf32, #tpu.memory_space<vmem>>, vector<1x16xf32>,
        %swap3A_1479 = vector.shape_cast %swap3A_1478 : vector<1x16xf32> to vector<16xf32>
        %swap3A_1480 = vector.shape_cast %mul3A_1475 : vector<16xf32> to vector<1x16xf32>
        tpu.vector_store %arg12[%swap3A_1476, %swap3A_1477], %swap3A_1480 {strides = array<i32>} : memref<80x128xf32, #tpu.memory_space<vmem>>, vector<1x16xf32>,
        %get3A_1481 = arith.index_cast %add3A_1456 : i32 to index
        %get3A_1482 = arith.constant 32 : index
        %get3A_1483 = tpu.vector_load %arg12[%get3A_1481, %get3A_1482] {strides = array<i32>} : memref<80x128xf32, #tpu.memory_space<vmem>>, vector<1x16xf32>,
        %get3A_1484 = vector.shape_cast %get3A_1483 : vector<1x16xf32> to vector<16xf32>
        %mul3A_1485 = vector.broadcast %squeeze3A_1458 : f32 to vector<16xf32>
        %mul3A_1486 = arith.mulf %get3A_1484, %mul3A_1485 : vector<16xf32>
        %swap3A_1487 = arith.index_cast %add3A_1456 : i32 to index
        %swap3A_1488 = arith.constant 32 : index
        %swap3A_1489 = tpu.vector_load %arg12[%swap3A_1487, %swap3A_1488] {strides = array<i32>} : memref<80x128xf32, #tpu.memory_space<vmem>>, vector<1x16xf32>,
        %swap3A_1490 = vector.shape_cast %swap3A_1489 : vector<1x16xf32> to vector<16xf32>
        %swap3A_1491 = vector.shape_cast %mul3A_1486 : vector<16xf32> to vector<1x16xf32>
        tpu.vector_store %arg12[%swap3A_1487, %swap3A_1488], %swap3A_1491 {strides = array<i32>} : memref<80x128xf32, #tpu.memory_space<vmem>>, vector<1x16xf32>,
        %get3A_1492 = arith.index_cast %add3A_1456 : i32 to index
        %get3A_1493 = arith.constant 48 : index
        %get3A_1494 = tpu.vector_load %arg12[%get3A_1492, %get3A_1493] {strides = array<i32>} : memref<80x128xf32, #tpu.memory_space<vmem>>, vector<1x16xf32>,
        %get3A_1495 = vector.shape_cast %get3A_1494 : vector<1x16xf32> to vector<16xf32>
        %mul3A_1496 = vector.broadcast %squeeze3A_1458 : f32 to vector<16xf32>
        %mul3A_1497 = arith.mulf %get3A_1495, %mul3A_1496 : vector<16xf32>
        %swap3A_1498 = arith.index_cast %add3A_1456 : i32 to index
        %swap3A_1499 = arith.constant 48 : index
        %swap3A_1500 = tpu.vector_load %arg12[%swap3A_1498, %swap3A_1499] {strides = array<i32>} : memref<80x128xf32, #tpu.memory_space<vmem>>, vector<1x16xf32>,
        %swap3A_1501 = vector.shape_cast %swap3A_1500 : vector<1x16xf32> to vector<16xf32>
        %swap3A_1502 = vector.shape_cast %mul3A_1497 : vector<16xf32> to vector<1x16xf32>
        tpu.vector_store %arg12[%swap3A_1498, %swap3A_1499], %swap3A_1502 {strides = array<i32>} : memref<80x128xf32, #tpu.memory_space<vmem>>, vector<1x16xf32>,
        %get3A_1503 = arith.index_cast %add3A_1456 : i32 to index
        %get3A_1504 = arith.constant 64 : index
        %get3A_1505 = tpu.vector_load %arg12[%get3A_1503, %get3A_1504] {strides = array<i32>} : memref<80x128xf32, #tpu.memory_space<vmem>>, vector<1x16xf32>,
        %get3A_1506 = vector.shape_cast %get3A_1505 : vector<1x16xf32> to vector<16xf32>
        %mul3A_1507 = vector.broadcast %squeeze3A_1458 : f32 to vector<16xf32>
        %mul3A_1508 = arith.mulf %get3A_1506, %mul3A_1507 : vector<16xf32>
        %swap3A_1509 = arith.index_cast %add3A_1456 : i32 to index
        %swap3A_1510 = arith.constant 64 : index
        %swap3A_1511 = tpu.vector_load %arg12[%swap3A_1509, %swap3A_1510] {strides = array<i32>} : memref<80x128xf32, #tpu.memory_space<vmem>>, vector<1x16xf32>,
        %swap3A_1512 = vector.shape_cast %swap3A_1511 : vector<1x16xf32> to vector<16xf32>
        %swap3A_1513 = vector.shape_cast %mul3A_1508 : vector<16xf32> to vector<1x16xf32>
        tpu.vector_store %arg12[%swap3A_1509, %swap3A_1510], %swap3A_1513 {strides = array<i32>} : memref<80x128xf32, #tpu.memory_space<vmem>>, vector<1x16xf32>,
        %get3A_1514 = arith.index_cast %add3A_1456 : i32 to index
        %get3A_1515 = arith.constant 80 : index
        %get3A_1516 = tpu.vector_load %arg12[%get3A_1514, %get3A_1515] {strides = array<i32>} : memref<80x128xf32, #tpu.memory_space<vmem>>, vector<1x16xf32>,
        %get3A_1517 = vector.shape_cast %get3A_1516 : vector<1x16xf32> to vector<16xf32>
        %mul3A_1518 = vector.broadcast %squeeze3A_1458 : f32 to vector<16xf32>
        %mul3A_1519 = arith.mulf %get3A_1517, %mul3A_1518 : vector<16xf32>
        %swap3A_1520 = arith.index_cast %add3A_1456 : i32 to index
        %swap3A_1521 = arith.constant 80 : index
        %swap3A_1522 = tpu.vector_load %arg12[%swap3A_1520, %swap3A_1521] {strides = array<i32>} : memref<80x128xf32, #tpu.memory_space<vmem>>, vector<1x16xf32>,
        %swap3A_1523 = vector.shape_cast %swap3A_1522 : vector<1x16xf32> to vector<16xf32>
        %swap3A_1524 = vector.shape_cast %mul3A_1519 : vector<16xf32> to vector<1x16xf32>
        tpu.vector_store %arg12[%swap3A_1520, %swap3A_1521], %swap3A_1524 {strides = array<i32>} : memref<80x128xf32, #tpu.memory_space<vmem>>, vector<1x16xf32>,
        %get3A_1525 = arith.index_cast %add3A_1456 : i32 to index
        %get3A_1526 = arith.constant 96 : index
        %get3A_1527 = tpu.vector_load %arg12[%get3A_1525, %get3A_1526] {strides = array<i32>} : memref<80x128xf32, #tpu.memory_space<vmem>>, vector<1x16xf32>,
        %get3A_1528 = vector.shape_cast %get3A_1527 : vector<1x16xf32> to vector<16xf32>
        %mul3A_1529 = vector.broadcast %squeeze3A_1458 : f32 to vector<16xf32>
        %mul3A_1530 = arith.mulf %get3A_1528, %mul3A_1529 : vector<16xf32>
        %swap3A_1531 = arith.index_cast %add3A_1456 : i32 to index
        %swap3A_1532 = arith.constant 96 : index
        %swap3A_1533 = tpu.vector_load %arg12[%swap3A_1531, %swap3A_1532] {strides = array<i32>} : memref<80x128xf32, #tpu.memory_space<vmem>>, vector<1x16xf32>,
        %swap3A_1534 = vector.shape_cast %swap3A_1533 : vector<1x16xf32> to vector<16xf32>
        %swap3A_1535 = vector.shape_cast %mul3A_1530 : vector<16xf32> to vector<1x16xf32>
        tpu.vector_store %arg12[%swap3A_1531, %swap3A_1532], %swap3A_1535 {strides = array<i32>} : memref<80x128xf32, #tpu.memory_space<vmem>>, vector<1x16xf32>,
        %get3A_1536 = arith.index_cast %add3A_1456 : i32 to index
        %get3A_1537 = arith.constant 112 : index
        %get3A_1538 = tpu.vector_load %arg12[%get3A_1536, %get3A_1537] {strides = array<i32>} : memref<80x128xf32, #tpu.memory_space<vmem>>, vector<1x16xf32>,
        %get3A_1539 = vector.shape_cast %get3A_1538 : vector<1x16xf32> to vector<16xf32>
        %mul3A_1540 = vector.broadcast %squeeze3A_1458 : f32 to vector<16xf32>
        %mul3A_1541 = arith.mulf %get3A_1539, %mul3A_1540 : vector<16xf32>
        %swap3A_1542 = arith.index_cast %add3A_1456 : i32 to index
        %swap3A_1543 = arith.constant 112 : index
        %swap3A_1544 = tpu.vector_load %arg12[%swap3A_1542, %swap3A_1543] {strides = array<i32>} : memref<80x128xf32, #tpu.memory_space<vmem>>, vector<1x16xf32>,
        %swap3A_1545 = vector.shape_cast %swap3A_1544 : vector<1x16xf32> to vector<16xf32>
        %swap3A_1546 = vector.shape_cast %mul3A_1541 : vector<16xf32> to vector<1x16xf32>
        tpu.vector_store %arg12[%swap3A_1542, %swap3A_1543], %swap3A_1546 {strides = array<i32>} : memref<80x128xf32, #tpu.memory_space<vmem>>, vector<1x16xf32>,
      }
      %scan3A_40 = arith.constant 5 : i32
      "tpu.region"() ({
        %run_scoped3A = tpu.sem_alloc : memref<!tpu.dma_semaphore, #tpu.memory_space<semaphore_mem>>
        %dma_start3A_41 = arith.constant 0 : i32
        %dma_start3A_42 = arith.constant 0 : i32
        %dma_start3A_43 = tpu.memref_slice %arg8[%dma_start3A_41, %dma_start3A_42] : memref<10000x128xf32, #tpu.memory_space<vmem_shared>> -> memref<10000x128xf32, #tpu.memory_space<vmem_shared>>
        tpu.enqueue_indirect_dma source(%arg12 : memref<80x128xf32, #tpu.memory_space<vmem>>) target(%dma_start3A_43 : memref<10000x128xf32, #tpu.memory_space<vmem_shared>>) offsets(%arg10 : memref<80xi32, #tpu.memory_space<vmem>>) semaphore(%run_scoped3A : memref<!tpu.dma_semaphore, #tpu.memory_space<semaphore_mem>>) {add = true}
        %dma_wait3A_44 = arith.constant 0 : i32
        %dma_wait3A_45 = arith.constant 0 : i32
        %dma_wait3A_46 = tpu.memref_slice %arg8[%dma_wait3A_44, %dma_wait3A_45] : memref<10000x128xf32, #tpu.memory_space<vmem_shared>> -> memref<10000x128xf32, #tpu.memory_space<vmem_shared>>
        tpu.wait_indirect_dma semaphore(%run_scoped3A : memref<!tpu.dma_semaphore, #tpu.memory_space<semaphore_mem>>) src(%arg12 : memref<80x128xf32, #tpu.memory_space<vmem>>) dst(%dma_wait3A_46 : memref<10000x128xf32, #tpu.memory_space<vmem_shared>>)
        tpu.yield
      }) : () -> ()
    }
    %scan3A_15 = arith.constant 125 : i32
    %barrier3A_16 = arith.constant 0 : index
    tpu.barrier barrier_id(%barrier3A_16)
    %lt3A_17 = arith.constant 15 : i32
    %lt3A_18 = arith.cmpi slt, %arg1, %lt3A_17 : i32
    %convert_element_type3A_19 = arith.extui %lt3A_18 : i1 to i32
    %cond3A_20 = arith.constant 0 : i32
    %cond3A_21 = arith.cmpi ne, %convert_element_type3A_19, %cond3A_20 : i32
    scf.if %cond3A_21 {
      %mul3A_27 = arith.constant 10000 : i32
      %mul3A_28 = arith.muli %arg0, %mul3A_27 : i32
      %add3A_29 = arith.addi %mul3A_28, %mul3A_4 : i32
      "tpu.region"() ({
        %run_scoped3A = tpu.sem_alloc : memref<!tpu.dma_semaphore, #tpu.memory_space<semaphore_mem>>
        %dma_start3A = arith.constant 0 : i32
        %dma_start3A_30 = tpu.memref_slice %arg7[%add3A_29, %dma_start3A] : memref<20000x128xf32, #tpu.memory_space<hbm>> -> memref<632x128xf32, #tpu.memory_space<hbm>>
        %dma_start3A_31 = arith.constant 0 : i32
        %dma_start3A_32 = tpu.memref_slice %arg8[%mul3A_4, %dma_start3A_31] : memref<10000x128xf32, #tpu.memory_space<vmem_shared>> -> memref<632x128xf32, #tpu.memory_space<vmem_shared>>
        tpu.enqueue_dma source(%dma_start3A_32 : memref<632x128xf32, #tpu.memory_space<vmem_shared>>) target(%dma_start3A_30 : memref<632x128xf32, #tpu.memory_space<hbm>>) target_semaphore(%run_scoped3A : memref<!tpu.dma_semaphore, #tpu.memory_space<semaphore_mem>>)
        %dma_wait3A = arith.constant 0 : i32
        %dma_wait3A_33 = tpu.memref_slice %arg7[%add3A_29, %dma_wait3A] : memref<20000x128xf32, #tpu.memory_space<hbm>> -> memref<632x128xf32, #tpu.memory_space<hbm>>
        %dma_wait3A_34 = arith.constant 0 : i32
        %dma_wait3A_35 = tpu.memref_slice %arg8[%mul3A_4, %dma_wait3A_34] : memref<10000x128xf32, #tpu.memory_space<vmem_shared>> -> memref<632x128xf32, #tpu.memory_space<vmem_shared>>
        tpu.wait_dma2 semaphore(%run_scoped3A : memref<!tpu.dma_semaphore, #tpu.memory_space<semaphore_mem>>) src(%dma_wait3A_35 : memref<632x128xf32, #tpu.memory_space<vmem_shared>>) dst(%dma_wait3A_33 : memref<632x128xf32, #tpu.memory_space<hbm>>)
        tpu.yield
      }) : () -> ()
    } else {
    }
    %eq3A_22 = arith.constant 15 : i32
    %eq3A_23 = arith.cmpi eq, %arg1, %eq3A_22 : i32
    %convert_element_type3A_24 = arith.extui %eq3A_23 : i1 to i32
    %cond3A_25 = arith.constant 0 : i32
    %cond3A_26 = arith.cmpi ne, %convert_element_type3A_24, %cond3A_25 : i32
    scf.if %cond3A_26 {
      %mul3A_27 = arith.constant 10000 : i32
      %mul3A_28 = arith.muli %arg0, %mul3A_27 : i32
      %add3A_29 = arith.addi %mul3A_28, %mul3A_4 : i32
      "tpu.region"() ({
        %run_scoped3A = tpu.sem_alloc : memref<!tpu.dma_semaphore, #tpu.memory_space<semaphore_mem>>
        %dma_start3A = arith.constant 0 : i32
        %dma_start3A_30 = tpu.memref_slice %arg7[%add3A_29, %dma_start3A] : memref<20000x128xf32, #tpu.memory_space<hbm>> -> memref<520x128xf32, #tpu.memory_space<hbm>>
        %dma_start3A_31 = arith.constant 0 : i32
        %dma_start3A_32 = tpu.memref_slice %arg8[%mul3A_4, %dma_start3A_31] : memref<10000x128xf32, #tpu.memory_space<vmem_shared>> -> memref<520x128xf32, #tpu.memory_space<vmem_shared>>
        tpu.enqueue_dma source(%dma_start3A_32 : memref<520x128xf32, #tpu.memory_space<vmem_shared>>) target(%dma_start3A_30 : memref<520x128xf32, #tpu.memory_space<hbm>>) target_semaphore(%run_scoped3A : memref<!tpu.dma_semaphore, #tpu.memory_space<semaphore_mem>>)
        %dma_wait3A = arith.constant 0 : i32
        %dma_wait3A_33 = tpu.memref_slice %arg7[%add3A_29, %dma_wait3A] : memref<20000x128xf32, #tpu.memory_space<hbm>> -> memref<520x128xf32, #tpu.memory_space<hbm>>
        %dma_wait3A_34 = arith.constant 0 : i32
        %dma_wait3A_35 = tpu.memref_slice %arg8[%mul3A_4, %dma_wait3A_34] : memref<10000x128xf32, #tpu.memory_space<vmem_shared>> -> memref<520x128xf32, #tpu.memory_space<vmem_shared>>
        tpu.wait_dma2 semaphore(%run_scoped3A : memref<!tpu.dma_semaphore, #tpu.memory_space<semaphore_mem>>) src(%dma_wait3A_35 : memref<520x128xf32, #tpu.memory_space<vmem_shared>>) dst(%dma_wait3A_33 : memref<520x128xf32, #tpu.memory_space<hbm>>)
        tpu.yield
      }) : () -> ()
    } else {
    }
    return
  }
}

#map = affine_map<(d0, d1) -> (0, 0)>
#map1 = affine_map<(d0, d1) -> (0)>
module attributes {stable_mosaic.version = 14 : i64} {
  func.func @ksum(%arg0: i32, %arg1: i32, %arg2: memref<10000x64xf32, #tpu.memory_space<hbm>>, %arg3: memref<320000xi32, #tpu.memory_space<hbm>>, %arg4: memref<320000xi32, #tpu.memory_space<hbm>>, %arg5: memref<320000xf32, #tpu.memory_space<hbm>>, %arg6: memref<10000x64xf32, #tpu.memory_space<hbm>>, %arg7: memref<20000x64xf32, #tpu.memory_space<hbm>>, %arg8: memref<10000x64xf32, #tpu.memory_space<vmem_shared>>, %arg9: memref<80xi32, #tpu.memory_space<vmem>>, %arg10: memref<80xi32, #tpu.memory_space<vmem>>, %arg11: memref<80xf32, #tpu.memory_space<vmem>>, %arg12: memref<80x64xf32, #tpu.memory_space<vmem>>, %arg13: memref<!tpu.dma_semaphore, #tpu.memory_space<semaphore_mem>>) attributes {dimension_semantics = [#tpu.dimension_semantics<core_parallel>, #tpu.dimension_semantics<subcore_parallel>], iteration_bounds = array<i64: 2, 16>, scalar_prefetch = 0 : i64, scratch_operands = 6 : i64, tpu.core_type = #tpu.core_type<sc_vector_subcore>, window_params = [{transform_indices = #map}, {transform_indices = #map1}, {transform_indices = #map1}, {transform_indices = #map1}, {transform_indices = #map}, {transform_indices = #map}]} {
    %mul3A = arith.constant 2 : i32
    %mul3A_0 = arith.muli %arg1, %mul3A : i32
    %add3A = arith.addi %mul3A_0, %arg0 : i32
    %mul3A_1 = arith.constant 10000 : i32
    %mul3A_2 = arith.muli %add3A, %mul3A_1 : i32
    %mul3A_3 = arith.constant 632 : i32
    %mul3A_4 = arith.muli %arg1, %mul3A_3 : i32
    %lt3A = arith.constant 15 : i32
    %lt3A_5 = arith.cmpi slt, %arg1, %lt3A : i32
    %convert_element_type3A = arith.extui %lt3A_5 : i1 to i32
    %cond3A = arith.constant 0 : i32
    %cond3A_6 = arith.cmpi ne, %convert_element_type3A, %cond3A : i32
    scf.if %cond3A_6 {
      "tpu.region"() ({
        %run_scoped3A = tpu.sem_alloc : memref<!tpu.dma_semaphore, #tpu.memory_space<semaphore_mem>>
        %dma_start3A = arith.constant 0 : i32
        %dma_start3A_27 = tpu.memref_slice %arg8[%mul3A_4, %dma_start3A] : memref<10000x64xf32, #tpu.memory_space<vmem_shared>> -> memref<632x64xf32, #tpu.memory_space<vmem_shared>>
        %dma_start3A_28 = arith.constant 0 : i32
        %dma_start3A_29 = tpu.memref_slice %arg6[%mul3A_4, %dma_start3A_28] : memref<10000x64xf32, #tpu.memory_space<hbm>> -> memref<632x64xf32, #tpu.memory_space<hbm>>
        tpu.enqueue_dma source(%dma_start3A_29 : memref<632x64xf32, #tpu.memory_space<hbm>>) target(%dma_start3A_27 : memref<632x64xf32, #tpu.memory_space<vmem_shared>>) target_semaphore(%run_scoped3A : memref<!tpu.dma_semaphore, #tpu.memory_space<semaphore_mem>>)
        %dma_wait3A = arith.constant 0 : i32
        %dma_wait3A_30 = tpu.memref_slice %arg8[%mul3A_4, %dma_wait3A] : memref<10000x64xf32, #tpu.memory_space<vmem_shared>> -> memref<632x64xf32, #tpu.memory_space<vmem_shared>>
        %dma_wait3A_31 = arith.constant 0 : i32
        %dma_wait3A_32 = tpu.memref_slice %arg6[%mul3A_4, %dma_wait3A_31] : memref<10000x64xf32, #tpu.memory_space<hbm>> -> memref<632x64xf32, #tpu.memory_space<hbm>>
        tpu.wait_dma2 semaphore(%run_scoped3A : memref<!tpu.dma_semaphore, #tpu.memory_space<semaphore_mem>>) src(%dma_wait3A_32 : memref<632x64xf32, #tpu.memory_space<hbm>>) dst(%dma_wait3A_30 : memref<632x64xf32, #tpu.memory_space<vmem_shared>>)
        tpu.yield
      }) : () -> ()
    } else {
    }
    %eq3A = arith.constant 15 : i32
    %eq3A_7 = arith.cmpi eq, %arg1, %eq3A : i32
    %convert_element_type3A_8 = arith.extui %eq3A_7 : i1 to i32
    %cond3A_9 = arith.constant 0 : i32
    %cond3A_10 = arith.cmpi ne, %convert_element_type3A_8, %cond3A_9 : i32
    scf.if %cond3A_10 {
      "tpu.region"() ({
        %run_scoped3A = tpu.sem_alloc : memref<!tpu.dma_semaphore, #tpu.memory_space<semaphore_mem>>
        %dma_start3A = arith.constant 0 : i32
        %dma_start3A_27 = tpu.memref_slice %arg8[%mul3A_4, %dma_start3A] : memref<10000x64xf32, #tpu.memory_space<vmem_shared>> -> memref<520x64xf32, #tpu.memory_space<vmem_shared>>
        %dma_start3A_28 = arith.constant 0 : i32
        %dma_start3A_29 = tpu.memref_slice %arg6[%mul3A_4, %dma_start3A_28] : memref<10000x64xf32, #tpu.memory_space<hbm>> -> memref<520x64xf32, #tpu.memory_space<hbm>>
        tpu.enqueue_dma source(%dma_start3A_29 : memref<520x64xf32, #tpu.memory_space<hbm>>) target(%dma_start3A_27 : memref<520x64xf32, #tpu.memory_space<vmem_shared>>) target_semaphore(%run_scoped3A : memref<!tpu.dma_semaphore, #tpu.memory_space<semaphore_mem>>)
        %dma_wait3A = arith.constant 0 : i32
        %dma_wait3A_30 = tpu.memref_slice %arg8[%mul3A_4, %dma_wait3A] : memref<10000x64xf32, #tpu.memory_space<vmem_shared>> -> memref<520x64xf32, #tpu.memory_space<vmem_shared>>
        %dma_wait3A_31 = arith.constant 0 : i32
        %dma_wait3A_32 = tpu.memref_slice %arg6[%mul3A_4, %dma_wait3A_31] : memref<10000x64xf32, #tpu.memory_space<hbm>> -> memref<520x64xf32, #tpu.memory_space<hbm>>
        tpu.wait_dma2 semaphore(%run_scoped3A : memref<!tpu.dma_semaphore, #tpu.memory_space<semaphore_mem>>) src(%dma_wait3A_32 : memref<520x64xf32, #tpu.memory_space<hbm>>) dst(%dma_wait3A_30 : memref<520x64xf32, #tpu.memory_space<vmem_shared>>)
        tpu.yield
      }) : () -> ()
    } else {
    }
    %barrier3A = arith.constant 0 : index
    tpu.barrier barrier_id(%barrier3A)
    %scan3A = arith.constant 0 : i32
    %scan3A_11 = arith.constant 0 : i32
    %scan3A_12 = arith.constant 125 : i32
    %scan3A_13 = arith.addi %scan3A_11, %scan3A_12 : i32
    %scan3A_14 = arith.constant 1 : i32
    scf.for %scan3A_27 = %scan3A_11 to %scan3A_13 step %scan3A_14  : i32 {
      %mul3A_28 = arith.constant 80 : i32
      %mul3A_29 = arith.muli %scan3A_27, %mul3A_28 : i32
      %add3A_30 = arith.addi %mul3A_2, %mul3A_29 : i32
      "tpu.region"() ({
        %run_scoped3A = tpu.sem_alloc : memref<!tpu.dma_semaphore, #tpu.memory_space<semaphore_mem>>
        %dma_start3A_41 = tpu.memref_slice %arg3[%add3A_30] : memref<320000xi32, #tpu.memory_space<hbm>> -> memref<80xi32, #tpu.memory_space<hbm>>
        %dma_start3A_42 = tpu.memref_slice %arg3[%add3A_30] : memref<320000xi32, #tpu.memory_space<hbm>> -> memref<80xi32, #tpu.memory_space<hbm>>
        tpu.enqueue_dma source(%dma_start3A_42 : memref<80xi32, #tpu.memory_space<hbm>>) target(%arg9 : memref<80xi32, #tpu.memory_space<vmem>>) target_semaphore(%run_scoped3A : memref<!tpu.dma_semaphore, #tpu.memory_space<semaphore_mem>>)
        %dma_wait3A_43 = tpu.memref_slice %arg3[%add3A_30] : memref<320000xi32, #tpu.memory_space<hbm>> -> memref<80xi32, #tpu.memory_space<hbm>>
        %dma_wait3A_44 = tpu.memref_slice %arg3[%add3A_30] : memref<320000xi32, #tpu.memory_space<hbm>> -> memref<80xi32, #tpu.memory_space<hbm>>
        tpu.wait_dma2 semaphore(%run_scoped3A : memref<!tpu.dma_semaphore, #tpu.memory_space<semaphore_mem>>) src(%dma_wait3A_44 : memref<80xi32, #tpu.memory_space<hbm>>) dst(%arg9 : memref<80xi32, #tpu.memory_space<vmem>>)
        tpu.yield
      }) : () -> ()
      "tpu.region"() ({
        %run_scoped3A = tpu.sem_alloc : memref<!tpu.dma_semaphore, #tpu.memory_space<semaphore_mem>>
        %dma_start3A_41 = tpu.memref_slice %arg4[%add3A_30] : memref<320000xi32, #tpu.memory_space<hbm>> -> memref<80xi32, #tpu.memory_space<hbm>>
        %dma_start3A_42 = tpu.memref_slice %arg4[%add3A_30] : memref<320000xi32, #tpu.memory_space<hbm>> -> memref<80xi32, #tpu.memory_space<hbm>>
        tpu.enqueue_dma source(%dma_start3A_42 : memref<80xi32, #tpu.memory_space<hbm>>) target(%arg10 : memref<80xi32, #tpu.memory_space<vmem>>) target_semaphore(%run_scoped3A : memref<!tpu.dma_semaphore, #tpu.memory_space<semaphore_mem>>)
        %dma_wait3A_43 = tpu.memref_slice %arg4[%add3A_30] : memref<320000xi32, #tpu.memory_space<hbm>> -> memref<80xi32, #tpu.memory_space<hbm>>
        %dma_wait3A_44 = tpu.memref_slice %arg4[%add3A_30] : memref<320000xi32, #tpu.memory_space<hbm>> -> memref<80xi32, #tpu.memory_space<hbm>>
        tpu.wait_dma2 semaphore(%run_scoped3A : memref<!tpu.dma_semaphore, #tpu.memory_space<semaphore_mem>>) src(%dma_wait3A_44 : memref<80xi32, #tpu.memory_space<hbm>>) dst(%arg10 : memref<80xi32, #tpu.memory_space<vmem>>)
        tpu.yield
      }) : () -> ()
      "tpu.region"() ({
        %run_scoped3A = tpu.sem_alloc : memref<!tpu.dma_semaphore, #tpu.memory_space<semaphore_mem>>
        %dma_start3A_41 = tpu.memref_slice %arg5[%add3A_30] : memref<320000xf32, #tpu.memory_space<hbm>> -> memref<80xf32, #tpu.memory_space<hbm>>
        %dma_start3A_42 = tpu.memref_slice %arg5[%add3A_30] : memref<320000xf32, #tpu.memory_space<hbm>> -> memref<80xf32, #tpu.memory_space<hbm>>
        tpu.enqueue_dma source(%dma_start3A_42 : memref<80xf32, #tpu.memory_space<hbm>>) target(%arg11 : memref<80xf32, #tpu.memory_space<vmem>>) target_semaphore(%run_scoped3A : memref<!tpu.dma_semaphore, #tpu.memory_space<semaphore_mem>>)
        %dma_wait3A_43 = tpu.memref_slice %arg5[%add3A_30] : memref<320000xf32, #tpu.memory_space<hbm>> -> memref<80xf32, #tpu.memory_space<hbm>>
        %dma_wait3A_44 = tpu.memref_slice %arg5[%add3A_30] : memref<320000xf32, #tpu.memory_space<hbm>> -> memref<80xf32, #tpu.memory_space<hbm>>
        tpu.wait_dma2 semaphore(%run_scoped3A : memref<!tpu.dma_semaphore, #tpu.memory_space<semaphore_mem>>) src(%dma_wait3A_44 : memref<80xf32, #tpu.memory_space<hbm>>) dst(%arg11 : memref<80xf32, #tpu.memory_space<vmem>>)
        tpu.yield
      }) : () -> ()
      %dma_start3A = arith.constant 0 : i32
      %dma_start3A_31 = arith.constant 0 : i32
      %dma_start3A_32 = tpu.memref_slice %arg2[%dma_start3A, %dma_start3A_31] : memref<10000x64xf32, #tpu.memory_space<hbm>> -> memref<10000x64xf32, #tpu.memory_space<hbm>>
      tpu.enqueue_indirect_dma source(%dma_start3A_32 : memref<10000x64xf32, #tpu.memory_space<hbm>>) target(%arg12 : memref<80x64xf32, #tpu.memory_space<vmem>>) offsets(%arg9 : memref<80xi32, #tpu.memory_space<vmem>>) semaphore(%arg13 : memref<!tpu.dma_semaphore, #tpu.memory_space<semaphore_mem>>)
      %dma_wait3A = arith.constant 0 : i32
      %dma_wait3A_33 = arith.constant 0 : i32
      %dma_wait3A_34 = tpu.memref_slice %arg2[%dma_wait3A, %dma_wait3A_33] : memref<10000x64xf32, #tpu.memory_space<hbm>> -> memref<10000x64xf32, #tpu.memory_space<hbm>>
      tpu.wait_indirect_dma semaphore(%arg13 : memref<!tpu.dma_semaphore, #tpu.memory_space<semaphore_mem>>) src(%dma_wait3A_34 : memref<10000x64xf32, #tpu.memory_space<hbm>>) dst(%arg12 : memref<80x64xf32, #tpu.memory_space<vmem>>)
      %scan3A_35 = arith.constant 0 : i32
      %scan3A_36 = arith.constant 0 : i32
      %scan3A_37 = arith.constant 5 : i32
      %scan3A_38 = arith.addi %scan3A_36, %scan3A_37 : i32
      %scan3A_39 = arith.constant 1 : i32
      scf.for %scan3A_41 = %scan3A_36 to %scan3A_38 step %scan3A_39  : i32 {
        %mul3A_42 = arith.constant 16 : i32
        %mul3A_43 = arith.muli %scan3A_41, %mul3A_42 : i32
        %get3A = arith.index_cast %mul3A_43 : i32 to index
        %get3A_44 = tpu.vector_load %arg11[%get3A] {strides = array<i32>} : memref<80xf32, #tpu.memory_space<vmem>>, vector<16xf32>,
        %get3A_45 = vector.shape_cast %get3A_44 : vector<16xf32> to vector<16xf32>
        %mul3A_46 = arith.constant 16 : i32
        %mul3A_47 = arith.muli %scan3A_41, %mul3A_46 : i32
        %add3A_48 = arith.constant 0 : i32
        %add3A_49 = arith.addi %mul3A_47, %add3A_48 : i32
        %slice3A = vector.extract_strided_slice %get3A_45 {offsets = [0], sizes = [1], strides = [1]} : vector<16xf32> to vector<1xf32>
        %squeeze3A = vector.extract %slice3A[0] : f32 from vector<1xf32>
        %get3A_50 = arith.index_cast %add3A_49 : i32 to index
        %get3A_51 = arith.constant 0 : index
        %get3A_52 = tpu.vector_load %arg12[%get3A_50, %get3A_51] {strides = array<i32>} : memref<80x64xf32, #tpu.memory_space<vmem>>, vector<1x16xf32>,
        %get3A_53 = vector.shape_cast %get3A_52 : vector<1x16xf32> to vector<16xf32>
        %mul3A_54 = vector.broadcast %squeeze3A : f32 to vector<16xf32>
        %mul3A_55 = arith.mulf %get3A_53, %mul3A_54 : vector<16xf32>
        %swap3A = arith.index_cast %add3A_49 : i32 to index
        %swap3A_56 = arith.constant 0 : index
        %swap3A_57 = tpu.vector_load %arg12[%swap3A, %swap3A_56] {strides = array<i32>} : memref<80x64xf32, #tpu.memory_space<vmem>>, vector<1x16xf32>,
        %swap3A_58 = vector.shape_cast %swap3A_57 : vector<1x16xf32> to vector<16xf32>
        %swap3A_59 = vector.shape_cast %mul3A_55 : vector<16xf32> to vector<1x16xf32>
        tpu.vector_store %arg12[%swap3A, %swap3A_56], %swap3A_59 {strides = array<i32>} : memref<80x64xf32, #tpu.memory_space<vmem>>, vector<1x16xf32>,
        %get3A_60 = arith.index_cast %add3A_49 : i32 to index
        %get3A_61 = arith.constant 16 : index
        %get3A_62 = tpu.vector_load %arg12[%get3A_60, %get3A_61] {strides = array<i32>} : memref<80x64xf32, #tpu.memory_space<vmem>>, vector<1x16xf32>,
        %get3A_63 = vector.shape_cast %get3A_62 : vector<1x16xf32> to vector<16xf32>
        %mul3A_64 = vector.broadcast %squeeze3A : f32 to vector<16xf32>
        %mul3A_65 = arith.mulf %get3A_63, %mul3A_64 : vector<16xf32>
        %swap3A_66 = arith.index_cast %add3A_49 : i32 to index
        %swap3A_67 = arith.constant 16 : index
        %swap3A_68 = tpu.vector_load %arg12[%swap3A_66, %swap3A_67] {strides = array<i32>} : memref<80x64xf32, #tpu.memory_space<vmem>>, vector<1x16xf32>,
        %swap3A_69 = vector.shape_cast %swap3A_68 : vector<1x16xf32> to vector<16xf32>
        %swap3A_70 = vector.shape_cast %mul3A_65 : vector<16xf32> to vector<1x16xf32>
        tpu.vector_store %arg12[%swap3A_66, %swap3A_67], %swap3A_70 {strides = array<i32>} : memref<80x64xf32, #tpu.memory_space<vmem>>, vector<1x16xf32>,
        %get3A_71 = arith.index_cast %add3A_49 : i32 to index
        %get3A_72 = arith.constant 32 : index
        %get3A_73 = tpu.vector_load %arg12[%get3A_71, %get3A_72] {strides = array<i32>} : memref<80x64xf32, #tpu.memory_space<vmem>>, vector<1x16xf32>,
        %get3A_74 = vector.shape_cast %get3A_73 : vector<1x16xf32> to vector<16xf32>
        %mul3A_75 = vector.broadcast %squeeze3A : f32 to vector<16xf32>
        %mul3A_76 = arith.mulf %get3A_74, %mul3A_75 : vector<16xf32>
        %swap3A_77 = arith.index_cast %add3A_49 : i32 to index
        %swap3A_78 = arith.constant 32 : index
        %swap3A_79 = tpu.vector_load %arg12[%swap3A_77, %swap3A_78] {strides = array<i32>} : memref<80x64xf32, #tpu.memory_space<vmem>>, vector<1x16xf32>,
        %swap3A_80 = vector.shape_cast %swap3A_79 : vector<1x16xf32> to vector<16xf32>
        %swap3A_81 = vector.shape_cast %mul3A_76 : vector<16xf32> to vector<1x16xf32>
        tpu.vector_store %arg12[%swap3A_77, %swap3A_78], %swap3A_81 {strides = array<i32>} : memref<80x64xf32, #tpu.memory_space<vmem>>, vector<1x16xf32>,
        %get3A_82 = arith.index_cast %add3A_49 : i32 to index
        %get3A_83 = arith.constant 48 : index
        %get3A_84 = tpu.vector_load %arg12[%get3A_82, %get3A_83] {strides = array<i32>} : memref<80x64xf32, #tpu.memory_space<vmem>>, vector<1x16xf32>,
        %get3A_85 = vector.shape_cast %get3A_84 : vector<1x16xf32> to vector<16xf32>
        %mul3A_86 = vector.broadcast %squeeze3A : f32 to vector<16xf32>
        %mul3A_87 = arith.mulf %get3A_85, %mul3A_86 : vector<16xf32>
        %swap3A_88 = arith.index_cast %add3A_49 : i32 to index
        %swap3A_89 = arith.constant 48 : index
        %swap3A_90 = tpu.vector_load %arg12[%swap3A_88, %swap3A_89] {strides = array<i32>} : memref<80x64xf32, #tpu.memory_space<vmem>>, vector<1x16xf32>,
        %swap3A_91 = vector.shape_cast %swap3A_90 : vector<1x16xf32> to vector<16xf32>
        %swap3A_92 = vector.shape_cast %mul3A_87 : vector<16xf32> to vector<1x16xf32>
        tpu.vector_store %arg12[%swap3A_88, %swap3A_89], %swap3A_92 {strides = array<i32>} : memref<80x64xf32, #tpu.memory_space<vmem>>, vector<1x16xf32>,
        %mul3A_93 = arith.constant 16 : i32
        %mul3A_94 = arith.muli %scan3A_41, %mul3A_93 : i32
        %add3A_95 = arith.constant 1 : i32
        %add3A_96 = arith.addi %mul3A_94, %add3A_95 : i32
        %slice3A_97 = vector.extract_strided_slice %get3A_45 {offsets = [1], sizes = [1], strides = [1]} : vector<16xf32> to vector<1xf32>
        %squeeze3A_98 = vector.extract %slice3A_97[0] : f32 from vector<1xf32>
        %get3A_99 = arith.index_cast %add3A_96 : i32 to index
        %get3A_100 = arith.constant 0 : index
        %get3A_101 = tpu.vector_load %arg12[%get3A_99, %get3A_100] {strides = array<i32>} : memref<80x64xf32, #tpu.memory_space<vmem>>, vector<1x16xf32>,
        %get3A_102 = vector.shape_cast %get3A_101 : vector<1x16xf32> to vector<16xf32>
        %mul3A_103 = vector.broadcast %squeeze3A_98 : f32 to vector<16xf32>
        %mul3A_104 = arith.mulf %get3A_102, %mul3A_103 : vector<16xf32>
        %swap3A_105 = arith.index_cast %add3A_96 : i32 to index
        %swap3A_106 = arith.constant 0 : index
        %swap3A_107 = tpu.vector_load %arg12[%swap3A_105, %swap3A_106] {strides = array<i32>} : memref<80x64xf32, #tpu.memory_space<vmem>>, vector<1x16xf32>,
        %swap3A_108 = vector.shape_cast %swap3A_107 : vector<1x16xf32> to vector<16xf32>
        %swap3A_109 = vector.shape_cast %mul3A_104 : vector<16xf32> to vector<1x16xf32>
        tpu.vector_store %arg12[%swap3A_105, %swap3A_106], %swap3A_109 {strides = array<i32>} : memref<80x64xf32, #tpu.memory_space<vmem>>, vector<1x16xf32>,
        %get3A_110 = arith.index_cast %add3A_96 : i32 to index
        %get3A_111 = arith.constant 16 : index
        %get3A_112 = tpu.vector_load %arg12[%get3A_110, %get3A_111] {strides = array<i32>} : memref<80x64xf32, #tpu.memory_space<vmem>>, vector<1x16xf32>,
        %get3A_113 = vector.shape_cast %get3A_112 : vector<1x16xf32> to vector<16xf32>
        %mul3A_114 = vector.broadcast %squeeze3A_98 : f32 to vector<16xf32>
        %mul3A_115 = arith.mulf %get3A_113, %mul3A_114 : vector<16xf32>
        %swap3A_116 = arith.index_cast %add3A_96 : i32 to index
        %swap3A_117 = arith.constant 16 : index
        %swap3A_118 = tpu.vector_load %arg12[%swap3A_116, %swap3A_117] {strides = array<i32>} : memref<80x64xf32, #tpu.memory_space<vmem>>, vector<1x16xf32>,
        %swap3A_119 = vector.shape_cast %swap3A_118 : vector<1x16xf32> to vector<16xf32>
        %swap3A_120 = vector.shape_cast %mul3A_115 : vector<16xf32> to vector<1x16xf32>
        tpu.vector_store %arg12[%swap3A_116, %swap3A_117], %swap3A_120 {strides = array<i32>} : memref<80x64xf32, #tpu.memory_space<vmem>>, vector<1x16xf32>,
        %get3A_121 = arith.index_cast %add3A_96 : i32 to index
        %get3A_122 = arith.constant 32 : index
        %get3A_123 = tpu.vector_load %arg12[%get3A_121, %get3A_122] {strides = array<i32>} : memref<80x64xf32, #tpu.memory_space<vmem>>, vector<1x16xf32>,
        %get3A_124 = vector.shape_cast %get3A_123 : vector<1x16xf32> to vector<16xf32>
        %mul3A_125 = vector.broadcast %squeeze3A_98 : f32 to vector<16xf32>
        %mul3A_126 = arith.mulf %get3A_124, %mul3A_125 : vector<16xf32>
        %swap3A_127 = arith.index_cast %add3A_96 : i32 to index
        %swap3A_128 = arith.constant 32 : index
        %swap3A_129 = tpu.vector_load %arg12[%swap3A_127, %swap3A_128] {strides = array<i32>} : memref<80x64xf32, #tpu.memory_space<vmem>>, vector<1x16xf32>,
        %swap3A_130 = vector.shape_cast %swap3A_129 : vector<1x16xf32> to vector<16xf32>
        %swap3A_131 = vector.shape_cast %mul3A_126 : vector<16xf32> to vector<1x16xf32>
        tpu.vector_store %arg12[%swap3A_127, %swap3A_128], %swap3A_131 {strides = array<i32>} : memref<80x64xf32, #tpu.memory_space<vmem>>, vector<1x16xf32>,
        %get3A_132 = arith.index_cast %add3A_96 : i32 to index
        %get3A_133 = arith.constant 48 : index
        %get3A_134 = tpu.vector_load %arg12[%get3A_132, %get3A_133] {strides = array<i32>} : memref<80x64xf32, #tpu.memory_space<vmem>>, vector<1x16xf32>,
        %get3A_135 = vector.shape_cast %get3A_134 : vector<1x16xf32> to vector<16xf32>
        %mul3A_136 = vector.broadcast %squeeze3A_98 : f32 to vector<16xf32>
        %mul3A_137 = arith.mulf %get3A_135, %mul3A_136 : vector<16xf32>
        %swap3A_138 = arith.index_cast %add3A_96 : i32 to index
        %swap3A_139 = arith.constant 48 : index
        %swap3A_140 = tpu.vector_load %arg12[%swap3A_138, %swap3A_139] {strides = array<i32>} : memref<80x64xf32, #tpu.memory_space<vmem>>, vector<1x16xf32>,
        %swap3A_141 = vector.shape_cast %swap3A_140 : vector<1x16xf32> to vector<16xf32>
        %swap3A_142 = vector.shape_cast %mul3A_137 : vector<16xf32> to vector<1x16xf32>
        tpu.vector_store %arg12[%swap3A_138, %swap3A_139], %swap3A_142 {strides = array<i32>} : memref<80x64xf32, #tpu.memory_space<vmem>>, vector<1x16xf32>,
        %mul3A_143 = arith.constant 16 : i32
        %mul3A_144 = arith.muli %scan3A_41, %mul3A_143 : i32
        %add3A_145 = arith.constant 2 : i32
        %add3A_146 = arith.addi %mul3A_144, %add3A_145 : i32
        %slice3A_147 = vector.extract_strided_slice %get3A_45 {offsets = [2], sizes = [1], strides = [1]} : vector<16xf32> to vector<1xf32>
        %squeeze3A_148 = vector.extract %slice3A_147[0] : f32 from vector<1xf32>
        %get3A_149 = arith.index_cast %add3A_146 : i32 to index
        %get3A_150 = arith.constant 0 : index
        %get3A_151 = tpu.vector_load %arg12[%get3A_149, %get3A_150] {strides = array<i32>} : memref<80x64xf32, #tpu.memory_space<vmem>>, vector<1x16xf32>,
        %get3A_152 = vector.shape_cast %get3A_151 : vector<1x16xf32> to vector<16xf32>
        %mul3A_153 = vector.broadcast %squeeze3A_148 : f32 to vector<16xf32>
        %mul3A_154 = arith.mulf %get3A_152, %mul3A_153 : vector<16xf32>
        %swap3A_155 = arith.index_cast %add3A_146 : i32 to index
        %swap3A_156 = arith.constant 0 : index
        %swap3A_157 = tpu.vector_load %arg12[%swap3A_155, %swap3A_156] {strides = array<i32>} : memref<80x64xf32, #tpu.memory_space<vmem>>, vector<1x16xf32>,
        %swap3A_158 = vector.shape_cast %swap3A_157 : vector<1x16xf32> to vector<16xf32>
        %swap3A_159 = vector.shape_cast %mul3A_154 : vector<16xf32> to vector<1x16xf32>
        tpu.vector_store %arg12[%swap3A_155, %swap3A_156], %swap3A_159 {strides = array<i32>} : memref<80x64xf32, #tpu.memory_space<vmem>>, vector<1x16xf32>,
        %get3A_160 = arith.index_cast %add3A_146 : i32 to index
        %get3A_161 = arith.constant 16 : index
        %get3A_162 = tpu.vector_load %arg12[%get3A_160, %get3A_161] {strides = array<i32>} : memref<80x64xf32, #tpu.memory_space<vmem>>, vector<1x16xf32>,
        %get3A_163 = vector.shape_cast %get3A_162 : vector<1x16xf32> to vector<16xf32>
        %mul3A_164 = vector.broadcast %squeeze3A_148 : f32 to vector<16xf32>
        %mul3A_165 = arith.mulf %get3A_163, %mul3A_164 : vector<16xf32>
        %swap3A_166 = arith.index_cast %add3A_146 : i32 to index
        %swap3A_167 = arith.constant 16 : index
        %swap3A_168 = tpu.vector_load %arg12[%swap3A_166, %swap3A_167] {strides = array<i32>} : memref<80x64xf32, #tpu.memory_space<vmem>>, vector<1x16xf32>,
        %swap3A_169 = vector.shape_cast %swap3A_168 : vector<1x16xf32> to vector<16xf32>
        %swap3A_170 = vector.shape_cast %mul3A_165 : vector<16xf32> to vector<1x16xf32>
        tpu.vector_store %arg12[%swap3A_166, %swap3A_167], %swap3A_170 {strides = array<i32>} : memref<80x64xf32, #tpu.memory_space<vmem>>, vector<1x16xf32>,
        %get3A_171 = arith.index_cast %add3A_146 : i32 to index
        %get3A_172 = arith.constant 32 : index
        %get3A_173 = tpu.vector_load %arg12[%get3A_171, %get3A_172] {strides = array<i32>} : memref<80x64xf32, #tpu.memory_space<vmem>>, vector<1x16xf32>,
        %get3A_174 = vector.shape_cast %get3A_173 : vector<1x16xf32> to vector<16xf32>
        %mul3A_175 = vector.broadcast %squeeze3A_148 : f32 to vector<16xf32>
        %mul3A_176 = arith.mulf %get3A_174, %mul3A_175 : vector<16xf32>
        %swap3A_177 = arith.index_cast %add3A_146 : i32 to index
        %swap3A_178 = arith.constant 32 : index
        %swap3A_179 = tpu.vector_load %arg12[%swap3A_177, %swap3A_178] {strides = array<i32>} : memref<80x64xf32, #tpu.memory_space<vmem>>, vector<1x16xf32>,
        %swap3A_180 = vector.shape_cast %swap3A_179 : vector<1x16xf32> to vector<16xf32>
        %swap3A_181 = vector.shape_cast %mul3A_176 : vector<16xf32> to vector<1x16xf32>
        tpu.vector_store %arg12[%swap3A_177, %swap3A_178], %swap3A_181 {strides = array<i32>} : memref<80x64xf32, #tpu.memory_space<vmem>>, vector<1x16xf32>,
        %get3A_182 = arith.index_cast %add3A_146 : i32 to index
        %get3A_183 = arith.constant 48 : index
        %get3A_184 = tpu.vector_load %arg12[%get3A_182, %get3A_183] {strides = array<i32>} : memref<80x64xf32, #tpu.memory_space<vmem>>, vector<1x16xf32>,
        %get3A_185 = vector.shape_cast %get3A_184 : vector<1x16xf32> to vector<16xf32>
        %mul3A_186 = vector.broadcast %squeeze3A_148 : f32 to vector<16xf32>
        %mul3A_187 = arith.mulf %get3A_185, %mul3A_186 : vector<16xf32>
        %swap3A_188 = arith.index_cast %add3A_146 : i32 to index
        %swap3A_189 = arith.constant 48 : index
        %swap3A_190 = tpu.vector_load %arg12[%swap3A_188, %swap3A_189] {strides = array<i32>} : memref<80x64xf32, #tpu.memory_space<vmem>>, vector<1x16xf32>,
        %swap3A_191 = vector.shape_cast %swap3A_190 : vector<1x16xf32> to vector<16xf32>
        %swap3A_192 = vector.shape_cast %mul3A_187 : vector<16xf32> to vector<1x16xf32>
        tpu.vector_store %arg12[%swap3A_188, %swap3A_189], %swap3A_192 {strides = array<i32>} : memref<80x64xf32, #tpu.memory_space<vmem>>, vector<1x16xf32>,
        %mul3A_193 = arith.constant 16 : i32
        %mul3A_194 = arith.muli %scan3A_41, %mul3A_193 : i32
        %add3A_195 = arith.constant 3 : i32
        %add3A_196 = arith.addi %mul3A_194, %add3A_195 : i32
        %slice3A_197 = vector.extract_strided_slice %get3A_45 {offsets = [3], sizes = [1], strides = [1]} : vector<16xf32> to vector<1xf32>
        %squeeze3A_198 = vector.extract %slice3A_197[0] : f32 from vector<1xf32>
        %get3A_199 = arith.index_cast %add3A_196 : i32 to index
        %get3A_200 = arith.constant 0 : index
        %get3A_201 = tpu.vector_load %arg12[%get3A_199, %get3A_200] {strides = array<i32>} : memref<80x64xf32, #tpu.memory_space<vmem>>, vector<1x16xf32>,
        %get3A_202 = vector.shape_cast %get3A_201 : vector<1x16xf32> to vector<16xf32>
        %mul3A_203 = vector.broadcast %squeeze3A_198 : f32 to vector<16xf32>
        %mul3A_204 = arith.mulf %get3A_202, %mul3A_203 : vector<16xf32>
        %swap3A_205 = arith.index_cast %add3A_196 : i32 to index
        %swap3A_206 = arith.constant 0 : index
        %swap3A_207 = tpu.vector_load %arg12[%swap3A_205, %swap3A_206] {strides = array<i32>} : memref<80x64xf32, #tpu.memory_space<vmem>>, vector<1x16xf32>,
        %swap3A_208 = vector.shape_cast %swap3A_207 : vector<1x16xf32> to vector<16xf32>
        %swap3A_209 = vector.shape_cast %mul3A_204 : vector<16xf32> to vector<1x16xf32>
        tpu.vector_store %arg12[%swap3A_205, %swap3A_206], %swap3A_209 {strides = array<i32>} : memref<80x64xf32, #tpu.memory_space<vmem>>, vector<1x16xf32>,
        %get3A_210 = arith.index_cast %add3A_196 : i32 to index
        %get3A_211 = arith.constant 16 : index
        %get3A_212 = tpu.vector_load %arg12[%get3A_210, %get3A_211] {strides = array<i32>} : memref<80x64xf32, #tpu.memory_space<vmem>>, vector<1x16xf32>,
        %get3A_213 = vector.shape_cast %get3A_212 : vector<1x16xf32> to vector<16xf32>
        %mul3A_214 = vector.broadcast %squeeze3A_198 : f32 to vector<16xf32>
        %mul3A_215 = arith.mulf %get3A_213, %mul3A_214 : vector<16xf32>
        %swap3A_216 = arith.index_cast %add3A_196 : i32 to index
        %swap3A_217 = arith.constant 16 : index
        %swap3A_218 = tpu.vector_load %arg12[%swap3A_216, %swap3A_217] {strides = array<i32>} : memref<80x64xf32, #tpu.memory_space<vmem>>, vector<1x16xf32>,
        %swap3A_219 = vector.shape_cast %swap3A_218 : vector<1x16xf32> to vector<16xf32>
        %swap3A_220 = vector.shape_cast %mul3A_215 : vector<16xf32> to vector<1x16xf32>
        tpu.vector_store %arg12[%swap3A_216, %swap3A_217], %swap3A_220 {strides = array<i32>} : memref<80x64xf32, #tpu.memory_space<vmem>>, vector<1x16xf32>,
        %get3A_221 = arith.index_cast %add3A_196 : i32 to index
        %get3A_222 = arith.constant 32 : index
        %get3A_223 = tpu.vector_load %arg12[%get3A_221, %get3A_222] {strides = array<i32>} : memref<80x64xf32, #tpu.memory_space<vmem>>, vector<1x16xf32>,
        %get3A_224 = vector.shape_cast %get3A_223 : vector<1x16xf32> to vector<16xf32>
        %mul3A_225 = vector.broadcast %squeeze3A_198 : f32 to vector<16xf32>
        %mul3A_226 = arith.mulf %get3A_224, %mul3A_225 : vector<16xf32>
        %swap3A_227 = arith.index_cast %add3A_196 : i32 to index
        %swap3A_228 = arith.constant 32 : index
        %swap3A_229 = tpu.vector_load %arg12[%swap3A_227, %swap3A_228] {strides = array<i32>} : memref<80x64xf32, #tpu.memory_space<vmem>>, vector<1x16xf32>,
        %swap3A_230 = vector.shape_cast %swap3A_229 : vector<1x16xf32> to vector<16xf32>
        %swap3A_231 = vector.shape_cast %mul3A_226 : vector<16xf32> to vector<1x16xf32>
        tpu.vector_store %arg12[%swap3A_227, %swap3A_228], %swap3A_231 {strides = array<i32>} : memref<80x64xf32, #tpu.memory_space<vmem>>, vector<1x16xf32>,
        %get3A_232 = arith.index_cast %add3A_196 : i32 to index
        %get3A_233 = arith.constant 48 : index
        %get3A_234 = tpu.vector_load %arg12[%get3A_232, %get3A_233] {strides = array<i32>} : memref<80x64xf32, #tpu.memory_space<vmem>>, vector<1x16xf32>,
        %get3A_235 = vector.shape_cast %get3A_234 : vector<1x16xf32> to vector<16xf32>
        %mul3A_236 = vector.broadcast %squeeze3A_198 : f32 to vector<16xf32>
        %mul3A_237 = arith.mulf %get3A_235, %mul3A_236 : vector<16xf32>
        %swap3A_238 = arith.index_cast %add3A_196 : i32 to index
        %swap3A_239 = arith.constant 48 : index
        %swap3A_240 = tpu.vector_load %arg12[%swap3A_238, %swap3A_239] {strides = array<i32>} : memref<80x64xf32, #tpu.memory_space<vmem>>, vector<1x16xf32>,
        %swap3A_241 = vector.shape_cast %swap3A_240 : vector<1x16xf32> to vector<16xf32>
        %swap3A_242 = vector.shape_cast %mul3A_237 : vector<16xf32> to vector<1x16xf32>
        tpu.vector_store %arg12[%swap3A_238, %swap3A_239], %swap3A_242 {strides = array<i32>} : memref<80x64xf32, #tpu.memory_space<vmem>>, vector<1x16xf32>,
        %mul3A_243 = arith.constant 16 : i32
        %mul3A_244 = arith.muli %scan3A_41, %mul3A_243 : i32
        %add3A_245 = arith.constant 4 : i32
        %add3A_246 = arith.addi %mul3A_244, %add3A_245 : i32
        %slice3A_247 = vector.extract_strided_slice %get3A_45 {offsets = [4], sizes = [1], strides = [1]} : vector<16xf32> to vector<1xf32>
        %squeeze3A_248 = vector.extract %slice3A_247[0] : f32 from vector<1xf32>
        %get3A_249 = arith.index_cast %add3A_246 : i32 to index
        %get3A_250 = arith.constant 0 : index
        %get3A_251 = tpu.vector_load %arg12[%get3A_249, %get3A_250] {strides = array<i32>} : memref<80x64xf32, #tpu.memory_space<vmem>>, vector<1x16xf32>,
        %get3A_252 = vector.shape_cast %get3A_251 : vector<1x16xf32> to vector<16xf32>
        %mul3A_253 = vector.broadcast %squeeze3A_248 : f32 to vector<16xf32>
        %mul3A_254 = arith.mulf %get3A_252, %mul3A_253 : vector<16xf32>
        %swap3A_255 = arith.index_cast %add3A_246 : i32 to index
        %swap3A_256 = arith.constant 0 : index
        %swap3A_257 = tpu.vector_load %arg12[%swap3A_255, %swap3A_256] {strides = array<i32>} : memref<80x64xf32, #tpu.memory_space<vmem>>, vector<1x16xf32>,
        %swap3A_258 = vector.shape_cast %swap3A_257 : vector<1x16xf32> to vector<16xf32>
        %swap3A_259 = vector.shape_cast %mul3A_254 : vector<16xf32> to vector<1x16xf32>
        tpu.vector_store %arg12[%swap3A_255, %swap3A_256], %swap3A_259 {strides = array<i32>} : memref<80x64xf32, #tpu.memory_space<vmem>>, vector<1x16xf32>,
        %get3A_260 = arith.index_cast %add3A_246 : i32 to index
        %get3A_261 = arith.constant 16 : index
        %get3A_262 = tpu.vector_load %arg12[%get3A_260, %get3A_261] {strides = array<i32>} : memref<80x64xf32, #tpu.memory_space<vmem>>, vector<1x16xf32>,
        %get3A_263 = vector.shape_cast %get3A_262 : vector<1x16xf32> to vector<16xf32>
        %mul3A_264 = vector.broadcast %squeeze3A_248 : f32 to vector<16xf32>
        %mul3A_265 = arith.mulf %get3A_263, %mul3A_264 : vector<16xf32>
        %swap3A_266 = arith.index_cast %add3A_246 : i32 to index
        %swap3A_267 = arith.constant 16 : index
        %swap3A_268 = tpu.vector_load %arg12[%swap3A_266, %swap3A_267] {strides = array<i32>} : memref<80x64xf32, #tpu.memory_space<vmem>>, vector<1x16xf32>,
        %swap3A_269 = vector.shape_cast %swap3A_268 : vector<1x16xf32> to vector<16xf32>
        %swap3A_270 = vector.shape_cast %mul3A_265 : vector<16xf32> to vector<1x16xf32>
        tpu.vector_store %arg12[%swap3A_266, %swap3A_267], %swap3A_270 {strides = array<i32>} : memref<80x64xf32, #tpu.memory_space<vmem>>, vector<1x16xf32>,
        %get3A_271 = arith.index_cast %add3A_246 : i32 to index
        %get3A_272 = arith.constant 32 : index
        %get3A_273 = tpu.vector_load %arg12[%get3A_271, %get3A_272] {strides = array<i32>} : memref<80x64xf32, #tpu.memory_space<vmem>>, vector<1x16xf32>,
        %get3A_274 = vector.shape_cast %get3A_273 : vector<1x16xf32> to vector<16xf32>
        %mul3A_275 = vector.broadcast %squeeze3A_248 : f32 to vector<16xf32>
        %mul3A_276 = arith.mulf %get3A_274, %mul3A_275 : vector<16xf32>
        %swap3A_277 = arith.index_cast %add3A_246 : i32 to index
        %swap3A_278 = arith.constant 32 : index
        %swap3A_279 = tpu.vector_load %arg12[%swap3A_277, %swap3A_278] {strides = array<i32>} : memref<80x64xf32, #tpu.memory_space<vmem>>, vector<1x16xf32>,
        %swap3A_280 = vector.shape_cast %swap3A_279 : vector<1x16xf32> to vector<16xf32>
        %swap3A_281 = vector.shape_cast %mul3A_276 : vector<16xf32> to vector<1x16xf32>
        tpu.vector_store %arg12[%swap3A_277, %swap3A_278], %swap3A_281 {strides = array<i32>} : memref<80x64xf32, #tpu.memory_space<vmem>>, vector<1x16xf32>,
        %get3A_282 = arith.index_cast %add3A_246 : i32 to index
        %get3A_283 = arith.constant 48 : index
        %get3A_284 = tpu.vector_load %arg12[%get3A_282, %get3A_283] {strides = array<i32>} : memref<80x64xf32, #tpu.memory_space<vmem>>, vector<1x16xf32>,
        %get3A_285 = vector.shape_cast %get3A_284 : vector<1x16xf32> to vector<16xf32>
        %mul3A_286 = vector.broadcast %squeeze3A_248 : f32 to vector<16xf32>
        %mul3A_287 = arith.mulf %get3A_285, %mul3A_286 : vector<16xf32>
        %swap3A_288 = arith.index_cast %add3A_246 : i32 to index
        %swap3A_289 = arith.constant 48 : index
        %swap3A_290 = tpu.vector_load %arg12[%swap3A_288, %swap3A_289] {strides = array<i32>} : memref<80x64xf32, #tpu.memory_space<vmem>>, vector<1x16xf32>,
        %swap3A_291 = vector.shape_cast %swap3A_290 : vector<1x16xf32> to vector<16xf32>
        %swap3A_292 = vector.shape_cast %mul3A_287 : vector<16xf32> to vector<1x16xf32>
        tpu.vector_store %arg12[%swap3A_288, %swap3A_289], %swap3A_292 {strides = array<i32>} : memref<80x64xf32, #tpu.memory_space<vmem>>, vector<1x16xf32>,
        %mul3A_293 = arith.constant 16 : i32
        %mul3A_294 = arith.muli %scan3A_41, %mul3A_293 : i32
        %add3A_295 = arith.constant 5 : i32
        %add3A_296 = arith.addi %mul3A_294, %add3A_295 : i32
        %slice3A_297 = vector.extract_strided_slice %get3A_45 {offsets = [5], sizes = [1], strides = [1]} : vector<16xf32> to vector<1xf32>
        %squeeze3A_298 = vector.extract %slice3A_297[0] : f32 from vector<1xf32>
        %get3A_299 = arith.index_cast %add3A_296 : i32 to index
        %get3A_300 = arith.constant 0 : index
        %get3A_301 = tpu.vector_load %arg12[%get3A_299, %get3A_300] {strides = array<i32>} : memref<80x64xf32, #tpu.memory_space<vmem>>, vector<1x16xf32>,
        %get3A_302 = vector.shape_cast %get3A_301 : vector<1x16xf32> to vector<16xf32>
        %mul3A_303 = vector.broadcast %squeeze3A_298 : f32 to vector<16xf32>
        %mul3A_304 = arith.mulf %get3A_302, %mul3A_303 : vector<16xf32>
        %swap3A_305 = arith.index_cast %add3A_296 : i32 to index
        %swap3A_306 = arith.constant 0 : index
        %swap3A_307 = tpu.vector_load %arg12[%swap3A_305, %swap3A_306] {strides = array<i32>} : memref<80x64xf32, #tpu.memory_space<vmem>>, vector<1x16xf32>,
        %swap3A_308 = vector.shape_cast %swap3A_307 : vector<1x16xf32> to vector<16xf32>
        %swap3A_309 = vector.shape_cast %mul3A_304 : vector<16xf32> to vector<1x16xf32>
        tpu.vector_store %arg12[%swap3A_305, %swap3A_306], %swap3A_309 {strides = array<i32>} : memref<80x64xf32, #tpu.memory_space<vmem>>, vector<1x16xf32>,
        %get3A_310 = arith.index_cast %add3A_296 : i32 to index
        %get3A_311 = arith.constant 16 : index
        %get3A_312 = tpu.vector_load %arg12[%get3A_310, %get3A_311] {strides = array<i32>} : memref<80x64xf32, #tpu.memory_space<vmem>>, vector<1x16xf32>,
        %get3A_313 = vector.shape_cast %get3A_312 : vector<1x16xf32> to vector<16xf32>
        %mul3A_314 = vector.broadcast %squeeze3A_298 : f32 to vector<16xf32>
        %mul3A_315 = arith.mulf %get3A_313, %mul3A_314 : vector<16xf32>
        %swap3A_316 = arith.index_cast %add3A_296 : i32 to index
        %swap3A_317 = arith.constant 16 : index
        %swap3A_318 = tpu.vector_load %arg12[%swap3A_316, %swap3A_317] {strides = array<i32>} : memref<80x64xf32, #tpu.memory_space<vmem>>, vector<1x16xf32>,
        %swap3A_319 = vector.shape_cast %swap3A_318 : vector<1x16xf32> to vector<16xf32>
        %swap3A_320 = vector.shape_cast %mul3A_315 : vector<16xf32> to vector<1x16xf32>
        tpu.vector_store %arg12[%swap3A_316, %swap3A_317], %swap3A_320 {strides = array<i32>} : memref<80x64xf32, #tpu.memory_space<vmem>>, vector<1x16xf32>,
        %get3A_321 = arith.index_cast %add3A_296 : i32 to index
        %get3A_322 = arith.constant 32 : index
        %get3A_323 = tpu.vector_load %arg12[%get3A_321, %get3A_322] {strides = array<i32>} : memref<80x64xf32, #tpu.memory_space<vmem>>, vector<1x16xf32>,
        %get3A_324 = vector.shape_cast %get3A_323 : vector<1x16xf32> to vector<16xf32>
        %mul3A_325 = vector.broadcast %squeeze3A_298 : f32 to vector<16xf32>
        %mul3A_326 = arith.mulf %get3A_324, %mul3A_325 : vector<16xf32>
        %swap3A_327 = arith.index_cast %add3A_296 : i32 to index
        %swap3A_328 = arith.constant 32 : index
        %swap3A_329 = tpu.vector_load %arg12[%swap3A_327, %swap3A_328] {strides = array<i32>} : memref<80x64xf32, #tpu.memory_space<vmem>>, vector<1x16xf32>,
        %swap3A_330 = vector.shape_cast %swap3A_329 : vector<1x16xf32> to vector<16xf32>
        %swap3A_331 = vector.shape_cast %mul3A_326 : vector<16xf32> to vector<1x16xf32>
        tpu.vector_store %arg12[%swap3A_327, %swap3A_328], %swap3A_331 {strides = array<i32>} : memref<80x64xf32, #tpu.memory_space<vmem>>, vector<1x16xf32>,
        %get3A_332 = arith.index_cast %add3A_296 : i32 to index
        %get3A_333 = arith.constant 48 : index
        %get3A_334 = tpu.vector_load %arg12[%get3A_332, %get3A_333] {strides = array<i32>} : memref<80x64xf32, #tpu.memory_space<vmem>>, vector<1x16xf32>,
        %get3A_335 = vector.shape_cast %get3A_334 : vector<1x16xf32> to vector<16xf32>
        %mul3A_336 = vector.broadcast %squeeze3A_298 : f32 to vector<16xf32>
        %mul3A_337 = arith.mulf %get3A_335, %mul3A_336 : vector<16xf32>
        %swap3A_338 = arith.index_cast %add3A_296 : i32 to index
        %swap3A_339 = arith.constant 48 : index
        %swap3A_340 = tpu.vector_load %arg12[%swap3A_338, %swap3A_339] {strides = array<i32>} : memref<80x64xf32, #tpu.memory_space<vmem>>, vector<1x16xf32>,
        %swap3A_341 = vector.shape_cast %swap3A_340 : vector<1x16xf32> to vector<16xf32>
        %swap3A_342 = vector.shape_cast %mul3A_337 : vector<16xf32> to vector<1x16xf32>
        tpu.vector_store %arg12[%swap3A_338, %swap3A_339], %swap3A_342 {strides = array<i32>} : memref<80x64xf32, #tpu.memory_space<vmem>>, vector<1x16xf32>,
        %mul3A_343 = arith.constant 16 : i32
        %mul3A_344 = arith.muli %scan3A_41, %mul3A_343 : i32
        %add3A_345 = arith.constant 6 : i32
        %add3A_346 = arith.addi %mul3A_344, %add3A_345 : i32
        %slice3A_347 = vector.extract_strided_slice %get3A_45 {offsets = [6], sizes = [1], strides = [1]} : vector<16xf32> to vector<1xf32>
        %squeeze3A_348 = vector.extract %slice3A_347[0] : f32 from vector<1xf32>
        %get3A_349 = arith.index_cast %add3A_346 : i32 to index
        %get3A_350 = arith.constant 0 : index
        %get3A_351 = tpu.vector_load %arg12[%get3A_349, %get3A_350] {strides = array<i32>} : memref<80x64xf32, #tpu.memory_space<vmem>>, vector<1x16xf32>,
        %get3A_352 = vector.shape_cast %get3A_351 : vector<1x16xf32> to vector<16xf32>
        %mul3A_353 = vector.broadcast %squeeze3A_348 : f32 to vector<16xf32>
        %mul3A_354 = arith.mulf %get3A_352, %mul3A_353 : vector<16xf32>
        %swap3A_355 = arith.index_cast %add3A_346 : i32 to index
        %swap3A_356 = arith.constant 0 : index
        %swap3A_357 = tpu.vector_load %arg12[%swap3A_355, %swap3A_356] {strides = array<i32>} : memref<80x64xf32, #tpu.memory_space<vmem>>, vector<1x16xf32>,
        %swap3A_358 = vector.shape_cast %swap3A_357 : vector<1x16xf32> to vector<16xf32>
        %swap3A_359 = vector.shape_cast %mul3A_354 : vector<16xf32> to vector<1x16xf32>
        tpu.vector_store %arg12[%swap3A_355, %swap3A_356], %swap3A_359 {strides = array<i32>} : memref<80x64xf32, #tpu.memory_space<vmem>>, vector<1x16xf32>,
        %get3A_360 = arith.index_cast %add3A_346 : i32 to index
        %get3A_361 = arith.constant 16 : index
        %get3A_362 = tpu.vector_load %arg12[%get3A_360, %get3A_361] {strides = array<i32>} : memref<80x64xf32, #tpu.memory_space<vmem>>, vector<1x16xf32>,
        %get3A_363 = vector.shape_cast %get3A_362 : vector<1x16xf32> to vector<16xf32>
        %mul3A_364 = vector.broadcast %squeeze3A_348 : f32 to vector<16xf32>
        %mul3A_365 = arith.mulf %get3A_363, %mul3A_364 : vector<16xf32>
        %swap3A_366 = arith.index_cast %add3A_346 : i32 to index
        %swap3A_367 = arith.constant 16 : index
        %swap3A_368 = tpu.vector_load %arg12[%swap3A_366, %swap3A_367] {strides = array<i32>} : memref<80x64xf32, #tpu.memory_space<vmem>>, vector<1x16xf32>,
        %swap3A_369 = vector.shape_cast %swap3A_368 : vector<1x16xf32> to vector<16xf32>
        %swap3A_370 = vector.shape_cast %mul3A_365 : vector<16xf32> to vector<1x16xf32>
        tpu.vector_store %arg12[%swap3A_366, %swap3A_367], %swap3A_370 {strides = array<i32>} : memref<80x64xf32, #tpu.memory_space<vmem>>, vector<1x16xf32>,
        %get3A_371 = arith.index_cast %add3A_346 : i32 to index
        %get3A_372 = arith.constant 32 : index
        %get3A_373 = tpu.vector_load %arg12[%get3A_371, %get3A_372] {strides = array<i32>} : memref<80x64xf32, #tpu.memory_space<vmem>>, vector<1x16xf32>,
        %get3A_374 = vector.shape_cast %get3A_373 : vector<1x16xf32> to vector<16xf32>
        %mul3A_375 = vector.broadcast %squeeze3A_348 : f32 to vector<16xf32>
        %mul3A_376 = arith.mulf %get3A_374, %mul3A_375 : vector<16xf32>
        %swap3A_377 = arith.index_cast %add3A_346 : i32 to index
        %swap3A_378 = arith.constant 32 : index
        %swap3A_379 = tpu.vector_load %arg12[%swap3A_377, %swap3A_378] {strides = array<i32>} : memref<80x64xf32, #tpu.memory_space<vmem>>, vector<1x16xf32>,
        %swap3A_380 = vector.shape_cast %swap3A_379 : vector<1x16xf32> to vector<16xf32>
        %swap3A_381 = vector.shape_cast %mul3A_376 : vector<16xf32> to vector<1x16xf32>
        tpu.vector_store %arg12[%swap3A_377, %swap3A_378], %swap3A_381 {strides = array<i32>} : memref<80x64xf32, #tpu.memory_space<vmem>>, vector<1x16xf32>,
        %get3A_382 = arith.index_cast %add3A_346 : i32 to index
        %get3A_383 = arith.constant 48 : index
        %get3A_384 = tpu.vector_load %arg12[%get3A_382, %get3A_383] {strides = array<i32>} : memref<80x64xf32, #tpu.memory_space<vmem>>, vector<1x16xf32>,
        %get3A_385 = vector.shape_cast %get3A_384 : vector<1x16xf32> to vector<16xf32>
        %mul3A_386 = vector.broadcast %squeeze3A_348 : f32 to vector<16xf32>
        %mul3A_387 = arith.mulf %get3A_385, %mul3A_386 : vector<16xf32>
        %swap3A_388 = arith.index_cast %add3A_346 : i32 to index
        %swap3A_389 = arith.constant 48 : index
        %swap3A_390 = tpu.vector_load %arg12[%swap3A_388, %swap3A_389] {strides = array<i32>} : memref<80x64xf32, #tpu.memory_space<vmem>>, vector<1x16xf32>,
        %swap3A_391 = vector.shape_cast %swap3A_390 : vector<1x16xf32> to vector<16xf32>
        %swap3A_392 = vector.shape_cast %mul3A_387 : vector<16xf32> to vector<1x16xf32>
        tpu.vector_store %arg12[%swap3A_388, %swap3A_389], %swap3A_392 {strides = array<i32>} : memref<80x64xf32, #tpu.memory_space<vmem>>, vector<1x16xf32>,
        %mul3A_393 = arith.constant 16 : i32
        %mul3A_394 = arith.muli %scan3A_41, %mul3A_393 : i32
        %add3A_395 = arith.constant 7 : i32
        %add3A_396 = arith.addi %mul3A_394, %add3A_395 : i32
        %slice3A_397 = vector.extract_strided_slice %get3A_45 {offsets = [7], sizes = [1], strides = [1]} : vector<16xf32> to vector<1xf32>
        %squeeze3A_398 = vector.extract %slice3A_397[0] : f32 from vector<1xf32>
        %get3A_399 = arith.index_cast %add3A_396 : i32 to index
        %get3A_400 = arith.constant 0 : index
        %get3A_401 = tpu.vector_load %arg12[%get3A_399, %get3A_400] {strides = array<i32>} : memref<80x64xf32, #tpu.memory_space<vmem>>, vector<1x16xf32>,
        %get3A_402 = vector.shape_cast %get3A_401 : vector<1x16xf32> to vector<16xf32>
        %mul3A_403 = vector.broadcast %squeeze3A_398 : f32 to vector<16xf32>
        %mul3A_404 = arith.mulf %get3A_402, %mul3A_403 : vector<16xf32>
        %swap3A_405 = arith.index_cast %add3A_396 : i32 to index
        %swap3A_406 = arith.constant 0 : index
        %swap3A_407 = tpu.vector_load %arg12[%swap3A_405, %swap3A_406] {strides = array<i32>} : memref<80x64xf32, #tpu.memory_space<vmem>>, vector<1x16xf32>,
        %swap3A_408 = vector.shape_cast %swap3A_407 : vector<1x16xf32> to vector<16xf32>
        %swap3A_409 = vector.shape_cast %mul3A_404 : vector<16xf32> to vector<1x16xf32>
        tpu.vector_store %arg12[%swap3A_405, %swap3A_406], %swap3A_409 {strides = array<i32>} : memref<80x64xf32, #tpu.memory_space<vmem>>, vector<1x16xf32>,
        %get3A_410 = arith.index_cast %add3A_396 : i32 to index
        %get3A_411 = arith.constant 16 : index
        %get3A_412 = tpu.vector_load %arg12[%get3A_410, %get3A_411] {strides = array<i32>} : memref<80x64xf32, #tpu.memory_space<vmem>>, vector<1x16xf32>,
        %get3A_413 = vector.shape_cast %get3A_412 : vector<1x16xf32> to vector<16xf32>
        %mul3A_414 = vector.broadcast %squeeze3A_398 : f32 to vector<16xf32>
        %mul3A_415 = arith.mulf %get3A_413, %mul3A_414 : vector<16xf32>
        %swap3A_416 = arith.index_cast %add3A_396 : i32 to index
        %swap3A_417 = arith.constant 16 : index
        %swap3A_418 = tpu.vector_load %arg12[%swap3A_416, %swap3A_417] {strides = array<i32>} : memref<80x64xf32, #tpu.memory_space<vmem>>, vector<1x16xf32>,
        %swap3A_419 = vector.shape_cast %swap3A_418 : vector<1x16xf32> to vector<16xf32>
        %swap3A_420 = vector.shape_cast %mul3A_415 : vector<16xf32> to vector<1x16xf32>
        tpu.vector_store %arg12[%swap3A_416, %swap3A_417], %swap3A_420 {strides = array<i32>} : memref<80x64xf32, #tpu.memory_space<vmem>>, vector<1x16xf32>,
        %get3A_421 = arith.index_cast %add3A_396 : i32 to index
        %get3A_422 = arith.constant 32 : index
        %get3A_423 = tpu.vector_load %arg12[%get3A_421, %get3A_422] {strides = array<i32>} : memref<80x64xf32, #tpu.memory_space<vmem>>, vector<1x16xf32>,
        %get3A_424 = vector.shape_cast %get3A_423 : vector<1x16xf32> to vector<16xf32>
        %mul3A_425 = vector.broadcast %squeeze3A_398 : f32 to vector<16xf32>
        %mul3A_426 = arith.mulf %get3A_424, %mul3A_425 : vector<16xf32>
        %swap3A_427 = arith.index_cast %add3A_396 : i32 to index
        %swap3A_428 = arith.constant 32 : index
        %swap3A_429 = tpu.vector_load %arg12[%swap3A_427, %swap3A_428] {strides = array<i32>} : memref<80x64xf32, #tpu.memory_space<vmem>>, vector<1x16xf32>,
        %swap3A_430 = vector.shape_cast %swap3A_429 : vector<1x16xf32> to vector<16xf32>
        %swap3A_431 = vector.shape_cast %mul3A_426 : vector<16xf32> to vector<1x16xf32>
        tpu.vector_store %arg12[%swap3A_427, %swap3A_428], %swap3A_431 {strides = array<i32>} : memref<80x64xf32, #tpu.memory_space<vmem>>, vector<1x16xf32>,
        %get3A_432 = arith.index_cast %add3A_396 : i32 to index
        %get3A_433 = arith.constant 48 : index
        %get3A_434 = tpu.vector_load %arg12[%get3A_432, %get3A_433] {strides = array<i32>} : memref<80x64xf32, #tpu.memory_space<vmem>>, vector<1x16xf32>,
        %get3A_435 = vector.shape_cast %get3A_434 : vector<1x16xf32> to vector<16xf32>
        %mul3A_436 = vector.broadcast %squeeze3A_398 : f32 to vector<16xf32>
        %mul3A_437 = arith.mulf %get3A_435, %mul3A_436 : vector<16xf32>
        %swap3A_438 = arith.index_cast %add3A_396 : i32 to index
        %swap3A_439 = arith.constant 48 : index
        %swap3A_440 = tpu.vector_load %arg12[%swap3A_438, %swap3A_439] {strides = array<i32>} : memref<80x64xf32, #tpu.memory_space<vmem>>, vector<1x16xf32>,
        %swap3A_441 = vector.shape_cast %swap3A_440 : vector<1x16xf32> to vector<16xf32>
        %swap3A_442 = vector.shape_cast %mul3A_437 : vector<16xf32> to vector<1x16xf32>
        tpu.vector_store %arg12[%swap3A_438, %swap3A_439], %swap3A_442 {strides = array<i32>} : memref<80x64xf32, #tpu.memory_space<vmem>>, vector<1x16xf32>,
        %mul3A_443 = arith.constant 16 : i32
        %mul3A_444 = arith.muli %scan3A_41, %mul3A_443 : i32
        %add3A_445 = arith.constant 8 : i32
        %add3A_446 = arith.addi %mul3A_444, %add3A_445 : i32
        %slice3A_447 = vector.extract_strided_slice %get3A_45 {offsets = [8], sizes = [1], strides = [1]} : vector<16xf32> to vector<1xf32>
        %squeeze3A_448 = vector.extract %slice3A_447[0] : f32 from vector<1xf32>
        %get3A_449 = arith.index_cast %add3A_446 : i32 to index
        %get3A_450 = arith.constant 0 : index
        %get3A_451 = tpu.vector_load %arg12[%get3A_449, %get3A_450] {strides = array<i32>} : memref<80x64xf32, #tpu.memory_space<vmem>>, vector<1x16xf32>,
        %get3A_452 = vector.shape_cast %get3A_451 : vector<1x16xf32> to vector<16xf32>
        %mul3A_453 = vector.broadcast %squeeze3A_448 : f32 to vector<16xf32>
        %mul3A_454 = arith.mulf %get3A_452, %mul3A_453 : vector<16xf32>
        %swap3A_455 = arith.index_cast %add3A_446 : i32 to index
        %swap3A_456 = arith.constant 0 : index
        %swap3A_457 = tpu.vector_load %arg12[%swap3A_455, %swap3A_456] {strides = array<i32>} : memref<80x64xf32, #tpu.memory_space<vmem>>, vector<1x16xf32>,
        %swap3A_458 = vector.shape_cast %swap3A_457 : vector<1x16xf32> to vector<16xf32>
        %swap3A_459 = vector.shape_cast %mul3A_454 : vector<16xf32> to vector<1x16xf32>
        tpu.vector_store %arg12[%swap3A_455, %swap3A_456], %swap3A_459 {strides = array<i32>} : memref<80x64xf32, #tpu.memory_space<vmem>>, vector<1x16xf32>,
        %get3A_460 = arith.index_cast %add3A_446 : i32 to index
        %get3A_461 = arith.constant 16 : index
        %get3A_462 = tpu.vector_load %arg12[%get3A_460, %get3A_461] {strides = array<i32>} : memref<80x64xf32, #tpu.memory_space<vmem>>, vector<1x16xf32>,
        %get3A_463 = vector.shape_cast %get3A_462 : vector<1x16xf32> to vector<16xf32>
        %mul3A_464 = vector.broadcast %squeeze3A_448 : f32 to vector<16xf32>
        %mul3A_465 = arith.mulf %get3A_463, %mul3A_464 : vector<16xf32>
        %swap3A_466 = arith.index_cast %add3A_446 : i32 to index
        %swap3A_467 = arith.constant 16 : index
        %swap3A_468 = tpu.vector_load %arg12[%swap3A_466, %swap3A_467] {strides = array<i32>} : memref<80x64xf32, #tpu.memory_space<vmem>>, vector<1x16xf32>,
        %swap3A_469 = vector.shape_cast %swap3A_468 : vector<1x16xf32> to vector<16xf32>
        %swap3A_470 = vector.shape_cast %mul3A_465 : vector<16xf32> to vector<1x16xf32>
        tpu.vector_store %arg12[%swap3A_466, %swap3A_467], %swap3A_470 {strides = array<i32>} : memref<80x64xf32, #tpu.memory_space<vmem>>, vector<1x16xf32>,
        %get3A_471 = arith.index_cast %add3A_446 : i32 to index
        %get3A_472 = arith.constant 32 : index
        %get3A_473 = tpu.vector_load %arg12[%get3A_471, %get3A_472] {strides = array<i32>} : memref<80x64xf32, #tpu.memory_space<vmem>>, vector<1x16xf32>,
        %get3A_474 = vector.shape_cast %get3A_473 : vector<1x16xf32> to vector<16xf32>
        %mul3A_475 = vector.broadcast %squeeze3A_448 : f32 to vector<16xf32>
        %mul3A_476 = arith.mulf %get3A_474, %mul3A_475 : vector<16xf32>
        %swap3A_477 = arith.index_cast %add3A_446 : i32 to index
        %swap3A_478 = arith.constant 32 : index
        %swap3A_479 = tpu.vector_load %arg12[%swap3A_477, %swap3A_478] {strides = array<i32>} : memref<80x64xf32, #tpu.memory_space<vmem>>, vector<1x16xf32>,
        %swap3A_480 = vector.shape_cast %swap3A_479 : vector<1x16xf32> to vector<16xf32>
        %swap3A_481 = vector.shape_cast %mul3A_476 : vector<16xf32> to vector<1x16xf32>
        tpu.vector_store %arg12[%swap3A_477, %swap3A_478], %swap3A_481 {strides = array<i32>} : memref<80x64xf32, #tpu.memory_space<vmem>>, vector<1x16xf32>,
        %get3A_482 = arith.index_cast %add3A_446 : i32 to index
        %get3A_483 = arith.constant 48 : index
        %get3A_484 = tpu.vector_load %arg12[%get3A_482, %get3A_483] {strides = array<i32>} : memref<80x64xf32, #tpu.memory_space<vmem>>, vector<1x16xf32>,
        %get3A_485 = vector.shape_cast %get3A_484 : vector<1x16xf32> to vector<16xf32>
        %mul3A_486 = vector.broadcast %squeeze3A_448 : f32 to vector<16xf32>
        %mul3A_487 = arith.mulf %get3A_485, %mul3A_486 : vector<16xf32>
        %swap3A_488 = arith.index_cast %add3A_446 : i32 to index
        %swap3A_489 = arith.constant 48 : index
        %swap3A_490 = tpu.vector_load %arg12[%swap3A_488, %swap3A_489] {strides = array<i32>} : memref<80x64xf32, #tpu.memory_space<vmem>>, vector<1x16xf32>,
        %swap3A_491 = vector.shape_cast %swap3A_490 : vector<1x16xf32> to vector<16xf32>
        %swap3A_492 = vector.shape_cast %mul3A_487 : vector<16xf32> to vector<1x16xf32>
        tpu.vector_store %arg12[%swap3A_488, %swap3A_489], %swap3A_492 {strides = array<i32>} : memref<80x64xf32, #tpu.memory_space<vmem>>, vector<1x16xf32>,
        %mul3A_493 = arith.constant 16 : i32
        %mul3A_494 = arith.muli %scan3A_41, %mul3A_493 : i32
        %add3A_495 = arith.constant 9 : i32
        %add3A_496 = arith.addi %mul3A_494, %add3A_495 : i32
        %slice3A_497 = vector.extract_strided_slice %get3A_45 {offsets = [9], sizes = [1], strides = [1]} : vector<16xf32> to vector<1xf32>
        %squeeze3A_498 = vector.extract %slice3A_497[0] : f32 from vector<1xf32>
        %get3A_499 = arith.index_cast %add3A_496 : i32 to index
        %get3A_500 = arith.constant 0 : index
        %get3A_501 = tpu.vector_load %arg12[%get3A_499, %get3A_500] {strides = array<i32>} : memref<80x64xf32, #tpu.memory_space<vmem>>, vector<1x16xf32>,
        %get3A_502 = vector.shape_cast %get3A_501 : vector<1x16xf32> to vector<16xf32>
        %mul3A_503 = vector.broadcast %squeeze3A_498 : f32 to vector<16xf32>
        %mul3A_504 = arith.mulf %get3A_502, %mul3A_503 : vector<16xf32>
        %swap3A_505 = arith.index_cast %add3A_496 : i32 to index
        %swap3A_506 = arith.constant 0 : index
        %swap3A_507 = tpu.vector_load %arg12[%swap3A_505, %swap3A_506] {strides = array<i32>} : memref<80x64xf32, #tpu.memory_space<vmem>>, vector<1x16xf32>,
        %swap3A_508 = vector.shape_cast %swap3A_507 : vector<1x16xf32> to vector<16xf32>
        %swap3A_509 = vector.shape_cast %mul3A_504 : vector<16xf32> to vector<1x16xf32>
        tpu.vector_store %arg12[%swap3A_505, %swap3A_506], %swap3A_509 {strides = array<i32>} : memref<80x64xf32, #tpu.memory_space<vmem>>, vector<1x16xf32>,
        %get3A_510 = arith.index_cast %add3A_496 : i32 to index
        %get3A_511 = arith.constant 16 : index
        %get3A_512 = tpu.vector_load %arg12[%get3A_510, %get3A_511] {strides = array<i32>} : memref<80x64xf32, #tpu.memory_space<vmem>>, vector<1x16xf32>,
        %get3A_513 = vector.shape_cast %get3A_512 : vector<1x16xf32> to vector<16xf32>
        %mul3A_514 = vector.broadcast %squeeze3A_498 : f32 to vector<16xf32>
        %mul3A_515 = arith.mulf %get3A_513, %mul3A_514 : vector<16xf32>
        %swap3A_516 = arith.index_cast %add3A_496 : i32 to index
        %swap3A_517 = arith.constant 16 : index
        %swap3A_518 = tpu.vector_load %arg12[%swap3A_516, %swap3A_517] {strides = array<i32>} : memref<80x64xf32, #tpu.memory_space<vmem>>, vector<1x16xf32>,
        %swap3A_519 = vector.shape_cast %swap3A_518 : vector<1x16xf32> to vector<16xf32>
        %swap3A_520 = vector.shape_cast %mul3A_515 : vector<16xf32> to vector<1x16xf32>
        tpu.vector_store %arg12[%swap3A_516, %swap3A_517], %swap3A_520 {strides = array<i32>} : memref<80x64xf32, #tpu.memory_space<vmem>>, vector<1x16xf32>,
        %get3A_521 = arith.index_cast %add3A_496 : i32 to index
        %get3A_522 = arith.constant 32 : index
        %get3A_523 = tpu.vector_load %arg12[%get3A_521, %get3A_522] {strides = array<i32>} : memref<80x64xf32, #tpu.memory_space<vmem>>, vector<1x16xf32>,
        %get3A_524 = vector.shape_cast %get3A_523 : vector<1x16xf32> to vector<16xf32>
        %mul3A_525 = vector.broadcast %squeeze3A_498 : f32 to vector<16xf32>
        %mul3A_526 = arith.mulf %get3A_524, %mul3A_525 : vector<16xf32>
        %swap3A_527 = arith.index_cast %add3A_496 : i32 to index
        %swap3A_528 = arith.constant 32 : index
        %swap3A_529 = tpu.vector_load %arg12[%swap3A_527, %swap3A_528] {strides = array<i32>} : memref<80x64xf32, #tpu.memory_space<vmem>>, vector<1x16xf32>,
        %swap3A_530 = vector.shape_cast %swap3A_529 : vector<1x16xf32> to vector<16xf32>
        %swap3A_531 = vector.shape_cast %mul3A_526 : vector<16xf32> to vector<1x16xf32>
        tpu.vector_store %arg12[%swap3A_527, %swap3A_528], %swap3A_531 {strides = array<i32>} : memref<80x64xf32, #tpu.memory_space<vmem>>, vector<1x16xf32>,
        %get3A_532 = arith.index_cast %add3A_496 : i32 to index
        %get3A_533 = arith.constant 48 : index
        %get3A_534 = tpu.vector_load %arg12[%get3A_532, %get3A_533] {strides = array<i32>} : memref<80x64xf32, #tpu.memory_space<vmem>>, vector<1x16xf32>,
        %get3A_535 = vector.shape_cast %get3A_534 : vector<1x16xf32> to vector<16xf32>
        %mul3A_536 = vector.broadcast %squeeze3A_498 : f32 to vector<16xf32>
        %mul3A_537 = arith.mulf %get3A_535, %mul3A_536 : vector<16xf32>
        %swap3A_538 = arith.index_cast %add3A_496 : i32 to index
        %swap3A_539 = arith.constant 48 : index
        %swap3A_540 = tpu.vector_load %arg12[%swap3A_538, %swap3A_539] {strides = array<i32>} : memref<80x64xf32, #tpu.memory_space<vmem>>, vector<1x16xf32>,
        %swap3A_541 = vector.shape_cast %swap3A_540 : vector<1x16xf32> to vector<16xf32>
        %swap3A_542 = vector.shape_cast %mul3A_537 : vector<16xf32> to vector<1x16xf32>
        tpu.vector_store %arg12[%swap3A_538, %swap3A_539], %swap3A_542 {strides = array<i32>} : memref<80x64xf32, #tpu.memory_space<vmem>>, vector<1x16xf32>,
        %mul3A_543 = arith.constant 16 : i32
        %mul3A_544 = arith.muli %scan3A_41, %mul3A_543 : i32
        %add3A_545 = arith.constant 10 : i32
        %add3A_546 = arith.addi %mul3A_544, %add3A_545 : i32
        %slice3A_547 = vector.extract_strided_slice %get3A_45 {offsets = [10], sizes = [1], strides = [1]} : vector<16xf32> to vector<1xf32>
        %squeeze3A_548 = vector.extract %slice3A_547[0] : f32 from vector<1xf32>
        %get3A_549 = arith.index_cast %add3A_546 : i32 to index
        %get3A_550 = arith.constant 0 : index
        %get3A_551 = tpu.vector_load %arg12[%get3A_549, %get3A_550] {strides = array<i32>} : memref<80x64xf32, #tpu.memory_space<vmem>>, vector<1x16xf32>,
        %get3A_552 = vector.shape_cast %get3A_551 : vector<1x16xf32> to vector<16xf32>
        %mul3A_553 = vector.broadcast %squeeze3A_548 : f32 to vector<16xf32>
        %mul3A_554 = arith.mulf %get3A_552, %mul3A_553 : vector<16xf32>
        %swap3A_555 = arith.index_cast %add3A_546 : i32 to index
        %swap3A_556 = arith.constant 0 : index
        %swap3A_557 = tpu.vector_load %arg12[%swap3A_555, %swap3A_556] {strides = array<i32>} : memref<80x64xf32, #tpu.memory_space<vmem>>, vector<1x16xf32>,
        %swap3A_558 = vector.shape_cast %swap3A_557 : vector<1x16xf32> to vector<16xf32>
        %swap3A_559 = vector.shape_cast %mul3A_554 : vector<16xf32> to vector<1x16xf32>
        tpu.vector_store %arg12[%swap3A_555, %swap3A_556], %swap3A_559 {strides = array<i32>} : memref<80x64xf32, #tpu.memory_space<vmem>>, vector<1x16xf32>,
        %get3A_560 = arith.index_cast %add3A_546 : i32 to index
        %get3A_561 = arith.constant 16 : index
        %get3A_562 = tpu.vector_load %arg12[%get3A_560, %get3A_561] {strides = array<i32>} : memref<80x64xf32, #tpu.memory_space<vmem>>, vector<1x16xf32>,
        %get3A_563 = vector.shape_cast %get3A_562 : vector<1x16xf32> to vector<16xf32>
        %mul3A_564 = vector.broadcast %squeeze3A_548 : f32 to vector<16xf32>
        %mul3A_565 = arith.mulf %get3A_563, %mul3A_564 : vector<16xf32>
        %swap3A_566 = arith.index_cast %add3A_546 : i32 to index
        %swap3A_567 = arith.constant 16 : index
        %swap3A_568 = tpu.vector_load %arg12[%swap3A_566, %swap3A_567] {strides = array<i32>} : memref<80x64xf32, #tpu.memory_space<vmem>>, vector<1x16xf32>,
        %swap3A_569 = vector.shape_cast %swap3A_568 : vector<1x16xf32> to vector<16xf32>
        %swap3A_570 = vector.shape_cast %mul3A_565 : vector<16xf32> to vector<1x16xf32>
        tpu.vector_store %arg12[%swap3A_566, %swap3A_567], %swap3A_570 {strides = array<i32>} : memref<80x64xf32, #tpu.memory_space<vmem>>, vector<1x16xf32>,
        %get3A_571 = arith.index_cast %add3A_546 : i32 to index
        %get3A_572 = arith.constant 32 : index
        %get3A_573 = tpu.vector_load %arg12[%get3A_571, %get3A_572] {strides = array<i32>} : memref<80x64xf32, #tpu.memory_space<vmem>>, vector<1x16xf32>,
        %get3A_574 = vector.shape_cast %get3A_573 : vector<1x16xf32> to vector<16xf32>
        %mul3A_575 = vector.broadcast %squeeze3A_548 : f32 to vector<16xf32>
        %mul3A_576 = arith.mulf %get3A_574, %mul3A_575 : vector<16xf32>
        %swap3A_577 = arith.index_cast %add3A_546 : i32 to index
        %swap3A_578 = arith.constant 32 : index
        %swap3A_579 = tpu.vector_load %arg12[%swap3A_577, %swap3A_578] {strides = array<i32>} : memref<80x64xf32, #tpu.memory_space<vmem>>, vector<1x16xf32>,
        %swap3A_580 = vector.shape_cast %swap3A_579 : vector<1x16xf32> to vector<16xf32>
        %swap3A_581 = vector.shape_cast %mul3A_576 : vector<16xf32> to vector<1x16xf32>
        tpu.vector_store %arg12[%swap3A_577, %swap3A_578], %swap3A_581 {strides = array<i32>} : memref<80x64xf32, #tpu.memory_space<vmem>>, vector<1x16xf32>,
        %get3A_582 = arith.index_cast %add3A_546 : i32 to index
        %get3A_583 = arith.constant 48 : index
        %get3A_584 = tpu.vector_load %arg12[%get3A_582, %get3A_583] {strides = array<i32>} : memref<80x64xf32, #tpu.memory_space<vmem>>, vector<1x16xf32>,
        %get3A_585 = vector.shape_cast %get3A_584 : vector<1x16xf32> to vector<16xf32>
        %mul3A_586 = vector.broadcast %squeeze3A_548 : f32 to vector<16xf32>
        %mul3A_587 = arith.mulf %get3A_585, %mul3A_586 : vector<16xf32>
        %swap3A_588 = arith.index_cast %add3A_546 : i32 to index
        %swap3A_589 = arith.constant 48 : index
        %swap3A_590 = tpu.vector_load %arg12[%swap3A_588, %swap3A_589] {strides = array<i32>} : memref<80x64xf32, #tpu.memory_space<vmem>>, vector<1x16xf32>,
        %swap3A_591 = vector.shape_cast %swap3A_590 : vector<1x16xf32> to vector<16xf32>
        %swap3A_592 = vector.shape_cast %mul3A_587 : vector<16xf32> to vector<1x16xf32>
        tpu.vector_store %arg12[%swap3A_588, %swap3A_589], %swap3A_592 {strides = array<i32>} : memref<80x64xf32, #tpu.memory_space<vmem>>, vector<1x16xf32>,
        %mul3A_593 = arith.constant 16 : i32
        %mul3A_594 = arith.muli %scan3A_41, %mul3A_593 : i32
        %add3A_595 = arith.constant 11 : i32
        %add3A_596 = arith.addi %mul3A_594, %add3A_595 : i32
        %slice3A_597 = vector.extract_strided_slice %get3A_45 {offsets = [11], sizes = [1], strides = [1]} : vector<16xf32> to vector<1xf32>
        %squeeze3A_598 = vector.extract %slice3A_597[0] : f32 from vector<1xf32>
        %get3A_599 = arith.index_cast %add3A_596 : i32 to index
        %get3A_600 = arith.constant 0 : index
        %get3A_601 = tpu.vector_load %arg12[%get3A_599, %get3A_600] {strides = array<i32>} : memref<80x64xf32, #tpu.memory_space<vmem>>, vector<1x16xf32>,
        %get3A_602 = vector.shape_cast %get3A_601 : vector<1x16xf32> to vector<16xf32>
        %mul3A_603 = vector.broadcast %squeeze3A_598 : f32 to vector<16xf32>
        %mul3A_604 = arith.mulf %get3A_602, %mul3A_603 : vector<16xf32>
        %swap3A_605 = arith.index_cast %add3A_596 : i32 to index
        %swap3A_606 = arith.constant 0 : index
        %swap3A_607 = tpu.vector_load %arg12[%swap3A_605, %swap3A_606] {strides = array<i32>} : memref<80x64xf32, #tpu.memory_space<vmem>>, vector<1x16xf32>,
        %swap3A_608 = vector.shape_cast %swap3A_607 : vector<1x16xf32> to vector<16xf32>
        %swap3A_609 = vector.shape_cast %mul3A_604 : vector<16xf32> to vector<1x16xf32>
        tpu.vector_store %arg12[%swap3A_605, %swap3A_606], %swap3A_609 {strides = array<i32>} : memref<80x64xf32, #tpu.memory_space<vmem>>, vector<1x16xf32>,
        %get3A_610 = arith.index_cast %add3A_596 : i32 to index
        %get3A_611 = arith.constant 16 : index
        %get3A_612 = tpu.vector_load %arg12[%get3A_610, %get3A_611] {strides = array<i32>} : memref<80x64xf32, #tpu.memory_space<vmem>>, vector<1x16xf32>,
        %get3A_613 = vector.shape_cast %get3A_612 : vector<1x16xf32> to vector<16xf32>
        %mul3A_614 = vector.broadcast %squeeze3A_598 : f32 to vector<16xf32>
        %mul3A_615 = arith.mulf %get3A_613, %mul3A_614 : vector<16xf32>
        %swap3A_616 = arith.index_cast %add3A_596 : i32 to index
        %swap3A_617 = arith.constant 16 : index
        %swap3A_618 = tpu.vector_load %arg12[%swap3A_616, %swap3A_617] {strides = array<i32>} : memref<80x64xf32, #tpu.memory_space<vmem>>, vector<1x16xf32>,
        %swap3A_619 = vector.shape_cast %swap3A_618 : vector<1x16xf32> to vector<16xf32>
        %swap3A_620 = vector.shape_cast %mul3A_615 : vector<16xf32> to vector<1x16xf32>
        tpu.vector_store %arg12[%swap3A_616, %swap3A_617], %swap3A_620 {strides = array<i32>} : memref<80x64xf32, #tpu.memory_space<vmem>>, vector<1x16xf32>,
        %get3A_621 = arith.index_cast %add3A_596 : i32 to index
        %get3A_622 = arith.constant 32 : index
        %get3A_623 = tpu.vector_load %arg12[%get3A_621, %get3A_622] {strides = array<i32>} : memref<80x64xf32, #tpu.memory_space<vmem>>, vector<1x16xf32>,
        %get3A_624 = vector.shape_cast %get3A_623 : vector<1x16xf32> to vector<16xf32>
        %mul3A_625 = vector.broadcast %squeeze3A_598 : f32 to vector<16xf32>
        %mul3A_626 = arith.mulf %get3A_624, %mul3A_625 : vector<16xf32>
        %swap3A_627 = arith.index_cast %add3A_596 : i32 to index
        %swap3A_628 = arith.constant 32 : index
        %swap3A_629 = tpu.vector_load %arg12[%swap3A_627, %swap3A_628] {strides = array<i32>} : memref<80x64xf32, #tpu.memory_space<vmem>>, vector<1x16xf32>,
        %swap3A_630 = vector.shape_cast %swap3A_629 : vector<1x16xf32> to vector<16xf32>
        %swap3A_631 = vector.shape_cast %mul3A_626 : vector<16xf32> to vector<1x16xf32>
        tpu.vector_store %arg12[%swap3A_627, %swap3A_628], %swap3A_631 {strides = array<i32>} : memref<80x64xf32, #tpu.memory_space<vmem>>, vector<1x16xf32>,
        %get3A_632 = arith.index_cast %add3A_596 : i32 to index
        %get3A_633 = arith.constant 48 : index
        %get3A_634 = tpu.vector_load %arg12[%get3A_632, %get3A_633] {strides = array<i32>} : memref<80x64xf32, #tpu.memory_space<vmem>>, vector<1x16xf32>,
        %get3A_635 = vector.shape_cast %get3A_634 : vector<1x16xf32> to vector<16xf32>
        %mul3A_636 = vector.broadcast %squeeze3A_598 : f32 to vector<16xf32>
        %mul3A_637 = arith.mulf %get3A_635, %mul3A_636 : vector<16xf32>
        %swap3A_638 = arith.index_cast %add3A_596 : i32 to index
        %swap3A_639 = arith.constant 48 : index
        %swap3A_640 = tpu.vector_load %arg12[%swap3A_638, %swap3A_639] {strides = array<i32>} : memref<80x64xf32, #tpu.memory_space<vmem>>, vector<1x16xf32>,
        %swap3A_641 = vector.shape_cast %swap3A_640 : vector<1x16xf32> to vector<16xf32>
        %swap3A_642 = vector.shape_cast %mul3A_637 : vector<16xf32> to vector<1x16xf32>
        tpu.vector_store %arg12[%swap3A_638, %swap3A_639], %swap3A_642 {strides = array<i32>} : memref<80x64xf32, #tpu.memory_space<vmem>>, vector<1x16xf32>,
        %mul3A_643 = arith.constant 16 : i32
        %mul3A_644 = arith.muli %scan3A_41, %mul3A_643 : i32
        %add3A_645 = arith.constant 12 : i32
        %add3A_646 = arith.addi %mul3A_644, %add3A_645 : i32
        %slice3A_647 = vector.extract_strided_slice %get3A_45 {offsets = [12], sizes = [1], strides = [1]} : vector<16xf32> to vector<1xf32>
        %squeeze3A_648 = vector.extract %slice3A_647[0] : f32 from vector<1xf32>
        %get3A_649 = arith.index_cast %add3A_646 : i32 to index
        %get3A_650 = arith.constant 0 : index
        %get3A_651 = tpu.vector_load %arg12[%get3A_649, %get3A_650] {strides = array<i32>} : memref<80x64xf32, #tpu.memory_space<vmem>>, vector<1x16xf32>,
        %get3A_652 = vector.shape_cast %get3A_651 : vector<1x16xf32> to vector<16xf32>
        %mul3A_653 = vector.broadcast %squeeze3A_648 : f32 to vector<16xf32>
        %mul3A_654 = arith.mulf %get3A_652, %mul3A_653 : vector<16xf32>
        %swap3A_655 = arith.index_cast %add3A_646 : i32 to index
        %swap3A_656 = arith.constant 0 : index
        %swap3A_657 = tpu.vector_load %arg12[%swap3A_655, %swap3A_656] {strides = array<i32>} : memref<80x64xf32, #tpu.memory_space<vmem>>, vector<1x16xf32>,
        %swap3A_658 = vector.shape_cast %swap3A_657 : vector<1x16xf32> to vector<16xf32>
        %swap3A_659 = vector.shape_cast %mul3A_654 : vector<16xf32> to vector<1x16xf32>
        tpu.vector_store %arg12[%swap3A_655, %swap3A_656], %swap3A_659 {strides = array<i32>} : memref<80x64xf32, #tpu.memory_space<vmem>>, vector<1x16xf32>,
        %get3A_660 = arith.index_cast %add3A_646 : i32 to index
        %get3A_661 = arith.constant 16 : index
        %get3A_662 = tpu.vector_load %arg12[%get3A_660, %get3A_661] {strides = array<i32>} : memref<80x64xf32, #tpu.memory_space<vmem>>, vector<1x16xf32>,
        %get3A_663 = vector.shape_cast %get3A_662 : vector<1x16xf32> to vector<16xf32>
        %mul3A_664 = vector.broadcast %squeeze3A_648 : f32 to vector<16xf32>
        %mul3A_665 = arith.mulf %get3A_663, %mul3A_664 : vector<16xf32>
        %swap3A_666 = arith.index_cast %add3A_646 : i32 to index
        %swap3A_667 = arith.constant 16 : index
        %swap3A_668 = tpu.vector_load %arg12[%swap3A_666, %swap3A_667] {strides = array<i32>} : memref<80x64xf32, #tpu.memory_space<vmem>>, vector<1x16xf32>,
        %swap3A_669 = vector.shape_cast %swap3A_668 : vector<1x16xf32> to vector<16xf32>
        %swap3A_670 = vector.shape_cast %mul3A_665 : vector<16xf32> to vector<1x16xf32>
        tpu.vector_store %arg12[%swap3A_666, %swap3A_667], %swap3A_670 {strides = array<i32>} : memref<80x64xf32, #tpu.memory_space<vmem>>, vector<1x16xf32>,
        %get3A_671 = arith.index_cast %add3A_646 : i32 to index
        %get3A_672 = arith.constant 32 : index
        %get3A_673 = tpu.vector_load %arg12[%get3A_671, %get3A_672] {strides = array<i32>} : memref<80x64xf32, #tpu.memory_space<vmem>>, vector<1x16xf32>,
        %get3A_674 = vector.shape_cast %get3A_673 : vector<1x16xf32> to vector<16xf32>
        %mul3A_675 = vector.broadcast %squeeze3A_648 : f32 to vector<16xf32>
        %mul3A_676 = arith.mulf %get3A_674, %mul3A_675 : vector<16xf32>
        %swap3A_677 = arith.index_cast %add3A_646 : i32 to index
        %swap3A_678 = arith.constant 32 : index
        %swap3A_679 = tpu.vector_load %arg12[%swap3A_677, %swap3A_678] {strides = array<i32>} : memref<80x64xf32, #tpu.memory_space<vmem>>, vector<1x16xf32>,
        %swap3A_680 = vector.shape_cast %swap3A_679 : vector<1x16xf32> to vector<16xf32>
        %swap3A_681 = vector.shape_cast %mul3A_676 : vector<16xf32> to vector<1x16xf32>
        tpu.vector_store %arg12[%swap3A_677, %swap3A_678], %swap3A_681 {strides = array<i32>} : memref<80x64xf32, #tpu.memory_space<vmem>>, vector<1x16xf32>,
        %get3A_682 = arith.index_cast %add3A_646 : i32 to index
        %get3A_683 = arith.constant 48 : index
        %get3A_684 = tpu.vector_load %arg12[%get3A_682, %get3A_683] {strides = array<i32>} : memref<80x64xf32, #tpu.memory_space<vmem>>, vector<1x16xf32>,
        %get3A_685 = vector.shape_cast %get3A_684 : vector<1x16xf32> to vector<16xf32>
        %mul3A_686 = vector.broadcast %squeeze3A_648 : f32 to vector<16xf32>
        %mul3A_687 = arith.mulf %get3A_685, %mul3A_686 : vector<16xf32>
        %swap3A_688 = arith.index_cast %add3A_646 : i32 to index
        %swap3A_689 = arith.constant 48 : index
        %swap3A_690 = tpu.vector_load %arg12[%swap3A_688, %swap3A_689] {strides = array<i32>} : memref<80x64xf32, #tpu.memory_space<vmem>>, vector<1x16xf32>,
        %swap3A_691 = vector.shape_cast %swap3A_690 : vector<1x16xf32> to vector<16xf32>
        %swap3A_692 = vector.shape_cast %mul3A_687 : vector<16xf32> to vector<1x16xf32>
        tpu.vector_store %arg12[%swap3A_688, %swap3A_689], %swap3A_692 {strides = array<i32>} : memref<80x64xf32, #tpu.memory_space<vmem>>, vector<1x16xf32>,
        %mul3A_693 = arith.constant 16 : i32
        %mul3A_694 = arith.muli %scan3A_41, %mul3A_693 : i32
        %add3A_695 = arith.constant 13 : i32
        %add3A_696 = arith.addi %mul3A_694, %add3A_695 : i32
        %slice3A_697 = vector.extract_strided_slice %get3A_45 {offsets = [13], sizes = [1], strides = [1]} : vector<16xf32> to vector<1xf32>
        %squeeze3A_698 = vector.extract %slice3A_697[0] : f32 from vector<1xf32>
        %get3A_699 = arith.index_cast %add3A_696 : i32 to index
        %get3A_700 = arith.constant 0 : index
        %get3A_701 = tpu.vector_load %arg12[%get3A_699, %get3A_700] {strides = array<i32>} : memref<80x64xf32, #tpu.memory_space<vmem>>, vector<1x16xf32>,
        %get3A_702 = vector.shape_cast %get3A_701 : vector<1x16xf32> to vector<16xf32>
        %mul3A_703 = vector.broadcast %squeeze3A_698 : f32 to vector<16xf32>
        %mul3A_704 = arith.mulf %get3A_702, %mul3A_703 : vector<16xf32>
        %swap3A_705 = arith.index_cast %add3A_696 : i32 to index
        %swap3A_706 = arith.constant 0 : index
        %swap3A_707 = tpu.vector_load %arg12[%swap3A_705, %swap3A_706] {strides = array<i32>} : memref<80x64xf32, #tpu.memory_space<vmem>>, vector<1x16xf32>,
        %swap3A_708 = vector.shape_cast %swap3A_707 : vector<1x16xf32> to vector<16xf32>
        %swap3A_709 = vector.shape_cast %mul3A_704 : vector<16xf32> to vector<1x16xf32>
        tpu.vector_store %arg12[%swap3A_705, %swap3A_706], %swap3A_709 {strides = array<i32>} : memref<80x64xf32, #tpu.memory_space<vmem>>, vector<1x16xf32>,
        %get3A_710 = arith.index_cast %add3A_696 : i32 to index
        %get3A_711 = arith.constant 16 : index
        %get3A_712 = tpu.vector_load %arg12[%get3A_710, %get3A_711] {strides = array<i32>} : memref<80x64xf32, #tpu.memory_space<vmem>>, vector<1x16xf32>,
        %get3A_713 = vector.shape_cast %get3A_712 : vector<1x16xf32> to vector<16xf32>
        %mul3A_714 = vector.broadcast %squeeze3A_698 : f32 to vector<16xf32>
        %mul3A_715 = arith.mulf %get3A_713, %mul3A_714 : vector<16xf32>
        %swap3A_716 = arith.index_cast %add3A_696 : i32 to index
        %swap3A_717 = arith.constant 16 : index
        %swap3A_718 = tpu.vector_load %arg12[%swap3A_716, %swap3A_717] {strides = array<i32>} : memref<80x64xf32, #tpu.memory_space<vmem>>, vector<1x16xf32>,
        %swap3A_719 = vector.shape_cast %swap3A_718 : vector<1x16xf32> to vector<16xf32>
        %swap3A_720 = vector.shape_cast %mul3A_715 : vector<16xf32> to vector<1x16xf32>
        tpu.vector_store %arg12[%swap3A_716, %swap3A_717], %swap3A_720 {strides = array<i32>} : memref<80x64xf32, #tpu.memory_space<vmem>>, vector<1x16xf32>,
        %get3A_721 = arith.index_cast %add3A_696 : i32 to index
        %get3A_722 = arith.constant 32 : index
        %get3A_723 = tpu.vector_load %arg12[%get3A_721, %get3A_722] {strides = array<i32>} : memref<80x64xf32, #tpu.memory_space<vmem>>, vector<1x16xf32>,
        %get3A_724 = vector.shape_cast %get3A_723 : vector<1x16xf32> to vector<16xf32>
        %mul3A_725 = vector.broadcast %squeeze3A_698 : f32 to vector<16xf32>
        %mul3A_726 = arith.mulf %get3A_724, %mul3A_725 : vector<16xf32>
        %swap3A_727 = arith.index_cast %add3A_696 : i32 to index
        %swap3A_728 = arith.constant 32 : index
        %swap3A_729 = tpu.vector_load %arg12[%swap3A_727, %swap3A_728] {strides = array<i32>} : memref<80x64xf32, #tpu.memory_space<vmem>>, vector<1x16xf32>,
        %swap3A_730 = vector.shape_cast %swap3A_729 : vector<1x16xf32> to vector<16xf32>
        %swap3A_731 = vector.shape_cast %mul3A_726 : vector<16xf32> to vector<1x16xf32>
        tpu.vector_store %arg12[%swap3A_727, %swap3A_728], %swap3A_731 {strides = array<i32>} : memref<80x64xf32, #tpu.memory_space<vmem>>, vector<1x16xf32>,
        %get3A_732 = arith.index_cast %add3A_696 : i32 to index
        %get3A_733 = arith.constant 48 : index
        %get3A_734 = tpu.vector_load %arg12[%get3A_732, %get3A_733] {strides = array<i32>} : memref<80x64xf32, #tpu.memory_space<vmem>>, vector<1x16xf32>,
        %get3A_735 = vector.shape_cast %get3A_734 : vector<1x16xf32> to vector<16xf32>
        %mul3A_736 = vector.broadcast %squeeze3A_698 : f32 to vector<16xf32>
        %mul3A_737 = arith.mulf %get3A_735, %mul3A_736 : vector<16xf32>
        %swap3A_738 = arith.index_cast %add3A_696 : i32 to index
        %swap3A_739 = arith.constant 48 : index
        %swap3A_740 = tpu.vector_load %arg12[%swap3A_738, %swap3A_739] {strides = array<i32>} : memref<80x64xf32, #tpu.memory_space<vmem>>, vector<1x16xf32>,
        %swap3A_741 = vector.shape_cast %swap3A_740 : vector<1x16xf32> to vector<16xf32>
        %swap3A_742 = vector.shape_cast %mul3A_737 : vector<16xf32> to vector<1x16xf32>
        tpu.vector_store %arg12[%swap3A_738, %swap3A_739], %swap3A_742 {strides = array<i32>} : memref<80x64xf32, #tpu.memory_space<vmem>>, vector<1x16xf32>,
        %mul3A_743 = arith.constant 16 : i32
        %mul3A_744 = arith.muli %scan3A_41, %mul3A_743 : i32
        %add3A_745 = arith.constant 14 : i32
        %add3A_746 = arith.addi %mul3A_744, %add3A_745 : i32
        %slice3A_747 = vector.extract_strided_slice %get3A_45 {offsets = [14], sizes = [1], strides = [1]} : vector<16xf32> to vector<1xf32>
        %squeeze3A_748 = vector.extract %slice3A_747[0] : f32 from vector<1xf32>
        %get3A_749 = arith.index_cast %add3A_746 : i32 to index
        %get3A_750 = arith.constant 0 : index
        %get3A_751 = tpu.vector_load %arg12[%get3A_749, %get3A_750] {strides = array<i32>} : memref<80x64xf32, #tpu.memory_space<vmem>>, vector<1x16xf32>,
        %get3A_752 = vector.shape_cast %get3A_751 : vector<1x16xf32> to vector<16xf32>
        %mul3A_753 = vector.broadcast %squeeze3A_748 : f32 to vector<16xf32>
        %mul3A_754 = arith.mulf %get3A_752, %mul3A_753 : vector<16xf32>
        %swap3A_755 = arith.index_cast %add3A_746 : i32 to index
        %swap3A_756 = arith.constant 0 : index
        %swap3A_757 = tpu.vector_load %arg12[%swap3A_755, %swap3A_756] {strides = array<i32>} : memref<80x64xf32, #tpu.memory_space<vmem>>, vector<1x16xf32>,
        %swap3A_758 = vector.shape_cast %swap3A_757 : vector<1x16xf32> to vector<16xf32>
        %swap3A_759 = vector.shape_cast %mul3A_754 : vector<16xf32> to vector<1x16xf32>
        tpu.vector_store %arg12[%swap3A_755, %swap3A_756], %swap3A_759 {strides = array<i32>} : memref<80x64xf32, #tpu.memory_space<vmem>>, vector<1x16xf32>,
        %get3A_760 = arith.index_cast %add3A_746 : i32 to index
        %get3A_761 = arith.constant 16 : index
        %get3A_762 = tpu.vector_load %arg12[%get3A_760, %get3A_761] {strides = array<i32>} : memref<80x64xf32, #tpu.memory_space<vmem>>, vector<1x16xf32>,
        %get3A_763 = vector.shape_cast %get3A_762 : vector<1x16xf32> to vector<16xf32>
        %mul3A_764 = vector.broadcast %squeeze3A_748 : f32 to vector<16xf32>
        %mul3A_765 = arith.mulf %get3A_763, %mul3A_764 : vector<16xf32>
        %swap3A_766 = arith.index_cast %add3A_746 : i32 to index
        %swap3A_767 = arith.constant 16 : index
        %swap3A_768 = tpu.vector_load %arg12[%swap3A_766, %swap3A_767] {strides = array<i32>} : memref<80x64xf32, #tpu.memory_space<vmem>>, vector<1x16xf32>,
        %swap3A_769 = vector.shape_cast %swap3A_768 : vector<1x16xf32> to vector<16xf32>
        %swap3A_770 = vector.shape_cast %mul3A_765 : vector<16xf32> to vector<1x16xf32>
        tpu.vector_store %arg12[%swap3A_766, %swap3A_767], %swap3A_770 {strides = array<i32>} : memref<80x64xf32, #tpu.memory_space<vmem>>, vector<1x16xf32>,
        %get3A_771 = arith.index_cast %add3A_746 : i32 to index
        %get3A_772 = arith.constant 32 : index
        %get3A_773 = tpu.vector_load %arg12[%get3A_771, %get3A_772] {strides = array<i32>} : memref<80x64xf32, #tpu.memory_space<vmem>>, vector<1x16xf32>,
        %get3A_774 = vector.shape_cast %get3A_773 : vector<1x16xf32> to vector<16xf32>
        %mul3A_775 = vector.broadcast %squeeze3A_748 : f32 to vector<16xf32>
        %mul3A_776 = arith.mulf %get3A_774, %mul3A_775 : vector<16xf32>
        %swap3A_777 = arith.index_cast %add3A_746 : i32 to index
        %swap3A_778 = arith.constant 32 : index
        %swap3A_779 = tpu.vector_load %arg12[%swap3A_777, %swap3A_778] {strides = array<i32>} : memref<80x64xf32, #tpu.memory_space<vmem>>, vector<1x16xf32>,
        %swap3A_780 = vector.shape_cast %swap3A_779 : vector<1x16xf32> to vector<16xf32>
        %swap3A_781 = vector.shape_cast %mul3A_776 : vector<16xf32> to vector<1x16xf32>
        tpu.vector_store %arg12[%swap3A_777, %swap3A_778], %swap3A_781 {strides = array<i32>} : memref<80x64xf32, #tpu.memory_space<vmem>>, vector<1x16xf32>,
        %get3A_782 = arith.index_cast %add3A_746 : i32 to index
        %get3A_783 = arith.constant 48 : index
        %get3A_784 = tpu.vector_load %arg12[%get3A_782, %get3A_783] {strides = array<i32>} : memref<80x64xf32, #tpu.memory_space<vmem>>, vector<1x16xf32>,
        %get3A_785 = vector.shape_cast %get3A_784 : vector<1x16xf32> to vector<16xf32>
        %mul3A_786 = vector.broadcast %squeeze3A_748 : f32 to vector<16xf32>
        %mul3A_787 = arith.mulf %get3A_785, %mul3A_786 : vector<16xf32>
        %swap3A_788 = arith.index_cast %add3A_746 : i32 to index
        %swap3A_789 = arith.constant 48 : index
        %swap3A_790 = tpu.vector_load %arg12[%swap3A_788, %swap3A_789] {strides = array<i32>} : memref<80x64xf32, #tpu.memory_space<vmem>>, vector<1x16xf32>,
        %swap3A_791 = vector.shape_cast %swap3A_790 : vector<1x16xf32> to vector<16xf32>
        %swap3A_792 = vector.shape_cast %mul3A_787 : vector<16xf32> to vector<1x16xf32>
        tpu.vector_store %arg12[%swap3A_788, %swap3A_789], %swap3A_792 {strides = array<i32>} : memref<80x64xf32, #tpu.memory_space<vmem>>, vector<1x16xf32>,
        %mul3A_793 = arith.constant 16 : i32
        %mul3A_794 = arith.muli %scan3A_41, %mul3A_793 : i32
        %add3A_795 = arith.constant 15 : i32
        %add3A_796 = arith.addi %mul3A_794, %add3A_795 : i32
        %slice3A_797 = vector.extract_strided_slice %get3A_45 {offsets = [15], sizes = [1], strides = [1]} : vector<16xf32> to vector<1xf32>
        %squeeze3A_798 = vector.extract %slice3A_797[0] : f32 from vector<1xf32>
        %get3A_799 = arith.index_cast %add3A_796 : i32 to index
        %get3A_800 = arith.constant 0 : index
        %get3A_801 = tpu.vector_load %arg12[%get3A_799, %get3A_800] {strides = array<i32>} : memref<80x64xf32, #tpu.memory_space<vmem>>, vector<1x16xf32>,
        %get3A_802 = vector.shape_cast %get3A_801 : vector<1x16xf32> to vector<16xf32>
        %mul3A_803 = vector.broadcast %squeeze3A_798 : f32 to vector<16xf32>
        %mul3A_804 = arith.mulf %get3A_802, %mul3A_803 : vector<16xf32>
        %swap3A_805 = arith.index_cast %add3A_796 : i32 to index
        %swap3A_806 = arith.constant 0 : index
        %swap3A_807 = tpu.vector_load %arg12[%swap3A_805, %swap3A_806] {strides = array<i32>} : memref<80x64xf32, #tpu.memory_space<vmem>>, vector<1x16xf32>,
        %swap3A_808 = vector.shape_cast %swap3A_807 : vector<1x16xf32> to vector<16xf32>
        %swap3A_809 = vector.shape_cast %mul3A_804 : vector<16xf32> to vector<1x16xf32>
        tpu.vector_store %arg12[%swap3A_805, %swap3A_806], %swap3A_809 {strides = array<i32>} : memref<80x64xf32, #tpu.memory_space<vmem>>, vector<1x16xf32>,
        %get3A_810 = arith.index_cast %add3A_796 : i32 to index
        %get3A_811 = arith.constant 16 : index
        %get3A_812 = tpu.vector_load %arg12[%get3A_810, %get3A_811] {strides = array<i32>} : memref<80x64xf32, #tpu.memory_space<vmem>>, vector<1x16xf32>,
        %get3A_813 = vector.shape_cast %get3A_812 : vector<1x16xf32> to vector<16xf32>
        %mul3A_814 = vector.broadcast %squeeze3A_798 : f32 to vector<16xf32>
        %mul3A_815 = arith.mulf %get3A_813, %mul3A_814 : vector<16xf32>
        %swap3A_816 = arith.index_cast %add3A_796 : i32 to index
        %swap3A_817 = arith.constant 16 : index
        %swap3A_818 = tpu.vector_load %arg12[%swap3A_816, %swap3A_817] {strides = array<i32>} : memref<80x64xf32, #tpu.memory_space<vmem>>, vector<1x16xf32>,
        %swap3A_819 = vector.shape_cast %swap3A_818 : vector<1x16xf32> to vector<16xf32>
        %swap3A_820 = vector.shape_cast %mul3A_815 : vector<16xf32> to vector<1x16xf32>
        tpu.vector_store %arg12[%swap3A_816, %swap3A_817], %swap3A_820 {strides = array<i32>} : memref<80x64xf32, #tpu.memory_space<vmem>>, vector<1x16xf32>,
        %get3A_821 = arith.index_cast %add3A_796 : i32 to index
        %get3A_822 = arith.constant 32 : index
        %get3A_823 = tpu.vector_load %arg12[%get3A_821, %get3A_822] {strides = array<i32>} : memref<80x64xf32, #tpu.memory_space<vmem>>, vector<1x16xf32>,
        %get3A_824 = vector.shape_cast %get3A_823 : vector<1x16xf32> to vector<16xf32>
        %mul3A_825 = vector.broadcast %squeeze3A_798 : f32 to vector<16xf32>
        %mul3A_826 = arith.mulf %get3A_824, %mul3A_825 : vector<16xf32>
        %swap3A_827 = arith.index_cast %add3A_796 : i32 to index
        %swap3A_828 = arith.constant 32 : index
        %swap3A_829 = tpu.vector_load %arg12[%swap3A_827, %swap3A_828] {strides = array<i32>} : memref<80x64xf32, #tpu.memory_space<vmem>>, vector<1x16xf32>,
        %swap3A_830 = vector.shape_cast %swap3A_829 : vector<1x16xf32> to vector<16xf32>
        %swap3A_831 = vector.shape_cast %mul3A_826 : vector<16xf32> to vector<1x16xf32>
        tpu.vector_store %arg12[%swap3A_827, %swap3A_828], %swap3A_831 {strides = array<i32>} : memref<80x64xf32, #tpu.memory_space<vmem>>, vector<1x16xf32>,
        %get3A_832 = arith.index_cast %add3A_796 : i32 to index
        %get3A_833 = arith.constant 48 : index
        %get3A_834 = tpu.vector_load %arg12[%get3A_832, %get3A_833] {strides = array<i32>} : memref<80x64xf32, #tpu.memory_space<vmem>>, vector<1x16xf32>,
        %get3A_835 = vector.shape_cast %get3A_834 : vector<1x16xf32> to vector<16xf32>
        %mul3A_836 = vector.broadcast %squeeze3A_798 : f32 to vector<16xf32>
        %mul3A_837 = arith.mulf %get3A_835, %mul3A_836 : vector<16xf32>
        %swap3A_838 = arith.index_cast %add3A_796 : i32 to index
        %swap3A_839 = arith.constant 48 : index
        %swap3A_840 = tpu.vector_load %arg12[%swap3A_838, %swap3A_839] {strides = array<i32>} : memref<80x64xf32, #tpu.memory_space<vmem>>, vector<1x16xf32>,
        %swap3A_841 = vector.shape_cast %swap3A_840 : vector<1x16xf32> to vector<16xf32>
        %swap3A_842 = vector.shape_cast %mul3A_837 : vector<16xf32> to vector<1x16xf32>
        tpu.vector_store %arg12[%swap3A_838, %swap3A_839], %swap3A_842 {strides = array<i32>} : memref<80x64xf32, #tpu.memory_space<vmem>>, vector<1x16xf32>,
      }
      %scan3A_40 = arith.constant 5 : i32
      "tpu.region"() ({
        %run_scoped3A = tpu.sem_alloc : memref<!tpu.dma_semaphore, #tpu.memory_space<semaphore_mem>>
        %dma_start3A_41 = arith.constant 0 : i32
        %dma_start3A_42 = arith.constant 0 : i32
        %dma_start3A_43 = tpu.memref_slice %arg8[%dma_start3A_41, %dma_start3A_42] : memref<10000x64xf32, #tpu.memory_space<vmem_shared>> -> memref<10000x64xf32, #tpu.memory_space<vmem_shared>>
        tpu.enqueue_indirect_dma source(%arg12 : memref<80x64xf32, #tpu.memory_space<vmem>>) target(%dma_start3A_43 : memref<10000x64xf32, #tpu.memory_space<vmem_shared>>) offsets(%arg10 : memref<80xi32, #tpu.memory_space<vmem>>) semaphore(%run_scoped3A : memref<!tpu.dma_semaphore, #tpu.memory_space<semaphore_mem>>) {add = true}
        %dma_wait3A_44 = arith.constant 0 : i32
        %dma_wait3A_45 = arith.constant 0 : i32
        %dma_wait3A_46 = tpu.memref_slice %arg8[%dma_wait3A_44, %dma_wait3A_45] : memref<10000x64xf32, #tpu.memory_space<vmem_shared>> -> memref<10000x64xf32, #tpu.memory_space<vmem_shared>>
        tpu.wait_indirect_dma semaphore(%run_scoped3A : memref<!tpu.dma_semaphore, #tpu.memory_space<semaphore_mem>>) src(%arg12 : memref<80x64xf32, #tpu.memory_space<vmem>>) dst(%dma_wait3A_46 : memref<10000x64xf32, #tpu.memory_space<vmem_shared>>)
        tpu.yield
      }) : () -> ()
    }
    %scan3A_15 = arith.constant 125 : i32
    %barrier3A_16 = arith.constant 0 : index
    tpu.barrier barrier_id(%barrier3A_16)
    %lt3A_17 = arith.constant 15 : i32
    %lt3A_18 = arith.cmpi slt, %arg1, %lt3A_17 : i32
    %convert_element_type3A_19 = arith.extui %lt3A_18 : i1 to i32
    %cond3A_20 = arith.constant 0 : i32
    %cond3A_21 = arith.cmpi ne, %convert_element_type3A_19, %cond3A_20 : i32
    scf.if %cond3A_21 {
      %mul3A_27 = arith.constant 10000 : i32
      %mul3A_28 = arith.muli %arg0, %mul3A_27 : i32
      %add3A_29 = arith.addi %mul3A_28, %mul3A_4 : i32
      "tpu.region"() ({
        %run_scoped3A = tpu.sem_alloc : memref<!tpu.dma_semaphore, #tpu.memory_space<semaphore_mem>>
        %dma_start3A = arith.constant 0 : i32
        %dma_start3A_30 = tpu.memref_slice %arg7[%add3A_29, %dma_start3A] : memref<20000x64xf32, #tpu.memory_space<hbm>> -> memref<632x64xf32, #tpu.memory_space<hbm>>
        %dma_start3A_31 = arith.constant 0 : i32
        %dma_start3A_32 = tpu.memref_slice %arg8[%mul3A_4, %dma_start3A_31] : memref<10000x64xf32, #tpu.memory_space<vmem_shared>> -> memref<632x64xf32, #tpu.memory_space<vmem_shared>>
        tpu.enqueue_dma source(%dma_start3A_32 : memref<632x64xf32, #tpu.memory_space<vmem_shared>>) target(%dma_start3A_30 : memref<632x64xf32, #tpu.memory_space<hbm>>) target_semaphore(%run_scoped3A : memref<!tpu.dma_semaphore, #tpu.memory_space<semaphore_mem>>)
        %dma_wait3A = arith.constant 0 : i32
        %dma_wait3A_33 = tpu.memref_slice %arg7[%add3A_29, %dma_wait3A] : memref<20000x64xf32, #tpu.memory_space<hbm>> -> memref<632x64xf32, #tpu.memory_space<hbm>>
        %dma_wait3A_34 = arith.constant 0 : i32
        %dma_wait3A_35 = tpu.memref_slice %arg8[%mul3A_4, %dma_wait3A_34] : memref<10000x64xf32, #tpu.memory_space<vmem_shared>> -> memref<632x64xf32, #tpu.memory_space<vmem_shared>>
        tpu.wait_dma2 semaphore(%run_scoped3A : memref<!tpu.dma_semaphore, #tpu.memory_space<semaphore_mem>>) src(%dma_wait3A_35 : memref<632x64xf32, #tpu.memory_space<vmem_shared>>) dst(%dma_wait3A_33 : memref<632x64xf32, #tpu.memory_space<hbm>>)
        tpu.yield
      }) : () -> ()
    } else {
    }
    %eq3A_22 = arith.constant 15 : i32
    %eq3A_23 = arith.cmpi eq, %arg1, %eq3A_22 : i32
    %convert_element_type3A_24 = arith.extui %eq3A_23 : i1 to i32
    %cond3A_25 = arith.constant 0 : i32
    %cond3A_26 = arith.cmpi ne, %convert_element_type3A_24, %cond3A_25 : i32
    scf.if %cond3A_26 {
      %mul3A_27 = arith.constant 10000 : i32
      %mul3A_28 = arith.muli %arg0, %mul3A_27 : i32
      %add3A_29 = arith.addi %mul3A_28, %mul3A_4 : i32
      "tpu.region"() ({
        %run_scoped3A = tpu.sem_alloc : memref<!tpu.dma_semaphore, #tpu.memory_space<semaphore_mem>>
        %dma_start3A = arith.constant 0 : i32
        %dma_start3A_30 = tpu.memref_slice %arg7[%add3A_29, %dma_start3A] : memref<20000x64xf32, #tpu.memory_space<hbm>> -> memref<520x64xf32, #tpu.memory_space<hbm>>
        %dma_start3A_31 = arith.constant 0 : i32
        %dma_start3A_32 = tpu.memref_slice %arg8[%mul3A_4, %dma_start3A_31] : memref<10000x64xf32, #tpu.memory_space<vmem_shared>> -> memref<520x64xf32, #tpu.memory_space<vmem_shared>>
        tpu.enqueue_dma source(%dma_start3A_32 : memref<520x64xf32, #tpu.memory_space<vmem_shared>>) target(%dma_start3A_30 : memref<520x64xf32, #tpu.memory_space<hbm>>) target_semaphore(%run_scoped3A : memref<!tpu.dma_semaphore, #tpu.memory_space<semaphore_mem>>)
        %dma_wait3A = arith.constant 0 : i32
        %dma_wait3A_33 = tpu.memref_slice %arg7[%add3A_29, %dma_wait3A] : memref<20000x64xf32, #tpu.memory_space<hbm>> -> memref<520x64xf32, #tpu.memory_space<hbm>>
        %dma_wait3A_34 = arith.constant 0 : i32
        %dma_wait3A_35 = tpu.memref_slice %arg8[%mul3A_4, %dma_wait3A_34] : memref<10000x64xf32, #tpu.memory_space<vmem_shared>> -> memref<520x64xf32, #tpu.memory_space<vmem_shared>>
        tpu.wait_dma2 semaphore(%run_scoped3A : memref<!tpu.dma_semaphore, #tpu.memory_space<semaphore_mem>>) src(%dma_wait3A_35 : memref<520x64xf32, #tpu.memory_space<vmem_shared>>) dst(%dma_wait3A_33 : memref<520x64xf32, #tpu.memory_space<hbm>>)
        tpu.yield
      }) : () -> ()
    } else {
    }
    return
  }
}

module attributes {stable_mosaic.version = 14 : i64} {
  func.func @body(%arg0: i32, %arg1: memref<2x2000x128xf32, #tpu.memory_space<vmem>>, %arg2: memref<128x128xf32, #tpu.memory_space<vmem>>, %arg3: memref<128x16xf32, #tpu.memory_space<vmem>>, %arg4: memref<4x128x128xf32, #tpu.memory_space<vmem>>, %arg5: memref<4x128x16xf32, #tpu.memory_space<vmem>>, %arg6: memref<2000x64xf32, #tpu.memory_space<vmem>>) attributes {dimension_semantics = [#tpu.dimension_semantics<arbitrary>], iteration_bounds = array<i64: 5>, scalar_prefetch = 0 : i64, scratch_operands = 0 : i64, tpu.core_type = #tpu.core_type<tc>, window_params = [{transform_indices = @transform_0, window_bounds = array<i64: 2, 2000, 128>}, {pipeline_mode = #tpu.pipeline_mode<synchronous>, transform_indices = @transform_1, window_bounds = array<i64: 128, 128>}, {pipeline_mode = #tpu.pipeline_mode<synchronous>, transform_indices = @transform_2, window_bounds = array<i64: 128, 16>}, {pipeline_mode = #tpu.pipeline_mode<synchronous>, transform_indices = @transform_3, window_bounds = array<i64: 4, 128, 128>}, {pipeline_mode = #tpu.pipeline_mode<synchronous>, transform_indices = @transform_4, window_bounds = array<i64: 4, 128, 16>}, {transform_indices = @transform_5, window_bounds = array<i64: 2000, 64>}]} {
    %get3A = arith.constant 0 : index
    %get3A_0 = arith.constant 0 : index
    %get3A_1 = arith.constant 0 : index
    %get3A_2 = vector.load %arg1[%get3A, %get3A_0, %get3A_1] : memref<2x2000x128xf32, #tpu.memory_space<vmem>>, vector<1x2000x128xf32>
    %get3A_3 = vector.shape_cast %get3A_2 : vector<1x2000x128xf32> to vector<2000x128xf32>
    %get3A_4 = arith.constant 1 : index
    %get3A_5 = arith.constant 0 : index
    %get3A_6 = arith.constant 0 : index
    %get3A_7 = vector.load %arg1[%get3A_4, %get3A_5, %get3A_6] : memref<2x2000x128xf32, #tpu.memory_space<vmem>>, vector<1x2000x128xf32>
    %get3A_8 = vector.shape_cast %get3A_7 : vector<1x2000x128xf32> to vector<2000x128xf32>
    %add3A = arith.addf %get3A_3, %get3A_8 : vector<2000x128xf32>
    %get3A_9 = arith.constant 0 : index
    %get3A_10 = arith.constant 0 : index
    %get3A_11 = vector.load %arg2[%get3A_9, %get3A_10] : memref<128x128xf32, #tpu.memory_space<vmem>>, vector<128x128xf32>
    %get3A_12 = arith.constant 0 : index
    %get3A_13 = arith.constant 0 : index
    %get3A_14 = arith.constant 0 : index
    %get3A_15 = vector.load %arg4[%get3A_12, %get3A_13, %get3A_14] : memref<4x128x128xf32, #tpu.memory_space<vmem>>, vector<1x128x128xf32>
    %get3A_16 = vector.shape_cast %get3A_15 : vector<1x128x128xf32> to vector<128x128xf32>
    %mul3A = arith.mulf %get3A_11, %get3A_16 : vector<128x128xf32>
    %dot_general3A = arith.constant dense<0.000000e+00> : vector<2000x128xf32>
    %dot_general3A_17 = tpu.matmul %add3A, %mul3A, %dot_general3A {dimension_numbers = #tpu.dot_dimension_numbers<[1], [0], [0], [1], [0, 0, 1, 1], [], []>, precision = #tpu.contract_precision<fp32>, transpose_lhs_hint = false} : vector<2000x128xf32>, vector<128x128xf32>, vector<2000x128xf32> -> vector<2000x128xf32>
    %max3A = arith.constant 0.000000e+00 : f32
    %max3A_18 = vector.broadcast %max3A : f32 to vector<2000x128xf32>
    %max3A_19 = arith.maximumf %dot_general3A_17, %max3A_18 : vector<2000x128xf32>
    %get3A_20 = arith.constant 0 : index
    %get3A_21 = arith.constant 0 : index
    %get3A_22 = vector.load %arg3[%get3A_20, %get3A_21] : memref<128x16xf32, #tpu.memory_space<vmem>>, vector<128x16xf32>
    %get3A_23 = arith.constant 0 : index
    %get3A_24 = arith.constant 0 : index
    %get3A_25 = arith.constant 0 : index
    %get3A_26 = vector.load %arg5[%get3A_23, %get3A_24, %get3A_25] : memref<4x128x16xf32, #tpu.memory_space<vmem>>, vector<1x128x16xf32>
    %get3A_27 = vector.shape_cast %get3A_26 : vector<1x128x16xf32> to vector<128x16xf32>
    %mul3A_28 = arith.mulf %get3A_22, %get3A_27 : vector<128x16xf32>
    %dot_general3A_29 = arith.constant dense<0.000000e+00> : vector<2000x16xf32>
    %dot_general3A_30 = tpu.matmul %max3A_19, %mul3A_28, %dot_general3A_29 {dimension_numbers = #tpu.dot_dimension_numbers<[1], [0], [0], [1], [0, 0, 1, 1], [], []>, precision = #tpu.contract_precision<fp32>, transpose_lhs_hint = false} : vector<2000x128xf32>, vector<128x16xf32>, vector<2000x16xf32> -> vector<2000x16xf32>
    %get3A_31 = arith.constant 0 : index
    %get3A_32 = arith.constant 0 : index
    %get3A_33 = vector.load %arg2[%get3A_31, %get3A_32] : memref<128x128xf32, #tpu.memory_space<vmem>>, vector<128x128xf32>
    %get3A_34 = arith.constant 1 : index
    %get3A_35 = arith.constant 0 : index
    %get3A_36 = arith.constant 0 : index
    %get3A_37 = vector.load %arg4[%get3A_34, %get3A_35, %get3A_36] : memref<4x128x128xf32, #tpu.memory_space<vmem>>, vector<1x128x128xf32>
    %get3A_38 = vector.shape_cast %get3A_37 : vector<1x128x128xf32> to vector<128x128xf32>
    %mul3A_39 = arith.mulf %get3A_33, %get3A_38 : vector<128x128xf32>
    %dot_general3A_40 = arith.constant dense<0.000000e+00> : vector<2000x128xf32>
    %dot_general3A_41 = tpu.matmul %add3A, %mul3A_39, %dot_general3A_40 {dimension_numbers = #tpu.dot_dimension_numbers<[1], [0], [0], [1], [0, 0, 1, 1], [], []>, precision = #tpu.contract_precision<fp32>, transpose_lhs_hint = false} : vector<2000x128xf32>, vector<128x128xf32>, vector<2000x128xf32> -> vector<2000x128xf32>
    %max3A_42 = arith.constant 0.000000e+00 : f32
    %max3A_43 = vector.broadcast %max3A_42 : f32 to vector<2000x128xf32>
    %max3A_44 = arith.maximumf %dot_general3A_41, %max3A_43 : vector<2000x128xf32>
    %get3A_45 = arith.constant 0 : index
    %get3A_46 = arith.constant 0 : index
    %get3A_47 = vector.load %arg3[%get3A_45, %get3A_46] : memref<128x16xf32, #tpu.memory_space<vmem>>, vector<128x16xf32>
    %get3A_48 = arith.constant 1 : index
    %get3A_49 = arith.constant 0 : index
    %get3A_50 = arith.constant 0 : index
    %get3A_51 = vector.load %arg5[%get3A_48, %get3A_49, %get3A_50] : memref<4x128x16xf32, #tpu.memory_space<vmem>>, vector<1x128x16xf32>
    %get3A_52 = vector.shape_cast %get3A_51 : vector<1x128x16xf32> to vector<128x16xf32>
    %mul3A_53 = arith.mulf %get3A_47, %get3A_52 : vector<128x16xf32>
    %dot_general3A_54 = arith.constant dense<0.000000e+00> : vector<2000x16xf32>
    %dot_general3A_55 = tpu.matmul %max3A_44, %mul3A_53, %dot_general3A_54 {dimension_numbers = #tpu.dot_dimension_numbers<[1], [0], [0], [1], [0, 0, 1, 1], [], []>, precision = #tpu.contract_precision<fp32>, transpose_lhs_hint = false} : vector<2000x128xf32>, vector<128x16xf32>, vector<2000x16xf32> -> vector<2000x16xf32>
    %get3A_56 = arith.constant 0 : index
    %get3A_57 = arith.constant 0 : index
    %get3A_58 = vector.load %arg2[%get3A_56, %get3A_57] : memref<128x128xf32, #tpu.memory_space<vmem>>, vector<128x128xf32>
    %get3A_59 = arith.constant 2 : index
    %get3A_60 = arith.constant 0 : index
    %get3A_61 = arith.constant 0 : index
    %get3A_62 = vector.load %arg4[%get3A_59, %get3A_60, %get3A_61] : memref<4x128x128xf32, #tpu.memory_space<vmem>>, vector<1x128x128xf32>
    %get3A_63 = vector.shape_cast %get3A_62 : vector<1x128x128xf32> to vector<128x128xf32>
    %mul3A_64 = arith.mulf %get3A_58, %get3A_63 : vector<128x128xf32>
    %dot_general3A_65 = arith.constant dense<0.000000e+00> : vector<2000x128xf32>
    %dot_general3A_66 = tpu.matmul %add3A, %mul3A_64, %dot_general3A_65 {dimension_numbers = #tpu.dot_dimension_numbers<[1], [0], [0], [1], [0, 0, 1, 1], [], []>, precision = #tpu.contract_precision<fp32>, transpose_lhs_hint = false} : vector<2000x128xf32>, vector<128x128xf32>, vector<2000x128xf32> -> vector<2000x128xf32>
    %max3A_67 = arith.constant 0.000000e+00 : f32
    %max3A_68 = vector.broadcast %max3A_67 : f32 to vector<2000x128xf32>
    %max3A_69 = arith.maximumf %dot_general3A_66, %max3A_68 : vector<2000x128xf32>
    %get3A_70 = arith.constant 0 : index
    %get3A_71 = arith.constant 0 : index
    %get3A_72 = vector.load %arg3[%get3A_70, %get3A_71] : memref<128x16xf32, #tpu.memory_space<vmem>>, vector<128x16xf32>
    %get3A_73 = arith.constant 2 : index
    %get3A_74 = arith.constant 0 : index
    %get3A_75 = arith.constant 0 : index
    %get3A_76 = vector.load %arg5[%get3A_73, %get3A_74, %get3A_75] : memref<4x128x16xf32, #tpu.memory_space<vmem>>, vector<1x128x16xf32>
    %get3A_77 = vector.shape_cast %get3A_76 : vector<1x128x16xf32> to vector<128x16xf32>
    %mul3A_78 = arith.mulf %get3A_72, %get3A_77 : vector<128x16xf32>
    %dot_general3A_79 = arith.constant dense<0.000000e+00> : vector<2000x16xf32>
    %dot_general3A_80 = tpu.matmul %max3A_69, %mul3A_78, %dot_general3A_79 {dimension_numbers = #tpu.dot_dimension_numbers<[1], [0], [0], [1], [0, 0, 1, 1], [], []>, precision = #tpu.contract_precision<fp32>, transpose_lhs_hint = false} : vector<2000x128xf32>, vector<128x16xf32>, vector<2000x16xf32> -> vector<2000x16xf32>
    %get3A_81 = arith.constant 0 : index
    %get3A_82 = arith.constant 0 : index
    %get3A_83 = vector.load %arg2[%get3A_81, %get3A_82] : memref<128x128xf32, #tpu.memory_space<vmem>>, vector<128x128xf32>
    %get3A_84 = arith.constant 3 : index
    %get3A_85 = arith.constant 0 : index
    %get3A_86 = arith.constant 0 : index
    %get3A_87 = vector.load %arg4[%get3A_84, %get3A_85, %get3A_86] : memref<4x128x128xf32, #tpu.memory_space<vmem>>, vector<1x128x128xf32>
    %get3A_88 = vector.shape_cast %get3A_87 : vector<1x128x128xf32> to vector<128x128xf32>
    %mul3A_89 = arith.mulf %get3A_83, %get3A_88 : vector<128x128xf32>
    %dot_general3A_90 = arith.constant dense<0.000000e+00> : vector<2000x128xf32>
    %dot_general3A_91 = tpu.matmul %add3A, %mul3A_89, %dot_general3A_90 {dimension_numbers = #tpu.dot_dimension_numbers<[1], [0], [0], [1], [0, 0, 1, 1], [], []>, precision = #tpu.contract_precision<fp32>, transpose_lhs_hint = false} : vector<2000x128xf32>, vector<128x128xf32>, vector<2000x128xf32> -> vector<2000x128xf32>
    %max3A_92 = arith.constant 0.000000e+00 : f32
    %max3A_93 = vector.broadcast %max3A_92 : f32 to vector<2000x128xf32>
    %max3A_94 = arith.maximumf %dot_general3A_91, %max3A_93 : vector<2000x128xf32>
    %get3A_95 = arith.constant 0 : index
    %get3A_96 = arith.constant 0 : index
    %get3A_97 = vector.load %arg3[%get3A_95, %get3A_96] : memref<128x16xf32, #tpu.memory_space<vmem>>, vector<128x16xf32>
    %get3A_98 = arith.constant 3 : index
    %get3A_99 = arith.constant 0 : index
    %get3A_100 = arith.constant 0 : index
    %get3A_101 = vector.load %arg5[%get3A_98, %get3A_99, %get3A_100] : memref<4x128x16xf32, #tpu.memory_space<vmem>>, vector<1x128x16xf32>
    %get3A_102 = vector.shape_cast %get3A_101 : vector<1x128x16xf32> to vector<128x16xf32>
    %mul3A_103 = arith.mulf %get3A_97, %get3A_102 : vector<128x16xf32>
    %dot_general3A_104 = arith.constant dense<0.000000e+00> : vector<2000x16xf32>
    %dot_general3A_105 = tpu.matmul %max3A_94, %mul3A_103, %dot_general3A_104 {dimension_numbers = #tpu.dot_dimension_numbers<[1], [0], [0], [1], [0, 0, 1, 1], [], []>, precision = #tpu.contract_precision<fp32>, transpose_lhs_hint = false} : vector<2000x128xf32>, vector<128x16xf32>, vector<2000x16xf32> -> vector<2000x16xf32>
    %concatenate3A = tpu.concatenate %dot_general3A_30, %dot_general3A_55, %dot_general3A_80, %dot_general3A_105 in 1 : vector<2000x16xf32>, vector<2000x16xf32>, vector<2000x16xf32>, vector<2000x16xf32> -> vector<2000x64xf32>
    %swap3A = arith.constant 0 : index
    %swap3A_106 = arith.constant 0 : index
    %swap3A_107 = vector.load %arg6[%swap3A, %swap3A_106] : memref<2000x64xf32, #tpu.memory_space<vmem>>, vector<2000x64xf32>
    tpu.vector_store %arg6[%swap3A, %swap3A_106], %concatenate3A {strides = array<i32>} : memref<2000x64xf32, #tpu.memory_space<vmem>>, vector<2000x64xf32>,
    return
  }
  func.func @transform_0(%arg0: i32) -> (i32, i32, i32) {
    %c0_i32 = arith.constant 0 : i32
    %c0_i32_0 = arith.constant 0 : i32
    %c0_i32_1 = arith.constant 0 : i32
    return %c0_i32, %arg0, %c0_i32_0 : i32, i32, i32
  }
  func.func @transform_1(%arg0: i32) -> (i32, i32) {
    %c0_i32 = arith.constant 0 : i32
    %c0_i32_0 = arith.constant 0 : i32
    %c0_i32_1 = arith.constant 0 : i32
    return %c0_i32, %c0_i32_0 : i32, i32
  }
  func.func @transform_2(%arg0: i32) -> (i32, i32) {
    %c0_i32 = arith.constant 0 : i32
    %c0_i32_0 = arith.constant 0 : i32
    %c0_i32_1 = arith.constant 0 : i32
    return %c0_i32, %c0_i32_0 : i32, i32
  }
  func.func @transform_3(%arg0: i32) -> (i32, i32, i32) {
    %c0_i32 = arith.constant 0 : i32
    %c0_i32_0 = arith.constant 0 : i32
    %c0_i32_1 = arith.constant 0 : i32
    %c0_i32_2 = arith.constant 0 : i32
    return %c0_i32, %c0_i32_0, %c0_i32_1 : i32, i32, i32
  }
  func.func @transform_4(%arg0: i32) -> (i32, i32, i32) {
    %c0_i32 = arith.constant 0 : i32
    %c0_i32_0 = arith.constant 0 : i32
    %c0_i32_1 = arith.constant 0 : i32
    %c0_i32_2 = arith.constant 0 : i32
    return %c0_i32, %c0_i32_0, %c0_i32_1 : i32, i32, i32
  }
  func.func @transform_5(%arg0: i32) -> (i32, i32) {
    %c0_i32 = arith.constant 0 : i32
    %c0_i32_0 = arith.constant 0 : i32
    return %arg0, %c0_i32 : i32, i32
  }
}

module attributes {stable_mosaic.version = 14 : i64} {
  func.func @body(%arg0: i32, %arg1: memref<2x2000x64xf32, #tpu.memory_space<vmem>>, %arg2: memref<4x2000x16xf32, #tpu.memory_space<vmem>>) attributes {dimension_semantics = [#tpu.dimension_semantics<arbitrary>], iteration_bounds = array<i64: 5>, scalar_prefetch = 0 : i64, scratch_operands = 0 : i64, tpu.core_type = #tpu.core_type<tc>, window_params = [{transform_indices = @transform_0, window_bounds = array<i64: 2, 2000, 64>}, {transform_indices = @transform_1, window_bounds = array<i64: 4, 2000, 16>}]} {
    %get3A = arith.constant 0 : index
    %get3A_0 = arith.constant 0 : index
    %get3A_1 = arith.constant 0 : index
    %get3A_2 = vector.load %arg1[%get3A, %get3A_0, %get3A_1] : memref<2x2000x64xf32, #tpu.memory_space<vmem>>, vector<1x2000x64xf32>
    %get3A_3 = vector.shape_cast %get3A_2 : vector<1x2000x64xf32> to vector<2000x64xf32>
    %get3A_4 = arith.constant 1 : index
    %get3A_5 = arith.constant 0 : index
    %get3A_6 = arith.constant 0 : index
    %get3A_7 = vector.load %arg1[%get3A_4, %get3A_5, %get3A_6] : memref<2x2000x64xf32, #tpu.memory_space<vmem>>, vector<1x2000x64xf32>
    %get3A_8 = vector.shape_cast %get3A_7 : vector<1x2000x64xf32> to vector<2000x64xf32>
    %add3A = arith.addf %get3A_3, %get3A_8 : vector<2000x64xf32>
    %slice3A = vector.extract_strided_slice %add3A {offsets = [0, 0], sizes = [2000, 16], strides = [1, 1]} : vector<2000x64xf32> to vector<2000x16xf32>
    %swap3A = arith.constant 0 : index
    %swap3A_9 = arith.constant 0 : index
    %swap3A_10 = arith.constant 0 : index
    %swap3A_11 = vector.load %arg2[%swap3A, %swap3A_9, %swap3A_10] : memref<4x2000x16xf32, #tpu.memory_space<vmem>>, vector<1x2000x16xf32>
    %swap3A_12 = vector.shape_cast %swap3A_11 : vector<1x2000x16xf32> to vector<2000x16xf32>
    %swap3A_13 = vector.shape_cast %slice3A : vector<2000x16xf32> to vector<1x2000x16xf32>
    tpu.vector_store %arg2[%swap3A, %swap3A_9, %swap3A_10], %swap3A_13 {strides = array<i32>} : memref<4x2000x16xf32, #tpu.memory_space<vmem>>, vector<1x2000x16xf32>,
    %slice3A_14 = vector.extract_strided_slice %add3A {offsets = [0, 16], sizes = [2000, 16], strides = [1, 1]} : vector<2000x64xf32> to vector<2000x16xf32>
    %swap3A_15 = arith.constant 1 : index
    %swap3A_16 = arith.constant 0 : index
    %swap3A_17 = arith.constant 0 : index
    %swap3A_18 = vector.load %arg2[%swap3A_15, %swap3A_16, %swap3A_17] : memref<4x2000x16xf32, #tpu.memory_space<vmem>>, vector<1x2000x16xf32>
    %swap3A_19 = vector.shape_cast %swap3A_18 : vector<1x2000x16xf32> to vector<2000x16xf32>
    %swap3A_20 = vector.shape_cast %slice3A_14 : vector<2000x16xf32> to vector<1x2000x16xf32>
    tpu.vector_store %arg2[%swap3A_15, %swap3A_16, %swap3A_17], %swap3A_20 {strides = array<i32>} : memref<4x2000x16xf32, #tpu.memory_space<vmem>>, vector<1x2000x16xf32>,
    %slice3A_21 = vector.extract_strided_slice %add3A {offsets = [0, 32], sizes = [2000, 16], strides = [1, 1]} : vector<2000x64xf32> to vector<2000x16xf32>
    %swap3A_22 = arith.constant 2 : index
    %swap3A_23 = arith.constant 0 : index
    %swap3A_24 = arith.constant 0 : index
    %swap3A_25 = vector.load %arg2[%swap3A_22, %swap3A_23, %swap3A_24] : memref<4x2000x16xf32, #tpu.memory_space<vmem>>, vector<1x2000x16xf32>
    %swap3A_26 = vector.shape_cast %swap3A_25 : vector<1x2000x16xf32> to vector<2000x16xf32>
    %swap3A_27 = vector.shape_cast %slice3A_21 : vector<2000x16xf32> to vector<1x2000x16xf32>
    tpu.vector_store %arg2[%swap3A_22, %swap3A_23, %swap3A_24], %swap3A_27 {strides = array<i32>} : memref<4x2000x16xf32, #tpu.memory_space<vmem>>, vector<1x2000x16xf32>,
    %slice3A_28 = vector.extract_strided_slice %add3A {offsets = [0, 48], sizes = [2000, 16], strides = [1, 1]} : vector<2000x64xf32> to vector<2000x16xf32>
    %swap3A_29 = arith.constant 3 : index
    %swap3A_30 = arith.constant 0 : index
    %swap3A_31 = arith.constant 0 : index
    %swap3A_32 = vector.load %arg2[%swap3A_29, %swap3A_30, %swap3A_31] : memref<4x2000x16xf32, #tpu.memory_space<vmem>>, vector<1x2000x16xf32>
    %swap3A_33 = vector.shape_cast %swap3A_32 : vector<1x2000x16xf32> to vector<2000x16xf32>
    %swap3A_34 = vector.shape_cast %slice3A_28 : vector<2000x16xf32> to vector<1x2000x16xf32>
    tpu.vector_store %arg2[%swap3A_29, %swap3A_30, %swap3A_31], %swap3A_34 {strides = array<i32>} : memref<4x2000x16xf32, #tpu.memory_space<vmem>>, vector<1x2000x16xf32>,
    return
  }
  func.func @transform_0(%arg0: i32) -> (i32, i32, i32) {
    %c0_i32 = arith.constant 0 : i32
    %c0_i32_0 = arith.constant 0 : i32
    %c0_i32_1 = arith.constant 0 : i32
    return %c0_i32, %arg0, %c0_i32_0 : i32, i32, i32
  }
  func.func @transform_1(%arg0: i32) -> (i32, i32, i32) {
    %c0_i32 = arith.constant 0 : i32
    %c0_i32_0 = arith.constant 0 : i32
    %c0_i32_1 = arith.constant 0 : i32
    return %c0_i32, %arg0, %c0_i32_0 : i32, i32, i32
  }
}

</mosaic_0001>

<sc_bundles>
// kernel: kernel.6.cloned.1.call-start
scs
__scs_entry_jumppad:
0x0: {  	(pc) =	sbr.rel $0x88, $3  }
0x1: {  	(tag) =	ssettag $0x0;
	lr =	simm.s32 $0x1  }
0x2: {  	[smem:$0x3F9A] =	sst lr;
	_ =	strace $0xD0000000  }
0x3: {  	_ = 	snop  }
0x4: {  	_ = 	snop  }
0x5: {  	_ = 	snop  }
0x6: {  	_ = 	snop  }
0x7: {  	_ = 	snop  }
__scs_overlays_trampoline_lowered:
0x8: {  	[smem:$0x3FA9] =	sst s0  }
0x9: {  	[smem:$0x3FAA] =	sst s1  }
0xa: {  	[smem:$0x3FAB] =	sst s2  }
0xb: {  	[smem:$0x3FAC] =	sst s3  }
0xc: {  	[smem:$0x3FAD] =	sst s4  }
0xd: {  	[smem:$0x3FAE] =	sst s5  }
0xe: {  	[smem:$0x3FAF] =	sst s6  }
0xf: {  	[smem:$0x3FB0] =	sst s7  }
0x10: {  	[smem:$0x3FB1] =	sst s8  }
0x11: {  	[smem:$0x3FB2] =	sst s9;
	s0 =	simm.s32 @!p0 $0x0  }
0x12: {  	s1 =	sld [smem:$0x3F98];
	s0 =	simm.s32 @p0 $0x1  }
0x13: {  	[smem:$0x3FB3] =	sst s0;
	s0 =	simm.s32 @!p1 $0x0  }
0x14: {  	s2 =	sld [smem:$0x3F97];
	s0 =	simm.s32 @p1 $0x1  }
0x15: {  	[smem:$0x3FB4] =	sst s0;
	s0 =	simm.s32 @!p2 $0x0  }
0x16: {  	s3 =	sld [smem:$0x3FDB];
	s0 =	simm.s32 @p2 $0x1  }
0x17: {  	s4 =	simm.s32 $0x1BF5;
	[smem:$0x3FB6] =	sst s0  }
0x18: {  	s0 =	sld [smem:$0x3F99];
	_ =	swait.ge [sflag:s4], $0x0  }
0x19: {  	s7 =	sld [smem:$0x3F9A]  }
0x1a: {  	s8 =	sadd.s32 $0xFFFFE003, lr  }
0x1b: {  	s9 =	sadd.s32 $0xFFFFFEF7, lr;
	s5 =	simm.s32 $0xFFFFFFFF;
	p2 =	slt.u32 s8, $0xFFFFF086  }
0x1c: {  	p1 =	slt.u32 s9, $0xF7A;
	s5 =	simm.s32 @!p2 $0x0  }
0x1d: {  	s5 =	simm.s32 @p1 $0x1;
	p0 =	seq.s32 s7, s2  }
0x1e: {  	s7 =	smul.u32 @!p0 $0xF7A, s2;
	p2 =	seq.s32 @!p0 s5, $0x0  }
0x1f: {  	s9 =	smul.u32 $0xF7A, s1;
	s8 =	simm.s32 @!p0 $0x1BF5;
	p2 =	por !p2, p0  }
0x20: {  	[sflag:s8] =	ssyncset.s32 @!p0 $0xFFFFF086;
	s6 =	sadd.s32 @!p0 s3, s7;
	s7 =	simm.s32 @!p0 $0x108  }
0x21: {  	s3 =	sadd.s32 s3, s9;
	s6 =	sadd.s32 @!p0 $0x88, s6;
	s7 =	simm.s32 @p2 $0x1082  }
0x22: {  	[simem:s7], [sflag:s8] =	dma.local @!p0 [hbm:s6], $0xF7A  }
0x23: {  	s9 =	sor.u32 $0xD0000000, s2;
	s6 =	simm.s32 $0x108;
	_ =	swait.ge @!p0 [sflag:s8], $0x0  }
0x24: {  	s3 =	sadd.s32 $0x88, s3;
	s6 =	simm.s32 @!p1 $0x1082;
	[sflag:s4] =	ssyncset.s32 $0xFFFFF086  }
0x25: {  	[simem:s6], [sflag:s4] =	dma.local [hbm:s3], $0xF7A  }
0x26: {  	[smem:$0x3F9A] =	sst s1;
	(tag) =	ssettag s2;
	_ =	strace s9  }
0x27: {  	s1 =	sld [smem:$0x3FAA]  }
0x28: {  	s2 =	sld [smem:$0x3FAB]  }
0x29: {  	s4 =	sld [smem:$0x3FAD]  }
0x2a: {  	p0 =	seq.s32 s5, $0x0;
	s5 =	sld [smem:$0x3FAE]  }
0x2b: {  	s6 =	sld [smem:$0x3FAF]  }
0x2c: {  	s7 =	sld [smem:$0x3FB0]  }
0x2d: {  	s3 =	simm.s32 $0x108;
	s8 =	sld [smem:$0x3FB1]  }
0x2e: {  	s3 =	simm.s32 @!p0 $0x1082;
	s9 =	sld [smem:$0x3FB2]  }
0x2f: {  	lr =	sadd.s32 s0, s3;
	s0 =	sld [smem:$0x3FA9]  }
0x30: {  	s3 =	sld [smem:$0x3FAC]  }
0x31: {  	[smem:$0x3FB5] =	sst s10  }
0x32: {  	s10 =	sld [smem:$0x3FB3];
	_ =	sdelay $0x3  }
0x33: {  	p0 =	seq.s32 s10, $0x1;
	s10 =	sld [smem:$0x3FB5];
	_ =	sdelay $0x3  }
0x34: {  	[smem:$0x3FB5] =	sst s10  }
0x35: {  	s10 =	sld [smem:$0x3FB4];
	_ =	sdelay $0x3  }
0x36: {  	p1 =	seq.s32 s10, $0x1;
	s10 =	sld [smem:$0x3FB5];
	_ =	sdelay $0x3  }
0x37: {  	[smem:$0x3FB5] =	sst s10  }
0x38: {  	s10 =	sld [smem:$0x3FB6]  }
0x39: {  	_ = 	snop;
	(pc) =	sbr.ind lr, $3  }
0x3a: {  	_ = 	snop  }
0x3b: {  	_ = 	snop  }
0x3c: {  	p2 =	seq.s32 s10, $0x1;
	s10 =	sld [smem:$0x3FB5]  }
0x3d: {  	_ =	shalt  }
0x3e: {  	_ =	shalt  }
0x3f: {  	_ =	shalt  }
0x40: {  	_ =	shalt  }
0x41: {  	_ =	shalt  }
0x42: {  	_ =	shalt  }
0x43: {  	_ =	shalt  }
0x44: {  	_ =	shalt  }
0x45: {  	_ =	shalt  }
0x46: {  	_ =	shalt  }
0x47: {  	_ =	shalt  }
0x48: {  	_ =	shalt  }
0x49: {  	_ =	shalt  }
0x4a: {  	_ =	shalt  }
0x4b: {  	_ =	shalt  }
0x4c: {  	_ =	shalt  }
0x4d: {  	_ =	shalt  }
0x4e: {  	_ =	shalt  }
0x4f: {  	_ =	shalt  }
0x50: {  	_ =	shalt  }
0x51: {  	_ =	shalt  }
0x52: {  	_ =	shalt  }
0x53: {  	_ =	shalt  }
0x54: {  	_ =	shalt  }
0x55: {  	_ =	shalt  }
0x56: {  	_ =	shalt  }
0x57: {  	_ =	shalt  }
0x58: {  	_ =	shalt  }
0x59: {  	_ =	shalt  }
0x5a: {  	_ =	shalt  }
0x5b: {  	_ =	shalt  }
0x5c: {  	_ =	shalt  }
0x5d: {  	_ =	shalt  }
0x5e: {  	_ =	shalt  }
0x5f: {  	_ =	shalt  }
0x60: {  	_ =	shalt  }
0x61: {  	_ =	shalt  }
0x62: {  	_ =	shalt  }
0x63: {  	_ =	shalt  }
0x64: {  	_ =	shalt  }
0x65: {  	_ =	shalt  }
0x66: {  	_ =	shalt  }
0x67: {  	_ =	shalt  }
0x68: {  	_ =	shalt  }
0x69: {  	_ =	shalt  }
0x6a: {  	_ =	shalt  }
0x6b: {  	_ =	shalt  }
0x6c: {  	_ =	shalt  }
0x6d: {  	_ =	shalt  }
0x6e: {  	_ =	shalt  }
0x6f: {  	_ =	shalt  }
0x70: {  	_ =	shalt  }
0x71: {  	_ =	shalt  }
0x72: {  	_ =	shalt  }
0x73: {  	_ =	shalt  }
0x74: {  	_ =	shalt  }
0x75: {  	_ =	shalt  }
0x76: {  	_ =	shalt  }
0x77: {  	_ =	shalt  }
0x78: {  	_ =	shalt  }
0x79: {  	_ =	shalt  }
0x7a: {  	_ =	shalt  }
0x7b: {  	_ =	shalt  }
0x7c: {  	_ =	shalt  }
0x7d: {  	_ =	shalt  }
0x7e: {  	_ =	shalt  }
0x7f: {  	_ =	shalt  }
0x80: {  	_ =	shalt  }
0x81: {  	_ =	shalt  }
0x82: {  	_ =	shalt  }
0x83: {  	_ =	shalt  }
0x84: {  	_ =	shalt  }
0x85: {  	_ =	shalt  }
0x86: {  	_ =	shalt  }
0x87: {  	_ =	shalt  }
.Lfunc_end0:
.L_simem_size_0:
called_computation_lowered:
.L_overlay_start_0:
0x88: {  	s2 =	sld [smem:$0x3FD9]  }
0x89: {  	s3 =	sld [smem:$0x3FFE];
	_ =	sdelay $0x1  }
0x8a: {  	s1 =	srdreg.scid  }
0x8b: {  	s0 =	sand.u32 $0x1, s1  }
0x8c: {  	s17 =	sshll.u32 s0, $0xA;
	s2 =	sadd.s32 s3, s2  }
0x8d: {  	s2 =	sadd.s32 s2, s17  }
0x8e: {  	[smem:$0x3FC1] =	sst s2  }
0x8f: {  	_ = 	snop  }
0x90: {  	s2 =	sld [smem:$0x3FC9]  }
0x91: {  	s18 =	sld [smem:$0x3FC7];
	(tm) =	ssettm $0x1  }
0x92: {  	s4 =	sld [smem:$0x3FFB];
	_ =	sdelay $0x3  }
0x93: {  	_ =	strace s4  }
0x94: {  	s4 =	sld [smem:$0x3FFC];
	_ =	sdelay $0x3  }
0x95: {  	_ =	strace s4  }
0x96: {  	s4 =	sld [smem:$0x3FFD];
	_ =	sdelay $0x3  }
0x97: {  	_ =	strace s4  }
0x98: {  	_ =	strace $0x8FFFFFFF  }
0x99: {  	s19 =	sld [smem:$0x3FDB];
	_ =	sdelay $0x1  }
0x9a: {  	s5 =	simm.s32 $_scs_section_size  }
0x9b: {  	s6 =	simm.s32 $_size__tile_overlayer_lowered;
	s7 =	simm.s32 $_tile_overlayer_lowered  }
0x9c: {  	s22 =	simm.s32 $0x1BFF;
	s21 =	sshll.u32 s7, $0x1;
	s4 =	sadd.s32 s5, s19  }
0x9d: {  	s8 =	simm.s32 $0x0;
	s20 =	sshll.u32 s6, $0x1;
	s6 =	sadd.s32 s21, s4  }
0x9e: {  	[timem:s8], [sflag:s22] =	dma.local [hbm:s6], s20  }
0x9f: {  	_ =	swait.ge [sflag:s22], s20  }
0xa0: {  	s5 =	ssub.s32 $0x0, s20;
	[sflag:s22] =	ssyncset.done $0x0  }
0xa1: {  	[sflag:s22] =	ssyncadd.s32 s5;
	_ =	sdelay $0x1  }
0xa2: {  	s23 =	simm.s32 $0x1B8B  }
0xa3: {  	_ =	swait.ge [sflag:s23], $0x1  }
0xa4: {  	[sflag:s23] =	ssyncset.done $0x0  }
0xa5: {  	s25 =	simm.s32 $0x1B8E;
	s24 =	sld [smem:$0x3FFE];
	[sflag:s23] =	ssyncadd.s32 $0xFFFFFFFF  }
0xa6: {  	s26 =	simm.s32 $execute0_lowered;
	[smem:$0x3FD2] =	sst s25  }
0xa7: {  	s6 =	sshll.u32 s26, $0x1;
	_ =	strace $0x80000046;
	[dreg:$0x1] =	wrdreg $0xFFFFFFFF  }
0xa8: {  	s28 =	simm.s32 $_size_execute0_lowered;
	s4 =	sadd.s32 s4, s6;
	[dreg:$0x0] =	wrdreg $0x0  }
0xa9: {  	s6 =	sshll.u32 s28, $0x1;
	[dreg:$0x2] =	wrdreg s4  }
0xaa: {  	[dreg:$0x3] =	wrdreg s6  }
0xab: {  	[dreg:$0x4] =	wrdreg $0xC0  }
0xac: {  	_ =	task [dreg:s8], $0x5FFFF  }
0xad: {  	[dreg:$0x1] =	wrdreg $0xFFFFFFFF  }
0xae: {  	[dreg:$0x0] =	wrdreg $0x60  }
0xaf: {  	[dreg:$0x2] =	wrdreg s2  }
0xb0: {  	[dreg:$0x3] =	wrdreg s24  }
0xb1: {  	[dreg:$0x4] =	wrdreg s18  }
0xb2: {  	[dreg:$0x5] =	wrdreg $0x0  }
0xb3: {  	[dreg:$0x6] =	wrdreg $0x9  }
0xb4: {  	_ =	task.clear_ibuf [dreg:s8], $0x7FFFF;
	_ =	strace $0x90000046  }
0xb5: {  	s29 =	simm.s32 $0x9;
	_ =	strace $0x80000048  }
0xb6: {  	_ =	swait.ge [sflag:s29], $0x1  }
0xb7: {  	[sflag:s29] =	ssyncadd.s32 $0xFFFFFFFF  }
0xb8: {  	_ =	strace $0x90000048  }
0xb9: {  	_ =	sfence  }
0xba: {  	s30 =	sld [smem:$0x0];
	_ =	sdelay $0x2  }
0xbb: {  	s31 =	sshll.u32 s1, $0xD;
	s1 =	sshrl.u32 s1, $0x2  }
0xbc: {  	s3 =	sand.u32 $0x4000, s31;
	s1 =	sadd.s32 s1, s30  }
0xbd: {  	s0 =	sor.u32 s3, s0;
	s1 =	sshll.u32 s1, $0x11  }
0xbe: {  	s0 =	sor.u32 s1, s0  }
0xbf: {  	s0 =	sadd.s32 $0x8F2B, s0  }
0xc0: {  	[sflag:s0] =	ssyncadd.remote.s32 $0x1  }
0xc1: {  	_ =	sfence.sel $0xFFFF  }
0xc2: {  	[dreg:$0x0] =	wrdreg $0xFFFFFFFF;
	(pc) =	sbr.abs _section_cstart, $3  }
0xc3: {  	[dreg:$0x1] =	wrdreg $0xFFFFFFFF  }
0xc4: {  	_ =	task.clear_ibuf [dreg:s8], $0x2FFFF;
	_ =	strace $0x9FFFFFFF  }
0xc5: {  	(tm) =	ssettm $0x7FFFFFFF  }
tec
execute0_lowered:
.L_overlay_start_1:
0x0: {  	(tag) =	ssettag $0x1  }
0x1: {  	s1 =	rddreg [dreg:$0x0]  }
0x2: {  	s10 =	rddreg [dreg:$0x1]  }
0x3: {  	s2 =	rddreg [dreg:$0x2]  }
0x4: {  	s3 =	rddreg [dreg:$0x3]  }
0x5: {  	s0 =	rddreg [dreg:$0x4];
	s5 =	simm.s32 $0x0;
	s4 =	stileid.u32  }
0x6: {  	s6 =	srdreg.scid;
	s19 =	simm.s32 $0x138D0;
	s20 =	simm.s32 $0x13920  }
0x7: {  	s21 =	simm.s32 $0x50;
	s22 =	simm.s32 $0x13970;
	s23 =	simm.s32 $0x1  }
0x8: {  	[smem:$0x7FF] =	sst s5;
	s9 =	smul.u32 $0x13C00, s4;
	s11 =	sand.u32 $0x1, s6  }
0x9: {  	s8 =	sshll.u32 s4, $0x1;
	s6 =	sadd.s32 $0xA800, s10;
	s15 =	smul.u32 $0x2780, s4  }
0xa: {  	s7 =	sadd.s32 $0xA00, s10;
	s16 =	sadd.s32 $0x3B800, s10;
	s31 =	smul.u32 $0x4F000, s4  }
0xb: {  	s18 =	sadd.s32 $0x128400, s3;
	p0 =	seq.s32 s4, $0xF;
	s28 =	smul.u32 $0x27100, s11  }
0xc: {  	_ =	strace $0x80000047;
	s8 =	sor.u32 s11, s8;
	s29 =	smul.u32 $0x138800, s11  }
0xd: {  	s13 =	ssub.s32 $0x2, s11;
	s12 =	sshrl.u32 s9, $0x3;
	s8 =	smul.u32 $0x2710, s8  }
0xe: {  	s14 =	sshrl.u32 s13, $0x1;
	s17 =	sadd.s32 s9, s3;
	s12 =	sadd.s32 s12, s10  }
0xf: {  	s13 =	ssub.s32 s13, s14;
	s30 =	sadd.s32 s15, s28;
	s10 =	sadd.s32 $0x39680, s10  }
0x10: {  	s14 =	sshrl.u32 s31, $0x2;
	s15 =	sshll.u32 @!p0 s4, $0x6;
	s9 =	sadd.s32 $0x14600, s12  }
0x11: {  	s11 =	sadd.s32 s16, s30;
	s12 =	sshrl.u32 s29, $0x3;
	s24 =	sadd.s32 s14, s3  }
0x12: {  	s13 =	smax.u32 s13, $0x1;
	s14 =	sshrl.u32 @p0 s18, $0x3;
	s15 =	sor.u32 @!p0 $0x1C02, s15  }
0x13: {  	s18 =	simm.s32 $0x2;
	s12 =	sadd.s32 s16, s12;
	s16 =	sshrl.u32 @!p0 s17, $0x3  }
0x14: {  	s17 =	simm.s32 $0x13880;
	s24 =	sshrl.u32 @!p0 s24, $0x3;
	s12 =	sadd.s32 $0x25080, s12  }
.LBB2_1:
0x15: {  	s25 =	simm.s32 @p0 $0x1FC2  }
0x16: {  	[spmem:s14], [sflag:s25] =	dma.local @p0 [hbm:s10], $0x2080  }
0x17: {  	s25 =	simm.s32 @p0 $0x2  }
0x18: {  	_ =	swait.ge @p0 [sflag:s25], $0x2080  }
0x19: {  	[sflag:s25] =	ssyncset.done @p0 $0x0  }
0x1a: {  	[sflag:s25] =	ssyncadd.s32 @p0 $0xFFFFDF80;
	s25 =	simm.s32 @!p0 $0x2  }
0x1b: {  	[spmem:s16], [sflag:s15] =	dma.local @!p0 [hbm:s9], $0x2780  }
0x1c: {  	_ =	swait.ge @!p0 [sflag:s25], $0x2780  }
0x1d: {  	[sflag:s25] =	ssyncset.done @!p0 $0x0  }
0x1e: {  	[sflag:s25] =	ssyncadd.s32 @!p0 $0xFFFFD880  }
0x1f: {  	s25 =	simm.s32 $0x0;
	[bflag:$0x0] =	sbarrier.arrive $0xFFFF  }
.LBB2_2:
0x20: {  	s26 =	smul.u32 $0x50, s25;
	_ =	sdelay $0x1  }
0x21: {  	s26 =	sadd.s32 s8, s26  }
0x22: {  	s26 =	sshrl.u32 s26, $0x3  }
0x23: {  	s29 =	simm.s32 $0x0;
	s28 =	sadd.s32 s6, s26  }
0x24: {  	[tilespmem:s17], [sflag:$0x2] =	stream.linear.gather [hbm4b:s28+s29], $0x50, $0x38;
	[tilespmem:$0x16170] =	vst v63  }
0x25: {  	_ =	swait.ge [sflag:s18], $0x50  }
0x26: {  	[sflag:s18] =	ssyncset.done $0x0  }
0x27: {  	s28 =	sadd.s32 s7, s26;
	[sflag:s18] =	ssyncadd.s32 $0xFFFFFFB0  }
0x28: {  	[tilespmem:s19], [sflag:$0x2] =	stream.linear.gather [hbm4b:s28+s29], $0x50, $0x38;
	[tilespmem:$0x16170] =	vst v63  }
0x29: {  	_ =	swait.ge [sflag:s18], $0x50  }
0x2a: {  	[sflag:s18] =	ssyncset.done $0x0  }
0x2b: {  	s26 =	sadd.s32 s2, s26;
	[sflag:s18] =	ssyncadd.s32 $0xFFFFFFB0  }
0x2c: {  	[tilespmem:s20], [sflag:$0x2] =	stream.linear.gather [hbm4b:s26+s29], $0x50, $0x38;
	[tilespmem:$0x16170] =	vst v63  }
0x2d: {  	_ =	swait.ge [sflag:s18], $0x50  }
0x2e: {  	[sflag:s18] =	ssyncset.done $0x0  }
0x2f: {  	[sflag:s18] =	ssyncadd.s32 $0xFFFFFFB0  }
0x30: {  	[tilespmem:s22], [sflag:$0x1] =	stream.indirect.gather [hbm4b:s1+s21], $0x80, s17, s21, $0xb8;
	[tilespmem:$0x16170] =	vst v63  }
0x31: {  	_ =	swait.ge [sflag:s23], $0x2800  }
0x32: {  	s31 =	simm.s32 $0x0;
	[sflag:s23] =	ssyncset.done $0x0  }
0x33: {  	s28 =	simm.s32 $0x0;
	s26 =	sand.u32 $0x3FFFFFF0, s31;
	[sflag:s23] =	ssyncadd.s32 $0xFFFFD800  }
0x34: {  	v0 =	vld [tilespmem:s26+$0x13920];
	s26 =	sand.u32 $0x3FFFF800, s28  }
0x35: {  	v6 =	vld [tilespmem:s26+$0x13A30]  }
0x36: {  	v2 =	vld [tilespmem:s26+$0x13990]  }
0x37: {  	v3 =	vld [tilespmem:s26+$0x139A0]  }
0x38: {  	v9 =	vld [tilespmem:s26+$0x139D0]  }
0x39: {  	v10 =	vld [tilespmem:s26+$0x139E0];
	v1 =	vbroadcast v0, $0x0  }
0x3a: {  	v11 =	vld [tilespmem:s26+$0x139F0]  }
0x3b: {  	v12 =	vld [tilespmem:s26+$0x13A00];
	v2 =	vmul.f32 v2, v1  }
0x3c: {  	v13 =	vld [tilespmem:s26+$0x13A10];
	v3 =	vmul.f32 v3, v1  }
0x3d: {  	v8 =	vld [tilespmem:s26+$0x13A20];
	v28 =	vbroadcast v0, $0x1;
	v27 =	vmul.f32 v9, v1;
	[tilespmem:s26+$0x13990] =	vst v2  }
0x3e: {  	v7 =	vld [tilespmem:s26+$0x13A40];
	v10 =	vmul.f32 v10, v1;
	[tilespmem:s26+$0x139A0] =	vst v3  }
0x3f: {  	v5 =	vld [tilespmem:s26+$0x13EE0];
	v11 =	vmul.f32 v11, v28;
	[tilespmem:s26+$0x139D0] =	vst v27  }
0x40: {  	v30 =	vld [tilespmem:s26+$0x13A60];
	v12 =	vmul.f32 v12, v28;
	[tilespmem:s26+$0x139E0] =	vst v10  }
0x41: {  	v31 =	vld [tilespmem:s26+$0x13A70];
	v13 =	vmul.f32 v13, v28;
	[tilespmem:s26+$0x139F0] =	vst v11  }
0x42: {  	v32 =	vld [tilespmem:s26+$0x13A80];
	v8 =	vmul.f32 v8, v28;
	[tilespmem:s26+$0x13A00] =	vst v12  }
0x43: {  	v29 =	vld [tilespmem:s26+$0x13A50];
	v6 =	vmul.f32 v6, v28;
	[tilespmem:s26+$0x13A10] =	vst v13  }
0x44: {  	v33 =	vld [tilespmem:s26+$0x13A90];
	v14 =	vbroadcast v0, $0x2;
	v7 =	vmul.f32 v7, v28;
	[tilespmem:s26+$0x13A20] =	vst v8  }
0x45: {  	v34 =	vld [tilespmem:s26+$0x13AA0];
	v9 =	vmul.f32 v30, v28;
	[tilespmem:s26+$0x13A30] =	vst v6  }
0x46: {  	v35 =	vld [tilespmem:s26+$0x13AB0];
	v4 =	vbroadcast v0, $0xA;
	v37 =	vmul.f32 v31, v14;
	[tilespmem:s26+$0x13A40] =	vst v7  }
0x47: {  	v36 =	vld [tilespmem:s26+$0x13AC0];
	v39 =	vmul.f32 v32, v14;
	[tilespmem:s26+$0x13A60] =	vst v9  }
0x48: {  	v38 =	vld [tilespmem:s26+$0x13AD0];
	v2 =	vmul.f32 v5, v4;
	[tilespmem:s26+$0x13A70] =	vst v37  }
0x49: {  	v40 =	vld [tilespmem:s26+$0x13AE0];
	v10 =	vmul.f32 v29, v28;
	[tilespmem:s26+$0x13A80] =	vst v39  }
0x4a: {  	v41 =	vld [tilespmem:s26+$0x13AF0];
	v8 =	vmul.f32 v33, v14;
	[tilespmem:s26+$0x13EE0] =	vst v2  }
0x4b: {  	v42 =	vld [tilespmem:s26+$0x13B00];
	v6 =	vmul.f32 v34, v14;
	[tilespmem:s26+$0x13A50] =	vst v10  }
0x4c: {  	v43 =	vld [tilespmem:s26+$0x13B10];
	v7 =	vmul.f32 v35, v14;
	[tilespmem:s26+$0x13A90] =	vst v8  }
0x4d: {  	v44 =	vld [tilespmem:s26+$0x13B20];
	v46 =	vbroadcast v0, $0x3;
	v9 =	vmul.f32 v38, v14;
	[tilespmem:s26+$0x13AA0] =	vst v6  }
0x4e: {  	v45 =	vld [tilespmem:s26+$0x13B30];
	v11 =	vmul.f32 v40, v14;
	[tilespmem:s26+$0x13AB0] =	vst v7  }
0x4f: {  	v47 =	vld [tilespmem:s26+$0x13B40];
	v12 =	vmul.f32 v41, v46;
	[tilespmem:s26+$0x13AD0] =	vst v9  }
0x50: {  	v48 =	vld [tilespmem:s26+$0x13B50];
	v10 =	vmul.f32 v36, v14;
	[tilespmem:s26+$0x13AE0] =	vst v11  }
0x51: {  	v49 =	vld [tilespmem:s26+$0x13B60];
	v8 =	vmul.f32 v42, v46;
	[tilespmem:s26+$0x13AF0] =	vst v12  }
0x52: {  	v50 =	vld [tilespmem:s26+$0x13B70];
	v6 =	vmul.f32 v43, v46;
	[tilespmem:s26+$0x13AC0] =	vst v10  }
0x53: {  	v51 =	vld [tilespmem:s26+$0x13B80];
	v7 =	vmul.f32 v44, v46;
	[tilespmem:s26+$0x13B00] =	vst v8  }
0x54: {  	v52 =	vld [tilespmem:s26+$0x13B90];
	v9 =	vmul.f32 v47, v46;
	[tilespmem:s26+$0x13B10] =	vst v6  }
0x55: {  	v53 =	vld [tilespmem:s26+$0x13BA0];
	v11 =	vmul.f32 v48, v46;
	[tilespmem:s26+$0x13B20] =	vst v7  }
0x56: {  	v54 =	vld [tilespmem:s26+$0x13BB0];
	v55 =	vbroadcast v0, $0x4;
	v12 =	vmul.f32 v49, v46;
	[tilespmem:s26+$0x13B40] =	vst v9  }
0x57: {  	v56 =	vld [tilespmem:s26+$0x13BC0];
	v10 =	vmul.f32 v45, v46;
	[tilespmem:s26+$0x13B50] =	vst v11  }
0x58: {  	v57 =	vld [tilespmem:s26+$0x13BD0];
	v8 =	vmul.f32 v50, v55;
	[tilespmem:s26+$0x13B60] =	vst v12  }
0x59: {  	v58 =	vld [tilespmem:s26+$0x13BE0];
	v6 =	vmul.f32 v51, v55;
	[tilespmem:s26+$0x13B30] =	vst v10  }
0x5a: {  	v59 =	vld [tilespmem:s26+$0x13BF0];
	v7 =	vmul.f32 v52, v55;
	[tilespmem:s26+$0x13B70] =	vst v8  }
0x5b: {  	v60 =	vld [tilespmem:s26+$0x13C00];
	v9 =	vmul.f32 v54, v55;
	[tilespmem:s26+$0x13B80] =	vst v6  }
0x5c: {  	v61 =	vld [tilespmem:s26+$0x13C10];
	v11 =	vmul.f32 v56, v55;
	[tilespmem:s26+$0x13B90] =	vst v7  }
0x5d: {  	v62 =	vld [tilespmem:s26+$0x13C20];
	v12 =	vmul.f32 v57, v55;
	[tilespmem:s26+$0x13BB0] =	vst v9  }
0x5e: {  	v63 =	vld [tilespmem:s26+$0x13C30];
	v16 =	vbroadcast v0, $0x5;
	v10 =	vmul.f32 v53, v55;
	[tilespmem:s26+$0x13BC0] =	vst v11  }
0x5f: {  	v17 =	vld [tilespmem:s26+$0x13C40];
	v8 =	vmul.f32 v58, v55;
	[tilespmem:s26+$0x13BD0] =	vst v12  }
0x60: {  	v18 =	vld [tilespmem:s26+$0x13C50];
	v6 =	vmul.f32 v59, v16;
	[tilespmem:s26+$0x13BA0] =	vst v10  }
0x61: {  	v19 =	vld [tilespmem:s26+$0x13C60];
	v7 =	vmul.f32 v60, v16;
	[tilespmem:s26+$0x13BE0] =	vst v8  }
0x62: {  	v20 =	vld [tilespmem:s26+$0x13C70];
	v9 =	vmul.f32 v62, v16;
	[tilespmem:s26+$0x13BF0] =	vst v6  }
0x63: {  	v21 =	vld [tilespmem:s26+$0x13C80];
	v11 =	vmul.f32 v63, v16;
	[tilespmem:s26+$0x13C00] =	vst v7  }
0x64: {  	v22 =	vld [tilespmem:s26+$0x13C90];
	v12 =	vmul.f32 v17, v16;
	[tilespmem:s26+$0x13C20] =	vst v9  }
0x65: {  	v23 =	vld [tilespmem:s26+$0x13CA0];
	v10 =	vmul.f32 v61, v16;
	[tilespmem:s26+$0x13C30] =	vst v11  }
0x66: {  	v24 =	vld [tilespmem:s26+$0x13CB0];
	v25 =	vbroadcast v0, $0x6;
	v8 =	vmul.f32 v18, v16;
	[tilespmem:s26+$0x13C40] =	vst v12  }
0x67: {  	v56 =	vld [tilespmem:s26+$0x13E70];
	v6 =	vmul.f32 v19, v16;
	[tilespmem:s26+$0x13C10] =	vst v10  }
0x68: {  	v26 =	vld [tilespmem:s26+$0x13CC0];
	v7 =	vmul.f32 v20, v25;
	[tilespmem:s26+$0x13C50] =	vst v8  }
0x69: {  	v30 =	vld [tilespmem:s26+$0x13D00];
	v9 =	vmul.f32 v22, v25;
	[tilespmem:s26+$0x13C60] =	vst v6  }
0x6a: {  	v27 =	vld [tilespmem:s26+$0x13CD0];
	v11 =	vmul.f32 v23, v25;
	[tilespmem:s26+$0x13C70] =	vst v7  }
0x6b: {  	v28 =	vld [tilespmem:s26+$0x13CE0];
	v12 =	vmul.f32 v24, v25;
	[tilespmem:s26+$0x13C90] =	vst v9  }
0x6c: {  	v31 =	vld [tilespmem:s26+$0x13D10];
	v62 =	vmul.f32 v56, v4;
	[tilespmem:s26+$0x13CA0] =	vst v11  }
0x6d: {  	v32 =	vld [tilespmem:s26+$0x13D20];
	v10 =	vmul.f32 v21, v25;
	[tilespmem:s26+$0x13CB0] =	vst v12  }
0x6e: {  	v3 =	vld [tilespmem:s26+$0x13EF0];
	v8 =	vmul.f32 v26, v25;
	[tilespmem:s26+$0x13E70] =	vst v62  }
0x6f: {  	v5 =	vld [tilespmem:s26+$0x13F00];
	v34 =	vbroadcast v0, $0x7;
	v6 =	vmul.f32 v27, v25;
	[tilespmem:s26+$0x13C80] =	vst v10  }
0x70: {  	v29 =	vld [tilespmem:s26+$0x13CF0];
	v7 =	vmul.f32 v28, v25;
	[tilespmem:s26+$0x13CC0] =	vst v8  }
0x71: {  	v60 =	vld [tilespmem:s26+$0x13EB0];
	v9 =	vmul.f32 v30, v34;
	[tilespmem:s26+$0x13CD0] =	vst v6  }
0x72: {  	v33 =	vld [tilespmem:s26+$0x13D30];
	v24 =	vbroadcast v0, $0xB;
	v11 =	vmul.f32 v31, v34;
	[tilespmem:s26+$0x13CE0] =	vst v7  }
0x73: {  	v35 =	vld [tilespmem:s26+$0x13D40];
	v12 =	vmul.f32 v32, v34;
	[tilespmem:s26+$0x13D00] =	vst v9  }
0x74: {  	v38 =	vld [tilespmem:s26+$0x13D70];
	v3 =	vmul.f32 v3, v24;
	[tilespmem:s26+$0x13D10] =	vst v11  }
0x75: {  	v36 =	vld [tilespmem:s26+$0x13D50];
	v5 =	vmul.f32 v5, v24;
	[tilespmem:s26+$0x13D20] =	vst v12  }
0x76: {  	v2 =	vld [tilespmem:s26+$0x14140];
	v19 =	vmul.f32 v60, v4;
	[tilespmem:s26+$0x13EF0] =	vst v3  }
0x77: {  	v39 =	vld [tilespmem:s26+$0x13D80];
	v10 =	vmul.f32 v29, v34;
	[tilespmem:s26+$0x13F00] =	vst v5  }
0x78: {  	v40 =	vld [tilespmem:s26+$0x13D90];
	v8 =	vmul.f32 v33, v34;
	[tilespmem:s26+$0x13EB0] =	vst v19  }
0x79: {  	v43 =	vbroadcast v0, $0x8;
	v61 =	vld [tilespmem:s26+$0x13EC0];
	v6 =	vmul.f32 v35, v34;
	[tilespmem:s26+$0x13CF0] =	vst v10  }
0x7a: {  	v16 =	vld [tilespmem:s26+$0x13970];
	v7 =	vmul.f32 v36, v34;
	[tilespmem:s26+$0x13D30] =	vst v8  }
0x7b: {  	v37 =	vld [tilespmem:s26+$0x13D60];
	v9 =	vmul.f32 v38, v43;
	[tilespmem:s26+$0x13D40] =	vst v6  }
0x7c: {  	v41 =	vld [tilespmem:s26+$0x13DA0];
	v11 =	vmul.f32 v39, v43;
	[tilespmem:s26+$0x13D50] =	vst v7  }
0x7d: {  	v42 =	vld [tilespmem:s26+$0x13DB0];
	v12 =	vmul.f32 v40, v43;
	[tilespmem:s26+$0x13D70] =	vst v9  }
0x7e: {  	v44 =	vld [tilespmem:s26+$0x13DC0];
	v21 =	vmul.f32 v61, v4;
	[tilespmem:s26+$0x13D80] =	vst v11  }
0x7f: {  	v46 =	vld [tilespmem:s26+$0x13DE0];
	v25 =	vmul.f32 v1, v16;
	[tilespmem:s26+$0x13D90] =	vst v12  }
0x80: {  	v47 =	vld [tilespmem:s26+$0x13DF0];
	v10 =	vmul.f32 v37, v34;
	[tilespmem:s26+$0x13EC0] =	vst v21  }
0x81: {  	v48 =	vld [tilespmem:s26+$0x13E00];
	v8 =	vmul.f32 v41, v43;
	[tilespmem:s26+$0x13970] =	vst v25  }
0x82: {  	v6 =	vmul.f32 v42, v43;
	[tilespmem:s26+$0x13D60] =	vst v10  }
0x83: {  	v52 =	vbroadcast v0, $0x9;
	v27 =	vld [tilespmem:s26+$0x13F40];
	v7 =	vmul.f32 v44, v43;
	[tilespmem:s26+$0x13DA0] =	vst v8  }
0x84: {  	v30 =	vld [tilespmem:s26+$0x13F70];
	v9 =	vmul.f32 v46, v43;
	[tilespmem:s26+$0x13DB0] =	vst v6  }
0x85: {  	v28 =	vld [tilespmem:s26+$0x13F50];
	v3 =	vbroadcast v0, $0xF;
	v11 =	vmul.f32 v47, v52;
	[tilespmem:s26+$0x13DC0] =	vst v7  }
0x86: {  	v45 =	vld [tilespmem:s26+$0x13DD0];
	v12 =	vmul.f32 v48, v52;
	[tilespmem:s26+$0x13DE0] =	vst v9  }
0x87: {  	v49 =	vld [tilespmem:s26+$0x13E10];
	v35 =	vbroadcast v0, $0xC;
	v2 =	vmul.f32 v2, v3;
	[tilespmem:s26+$0x13DF0] =	vst v11  }
0x88: {  	v50 =	vld [tilespmem:s26+$0x13E20];
	v32 =	vmul.f32 v27, v24;
	[tilespmem:s26+$0x13E00] =	vst v12  }
0x89: {  	v51 =	vld [tilespmem:s26+$0x13E30];
	v14 =	vmul.f32 v30, v35;
	[tilespmem:s26+$0x14140] =	vst v2  }
0x8a: {  	v54 =	vld [tilespmem:s26+$0x13E50];
	v40 =	vmul.f32 v28, v24;
	[tilespmem:s26+$0x13F40] =	vst v32  }
0x8b: {  	v55 =	vld [tilespmem:s26+$0x13E60];
	v10 =	vmul.f32 v45, v43;
	[tilespmem:s26+$0x13F70] =	vst v14  }
0x8c: {  	v18 =	vld [tilespmem:s26+$0x139B0];
	v8 =	vmul.f32 v49, v52;
	[tilespmem:s26+$0x13F50] =	vst v40  }
0x8d: {  	v38 =	vld [tilespmem:s26+$0x13FE0];
	v6 =	vmul.f32 v50, v52;
	[tilespmem:s26+$0x13DD0] =	vst v10  }
0x8e: {  	v29 =	vld [tilespmem:s26+$0x13F60];
	v7 =	vmul.f32 v51, v52;
	[tilespmem:s26+$0x13E10] =	vst v8  }
0x8f: {  	v33 =	vld [tilespmem:s26+$0x13FA0];
	v9 =	vmul.f32 v54, v52;
	[tilespmem:s26+$0x13E20] =	vst v6  }
0x90: {  	v53 =	vld [tilespmem:s26+$0x13E40];
	v11 =	vmul.f32 v55, v52;
	[tilespmem:s26+$0x13E30] =	vst v7  }
0x91: {  	v57 =	vld [tilespmem:s26+$0x13E80];
	v2 =	vmul.f32 v18, v1;
	[tilespmem:s26+$0x13E50] =	vst v9  }
0x92: {  	v58 =	vld [tilespmem:s26+$0x13E90];
	v14 =	vmul.f32 v38, v35;
	[tilespmem:s26+$0x13E60] =	vst v11  }
0x93: {  	v59 =	vld [tilespmem:s26+$0x13EA0];
	v5 =	vmul.f32 v29, v24;
	[tilespmem:s26+$0x139B0] =	vst v2  }
0x94: {  	v63 =	vld [tilespmem:s26+$0x13ED0];
	v62 =	vmul.f32 v33, v35;
	[tilespmem:s26+$0x13FE0] =	vst v14  }
0x95: {  	v17 =	vld [tilespmem:s26+$0x13980];
	v10 =	vmul.f32 v53, v52;
	[tilespmem:s26+$0x13F60] =	vst v5  }
0x96: {  	v20 =	vld [tilespmem:s26+$0x139C0];
	v8 =	vmul.f32 v57, v4;
	[tilespmem:s26+$0x13FA0] =	vst v62  }
0x97: {  	v61 =	vld [tilespmem:s26+$0x14160];
	v6 =	vmul.f32 v58, v4;
	[tilespmem:s26+$0x13E40] =	vst v10  }
0x98: {  	v46 =	vld [tilespmem:s26+$0x14050];
	v7 =	vmul.f32 v59, v4;
	[tilespmem:s26+$0x13E80] =	vst v8  }
0x99: {  	v22 =	vld [tilespmem:s26+$0x13F10];
	v4 =	vmul.f32 v63, v4;
	[tilespmem:s26+$0x13E90] =	vst v6  }
0x9a: {  	v23 =	vld [tilespmem:s26+$0x13F20];
	v11 =	vmul.f32 v17, v1;
	[tilespmem:s26+$0x13EA0] =	vst v7  }
0x9b: {  	v26 =	vld [tilespmem:s26+$0x13F30];
	v44 =	vbroadcast v0, $0xD;
	v1 =	vmul.f32 v20, v1;
	[tilespmem:s26+$0x13ED0] =	vst v4  }
0x9c: {  	v31 =	vld [tilespmem:s26+$0x13F80];
	v63 =	vmul.f32 v61, v3;
	[tilespmem:s26+$0x13980] =	vst v11  }
0x9d: {  	v34 =	vld [tilespmem:s26+$0x13FB0];
	v51 =	vmul.f32 v46, v44;
	[tilespmem:s26+$0x139C0] =	vst v1  }
0x9e: {  	v41 =	vld [tilespmem:s26+$0x14010];
	v6 =	vmul.f32 v22, v24;
	[tilespmem:s26+$0x14160] =	vst v63  }
0x9f: {  	v7 =	vmul.f32 v23, v24;
	v1 =	vld [tilespmem:s26+$0x14000];
	[tilespmem:s26+$0x14050] =	vst v51  }
0xa0: {  	v49 =	vld [tilespmem:s26+$0x14090];
	v4 =	vmul.f32 v26, v24;
	[tilespmem:s26+$0x13F10] =	vst v6  }
0xa1: {  	v50 =	vld [tilespmem:s26+$0x140A0];
	v8 =	vmul.f32 v31, v35;
	[tilespmem:s26+$0x13F20] =	vst v7  }
0xa2: {  	v36 =	vld [tilespmem:s26+$0x13FC0];
	v11 =	vmul.f32 v34, v35;
	[tilespmem:s26+$0x13F30] =	vst v4  }
0xa3: {  	v37 =	vld [tilespmem:s26+$0x13FD0];
	v0 =	vbroadcast v0, $0xE;
	v10 =	vmul.f32 v41, v44;
	[tilespmem:s26+$0x13F80] =	vst v8  }
0xa4: {  	v39 =	vld [tilespmem:s26+$0x13FF0];
	[tilespmem:s26+$0x13FB0] =	vst v11;
	v1 =	vmul.f32 v1, v44  }
0xa5: {  	v42 =	vld [tilespmem:s26+$0x14020];
	v9 =	vmul.f32 v49, v0;
	[tilespmem:s26+$0x14010] =	vst v10  }
0xa6: {  	v5 =	vmul.f32 v50, v0;
	[tilespmem:s26+$0x14000] =	vst v1;
	v1 =	vld [tilespmem:s26+$0x14070]  }
0xa7: {  	v48 =	vld [tilespmem:s26+$0x14080];
	v7 =	vmul.f32 v36, v35;
	[tilespmem:s26+$0x14090] =	vst v9  }
0xa8: {  	v57 =	vld [tilespmem:s26+$0x14110];
	v4 =	vmul.f32 v37, v35;
	[tilespmem:s26+$0x140A0] =	vst v5  }
0xa9: {  	v45 =	vld [tilespmem:s26+$0x14040];
	v8 =	vmul.f32 v39, v44;
	[tilespmem:s26+$0x13FC0] =	vst v7  }
0xaa: {  	v47 =	vld [tilespmem:s26+$0x14060];
	v11 =	vmul.f32 v42, v44;
	[tilespmem:s26+$0x13FD0] =	vst v4  }
0xab: {  	v43 =	vld [tilespmem:s26+$0x14030];
	[tilespmem:s26+$0x13FF0] =	vst v8;
	v1 =	vmul.f32 v1, v0  }
0xac: {  	v55 =	vld [tilespmem:s26+$0x140F0];
	v10 =	vmul.f32 v48, v0;
	[tilespmem:s26+$0x14020] =	vst v11  }
0xad: {  	v5 =	vmul.f32 v57, v3;
	[tilespmem:s26+$0x14070] =	vst v1;
	v1 =	vld [tilespmem:s26+$0x140E0]  }
0xae: {  	v52 =	vld [tilespmem:s26+$0x140B0];
	v4 =	vmul.f32 v45, v44;
	[tilespmem:s26+$0x14080] =	vst v10  }
0xaf: {  	v56 =	vld [tilespmem:s26+$0x14100];
	v8 =	vmul.f32 v47, v44;
	[tilespmem:s26+$0x14110] =	vst v5  }
0xb0: {  	v54 =	vld [tilespmem:s26+$0x140D0];
	v7 =	vmul.f32 v43, v44;
	[tilespmem:s26+$0x14040] =	vst v4  }
0xb1: {  	v58 =	vld [tilespmem:s26+$0x14120];
	v10 =	vmul.f32 v55, v3;
	[tilespmem:s26+$0x14060] =	vst v8  }
0xb2: {  	v53 =	vld [tilespmem:s26+$0x140C0];
	[tilespmem:s26+$0x14030] =	vst v7;
	v1 =	vmul.f32 v1, v0  }
0xb3: {  	v59 =	vld [tilespmem:s26+$0x14130];
	v4 =	vmul.f32 v52, v0;
	[tilespmem:s26+$0x140F0] =	vst v10  }
0xb4: {  	v60 =	vld [tilespmem:s26+$0x14150];
	[tilespmem:s26+$0x140E0] =	vst v1;
	v1 =	vmul.f32 v56, v3  }
0xb5: {  	v8 =	vmul.f32 v54, v0;
	[tilespmem:s26+$0x140B0] =	vst v4  }
0xb6: {  	v2 =	vld [tilespmem:s26+$0x13F90];
	[tilespmem:s26+$0x14100] =	vst v1;
	v1 =	vmul.f32 v58, v3  }
0xb7: {  	[tilespmem:s26+$0x140D0] =	vst v8;
	v0 =	vmul.f32 v53, v0  }
0xb8: {  	[tilespmem:s26+$0x14120] =	vst v1;
	v1 =	vmul.f32 v59, v3  }
0xb9: {  	[tilespmem:s26+$0x140C0] =	vst v0;
	v3 =	vmul.f32 v60, v3  }
0xba: {  	[tilespmem:s26+$0x14130] =	vst v1  }
0xbb: {  	s28 =	simm.s32 $0x1;
	v1 =	vmul.f32 v2, v35;
	[tilespmem:s26+$0x14150] =	vst v3  }
.LBB2_3:
0xbc: {  	s29 =	sshll.u32 s28, $0x4  }
0xbd: {  	p1 =	sne.s32 s28, $0x4;
	[tilespmem:s26+$0x13F90] =	vst v1;
	s26 =	smov.u32 s28;
	s28 =	sadd.s32 $0x1, s28  }
0xbe: {  	s29 =	sand.u32 $0x3FFFFFF0, s29  }
0xbf: {  	s26 =	sshll.u32 s26, $0xB;
	v0 =	vld [tilespmem:s29+$0x13920]  }
0xc0: {  	s26 =	sand.u32 $0x3FFFF800, s26  }
0xc1: {  	v7 =	vld [tilespmem:s26+$0x13A30]  }
0xc2: {  	v8 =	vld [tilespmem:s26+$0x13A40]  }
0xc3: {  	v9 =	vld [tilespmem:s26+$0x13A20]  }
0xc4: {  	v1 =	vbroadcast v0, $0x0;
	v2 =	vld [tilespmem:s26+$0x13990];
	v6 =	vbroadcast v0, $0x4  }
0xc5: {  	v4 =	vld [tilespmem:s26+$0x139A0]  }
0xc6: {  	v5 =	vld [tilespmem:s26+$0x13EE0]  }
0xc7: {  	v10 =	vld [tilespmem:s26+$0x139D0]  }
0xc8: {  	v11 =	vld [tilespmem:s26+$0x139E0]  }
0xc9: {  	v3 =	vbroadcast v0, $0xA;
	v2 =	vmul.f32 v2, v1;
	v12 =	vld [tilespmem:s26+$0x139F0]  }
0xca: {  	v4 =	vmul.f32 v4, v1;
	v13 =	vld [tilespmem:s26+$0x13A00]  }
0xcb: {  	[tilespmem:s26+$0x13990] =	vst v2;
	v14 =	vld [tilespmem:s26+$0x13A10];
	v2 =	vmul.f32 v5, v3  }
0xcc: {  	[tilespmem:s26+$0x139A0] =	vst v4;
	v5 =	vmul.f32 v10, v1;
	v10 =	vbroadcast v0, $0x1;
	v4 =	vld [tilespmem:s26+$0x13EF0]  }
0xcd: {  	v11 =	vmul.f32 v11, v1;
	[tilespmem:s26+$0x13EE0] =	vst v2;
	v2 =	vld [tilespmem:s26+$0x14140]  }
0xce: {  	[tilespmem:s26+$0x139D0] =	vst v5;
	v12 =	vmul.f32 v12, v10;
	v5 =	vld [tilespmem:s26+$0x13F00]  }
0xcf: {  	[tilespmem:s26+$0x139E0] =	vst v11;
	v11 =	vmul.f32 v13, v10;
	v13 =	vld [tilespmem:s26+$0x13A50]  }
0xd0: {  	[tilespmem:s26+$0x139F0] =	vst v12;
	v12 =	vmul.f32 v14, v10;
	v14 =	vld [tilespmem:s26+$0x13A60]  }
0xd1: {  	v9 =	vmul.f32 v9, v10;
	[tilespmem:s26+$0x13A00] =	vst v11;
	v11 =	vld [tilespmem:s26+$0x13A70]  }
0xd2: {  	v7 =	vmul.f32 v7, v10;
	[tilespmem:s26+$0x13A10] =	vst v12;
	v12 =	vld [tilespmem:s26+$0x13A80]  }
0xd3: {  	v8 =	vmul.f32 v8, v10;
	[tilespmem:s26+$0x13A20] =	vst v9;
	v9 =	vld [tilespmem:s26+$0x13A90]  }
0xd4: {  	[tilespmem:s26+$0x13A30] =	vst v7;
	v7 =	vmul.f32 v13, v10;
	v13 =	vbroadcast v0, $0x2;
	v15 =	vld [tilespmem:s26+$0x13AA0]  }
0xd5: {  	[tilespmem:s26+$0x13A40] =	vst v8;
	v8 =	vmul.f32 v14, v10;
	v10 =	vld [tilespmem:s26+$0x13AB0]  }
0xd6: {  	[tilespmem:s26+$0x13A50] =	vst v7;
	v7 =	vmul.f32 v11, v13;
	v11 =	vld [tilespmem:s26+$0x13AC0]  }
0xd7: {  	[tilespmem:s26+$0x13A60] =	vst v8;
	v8 =	vmul.f32 v12, v13;
	v12 =	vld [tilespmem:s26+$0x13AD0]  }
0xd8: {  	[tilespmem:s26+$0x13A70] =	vst v7;
	v7 =	vmul.f32 v9, v13;
	v9 =	vld [tilespmem:s26+$0x13AE0]  }
0xd9: {  	[tilespmem:s26+$0x13A80] =	vst v8;
	v8 =	vmul.f32 v15, v13;
	v14 =	vld [tilespmem:s26+$0x13AF0]  }
0xda: {  	[tilespmem:s26+$0x13A90] =	vst v7;
	v7 =	vmul.f32 v10, v13;
	v10 =	vld [tilespmem:s26+$0x13B00]  }
0xdb: {  	[tilespmem:s26+$0x13AA0] =	vst v8;
	v8 =	vmul.f32 v11, v13;
	v11 =	vld [tilespmem:s26+$0x13B10]  }
0xdc: {  	[tilespmem:s26+$0x13AB0] =	vst v7;
	v7 =	vmul.f32 v12, v13;
	v12 =	vbroadcast v0, $0x3;
	v15 =	vld [tilespmem:s26+$0x13B20]  }
0xdd: {  	[tilespmem:s26+$0x13AC0] =	vst v8;
	v8 =	vmul.f32 v9, v13;
	v9 =	vld [tilespmem:s26+$0x13B30]  }
0xde: {  	[tilespmem:s26+$0x13AD0] =	vst v7;
	v7 =	vmul.f32 v14, v12;
	v13 =	vld [tilespmem:s26+$0x13B40]  }
0xdf: {  	[tilespmem:s26+$0x13AE0] =	vst v8;
	v8 =	vmul.f32 v10, v12;
	v10 =	vld [tilespmem:s26+$0x13B50]  }
0xe0: {  	[tilespmem:s26+$0x13AF0] =	vst v7;
	v7 =	vmul.f32 v11, v12;
	v11 =	vld [tilespmem:s26+$0x13B60]  }
0xe1: {  	[tilespmem:s26+$0x13B00] =	vst v8;
	v8 =	vmul.f32 v15, v12;
	v14 =	vld [tilespmem:s26+$0x13B70]  }
0xe2: {  	[tilespmem:s26+$0x13B10] =	vst v7;
	v7 =	vmul.f32 v9, v12;
	v9 =	vld [tilespmem:s26+$0x13B80]  }
0xe3: {  	[tilespmem:s26+$0x13B20] =	vst v8;
	v8 =	vmul.f32 v13, v12;
	v13 =	vld [tilespmem:s26+$0x13B90]  }
0xe4: {  	[tilespmem:s26+$0x13B30] =	vst v7;
	v7 =	vmul.f32 v10, v12;
	v10 =	vld [tilespmem:s26+$0x13BA0]  }
0xe5: {  	[tilespmem:s26+$0x13B40] =	vst v8;
	v8 =	vmul.f32 v11, v12;
	v11 =	vld [tilespmem:s26+$0x13BB0]  }
0xe6: {  	[tilespmem:s26+$0x13B50] =	vst v7;
	v7 =	vmul.f32 v14, v6;
	v12 =	vld [tilespmem:s26+$0x13BC0]  }
0xe7: {  	[tilespmem:s26+$0x13B60] =	vst v8;
	v8 =	vmul.f32 v9, v6;
	v9 =	vld [tilespmem:s26+$0x13BD0]  }
0xe8: {  	[tilespmem:s26+$0x13B70] =	vst v7;
	v7 =	vmul.f32 v13, v6;
	v13 =	vld [tilespmem:s26+$0x13BE0]  }
0xe9: {  	[tilespmem:s26+$0x13B80] =	vst v8;
	v8 =	vmul.f32 v10, v6;
	v10 =	vld [tilespmem:s26+$0x13BF0]  }
0xea: {  	[tilespmem:s26+$0x13B90] =	vst v7;
	v7 =	vmul.f32 v11, v6;
	v11 =	vld [tilespmem:s26+$0x13C00]  }
0xeb: {  	[tilespmem:s26+$0x13BA0] =	vst v8;
	v8 =	vmul.f32 v12, v6;
	v12 =	vld [tilespmem:s26+$0x13C10]  }
0xec: {  	[tilespmem:s26+$0x13BB0] =	vst v7;
	v7 =	vmul.f32 v9, v6;
	v9 =	vbroadcast v0, $0x5;
	v14 =	vld [tilespmem:s26+$0x13C20]  }
0xed: {  	[tilespmem:s26+$0x13BC0] =	vst v8;
	v6 =	vmul.f32 v13, v6;
	v8 =	vld [tilespmem:s26+$0x13C30]  }
0xee: {  	[tilespmem:s26+$0x13BD0] =	vst v7;
	v7 =	vmul.f32 v10, v9;
	v10 =	vld [tilespmem:s26+$0x13C40]  }
0xef: {  	[tilespmem:s26+$0x13BE0] =	vst v6;
	v6 =	vmul.f32 v11, v9;
	v11 =	vld [tilespmem:s26+$0x13C50]  }
0xf0: {  	[tilespmem:s26+$0x13BF0] =	vst v7;
	v7 =	vmul.f32 v12, v9;
	v12 =	vld [tilespmem:s26+$0x13C60]  }
0xf1: {  	[tilespmem:s26+$0x13C00] =	vst v6;
	v6 =	vmul.f32 v14, v9;
	v13 =	vld [tilespmem:s26+$0x13C70]  }
0xf2: {  	[tilespmem:s26+$0x13C10] =	vst v7;
	v7 =	vmul.f32 v8, v9;
	v8 =	vld [tilespmem:s26+$0x13C80]  }
0xf3: {  	[tilespmem:s26+$0x13C20] =	vst v6;
	v6 =	vmul.f32 v10, v9;
	v10 =	vld [tilespmem:s26+$0x13C90]  }
0xf4: {  	[tilespmem:s26+$0x13C30] =	vst v7;
	v7 =	vmul.f32 v11, v9;
	v11 =	vbroadcast v0, $0x6;
	v14 =	vld [tilespmem:s26+$0x13CA0]  }
0xf5: {  	[tilespmem:s26+$0x13C40] =	vst v6;
	v6 =	vmul.f32 v12, v9;
	v9 =	vld [tilespmem:s26+$0x13CB0]  }
0xf6: {  	[tilespmem:s26+$0x13C50] =	vst v7;
	v7 =	vmul.f32 v13, v11;
	v12 =	vld [tilespmem:s26+$0x13CC0]  }
0xf7: {  	[tilespmem:s26+$0x13C60] =	vst v6;
	v6 =	vmul.f32 v8, v11;
	v8 =	vld [tilespmem:s26+$0x13CD0]  }
0xf8: {  	[tilespmem:s26+$0x13C70] =	vst v7;
	v7 =	vmul.f32 v10, v11;
	v10 =	vld [tilespmem:s26+$0x13CE0]  }
0xf9: {  	[tilespmem:s26+$0x13C80] =	vst v6;
	v6 =	vmul.f32 v14, v11;
	v13 =	vld [tilespmem:s26+$0x13CF0]  }
0xfa: {  	[tilespmem:s26+$0x13C90] =	vst v7;
	v7 =	vmul.f32 v9, v11;
	v9 =	vld [tilespmem:s26+$0x13D00]  }
0xfb: {  	[tilespmem:s26+$0x13CA0] =	vst v6;
	v6 =	vmul.f32 v12, v11;
	v12 =	vld [tilespmem:s26+$0x13D10]  }
0xfc: {  	[tilespmem:s26+$0x13CB0] =	vst v7;
	v7 =	vmul.f32 v8, v11;
	v8 =	vbroadcast v0, $0x7;
	v14 =	vld [tilespmem:s26+$0x13D20]  }
0xfd: {  	[tilespmem:s26+$0x13CC0] =	vst v6;
	v6 =	vmul.f32 v10, v11;
	v10 =	vld [tilespmem:s26+$0x13D30]  }
0xfe: {  	[tilespmem:s26+$0x13CD0] =	vst v7;
	v7 =	vmul.f32 v13, v8;
	v11 =	vld [tilespmem:s26+$0x13D40]  }
0xff: {  	[tilespmem:s26+$0x13CE0] =	vst v6;
	v6 =	vmul.f32 v9, v8;
	v9 =	vld [tilespmem:s26+$0x13D50]  }
0x100: {  	[tilespmem:s26+$0x13CF0] =	vst v7;
	v7 =	vmul.f32 v12, v8;
	v12 =	vld [tilespmem:s26+$0x13D60]  }
0x101: {  	[tilespmem:s26+$0x13D00] =	vst v6;
	v6 =	vmul.f32 v14, v8;
	v13 =	vld [tilespmem:s26+$0x13D70]  }
0x102: {  	[tilespmem:s26+$0x13D10] =	vst v7;
	v7 =	vmul.f32 v10, v8;
	v10 =	vld [tilespmem:s26+$0x13D80]  }
0x103: {  	[tilespmem:s26+$0x13D20] =	vst v6;
	v6 =	vmul.f32 v11, v8;
	v11 =	vld [tilespmem:s26+$0x13D90]  }
0x104: {  	[tilespmem:s26+$0x13D30] =	vst v7;
	v7 =	vmul.f32 v9, v8;
	v9 =	vbroadcast v0, $0x8;
	v14 =	vld [tilespmem:s26+$0x13DA0]  }
0x105: {  	[tilespmem:s26+$0x13D40] =	vst v6;
	v6 =	vmul.f32 v12, v8;
	v8 =	vld [tilespmem:s26+$0x13DB0]  }
0x106: {  	[tilespmem:s26+$0x13D50] =	vst v7;
	v7 =	vmul.f32 v13, v9;
	v12 =	vld [tilespmem:s26+$0x13DC0]  }
0x107: {  	[tilespmem:s26+$0x13D60] =	vst v6;
	v6 =	vmul.f32 v10, v9;
	v10 =	vld [tilespmem:s26+$0x13DD0]  }
0x108: {  	[tilespmem:s26+$0x13D70] =	vst v7;
	v7 =	vmul.f32 v11, v9;
	v11 =	vld [tilespmem:s26+$0x13DE0]  }
0x109: {  	[tilespmem:s26+$0x13D80] =	vst v6;
	v6 =	vmul.f32 v14, v9;
	v13 =	vld [tilespmem:s26+$0x13DF0]  }
0x10a: {  	[tilespmem:s26+$0x13D90] =	vst v7;
	v7 =	vmul.f32 v8, v9;
	v8 =	vld [tilespmem:s26+$0x13E00]  }
0x10b: {  	[tilespmem:s26+$0x13DA0] =	vst v6;
	v6 =	vmul.f32 v12, v9;
	v12 =	vld [tilespmem:s26+$0x13E10]  }
0x10c: {  	[tilespmem:s26+$0x13DB0] =	vst v7;
	v7 =	vmul.f32 v10, v9;
	v10 =	vbroadcast v0, $0x9;
	v14 =	vld [tilespmem:s26+$0x13E20]  }
0x10d: {  	[tilespmem:s26+$0x13DC0] =	vst v6;
	v6 =	vmul.f32 v11, v9;
	v9 =	vld [tilespmem:s26+$0x13E30]  }
0x10e: {  	[tilespmem:s26+$0x13DD0] =	vst v7;
	v7 =	vmul.f32 v13, v10;
	v11 =	vld [tilespmem:s26+$0x13E40]  }
0x10f: {  	[tilespmem:s26+$0x13DE0] =	vst v6;
	v6 =	vmul.f32 v8, v10;
	v8 =	vld [tilespmem:s26+$0x13E50]  }
0x110: {  	[tilespmem:s26+$0x13DF0] =	vst v7;
	v7 =	vmul.f32 v12, v10;
	v12 =	vld [tilespmem:s26+$0x13E60]  }
0x111: {  	[tilespmem:s26+$0x13E00] =	vst v6;
	v6 =	vmul.f32 v14, v10;
	v13 =	vld [tilespmem:s26+$0x13E70]  }
0x112: {  	[tilespmem:s26+$0x13E10] =	vst v7;
	v7 =	vmul.f32 v9, v10;
	v9 =	vld [tilespmem:s26+$0x13E80]  }
0x113: {  	[tilespmem:s26+$0x13E20] =	vst v6;
	v6 =	vmul.f32 v11, v10;
	v11 =	vld [tilespmem:s26+$0x13E90]  }
0x114: {  	[tilespmem:s26+$0x13E30] =	vst v7;
	v7 =	vmul.f32 v8, v10;
	v8 =	vld [tilespmem:s26+$0x13EA0]  }
0x115: {  	[tilespmem:s26+$0x13E40] =	vst v6;
	v6 =	vmul.f32 v12, v10;
	v10 =	vld [tilespmem:s26+$0x13EB0]  }
0x116: {  	[tilespmem:s26+$0x13E50] =	vst v7;
	v7 =	vmul.f32 v13, v3;
	v12 =	vld [tilespmem:s26+$0x13EC0]  }
0x117: {  	[tilespmem:s26+$0x13E60] =	vst v6;
	v6 =	vmul.f32 v9, v3;
	v9 =	vld [tilespmem:s26+$0x13ED0]  }
0x118: {  	v13 =	vld [tilespmem:s26+$0x13970];
	[tilespmem:s26+$0x13E70] =	vst v7;
	v7 =	vmul.f32 v11, v3  }
0x119: {  	v11 =	vld [tilespmem:s26+$0x13980];
	[tilespmem:s26+$0x13E80] =	vst v6;
	v6 =	vmul.f32 v8, v3  }
0x11a: {  	v8 =	vld [tilespmem:s26+$0x139B0];
	[tilespmem:s26+$0x13E90] =	vst v7;
	v7 =	vmul.f32 v10, v3  }
0x11b: {  	v10 =	vld [tilespmem:s26+$0x139C0];
	[tilespmem:s26+$0x13EA0] =	vst v6;
	v6 =	vmul.f32 v12, v3  }
0x11c: {  	[tilespmem:s26+$0x13EB0] =	vst v7;
	v7 =	vmul.f32 v9, v3;
	v9 =	vbroadcast v0, $0xB;
	v12 =	vld [tilespmem:s26+$0x13F10]  }
0x11d: {  	v3 =	vbroadcast v0, $0xF;
	v13 =	vmul.f32 v1, v13;
	[tilespmem:s26+$0x13EC0] =	vst v6;
	v6 =	vld [tilespmem:s26+$0x13F20]  }
0x11e: {  	v11 =	vmul.f32 v11, v1;
	[tilespmem:s26+$0x13ED0] =	vst v7;
	v4 =	vmul.f32 v4, v9;
	v7 =	vld [tilespmem:s26+$0x13F30]  }
0x11f: {  	v5 =	vmul.f32 v5, v9;
	[tilespmem:s26+$0x13970] =	vst v13;
	v8 =	vmul.f32 v8, v1;
	v13 =	vld [tilespmem:s26+$0x13F40]  }
0x120: {  	v2 =	vmul.f32 v2, v3;
	v10 =	vmul.f32 v10, v1;
	[tilespmem:s26+$0x13EF0] =	vst v4;
	v1 =	vld [tilespmem:s26+$0x13F50]  }
0x121: {  	[tilespmem:s26+$0x13F00] =	vst v5;
	v4 =	vmul.f32 v12, v9;
	v5 =	vld [tilespmem:s26+$0x13F60]  }
0x122: {  	v6 =	vmul.f32 v6, v9;
	v12 =	vld [tilespmem:s26+$0x13F70];
	[tilespmem:s26+$0x14140] =	vst v2  }
0x123: {  	[tilespmem:s26+$0x13980] =	vst v11;
	v2 =	vmul.f32 v7, v9;
	v7 =	vld [tilespmem:s26+$0x13F80]  }
0x124: {  	[tilespmem:s26+$0x139B0] =	vst v8;
	v8 =	vmul.f32 v13, v9;
	v11 =	vld [tilespmem:s26+$0x13F90]  }
0x125: {  	v13 =	vbroadcast v0, $0xC;
	[tilespmem:s26+$0x13F10] =	vst v4;
	v4 =	vmul.f32 v1, v9;
	v14 =	vld [tilespmem:s26+$0x13FA0]  }
0x126: {  	[tilespmem:s26+$0x13F40] =	vst v8;
	v5 =	vmul.f32 v5, v9;
	v8 =	vld [tilespmem:s26+$0x13FB0]  }
0x127: {  	[tilespmem:s26+$0x13F20] =	vst v6;
	v1 =	vmul.f32 v12, v13;
	v6 =	vld [tilespmem:s26+$0x13FC0]  }
0x128: {  	[tilespmem:s26+$0x13F30] =	vst v2;
	v2 =	vmul.f32 v7, v13;
	v7 =	vld [tilespmem:s26+$0x13FD0]  }
0x129: {  	[tilespmem:s26+$0x13F70] =	vst v1;
	v1 =	vmul.f32 v11, v13;
	v9 =	vld [tilespmem:s26+$0x13FE0]  }
0x12a: {  	[tilespmem:s26+$0x13F80] =	vst v2;
	v2 =	vld [tilespmem:s26+$0x13FF0]  }
0x12b: {  	[tilespmem:s26+$0x139C0] =	vst v10;
	v8 =	vmul.f32 v8, v13;
	v10 =	vld [tilespmem:s26+$0x14000]  }
0x12c: {  	[tilespmem:s26+$0x13F50] =	vst v4;
	v4 =	vmul.f32 v6, v13;
	v6 =	vld [tilespmem:s26+$0x14010]  }
0x12d: {  	[tilespmem:s26+$0x13FB0] =	vst v8;
	v7 =	vmul.f32 v7, v13;
	v8 =	vbroadcast v0, $0xD;
	v11 =	vld [tilespmem:s26+$0x14020]  }
0x12e: {  	[tilespmem:s26+$0x13FC0] =	vst v4;
	v4 =	vmul.f32 v9, v13;
	v9 =	vld [tilespmem:s26+$0x14030]  }
0x12f: {  	[tilespmem:s26+$0x13FD0] =	vst v7;
	v2 =	vmul.f32 v2, v8;
	v7 =	vld [tilespmem:s26+$0x14040]  }
0x130: {  	[tilespmem:s26+$0x13FE0] =	vst v4;
	v4 =	vmul.f32 v10, v8;
	v10 =	vld [tilespmem:s26+$0x14050]  }
0x131: {  	[tilespmem:s26+$0x13FF0] =	vst v2;
	v2 =	vmul.f32 v6, v8;
	v6 =	vld [tilespmem:s26+$0x14060]  }
0x132: {  	[tilespmem:s26+$0x14000] =	vst v4;
	v4 =	vmul.f32 v11, v8;
	v11 =	vld [tilespmem:s26+$0x14070]  }
0x133: {  	[tilespmem:s26+$0x14010] =	vst v2;
	v2 =	vmul.f32 v9, v8;
	v9 =	vld [tilespmem:s26+$0x14080]  }
0x134: {  	[tilespmem:s26+$0x14020] =	vst v4;
	v4 =	vmul.f32 v7, v8;
	v7 =	vld [tilespmem:s26+$0x14090]  }
0x135: {  	v0 =	vbroadcast v0, $0xE;
	[tilespmem:s26+$0x13F60] =	vst v5;
	v5 =	vmul.f32 v10, v8;
	v10 =	vld [tilespmem:s26+$0x140A0]  }
0x136: {  	[tilespmem:s26+$0x14040] =	vst v4;
	v4 =	vmul.f32 v6, v8;
	v6 =	vld [tilespmem:s26+$0x140B0]  }
0x137: {  	[tilespmem:s26+$0x14050] =	vst v5;
	v5 =	vmul.f32 v11, v0;
	v8 =	vld [tilespmem:s26+$0x140C0]  }
0x138: {  	[tilespmem:s26+$0x14060] =	vst v4;
	v4 =	vmul.f32 v9, v0;
	v9 =	vld [tilespmem:s26+$0x140D0]  }
0x139: {  	[tilespmem:s26+$0x14070] =	vst v5;
	v5 =	vmul.f32 v7, v0;
	v7 =	vld [tilespmem:s26+$0x140E0]  }
0x13a: {  	[tilespmem:s26+$0x14080] =	vst v4;
	v4 =	vmul.f32 v10, v0;
	v10 =	vld [tilespmem:s26+$0x140F0]  }
0x13b: {  	[tilespmem:s26+$0x14090] =	vst v5;
	v5 =	vmul.f32 v6, v0;
	v6 =	vld [tilespmem:s26+$0x14100]  }
0x13c: {  	[tilespmem:s26+$0x140A0] =	vst v4;
	v4 =	vmul.f32 v8, v0;
	v8 =	vld [tilespmem:s26+$0x14110]  }
0x13d: {  	[tilespmem:s26+$0x140B0] =	vst v5;
	v5 =	vmul.f32 v9, v0;
	v9 =	vld [tilespmem:s26+$0x14120]  }
0x13e: {  	[tilespmem:s26+$0x14030] =	vst v2;
	v0 =	vmul.f32 v7, v0;
	v2 =	vld [tilespmem:s26+$0x14130]  }
0x13f: {  	[tilespmem:s26+$0x140D0] =	vst v5;
	v5 =	vmul.f32 v10, v3;
	v7 =	vld [tilespmem:s26+$0x14150]  }
0x140: {  	[tilespmem:s26+$0x140E0] =	vst v0;
	v0 =	vmul.f32 v6, v3;
	v6 =	vld [tilespmem:s26+$0x14160]  }
0x141: {  	[tilespmem:s26+$0x140F0] =	vst v5;
	v5 =	vmul.f32 v8, v3  }
0x142: {  	[tilespmem:s26+$0x14100] =	vst v0;
	v0 =	vmul.f32 v9, v3  }
0x143: {  	v8 =	vmul.f32 v14, v13;
	[tilespmem:s26+$0x14110] =	vst v5  }
0x144: {  	[tilespmem:s26+$0x14120] =	vst v0;
	v0 =	vmul.f32 v2, v3  }
.Ltmp0:
0x145: {  	[tilespmem:s26+$0x13FA0] =	vst v8;
	v2 =	vmul.f32 v6, v3;
	(pc) =	sbr.rel @p1 .LBB2_3-.Ltmp0, $4  }
0x146: {  	[tilespmem:s26+$0x14130] =	vst v0  }
0x147: {  	v0 =	vmul.f32 v7, v3;
	[tilespmem:s26+$0x14160] =	vst v2  }
0x148: {  	[tilespmem:s26+$0x140C0] =	vst v4  }
0x149: {  	[tilespmem:s26+$0x14150] =	vst v0  }
0x14a: {  	s25 =	sadd.s32 $0x1, s25  }
0x14b: {  	p1 =	sne.s32 s25, $0x7D  }
.Ltmp1:
0x14c: {  	[tilespmem:s26+$0x13F90] =	vst v1;
	(pc) =	sbr.rel @p1 .LBB2_2-.Ltmp1, $4  }
0x14d: {  	[spmem:s3] =	stream.indirect.scatter.add.f32 [tilespmem:s22], [sflag:$0x2], $0x80, s19, s21, $0xb8;
	[tilespmem:$0x16170] =	vst v63  }
0x14e: {  	_ =	swait.ge [sflag:s18], $0x2800  }
0x14f: {  	[sflag:s18] =	ssyncset.done $0x0  }
0x150: {  	[sflag:s18] =	ssyncadd.s32 $0xFFFFD800  }
0x151: {  	[bflag:$0x0] =	sbarrier.arrive $0xFFFF;
	s25 =	simm.s32 @p0 $0x1FC2  }
0x152: {  	[hbm:s12], [sflag:s25] =	dma.local @p0 [spmem:s14], $0x2080  }
0x153: {  	s25 =	simm.s32 @p0 $0x2  }
0x154: {  	s5 =	sadd.s32 $0x1, s5;
	_ =	swait.ge @p0 [sflag:s25], $0x2080  }
0x155: {  	p1 =	sne.s32 s5, s13;
	[sflag:s25] =	ssyncset.done @p0 $0x0  }
.Ltmp2:
0x156: {  	[sflag:s25] =	ssyncadd.s32 @p0 $0xFFFFDF80;
	s25 =	simm.s32 @!p0 $0x2;
	(pc) =	sbr.rel @p1 .LBB2_1-.Ltmp2, $4  }
0x157: {  	[hbm:s11], [sflag:s15] =	dma.local @!p0 [spmem:s24], $0x2780  }
0x158: {  	_ =	swait.ge @!p0 [sflag:s25], $0x2780  }
0x159: {  	[sflag:s25] =	ssyncset.done @!p0 $0x0  }
0x15a: {  	[sflag:s25] =	ssyncadd.s32 @!p0 $0xFFFFD880  }
0x15b: {  	_ =	sfence.sel $0x180000  }
0x15c: {  	[bflag:$0x0] =	sbarrier.arrive $0xFFFF  }
0x15d: {  	p0 =	sne.s32 s4, $0x0;
	_ =	strace $0x90000047  }
0x15e: {  	s0 =	sadd.s32 @!p0 $0x100000, s0;
	[bflag:$0x2] =	sbarrier.arrive $0xFFFF  }
0x15f: {  	[sflag:s0] =	ssyncadd.tile.s32 @!p0 $0x1;
	_ =	shalt  }
.Lfunc_end2:
_tile_overlayer_lowered:
.L_overlay_start_2:
0x160: {  	(tag) =	ssettag $0x2  }
0x161: {  	s0 =	rddreg [dreg:$0x0];
	s2 =	stileid.u32  }
0x162: {  	s1 =	rddreg [dreg:$0x1];
	p0 =	sne.s32 s2, $0x0  }
0x163: {  	s3 =	rddreg [dreg:$0x2];
	[bflag:$0x3] =	sbarrier.arrive $0xFFFF;
	s2 =	simm.s32 @!p0 $0x1C02  }
0x164: {  	[timem:s3], [sflag:s2] =	dma.local @!p0 [hbm:s0], s1  }
0x165: {  	s0 =	simm.s32 @!p0 $0x2  }
0x166: {  	_ =	swait.ge @!p0 [sflag:s0], s1  }
0x167: {  	s1 =	ssub.s32 @!p0 $0x0, s1;
	[sflag:s0] =	ssyncset.done @!p0 $0x0  }
0x168: {  	[sflag:s0] =	ssyncadd.s32 @!p0 s1  }
0x169: {  	[bflag:$0x3] =	sbarrier.arrive $0xFFFF  }
0x16a: {  	_ =	shalt  }

// kernel: kernel.9.cloned.1.call-start
scs
__scs_entry_jumppad:
0x0: {  	(pc) =	sbr.rel $0x88, $3  }
0x1: {  	(tag) =	ssettag $0x0;
	lr =	simm.s32 $0x1  }
0x2: {  	[smem:$0x3F9A] =	sst lr;
	_ =	strace $0xD0000000  }
0x3: {  	_ = 	snop  }
0x4: {  	_ = 	snop  }
0x5: {  	_ = 	snop  }
0x6: {  	_ = 	snop  }
0x7: {  	_ = 	snop  }
__scs_overlays_trampoline_lowered:
0x8: {  	[smem:$0x3FA9] =	sst s0  }
0x9: {  	[smem:$0x3FAA] =	sst s1  }
0xa: {  	[smem:$0x3FAB] =	sst s2  }
0xb: {  	[smem:$0x3FAC] =	sst s3  }
0xc: {  	[smem:$0x3FAD] =	sst s4  }
0xd: {  	[smem:$0x3FAE] =	sst s5  }
0xe: {  	[smem:$0x3FAF] =	sst s6  }
0xf: {  	[smem:$0x3FB0] =	sst s7  }
0x10: {  	[smem:$0x3FB1] =	sst s8  }
0x11: {  	[smem:$0x3FB2] =	sst s9;
	s0 =	simm.s32 @!p0 $0x0  }
0x12: {  	s1 =	sld [smem:$0x3F98];
	s0 =	simm.s32 @p0 $0x1  }
0x13: {  	[smem:$0x3FB3] =	sst s0;
	s0 =	simm.s32 @!p1 $0x0  }
0x14: {  	s2 =	sld [smem:$0x3F97];
	s0 =	simm.s32 @p1 $0x1  }
0x15: {  	[smem:$0x3FB4] =	sst s0;
	s0 =	simm.s32 @!p2 $0x0  }
0x16: {  	s3 =	sld [smem:$0x3FDB];
	s0 =	simm.s32 @p2 $0x1  }
0x17: {  	s4 =	simm.s32 $0x1BF5;
	[smem:$0x3FB6] =	sst s0  }
0x18: {  	s0 =	sld [smem:$0x3F99];
	_ =	swait.ge [sflag:s4], $0x0  }
0x19: {  	s7 =	sld [smem:$0x3F9A]  }
0x1a: {  	s8 =	sadd.s32 $0xFFFFE003, lr  }
0x1b: {  	s9 =	sadd.s32 $0xFFFFFEF7, lr;
	s5 =	simm.s32 $0xFFFFFFFF;
	p2 =	slt.u32 s8, $0xFFFFF086  }
0x1c: {  	p1 =	slt.u32 s9, $0xF7A;
	s5 =	simm.s32 @!p2 $0x0  }
0x1d: {  	s5 =	simm.s32 @p1 $0x1;
	p0 =	seq.s32 s7, s2  }
0x1e: {  	s7 =	smul.u32 @!p0 $0xF7A, s2;
	p2 =	seq.s32 @!p0 s5, $0x0  }
0x1f: {  	s9 =	smul.u32 $0xF7A, s1;
	s8 =	simm.s32 @!p0 $0x1BF5;
	p2 =	por !p2, p0  }
0x20: {  	[sflag:s8] =	ssyncset.s32 @!p0 $0xFFFFF086;
	s6 =	sadd.s32 @!p0 s3, s7;
	s7 =	simm.s32 @!p0 $0x108  }
0x21: {  	s3 =	sadd.s32 s3, s9;
	s6 =	sadd.s32 @!p0 $0x88, s6;
	s7 =	simm.s32 @p2 $0x1082  }
0x22: {  	[simem:s7], [sflag:s8] =	dma.local @!p0 [hbm:s6], $0xF7A  }
0x23: {  	s9 =	sor.u32 $0xD0000000, s2;
	s6 =	simm.s32 $0x108;
	_ =	swait.ge @!p0 [sflag:s8], $0x0  }
0x24: {  	s3 =	sadd.s32 $0x88, s3;
	s6 =	simm.s32 @!p1 $0x1082;
	[sflag:s4] =	ssyncset.s32 $0xFFFFF086  }
0x25: {  	[simem:s6], [sflag:s4] =	dma.local [hbm:s3], $0xF7A  }
0x26: {  	[smem:$0x3F9A] =	sst s1;
	(tag) =	ssettag s2;
	_ =	strace s9  }
0x27: {  	s1 =	sld [smem:$0x3FAA]  }
0x28: {  	s2 =	sld [smem:$0x3FAB]  }
0x29: {  	s4 =	sld [smem:$0x3FAD]  }
0x2a: {  	p0 =	seq.s32 s5, $0x0;
	s5 =	sld [smem:$0x3FAE]  }
0x2b: {  	s6 =	sld [smem:$0x3FAF]  }
0x2c: {  	s7 =	sld [smem:$0x3FB0]  }
0x2d: {  	s3 =	simm.s32 $0x108;
	s8 =	sld [smem:$0x3FB1]  }
0x2e: {  	s3 =	simm.s32 @!p0 $0x1082;
	s9 =	sld [smem:$0x3FB2]  }
0x2f: {  	lr =	sadd.s32 s0, s3;
	s0 =	sld [smem:$0x3FA9]  }
0x30: {  	s3 =	sld [smem:$0x3FAC]  }
0x31: {  	[smem:$0x3FB5] =	sst s10  }
0x32: {  	s10 =	sld [smem:$0x3FB3];
	_ =	sdelay $0x3  }
0x33: {  	p0 =	seq.s32 s10, $0x1;
	s10 =	sld [smem:$0x3FB5];
	_ =	sdelay $0x3  }
0x34: {  	[smem:$0x3FB5] =	sst s10  }
0x35: {  	s10 =	sld [smem:$0x3FB4];
	_ =	sdelay $0x3  }
0x36: {  	p1 =	seq.s32 s10, $0x1;
	s10 =	sld [smem:$0x3FB5];
	_ =	sdelay $0x3  }
0x37: {  	[smem:$0x3FB5] =	sst s10  }
0x38: {  	s10 =	sld [smem:$0x3FB6]  }
0x39: {  	_ = 	snop;
	(pc) =	sbr.ind lr, $3  }
0x3a: {  	_ = 	snop  }
0x3b: {  	_ = 	snop  }
0x3c: {  	p2 =	seq.s32 s10, $0x1;
	s10 =	sld [smem:$0x3FB5]  }
0x3d: {  	_ =	shalt  }
0x3e: {  	_ =	shalt  }
0x3f: {  	_ =	shalt  }
0x40: {  	_ =	shalt  }
0x41: {  	_ =	shalt  }
0x42: {  	_ =	shalt  }
0x43: {  	_ =	shalt  }
0x44: {  	_ =	shalt  }
0x45: {  	_ =	shalt  }
0x46: {  	_ =	shalt  }
0x47: {  	_ =	shalt  }
0x48: {  	_ =	shalt  }
0x49: {  	_ =	shalt  }
0x4a: {  	_ =	shalt  }
0x4b: {  	_ =	shalt  }
0x4c: {  	_ =	shalt  }
0x4d: {  	_ =	shalt  }
0x4e: {  	_ =	shalt  }
0x4f: {  	_ =	shalt  }
0x50: {  	_ =	shalt  }
0x51: {  	_ =	shalt  }
0x52: {  	_ =	shalt  }
0x53: {  	_ =	shalt  }
0x54: {  	_ =	shalt  }
0x55: {  	_ =	shalt  }
0x56: {  	_ =	shalt  }
0x57: {  	_ =	shalt  }
0x58: {  	_ =	shalt  }
0x59: {  	_ =	shalt  }
0x5a: {  	_ =	shalt  }
0x5b: {  	_ =	shalt  }
0x5c: {  	_ =	shalt  }
0x5d: {  	_ =	shalt  }
0x5e: {  	_ =	shalt  }
0x5f: {  	_ =	shalt  }
0x60: {  	_ =	shalt  }
0x61: {  	_ =	shalt  }
0x62: {  	_ =	shalt  }
0x63: {  	_ =	shalt  }
0x64: {  	_ =	shalt  }
0x65: {  	_ =	shalt  }
0x66: {  	_ =	shalt  }
0x67: {  	_ =	shalt  }
0x68: {  	_ =	shalt  }
0x69: {  	_ =	shalt  }
0x6a: {  	_ =	shalt  }
0x6b: {  	_ =	shalt  }
0x6c: {  	_ =	shalt  }
0x6d: {  	_ =	shalt  }
0x6e: {  	_ =	shalt  }
0x6f: {  	_ =	shalt  }
0x70: {  	_ =	shalt  }
0x71: {  	_ =	shalt  }
0x72: {  	_ =	shalt  }
0x73: {  	_ =	shalt  }
0x74: {  	_ =	shalt  }
0x75: {  	_ =	shalt  }
0x76: {  	_ =	shalt  }
0x77: {  	_ =	shalt  }
0x78: {  	_ =	shalt  }
0x79: {  	_ =	shalt  }
0x7a: {  	_ =	shalt  }
0x7b: {  	_ =	shalt  }
0x7c: {  	_ =	shalt  }
0x7d: {  	_ =	shalt  }
0x7e: {  	_ =	shalt  }
0x7f: {  	_ =	shalt  }
0x80: {  	_ =	shalt  }
0x81: {  	_ =	shalt  }
0x82: {  	_ =	shalt  }
0x83: {  	_ =	shalt  }
0x84: {  	_ =	shalt  }
0x85: {  	_ =	shalt  }
0x86: {  	_ =	shalt  }
0x87: {  	_ =	shalt  }
.Lfunc_end0:
.L_simem_size_0:
called_computation.1_lowered:
.L_overlay_start_0:
0x88: {  	s2 =	sld [smem:$0x3FD9]  }
0x89: {  	s3 =	sld [smem:$0x3FFE];
	_ =	sdelay $0x1  }
0x8a: {  	s1 =	srdreg.scid  }
0x8b: {  	s0 =	sand.u32 $0x1, s1  }
0x8c: {  	s17 =	sshll.u32 s0, $0xA;
	s2 =	sadd.s32 s3, s2  }
0x8d: {  	s2 =	sadd.s32 s2, s17  }
0x8e: {  	[smem:$0x3FC1] =	sst s2  }
0x8f: {  	_ = 	snop  }
0x90: {  	s2 =	sld [smem:$0x3FC7]  }
0x91: {  	s18 =	sld [smem:$0x3FD0];
	(tm) =	ssettm $0x1  }
0x92: {  	s4 =	sld [smem:$0x3FFB];
	_ =	sdelay $0x3  }
0x93: {  	_ =	strace s4  }
0x94: {  	s4 =	sld [smem:$0x3FFC];
	_ =	sdelay $0x3  }
0x95: {  	_ =	strace s4  }
0x96: {  	s4 =	sld [smem:$0x3FFD];
	_ =	sdelay $0x3  }
0x97: {  	_ =	strace s4  }
0x98: {  	_ =	strace $0x8FFFFFFF  }
0x99: {  	s19 =	sld [smem:$0x3FDB];
	_ =	sdelay $0x1  }
0x9a: {  	s5 =	simm.s32 $_scs_section_size  }
0x9b: {  	s6 =	simm.s32 $_size__tile_overlayer_lowered;
	s7 =	simm.s32 $_tile_overlayer_lowered  }
0x9c: {  	s22 =	simm.s32 $0x1BFF;
	s21 =	sshll.u32 s7, $0x1;
	s4 =	sadd.s32 s5, s19  }
0x9d: {  	s8 =	simm.s32 $0x0;
	s20 =	sshll.u32 s6, $0x1;
	s6 =	sadd.s32 s21, s4  }
0x9e: {  	[timem:s8], [sflag:s22] =	dma.local [hbm:s6], s20  }
0x9f: {  	_ =	swait.ge [sflag:s22], s20  }
0xa0: {  	s5 =	ssub.s32 $0x0, s20;
	[sflag:s22] =	ssyncset.done $0x0  }
0xa1: {  	[sflag:s22] =	ssyncadd.s32 s5;
	_ =	sdelay $0x1  }
0xa2: {  	s23 =	simm.s32 $0x1B8B  }
0xa3: {  	_ =	swait.ge [sflag:s23], $0x1  }
0xa4: {  	[sflag:s23] =	ssyncset.done $0x0  }
0xa5: {  	s25 =	simm.s32 $0x1B8E;
	s24 =	sld [smem:$0x3FFE];
	[sflag:s23] =	ssyncadd.s32 $0xFFFFFFFF  }
0xa6: {  	s26 =	simm.s32 $execute0_lowered;
	[smem:$0x3FD2] =	sst s25  }
0xa7: {  	s6 =	sshll.u32 s26, $0x1;
	_ =	strace $0x80000049;
	[dreg:$0x1] =	wrdreg $0xFFFFFFFF  }
0xa8: {  	s28 =	simm.s32 $_size_execute0_lowered;
	s4 =	sadd.s32 s4, s6;
	[dreg:$0x0] =	wrdreg $0x0  }
0xa9: {  	s6 =	sshll.u32 s28, $0x1;
	[dreg:$0x2] =	wrdreg s4  }
0xaa: {  	[dreg:$0x3] =	wrdreg s6  }
0xab: {  	[dreg:$0x4] =	wrdreg $0xC0  }
0xac: {  	_ =	task [dreg:s8], $0x5FFFF  }
0xad: {  	[dreg:$0x1] =	wrdreg $0xFFFFFFFF  }
0xae: {  	[dreg:$0x0] =	wrdreg $0x60  }
0xaf: {  	[dreg:$0x2] =	wrdreg s18  }
0xb0: {  	[dreg:$0x3] =	wrdreg s24  }
0xb1: {  	[dreg:$0x4] =	wrdreg s2  }
0xb2: {  	[dreg:$0x5] =	wrdreg $0x0  }
0xb3: {  	[dreg:$0x6] =	wrdreg $0x9  }
0xb4: {  	_ =	task.clear_ibuf [dreg:s8], $0x7FFFF;
	_ =	strace $0x90000049  }
0xb5: {  	s29 =	simm.s32 $0x9;
	_ =	strace $0x8000004B  }
0xb6: {  	_ =	swait.ge [sflag:s29], $0x1  }
0xb7: {  	[sflag:s29] =	ssyncadd.s32 $0xFFFFFFFF  }
0xb8: {  	_ =	strace $0x9000004B  }
0xb9: {  	_ =	sfence  }
0xba: {  	s30 =	sld [smem:$0x0];
	_ =	sdelay $0x2  }
0xbb: {  	s31 =	sshll.u32 s1, $0xD;
	s1 =	sshrl.u32 s1, $0x2  }
0xbc: {  	s3 =	sand.u32 $0x4000, s31;
	s1 =	sadd.s32 s1, s30  }
0xbd: {  	s0 =	sor.u32 s3, s0;
	s1 =	sshll.u32 s1, $0x11  }
0xbe: {  	s0 =	sor.u32 s1, s0  }
0xbf: {  	s0 =	sadd.s32 $0x8F2B, s0  }
0xc0: {  	[sflag:s0] =	ssyncadd.remote.s32 $0x1  }
0xc1: {  	_ =	sfence.sel $0xFFFF  }
0xc2: {  	[dreg:$0x0] =	wrdreg $0xFFFFFFFF;
	(pc) =	sbr.abs _section_cstart, $3  }
0xc3: {  	[dreg:$0x1] =	wrdreg $0xFFFFFFFF  }
0xc4: {  	_ =	task.clear_ibuf [dreg:s8], $0x2FFFF;
	_ =	strace $0x9FFFFFFF  }
0xc5: {  	(tm) =	ssettm $0x7FFFFFFF  }
tec
execute0_lowered:
.L_overlay_start_1:
0x0: {  	(tag) =	ssettag $0x1  }
0x1: {  	s1 =	rddreg [dreg:$0x0]  }
0x2: {  	s10 =	rddreg [dreg:$0x1]  }
0x3: {  	s2 =	rddreg [dreg:$0x2]  }
0x4: {  	s3 =	rddreg [dreg:$0x3]  }
0x5: {  	s0 =	rddreg [dreg:$0x4];
	s5 =	simm.s32 $0x0;
	s4 =	stileid.u32  }
0x6: {  	s6 =	srdreg.scid;
	s19 =	simm.s32 $0x9C90;
	s20 =	simm.s32 $0x9CE0  }
0x7: {  	s21 =	simm.s32 $0x50;
	s22 =	simm.s32 $0x9D30;
	s23 =	simm.s32 $0x1  }
0x8: {  	[smem:$0x7FF] =	sst s5;
	s9 =	smul.u32 $0x9E00, s4;
	s11 =	sand.u32 $0x1, s6  }
0x9: {  	s8 =	sshll.u32 s4, $0x1;
	s6 =	sadd.s32 $0xA800, s10;
	s15 =	smul.u32 $0x13C0, s4  }
0xa: {  	s7 =	sadd.s32 $0xA00, s10;
	s16 =	sadd.s32 $0x28000, s10;
	s31 =	smul.u32 $0x27800, s4  }
0xb: {  	s18 =	sadd.s32 $0x94200, s3;
	p0 =	seq.s32 s4, $0xF;
	s28 =	smul.u32 $0x13880, s11  }
0xc: {  	_ =	strace $0x8000004A;
	s8 =	sor.u32 s11, s8;
	s29 =	smul.u32 $0x9C400, s11  }
0xd: {  	s13 =	ssub.s32 $0x2, s11;
	s12 =	sshrl.u32 s9, $0x3;
	s8 =	smul.u32 $0x2710, s8  }
0xe: {  	s14 =	sshrl.u32 s13, $0x1;
	s17 =	sadd.s32 s9, s3;
	s12 =	sadd.s32 s12, s10  }
0xf: {  	s13 =	ssub.s32 s13, s14;
	s30 =	sadd.s32 s15, s28;
	s10 =	sadd.s32 $0x26E40, s10  }
0x10: {  	s14 =	sshrl.u32 s31, $0x2;
	s15 =	sshll.u32 @!p0 s4, $0x6;
	s9 =	sadd.s32 $0x14600, s12  }
0x11: {  	s11 =	sadd.s32 s16, s30;
	s12 =	sshrl.u32 s29, $0x3;
	s24 =	sadd.s32 s14, s3  }
0x12: {  	s13 =	smax.u32 s13, $0x1;
	s14 =	sshrl.u32 @p0 s18, $0x3;
	s15 =	sor.u32 @!p0 $0x1C02, s15  }
0x13: {  	s18 =	simm.s32 $0x2;
	s12 =	sadd.s32 s16, s12;
	s16 =	sshrl.u32 @!p0 s17, $0x3  }
0x14: {  	s17 =	simm.s32 $0x9C40;
	s24 =	sshrl.u32 @!p0 s24, $0x3;
	s12 =	sadd.s32 $0x12840, s12  }
.LBB2_1:
0x15: {  	s25 =	simm.s32 @p0 $0x1FC2  }
0x16: {  	[spmem:s14], [sflag:s25] =	dma.local @p0 [hbm:s10], $0x1040  }
0x17: {  	s25 =	simm.s32 @p0 $0x2  }
0x18: {  	_ =	swait.ge @p0 [sflag:s25], $0x1040  }
0x19: {  	[sflag:s25] =	ssyncset.done @p0 $0x0  }
0x1a: {  	[sflag:s25] =	ssyncadd.s32 @p0 $0xFFFFEFC0;
	s25 =	simm.s32 @!p0 $0x2  }
0x1b: {  	[spmem:s16], [sflag:s15] =	dma.local @!p0 [hbm:s9], $0x13C0  }
0x1c: {  	_ =	swait.ge @!p0 [sflag:s25], $0x13C0  }
0x1d: {  	[sflag:s25] =	ssyncset.done @!p0 $0x0  }
0x1e: {  	[sflag:s25] =	ssyncadd.s32 @!p0 $0xFFFFEC40  }
0x1f: {  	s25 =	simm.s32 $0x0;
	[bflag:$0x0] =	sbarrier.arrive $0xFFFF  }
.LBB2_2:
0x20: {  	s26 =	smul.u32 $0x50, s25;
	_ =	sdelay $0x1  }
0x21: {  	s26 =	sadd.s32 s8, s26  }
0x22: {  	s28 =	sshrl.u32 s26, $0x3  }
0x23: {  	s26 =	simm.s32 $0x0;
	s29 =	sadd.s32 s6, s28  }
0x24: {  	[tilespmem:s17], [sflag:$0x2] =	stream.linear.gather [hbm4b:s29+s26], $0x50, $0x38;
	[tilespmem:$0xB130] =	vst v63  }
0x25: {  	_ =	swait.ge [sflag:s18], $0x50  }
0x26: {  	[sflag:s18] =	ssyncset.done $0x0  }
0x27: {  	s31 =	sadd.s32 s7, s28;
	[sflag:s18] =	ssyncadd.s32 $0xFFFFFFB0  }
0x28: {  	[tilespmem:s19], [sflag:$0x2] =	stream.linear.gather [hbm4b:s31+s26], $0x50, $0x38;
	[tilespmem:$0xB130] =	vst v63  }
0x29: {  	_ =	swait.ge [sflag:s18], $0x50  }
0x2a: {  	[sflag:s18] =	ssyncset.done $0x0  }
0x2b: {  	s28 =	sadd.s32 s2, s28;
	[sflag:s18] =	ssyncadd.s32 $0xFFFFFFB0  }
0x2c: {  	[tilespmem:s20], [sflag:$0x2] =	stream.linear.gather [hbm4b:s28+s26], $0x50, $0x38;
	[tilespmem:$0xB130] =	vst v63  }
0x2d: {  	_ =	swait.ge [sflag:s18], $0x50  }
0x2e: {  	[sflag:s18] =	ssyncset.done $0x0  }
0x2f: {  	[sflag:s18] =	ssyncadd.s32 $0xFFFFFFB0  }
0x30: {  	[tilespmem:s22], [sflag:$0x1] =	stream.indirect.gather [hbm4b:s1+s21], $0x40, s17, s21, $0xb8;
	[tilespmem:$0xB130] =	vst v63  }
0x31: {  	_ =	swait.ge [sflag:s23], $0x1400  }
0x32: {  	[sflag:s23] =	ssyncset.done $0x0  }
0x33: {  	s28 =	simm.s32 $0x9F30;
	[sflag:s23] =	ssyncadd.s32 $0xFFFFEC00  }
.LBB2_3:
0x34: {  	s29 =	sshra.s32 s26, $0x2  }
0x35: {  	v0 =	vld [tilespmem:s29+$0x9CE0];
	_ =	sdelay $0x1  }
0x36: {  	v1 =	vld [tilespmem:s28+$0xFFFFFE00];
	_ =	sdelay $0x1  }
0x37: {  	v47 =	vld [tilespmem:s28+$0xFFFFFE10]  }
0x38: {  	v2 =	vbroadcast v0, $0x0  }
0x39: {  	v48 =	vld [tilespmem:s28+$0xFFFFFE20]  }
0x3a: {  	v1 =	vmul.f32 v2, v1  }
0x3b: {  	v49 =	vld [tilespmem:s28+$0xFFFFFE30]  }
0x3c: {  	[tilespmem:s28+$0xFFFFFE00] =	vst v1;
	v1 =	vmul.f32 v47, v2  }
0x3d: {  	v50 =	vld [tilespmem:s28+$0xFFFFFE40]  }
0x3e: {  	[tilespmem:s28+$0xFFFFFE10] =	vst v1;
	v1 =	vmul.f32 v48, v2  }
0x3f: {  	v52 =	vld [tilespmem:s28+$0xFFFFFE50]  }
0x40: {  	v51 =	vbroadcast v0, $0x1;
	[tilespmem:s28+$0xFFFFFE20] =	vst v1;
	v1 =	vmul.f32 v49, v2  }
0x41: {  	v53 =	vld [tilespmem:s28+$0xFFFFFE60]  }
0x42: {  	[tilespmem:s28+$0xFFFFFE30] =	vst v1;
	v1 =	vmul.f32 v50, v51  }
0x43: {  	v54 =	vld [tilespmem:s28+$0xFFFFFE70]  }
0x44: {  	[tilespmem:s28+$0xFFFFFE40] =	vst v1;
	v1 =	vmul.f32 v52, v51  }
0x45: {  	v55 =	vld [tilespmem:s28+$0xFFFFFE80]  }
0x46: {  	[tilespmem:s28+$0xFFFFFE50] =	vst v1;
	v1 =	vmul.f32 v53, v51  }
0x47: {  	v57 =	vld [tilespmem:s28+$0xFFFFFE90]  }
0x48: {  	v56 =	vbroadcast v0, $0x2;
	[tilespmem:s28+$0xFFFFFE60] =	vst v1;
	v1 =	vmul.f32 v54, v51  }
0x49: {  	v58 =	vld [tilespmem:s28+$0xFFFFFEA0]  }
0x4a: {  	[tilespmem:s28+$0xFFFFFE70] =	vst v1;
	v1 =	vmul.f32 v55, v56  }
0x4b: {  	v59 =	vld [tilespmem:s28+$0xFFFFFEB0]  }
0x4c: {  	[tilespmem:s28+$0xFFFFFE80] =	vst v1;
	v1 =	vmul.f32 v57, v56  }
0x4d: {  	v60 =	vld [tilespmem:s28+$0xFFFFFEC0]  }
0x4e: {  	[tilespmem:s28+$0xFFFFFE90] =	vst v1;
	v1 =	vmul.f32 v58, v56  }
0x4f: {  	v62 =	vld [tilespmem:s28+$0xFFFFFED0]  }
0x50: {  	v61 =	vbroadcast v0, $0x3;
	[tilespmem:s28+$0xFFFFFEA0] =	vst v1;
	v1 =	vmul.f32 v59, v56  }
0x51: {  	v63 =	vld [tilespmem:s28+$0xFFFFFEE0]  }
0x52: {  	[tilespmem:s28+$0xFFFFFEB0] =	vst v1;
	v1 =	vmul.f32 v60, v61  }
0x53: {  	v4 =	vld [tilespmem:s28+$0xFFFFFEF0]  }
0x54: {  	[tilespmem:s28+$0xFFFFFEC0] =	vst v1;
	v1 =	vmul.f32 v62, v61  }
0x55: {  	v5 =	vld [tilespmem:s28+$0xFFFFFF00]  }
0x56: {  	[tilespmem:s28+$0xFFFFFED0] =	vst v1;
	v1 =	vmul.f32 v63, v61  }
0x57: {  	v7 =	vld [tilespmem:s28+$0xFFFFFF10]  }
0x58: {  	v6 =	vbroadcast v0, $0x4;
	[tilespmem:s28+$0xFFFFFEE0] =	vst v1;
	v1 =	vmul.f32 v4, v61  }
0x59: {  	v8 =	vld [tilespmem:s28+$0xFFFFFF20]  }
0x5a: {  	[tilespmem:s28+$0xFFFFFEF0] =	vst v1;
	v1 =	vmul.f32 v5, v6  }
0x5b: {  	v9 =	vld [tilespmem:s28+$0xFFFFFF30]  }
0x5c: {  	[tilespmem:s28+$0xFFFFFF00] =	vst v1;
	v1 =	vmul.f32 v7, v6  }
0x5d: {  	v10 =	vld [tilespmem:s28+$0xFFFFFF40]  }
0x5e: {  	[tilespmem:s28+$0xFFFFFF10] =	vst v1;
	v1 =	vmul.f32 v8, v6  }
0x5f: {  	v12 =	vld [tilespmem:s28+$0xFFFFFF50]  }
0x60: {  	v11 =	vbroadcast v0, $0x5;
	[tilespmem:s28+$0xFFFFFF20] =	vst v1;
	v1 =	vmul.f32 v9, v6  }
0x61: {  	v13 =	vld [tilespmem:s28+$0xFFFFFF60]  }
0x62: {  	[tilespmem:s28+$0xFFFFFF30] =	vst v1;
	v1 =	vmul.f32 v10, v11  }
0x63: {  	v14 =	vld [tilespmem:s28+$0xFFFFFF70]  }
0x64: {  	[tilespmem:s28+$0xFFFFFF40] =	vst v1;
	v1 =	vmul.f32 v12, v11  }
0x65: {  	v15 =	vld [tilespmem:s28+$0xFFFFFF80]  }
0x66: {  	[tilespmem:s28+$0xFFFFFF50] =	vst v1;
	v1 =	vmul.f32 v13, v11  }
0x67: {  	v17 =	vld [tilespmem:s28+$0xFFFFFF90]  }
0x68: {  	v16 =	vbroadcast v0, $0x6;
	[tilespmem:s28+$0xFFFFFF60] =	vst v1;
	v1 =	vmul.f32 v14, v11  }
0x69: {  	v18 =	vld [tilespmem:s28+$0xFFFFFFA0]  }
0x6a: {  	[tilespmem:s28+$0xFFFFFF70] =	vst v1;
	v1 =	vmul.f32 v15, v16  }
0x6b: {  	v19 =	vld [tilespmem:s28+$0xFFFFFFB0]  }
0x6c: {  	[tilespmem:s28+$0xFFFFFF80] =	vst v1;
	v1 =	vmul.f32 v17, v16  }
0x6d: {  	v20 =	vld [tilespmem:s28+$0xFFFFFFC0]  }
0x6e: {  	[tilespmem:s28+$0xFFFFFF90] =	vst v1;
	v1 =	vmul.f32 v18, v16  }
0x6f: {  	v22 =	vld [tilespmem:s28+$0xFFFFFFD0]  }
0x70: {  	v21 =	vbroadcast v0, $0x7;
	[tilespmem:s28+$0xFFFFFFA0] =	vst v1;
	v1 =	vmul.f32 v19, v16  }
0x71: {  	v23 =	vld [tilespmem:s28+$0xFFFFFFE0]  }
0x72: {  	[tilespmem:s28+$0xFFFFFFB0] =	vst v1;
	v1 =	vmul.f32 v20, v21  }
0x73: {  	v24 =	vld [tilespmem:s28+$0xFFFFFFF0]  }
0x74: {  	[tilespmem:s28+$0xFFFFFFC0] =	vst v1;
	v1 =	vmul.f32 v22, v21  }
0x75: {  	v25 =	vld [tilespmem:s28+$0x0]  }
0x76: {  	[tilespmem:s28+$0xFFFFFFD0] =	vst v1;
	v1 =	vmul.f32 v23, v21  }
0x77: {  	v27 =	vld [tilespmem:s28+$0x10]  }
0x78: {  	v26 =	vbroadcast v0, $0x8;
	[tilespmem:s28+$0xFFFFFFE0] =	vst v1;
	v1 =	vmul.f32 v24, v21  }
0x79: {  	v28 =	vld [tilespmem:s28+$0x20]  }
0x7a: {  	[tilespmem:s28+$0xFFFFFFF0] =	vst v1;
	v1 =	vmul.f32 v25, v26  }
0x7b: {  	v29 =	vld [tilespmem:s28+$0x30]  }
0x7c: {  	[tilespmem:s28+$0x0] =	vst v1;
	v1 =	vmul.f32 v27, v26  }
0x7d: {  	v30 =	vld [tilespmem:s28+$0x40]  }
0x7e: {  	[tilespmem:s28+$0x10] =	vst v1;
	v1 =	vmul.f32 v28, v26  }
0x7f: {  	v32 =	vld [tilespmem:s28+$0x50]  }
0x80: {  	v31 =	vbroadcast v0, $0x9;
	[tilespmem:s28+$0x20] =	vst v1;
	v1 =	vmul.f32 v29, v26  }
0x81: {  	v33 =	vld [tilespmem:s28+$0x60]  }
0x82: {  	[tilespmem:s28+$0x30] =	vst v1;
	v1 =	vmul.f32 v30, v31  }
0x83: {  	v34 =	vld [tilespmem:s28+$0x70]  }
0x84: {  	[tilespmem:s28+$0x40] =	vst v1;
	v1 =	vmul.f32 v32, v31  }
0x85: {  	v35 =	vld [tilespmem:s28+$0x80]  }
0x86: {  	[tilespmem:s28+$0x50] =	vst v1;
	v1 =	vmul.f32 v33, v31  }
0x87: {  	v37 =	vld [tilespmem:s28+$0x90]  }
0x88: {  	v36 =	vbroadcast v0, $0xA;
	[tilespmem:s28+$0x60] =	vst v1;
	v1 =	vmul.f32 v34, v31  }
0x89: {  	v38 =	vld [tilespmem:s28+$0xA0]  }
0x8a: {  	[tilespmem:s28+$0x70] =	vst v1;
	v1 =	vmul.f32 v35, v36  }
0x8b: {  	v39 =	vld [tilespmem:s28+$0xB0]  }
0x8c: {  	[tilespmem:s28+$0x80] =	vst v1;
	v1 =	vmul.f32 v37, v36  }
0x8d: {  	v40 =	vld [tilespmem:s28+$0xC0]  }
0x8e: {  	[tilespmem:s28+$0x90] =	vst v1;
	v1 =	vmul.f32 v38, v36  }
0x8f: {  	v42 =	vld [tilespmem:s28+$0xD0]  }
0x90: {  	v41 =	vbroadcast v0, $0xB;
	[tilespmem:s28+$0xA0] =	vst v1;
	v1 =	vmul.f32 v39, v36  }
0x91: {  	v43 =	vld [tilespmem:s28+$0xE0]  }
0x92: {  	[tilespmem:s28+$0xB0] =	vst v1;
	v1 =	vmul.f32 v40, v41  }
0x93: {  	v44 =	vld [tilespmem:s28+$0xF0]  }
0x94: {  	[tilespmem:s28+$0xC0] =	vst v1;
	v1 =	vmul.f32 v42, v41  }
0x95: {  	v45 =	vld [tilespmem:s28+$0x100]  }
0x96: {  	[tilespmem:s28+$0xD0] =	vst v1;
	v1 =	vmul.f32 v43, v41  }
0x97: {  	v47 =	vld [tilespmem:s28+$0x110]  }
0x98: {  	v46 =	vbroadcast v0, $0xC;
	[tilespmem:s28+$0xE0] =	vst v1;
	v1 =	vmul.f32 v44, v41  }
0x99: {  	v48 =	vld [tilespmem:s28+$0x120]  }
0x9a: {  	[tilespmem:s28+$0xF0] =	vst v1;
	v1 =	vmul.f32 v45, v46  }
0x9b: {  	v49 =	vld [tilespmem:s28+$0x130]  }
0x9c: {  	[tilespmem:s28+$0x100] =	vst v1;
	v1 =	vmul.f32 v47, v46  }
0x9d: {  	v50 =	vld [tilespmem:s28+$0x140]  }
0x9e: {  	[tilespmem:s28+$0x110] =	vst v1;
	v1 =	vmul.f32 v48, v46  }
0x9f: {  	v52 =	vld [tilespmem:s28+$0x150]  }
0xa0: {  	v51 =	vbroadcast v0, $0xD;
	[tilespmem:s28+$0x120] =	vst v1;
	v1 =	vmul.f32 v49, v46  }
0xa1: {  	v53 =	vld [tilespmem:s28+$0x160]  }
0xa2: {  	[tilespmem:s28+$0x130] =	vst v1;
	v1 =	vmul.f32 v50, v51  }
0xa3: {  	v54 =	vld [tilespmem:s28+$0x170]  }
0xa4: {  	[tilespmem:s28+$0x140] =	vst v1;
	v1 =	vmul.f32 v52, v51  }
0xa5: {  	v55 =	vld [tilespmem:s28+$0x180]  }
0xa6: {  	[tilespmem:s28+$0x150] =	vst v1;
	v1 =	vmul.f32 v53, v51  }
0xa7: {  	v57 =	vld [tilespmem:s28+$0x190]  }
0xa8: {  	v56 =	vbroadcast v0, $0xE;
	[tilespmem:s28+$0x160] =	vst v1;
	v1 =	vmul.f32 v54, v51  }
0xa9: {  	v58 =	vld [tilespmem:s28+$0x1A0]  }
0xaa: {  	[tilespmem:s28+$0x170] =	vst v1;
	v1 =	vmul.f32 v55, v56  }
0xab: {  	v59 =	vld [tilespmem:s28+$0x1B0]  }
0xac: {  	[tilespmem:s28+$0x180] =	vst v1;
	v1 =	vmul.f32 v57, v56  }
0xad: {  	v60 =	vld [tilespmem:s28+$0x1C0]  }
0xae: {  	[tilespmem:s28+$0x190] =	vst v1;
	v1 =	vmul.f32 v58, v56  }
0xaf: {  	v61 =	vld [tilespmem:s28+$0x1D0]  }
0xb0: {  	v0 =	vbroadcast v0, $0xF;
	[tilespmem:s28+$0x1A0] =	vst v1;
	v1 =	vmul.f32 v59, v56  }
0xb1: {  	v62 =	vld [tilespmem:s28+$0x1E0]  }
0xb2: {  	v63 =	vld [tilespmem:s28+$0x1F0];
	[tilespmem:s28+$0x1B0] =	vst v1;
	v1 =	vmul.f32 v60, v0;
	_ =	sdelay $0x1  }
0xb3: {  	p1 =	sne.s32 s26, $0x100;
	[tilespmem:s28+$0x1C0] =	vst v1;
	v1 =	vmul.f32 v61, v0  }
.Ltmp0:
0xb4: {  	_ = 	snop;
	(pc) =	sbr.rel @p1 .LBB2_3-.Ltmp0, $4  }
0xb5: {  	[tilespmem:s28+$0x1D0] =	vst v1;
	v1 =	vmul.f32 v62, v0  }
0xb6: {  	v0 =	vmul.f32 v63, v0  }
0xb7: {  	[tilespmem:s28+$0x1E0] =	vst v1  }
0xb8: {  	s26 =	sadd.s32 $0x40, s26;
	[tilespmem:s28+$0x1F0] =	vst v0;
	s28 =	sadd.s32 $0x400, s28  }
0xb9: {  	s25 =	sadd.s32 $0x1, s25  }
0xba: {  	p1 =	sne.s32 s25, $0x7D  }
.Ltmp1:
0xbb: {  	_ = 	snop;
	(pc) =	sbr.rel @p1 .LBB2_2-.Ltmp1, $4  }
0xbc: {  	[spmem:s3] =	stream.indirect.scatter.add.f32 [tilespmem:s22], [sflag:$0x2], $0x40, s19, s21, $0xb8;
	[tilespmem:$0xB130] =	vst v63  }
0xbd: {  	_ =	swait.ge [sflag:s18], $0x1400  }
0xbe: {  	[sflag:s18] =	ssyncset.done $0x0  }
0xbf: {  	[sflag:s18] =	ssyncadd.s32 $0xFFFFEC00  }
0xc0: {  	[bflag:$0x0] =	sbarrier.arrive $0xFFFF;
	s25 =	simm.s32 @p0 $0x1FC2  }
0xc1: {  	[hbm:s12], [sflag:s25] =	dma.local @p0 [spmem:s14], $0x1040  }
0xc2: {  	s25 =	simm.s32 @p0 $0x2  }
0xc3: {  	s5 =	sadd.s32 $0x1, s5;
	_ =	swait.ge @p0 [sflag:s25], $0x1040  }
0xc4: {  	p1 =	sne.s32 s5, s13;
	[sflag:s25] =	ssyncset.done @p0 $0x0  }
.Ltmp2:
0xc5: {  	[sflag:s25] =	ssyncadd.s32 @p0 $0xFFFFEFC0;
	s25 =	simm.s32 @!p0 $0x2;
	(pc) =	sbr.rel @p1 .LBB2_1-.Ltmp2, $4  }
0xc6: {  	[hbm:s11], [sflag:s15] =	dma.local @!p0 [spmem:s24], $0x13C0  }
0xc7: {  	_ =	swait.ge @!p0 [sflag:s25], $0x13C0  }
0xc8: {  	[sflag:s25] =	ssyncset.done @!p0 $0x0  }
0xc9: {  	[sflag:s25] =	ssyncadd.s32 @!p0 $0xFFFFEC40  }
0xca: {  	_ =	sfence.sel $0x180000  }
0xcb: {  	[bflag:$0x0] =	sbarrier.arrive $0xFFFF  }
0xcc: {  	p0 =	sne.s32 s4, $0x0;
	_ =	strace $0x9000004A  }
0xcd: {  	s0 =	sadd.s32 @!p0 $0x100000, s0;
	[bflag:$0x2] =	sbarrier.arrive $0xFFFF  }
0xce: {  	[sflag:s0] =	ssyncadd.tile.s32 @!p0 $0x1;
	_ =	shalt  }
.Lfunc_end2:
_tile_overlayer_lowered:
.L_overlay_start_2:
0xcf: {  	(tag) =	ssettag $0x2  }
0xd0: {  	s0 =	rddreg [dreg:$0x0];
	s2 =	stileid.u32  }
0xd1: {  	s1 =	rddreg [dreg:$0x1];
	p0 =	sne.s32 s2, $0x0  }
0xd2: {  	s3 =	rddreg [dreg:$0x2];
	[bflag:$0x3] =	sbarrier.arrive $0xFFFF;
	s2 =	simm.s32 @!p0 $0x1C02  }
0xd3: {  	[timem:s3], [sflag:s2] =	dma.local @!p0 [hbm:s0], s1  }
0xd4: {  	s0 =	simm.s32 @!p0 $0x2  }
0xd5: {  	_ =	swait.ge @!p0 [sflag:s0], s1  }
0xd6: {  	s1 =	ssub.s32 @!p0 $0x0, s1;
	[sflag:s0] =	ssyncset.done @!p0 $0x0  }
0xd7: {  	[sflag:s0] =	ssyncadd.s32 @!p0 s1  }
0xd8: {  	[bflag:$0x3] =	sbarrier.arrive $0xFFFF  }
0xd9: {  	_ =	shalt  }

</sc_bundles>
